<compile_context>
chip_gen: v7x
topology: tpu7x:2x2x1
jax: 0.10.2.dev20260603
libtpu: 0.0.44.dev20260713+nightly
codegen_flags: <defaults>
</compile_context>

<pallas_src>
import jax
import jax.numpy as jnp
from jax import lax
from jax.experimental import pallas as pl
from jax.experimental.pallas import tpu as pltpu
from jax.experimental.pallas import tpu_sc as plsc

B = 4096
L = 200
D = 64
N = B * L
NC = 2
NS = 16
NW = NC * NS
ROWS_PER_W = N // NW
SEQ_PER_W = ROWS_PER_W // L
CH_SEQ = 2
CH_ROWS = CH_SEQ * L
N_CHUNKS = SEQ_PER_W // CH_SEQ
G = 100
N_GATHER = CH_ROWS // G
LANES = 16
DJ = D // LANES


def _body(idx_hbm, tok_hbm, pos_hbm, out_hbm,
          idx_a, idx_b, rows_a, rows_b, out_a, out_b, pos_v,
          gsem_a, gsem_b, osem_a, osem_b, isem_a, isem_b):
    cid = lax.axis_index("c")
    sid = lax.axis_index("s")
    wid = sid * NC + cid

    pltpu.sync_copy(pos_hbm, pos_v)

    def ifire(c, idx_v, isem):
        idx_row = wid * (ROWS_PER_W // G) + c * N_GATHER
        pltpu.async_copy(idx_hbm.at[pl.ds(idx_row, N_GATHER)], idx_v, isem)

    def gfire(c, idx_v, rows_v, isem, gsem):
        idx_row = wid * (ROWS_PER_W // G) + c * N_GATHER
        pltpu.make_async_copy(
            idx_hbm.at[pl.ds(idx_row, N_GATHER)], idx_v, isem
        ).wait()
        for u in range(N_GATHER):
            s, h = divmod(u, L // G)
            pltpu.async_copy(
                tok_hbm.at[idx_v.at[u]],
                rows_v.at[s, pl.ds(h * G, G)],
                gsem,
            )

    def fire(c, idx_v, rows_v, isem, gsem):
        ifire(c, idx_v, isem)
        gfire(c, idx_v, rows_v, isem, gsem)

    def gdrain(idx_v, rows_v, gsem):
        for u in range(N_GATHER):
            s, h = divmod(u, L // G)
            pltpu.make_async_copy(
                tok_hbm.at[idx_v.at[u]],
                rows_v.at[s, pl.ds(h * G, G)],
                gsem,
            ).wait()

    def repack(rows_v, out_v):
        @plsc.parallel_loop(0, L // 2, unroll=2)
        def l_body(lh):
            for par in range(2):
                l = 2 * lh + par
                for j in range(DJ):
                    pv = pos_v[l, pl.ds(j * LANES, LANES)]
                    col = par * D + j * LANES
                    for s in range(CH_SEQ):
                        out_v[s, lh, pl.ds(col, LANES)] = (
                            rows_v[s, l, pl.ds(j * LANES, LANES)] + pv
                        )

    def ofire(c, out_v, osem):
        seq_base = wid * SEQ_PER_W + c * CH_SEQ
        pltpu.async_copy(
            out_v, out_hbm.at[pl.ds(seq_base, CH_SEQ), pl.ds(0, L // 2)], osem
        )

    def odrain(c, out_v, osem):
        seq_base = wid * SEQ_PER_W + c * CH_SEQ
        pltpu.make_async_copy(
            out_v, out_hbm.at[pl.ds(seq_base, CH_SEQ), pl.ds(0, L // 2)], osem
        ).wait()

    fire(0, idx_a, rows_a, isem_a, gsem_a)
    fire(1, idx_b, rows_b, isem_b, gsem_b)
    gdrain(idx_a, rows_a, gsem_a)
    ifire(2, idx_a, isem_a)
    repack(rows_a, out_a)
    ofire(0, out_a, osem_a)
    gfire(2, idx_a, rows_a, isem_a, gsem_a)
    gdrain(idx_b, rows_b, gsem_b)
    ifire(3, idx_b, isem_b)
    repack(rows_b, out_b)
    ofire(1, out_b, osem_b)
    gfire(3, idx_b, rows_b, isem_b, gsem_b)

    def pair_body(cc, carry):
        c0 = 2 * cc
        gdrain(idx_a, rows_a, gsem_a)
        ifire(c0 + 2, idx_a, isem_a)
        odrain(c0, out_a, osem_a)
        repack(rows_a, out_a)
        ofire(c0, out_a, osem_a)
        gfire(c0 + 2, idx_a, rows_a, isem_a, gsem_a)
        gdrain(idx_b, rows_b, gsem_b)
        ifire(c0 + 3, idx_b, isem_b)
        odrain(c0 + 1, out_b, osem_b)
        repack(rows_b, out_b)
        ofire(c0 + 1, out_b, osem_b)
        gfire(c0 + 3, idx_b, rows_b, isem_b, gsem_b)
        return carry

    lax.fori_loop(1, N_CHUNKS // 2 - 1, pair_body, 0)

    c_last = N_CHUNKS - 2
    gdrain(idx_a, rows_a, gsem_a)
    odrain(c_last, out_a, osem_a)
    repack(rows_a, out_a)
    ofire(c_last, out_a, osem_a)
    gdrain(idx_b, rows_b, gsem_b)
    odrain(c_last + 1, out_b, osem_b)
    repack(rows_b, out_b)
    ofire(c_last + 1, out_b, osem_b)
    odrain(c_last, out_a, osem_a)
    odrain(c_last + 1, out_b, osem_b)


@jax.jit
def _sc_embed(idx2d, token_table, pos_table):
    mesh = plsc.VectorSubcoreMesh(
        core_axis_name="c", subcore_axis_name="s", num_cores=NC, num_subcores=NS
    )
    return pl.kernel(
        _body,
        out_type=jax.ShapeDtypeStruct((B, 104, 128), jnp.float32),
        mesh=mesh,
        scratch_types=[
            pltpu.VMEM((N_GATHER, G), jnp.int32),
            pltpu.VMEM((N_GATHER, G), jnp.int32),
            pltpu.VMEM((CH_SEQ, L, D), jnp.float32),
            pltpu.VMEM((CH_SEQ, L, D), jnp.float32),
            pltpu.VMEM((CH_SEQ, L // 2, 128), jnp.float32),
            pltpu.VMEM((CH_SEQ, L // 2, 128), jnp.float32),
            pltpu.VMEM((L, D), jnp.float32),
            pltpu.SemaphoreType.DMA,
            pltpu.SemaphoreType.DMA,
            pltpu.SemaphoreType.DMA,
            pltpu.SemaphoreType.DMA,
            pltpu.SemaphoreType.DMA,
            pltpu.SemaphoreType.DMA,
        ],
        compiler_params=pltpu.CompilerParams(use_tc_tiling_on_sc=False),
    )(idx2d, token_table, pos_table)


def kernel(inputs, token_table, pos_table):
    idx2d = inputs.reshape(N // G, G).astype(jnp.int32)
    out = _sc_embed(idx2d, token_table, pos_table)
    return out[:, : L // 2, :].reshape(B, L, D)

# --- scband reference (transcript-rebuilt; emitter-appended) ---
"""Pipeline reference for scband-token-and-position-embedding-11605001634380 (READ-ONLY COPY).

The authoritative reference and input builder live on the scoring server;
editing this copy changes nothing except your own understanding.
"""

import jax, jax.numpy as jnp
import numpy as np

MAXLEN = 200
VOCAB_SIZE = 100000
EMBED_DIM = 64
BATCH = 4096

def setup_inputs(seed: int = 0) -> dict:
    key = jax.random.key(seed)
    k1, k2, k3 = jax.random.split(key, 3)
    inputs = jax.random.randint(k1, (BATCH, MAXLEN), 0, VOCAB_SIZE, dtype=jnp.int64 if jax.config.read('jax_enable_x64') else jnp.int32)
    token_table = jax.random.normal(k2, (VOCAB_SIZE, EMBED_DIM), dtype=jnp.float32) * 0.05
    pos_table = jax.random.normal(k3, (MAXLEN, EMBED_DIM), dtype=jnp.float32) * 0.05
    return {"inputs": inputs, "token_table": token_table, "pos_table": pos_table}

def reference(inputs, token_table, pos_table):
    # positions = range(0, seq_len)
    seq_len = inputs.shape[-1]
    positions = jnp.arange(seq_len)
    pos_emb = jnp.take(pos_table, positions, axis=0)          # [L, D]
    tok_emb = jnp.take(token_table, inputs, axis=0)            # [B, L, D]
    return tok_emb + pos_emb[None, :, :]

if __name__ == "__main__":
    import jax
    _d = setup_inputs()
    print(jax.jit(kernel)(*tuple(_d.values())))

</pallas_src>

<mosaic_0001>
#map = affine_map<(d0, d1) -> (0, 0)>
#map1 = affine_map<(d0, d1) -> (0, 0, 0)>
module attributes {stable_mosaic.version = 14 : i64} {
  func.func @_body(%arg0: i32, %arg1: i32, %arg2: memref<8192x100xi32, #tpu.memory_space<hbm>>, %arg3: memref<100000x64xf32, #tpu.memory_space<hbm>>, %arg4: memref<200x64xf32, #tpu.memory_space<hbm>>, %arg5: memref<4096x104x128xf32, #tpu.memory_space<hbm>>, %arg6: memref<4x100xi32, #tpu.memory_space<vmem>>, %arg7: memref<4x100xi32, #tpu.memory_space<vmem>>, %arg8: memref<2x200x64xf32, #tpu.memory_space<vmem>>, %arg9: memref<2x200x64xf32, #tpu.memory_space<vmem>>, %arg10: memref<2x100x128xf32, #tpu.memory_space<vmem>>, %arg11: memref<2x100x128xf32, #tpu.memory_space<vmem>>, %arg12: memref<200x64xf32, #tpu.memory_space<vmem>>, %arg13: memref<!tpu.dma_semaphore, #tpu.memory_space<semaphore_mem>>, %arg14: memref<!tpu.dma_semaphore, #tpu.memory_space<semaphore_mem>>, %arg15: memref<!tpu.dma_semaphore, #tpu.memory_space<semaphore_mem>>, %arg16: memref<!tpu.dma_semaphore, #tpu.memory_space<semaphore_mem>>, %arg17: memref<!tpu.dma_semaphore, #tpu.memory_space<semaphore_mem>>, %arg18: memref<!tpu.dma_semaphore, #tpu.memory_space<semaphore_mem>>) attributes {dimension_semantics = [#tpu.dimension_semantics<core_parallel>, #tpu.dimension_semantics<subcore_parallel>], iteration_bounds = array<i64: 2, 16>, scalar_prefetch = 0 : i64, scratch_operands = 13 : i64, tpu.core_type = #tpu.core_type<sc_vector_subcore>, window_params = [{transform_indices = #map}, {transform_indices = #map}, {transform_indices = #map}, {transform_indices = #map1}]} {
    %mul3A = arith.constant 2 : i32
    %mul3A_0 = arith.muli %arg1, %mul3A : i32
    %add3A = arith.addi %mul3A_0, %arg0 : i32
    "tpu.region"() ({
      %run_scoped3A = tpu.sem_alloc : memref<!tpu.dma_semaphore, #tpu.memory_space<semaphore_mem>>
      tpu.enqueue_dma source(%arg4 : memref<200x64xf32, #tpu.memory_space<hbm>>) target(%arg12 : memref<200x64xf32, #tpu.memory_space<vmem>>) target_semaphore(%run_scoped3A : memref<!tpu.dma_semaphore, #tpu.memory_space<semaphore_mem>>)
      tpu.wait_dma2 semaphore(%run_scoped3A : memref<!tpu.dma_semaphore, #tpu.memory_space<semaphore_mem>>) src(%arg4 : memref<200x64xf32, #tpu.memory_space<hbm>>) dst(%arg12 : memref<200x64xf32, #tpu.memory_space<vmem>>)
      tpu.yield
    }) : () -> ()
    %mul3A_1 = arith.constant 256 : i32
    %mul3A_2 = arith.muli %add3A, %mul3A_1 : i32
    %add3A_3 = arith.constant 0 : i32
    %add3A_4 = arith.addi %mul3A_2, %add3A_3 : i32
    %dma_start3A = arith.constant 0 : i32
    %dma_start3A_5 = tpu.memref_slice %arg2[%add3A_4, %dma_start3A] : memref<8192x100xi32, #tpu.memory_space<hbm>> -> memref<4x100xi32, #tpu.memory_space<hbm>>
    %dma_start3A_6 = arith.constant 0 : i32
    %dma_start3A_7 = tpu.memref_slice %arg2[%add3A_4, %dma_start3A_6] : memref<8192x100xi32, #tpu.memory_space<hbm>> -> memref<4x100xi32, #tpu.memory_space<hbm>>
    tpu.enqueue_dma source(%dma_start3A_7 : memref<4x100xi32, #tpu.memory_space<hbm>>) target(%arg6 : memref<4x100xi32, #tpu.memory_space<vmem>>) target_semaphore(%arg17 : memref<!tpu.dma_semaphore, #tpu.memory_space<semaphore_mem>>)
    %mul3A_8 = arith.constant 256 : i32
    %mul3A_9 = arith.muli %add3A, %mul3A_8 : i32
    %add3A_10 = arith.constant 0 : i32
    %add3A_11 = arith.addi %mul3A_9, %add3A_10 : i32
    %dma_wait3A = arith.constant 0 : i32
    %dma_wait3A_12 = tpu.memref_slice %arg2[%add3A_11, %dma_wait3A] : memref<8192x100xi32, #tpu.memory_space<hbm>> -> memref<4x100xi32, #tpu.memory_space<hbm>>
    %dma_wait3A_13 = arith.constant 0 : i32
    %dma_wait3A_14 = tpu.memref_slice %arg2[%add3A_11, %dma_wait3A_13] : memref<8192x100xi32, #tpu.memory_space<hbm>> -> memref<4x100xi32, #tpu.memory_space<hbm>>
    tpu.wait_dma2 semaphore(%arg17 : memref<!tpu.dma_semaphore, #tpu.memory_space<semaphore_mem>>) src(%dma_wait3A_14 : memref<4x100xi32, #tpu.memory_space<hbm>>) dst(%arg6 : memref<4x100xi32, #tpu.memory_space<vmem>>)
    %dma_start3A_15 = arith.constant 0 : i32
    %dma_start3A_16 = arith.constant 0 : i32
    %dma_start3A_17 = arith.constant 0 : i32
    %dma_start3A_18 = arith.constant 0 : i32
    %dma_start3A_19 = tpu.memref_slice %arg8[%dma_start3A_16, %dma_start3A_17, %dma_start3A_18] : memref<2x200x64xf32, #tpu.memory_space<vmem>> -> memref<1x100x64xf32, #tpu.memory_space<vmem>>
    %dma_start3A_20 = tpu.memref_squeeze %dma_start3A_19 : memref<1x100x64xf32, #tpu.memory_space<vmem>> -> memref<100x64xf32, #tpu.memory_space<vmem>>
    %dma_start3A_21 = arith.constant 0 : i32
    %dma_start3A_22 = tpu.memref_slice %arg6[%dma_start3A_15, %dma_start3A_21] : memref<4x100xi32, #tpu.memory_space<vmem>> -> memref<1x100xi32, #tpu.memory_space<vmem>>
    %dma_start3A_23 = tpu.memref_squeeze %dma_start3A_22 : memref<1x100xi32, #tpu.memory_space<vmem>> -> memref<100xi32, #tpu.memory_space<vmem>>
    %dma_start3A_24 = arith.constant 0 : i32
    %dma_start3A_25 = arith.constant 0 : i32
    %dma_start3A_26 = tpu.memref_slice %arg3[%dma_start3A_24, %dma_start3A_25] : memref<100000x64xf32, #tpu.memory_space<hbm>> -> memref<100000x64xf32, #tpu.memory_space<hbm>>
    tpu.enqueue_indirect_dma source(%dma_start3A_26 : memref<100000x64xf32, #tpu.memory_space<hbm>>) target(%dma_start3A_20 : memref<100x64xf32, #tpu.memory_space<vmem>>) offsets(%dma_start3A_23 : memref<100xi32, #tpu.memory_space<vmem>>) semaphore(%arg13 : memref<!tpu.dma_semaphore, #tpu.memory_space<semaphore_mem>>)
    %dma_start3A_27 = arith.constant 1 : i32
    %dma_start3A_28 = arith.constant 0 : i32
    %dma_start3A_29 = arith.constant 100 : i32
    %dma_start3A_30 = arith.constant 0 : i32
    %dma_start3A_31 = tpu.memref_slice %arg8[%dma_start3A_28, %dma_start3A_29, %dma_start3A_30] : memref<2x200x64xf32, #tpu.memory_space<vmem>> -> memref<1x100x64xf32, #tpu.memory_space<vmem>>
    %dma_start3A_32 = tpu.memref_squeeze %dma_start3A_31 : memref<1x100x64xf32, #tpu.memory_space<vmem>> -> memref<100x64xf32, #tpu.memory_space<vmem>>
    %dma_start3A_33 = arith.constant 0 : i32
    %dma_start3A_34 = tpu.memref_slice %arg6[%dma_start3A_27, %dma_start3A_33] : memref<4x100xi32, #tpu.memory_space<vmem>> -> memref<1x100xi32, #tpu.memory_space<vmem>>
    %dma_start3A_35 = tpu.memref_squeeze %dma_start3A_34 : memref<1x100xi32, #tpu.memory_space<vmem>> -> memref<100xi32, #tpu.memory_space<vmem>>
    %dma_start3A_36 = arith.constant 0 : i32
    %dma_start3A_37 = arith.constant 0 : i32
    %dma_start3A_38 = tpu.memref_slice %arg3[%dma_start3A_36, %dma_start3A_37] : memref<100000x64xf32, #tpu.memory_space<hbm>> -> memref<100000x64xf32, #tpu.memory_space<hbm>>
    tpu.enqueue_indirect_dma source(%dma_start3A_38 : memref<100000x64xf32, #tpu.memory_space<hbm>>) target(%dma_start3A_32 : memref<100x64xf32, #tpu.memory_space<vmem>>) offsets(%dma_start3A_35 : memref<100xi32, #tpu.memory_space<vmem>>) semaphore(%arg13 : memref<!tpu.dma_semaphore, #tpu.memory_space<semaphore_mem>>)
    %dma_start3A_39 = arith.constant 2 : i32
    %dma_start3A_40 = arith.constant 1 : i32
    %dma_start3A_41 = arith.constant 0 : i32
    %dma_start3A_42 = arith.constant 0 : i32
    %dma_start3A_43 = tpu.memref_slice %arg8[%dma_start3A_40, %dma_start3A_41, %dma_start3A_42] : memref<2x200x64xf32, #tpu.memory_space<vmem>> -> memref<1x100x64xf32, #tpu.memory_space<vmem>>
    %dma_start3A_44 = tpu.memref_squeeze %dma_start3A_43 : memref<1x100x64xf32, #tpu.memory_space<vmem>> -> memref<100x64xf32, #tpu.memory_space<vmem>>
    %dma_start3A_45 = arith.constant 0 : i32
    %dma_start3A_46 = tpu.memref_slice %arg6[%dma_start3A_39, %dma_start3A_45] : memref<4x100xi32, #tpu.memory_space<vmem>> -> memref<1x100xi32, #tpu.memory_space<vmem>>
    %dma_start3A_47 = tpu.memref_squeeze %dma_start3A_46 : memref<1x100xi32, #tpu.memory_space<vmem>> -> memref<100xi32, #tpu.memory_space<vmem>>
    %dma_start3A_48 = arith.constant 0 : i32
    %dma_start3A_49 = arith.constant 0 : i32
    %dma_start3A_50 = tpu.memref_slice %arg3[%dma_start3A_48, %dma_start3A_49] : memref<100000x64xf32, #tpu.memory_space<hbm>> -> memref<100000x64xf32, #tpu.memory_space<hbm>>
    tpu.enqueue_indirect_dma source(%dma_start3A_50 : memref<100000x64xf32, #tpu.memory_space<hbm>>) target(%dma_start3A_44 : memref<100x64xf32, #tpu.memory_space<vmem>>) offsets(%dma_start3A_47 : memref<100xi32, #tpu.memory_space<vmem>>) semaphore(%arg13 : memref<!tpu.dma_semaphore, #tpu.memory_space<semaphore_mem>>)
    %dma_start3A_51 = arith.constant 3 : i32
    %dma_start3A_52 = arith.constant 1 : i32
    %dma_start3A_53 = arith.constant 100 : i32
    %dma_start3A_54 = arith.constant 0 : i32
    %dma_start3A_55 = tpu.memref_slice %arg8[%dma_start3A_52, %dma_start3A_53, %dma_start3A_54] : memref<2x200x64xf32, #tpu.memory_space<vmem>> -> memref<1x100x64xf32, #tpu.memory_space<vmem>>
    %dma_start3A_56 = tpu.memref_squeeze %dma_start3A_55 : memref<1x100x64xf32, #tpu.memory_space<vmem>> -> memref<100x64xf32, #tpu.memory_space<vmem>>
    %dma_start3A_57 = arith.constant 0 : i32
    %dma_start3A_58 = tpu.memref_slice %arg6[%dma_start3A_51, %dma_start3A_57] : memref<4x100xi32, #tpu.memory_space<vmem>> -> memref<1x100xi32, #tpu.memory_space<vmem>>
    %dma_start3A_59 = tpu.memref_squeeze %dma_start3A_58 : memref<1x100xi32, #tpu.memory_space<vmem>> -> memref<100xi32, #tpu.memory_space<vmem>>
    %dma_start3A_60 = arith.constant 0 : i32
    %dma_start3A_61 = arith.constant 0 : i32
    %dma_start3A_62 = tpu.memref_slice %arg3[%dma_start3A_60, %dma_start3A_61] : memref<100000x64xf32, #tpu.memory_space<hbm>> -> memref<100000x64xf32, #tpu.memory_space<hbm>>
    tpu.enqueue_indirect_dma source(%dma_start3A_62 : memref<100000x64xf32, #tpu.memory_space<hbm>>) target(%dma_start3A_56 : memref<100x64xf32, #tpu.memory_space<vmem>>) offsets(%dma_start3A_59 : memref<100xi32, #tpu.memory_space<vmem>>) semaphore(%arg13 : memref<!tpu.dma_semaphore, #tpu.memory_space<semaphore_mem>>)
    %mul3A_63 = arith.constant 256 : i32
    %mul3A_64 = arith.muli %add3A, %mul3A_63 : i32
    %add3A_65 = arith.constant 4 : i32
    %add3A_66 = arith.addi %mul3A_64, %add3A_65 : i32
    %dma_start3A_67 = arith.constant 0 : i32
    %dma_start3A_68 = tpu.memref_slice %arg2[%add3A_66, %dma_start3A_67] : memref<8192x100xi32, #tpu.memory_space<hbm>> -> memref<4x100xi32, #tpu.memory_space<hbm>>
    %dma_start3A_69 = arith.constant 0 : i32
    %dma_start3A_70 = tpu.memref_slice %arg2[%add3A_66, %dma_start3A_69] : memref<8192x100xi32, #tpu.memory_space<hbm>> -> memref<4x100xi32, #tpu.memory_space<hbm>>
    tpu.enqueue_dma source(%dma_start3A_70 : memref<4x100xi32, #tpu.memory_space<hbm>>) target(%arg7 : memref<4x100xi32, #tpu.memory_space<vmem>>) target_semaphore(%arg18 : memref<!tpu.dma_semaphore, #tpu.memory_space<semaphore_mem>>)
    %mul3A_71 = arith.constant 256 : i32
    %mul3A_72 = arith.muli %add3A, %mul3A_71 : i32
    %add3A_73 = arith.constant 4 : i32
    %add3A_74 = arith.addi %mul3A_72, %add3A_73 : i32
    %dma_wait3A_75 = arith.constant 0 : i32
    %dma_wait3A_76 = tpu.memref_slice %arg2[%add3A_74, %dma_wait3A_75] : memref<8192x100xi32, #tpu.memory_space<hbm>> -> memref<4x100xi32, #tpu.memory_space<hbm>>
    %dma_wait3A_77 = arith.constant 0 : i32
    %dma_wait3A_78 = tpu.memref_slice %arg2[%add3A_74, %dma_wait3A_77] : memref<8192x100xi32, #tpu.memory_space<hbm>> -> memref<4x100xi32, #tpu.memory_space<hbm>>
    tpu.wait_dma2 semaphore(%arg18 : memref<!tpu.dma_semaphore, #tpu.memory_space<semaphore_mem>>) src(%dma_wait3A_78 : memref<4x100xi32, #tpu.memory_space<hbm>>) dst(%arg7 : memref<4x100xi32, #tpu.memory_space<vmem>>)
    %dma_start3A_79 = arith.constant 0 : i32
    %dma_start3A_80 = arith.constant 0 : i32
    %dma_start3A_81 = arith.constant 0 : i32
    %dma_start3A_82 = arith.constant 0 : i32
    %dma_start3A_83 = tpu.memref_slice %arg9[%dma_start3A_80, %dma_start3A_81, %dma_start3A_82] : memref<2x200x64xf32, #tpu.memory_space<vmem>> -> memref<1x100x64xf32, #tpu.memory_space<vmem>>
    %dma_start3A_84 = tpu.memref_squeeze %dma_start3A_83 : memref<1x100x64xf32, #tpu.memory_space<vmem>> -> memref<100x64xf32, #tpu.memory_space<vmem>>
    %dma_start3A_85 = arith.constant 0 : i32
    %dma_start3A_86 = tpu.memref_slice %arg7[%dma_start3A_79, %dma_start3A_85] : memref<4x100xi32, #tpu.memory_space<vmem>> -> memref<1x100xi32, #tpu.memory_space<vmem>>
    %dma_start3A_87 = tpu.memref_squeeze %dma_start3A_86 : memref<1x100xi32, #tpu.memory_space<vmem>> -> memref<100xi32, #tpu.memory_space<vmem>>
    %dma_start3A_88 = arith.constant 0 : i32
    %dma_start3A_89 = arith.constant 0 : i32
    %dma_start3A_90 = tpu.memref_slice %arg3[%dma_start3A_88, %dma_start3A_89] : memref<100000x64xf32, #tpu.memory_space<hbm>> -> memref<100000x64xf32, #tpu.memory_space<hbm>>
    tpu.enqueue_indirect_dma source(%dma_start3A_90 : memref<100000x64xf32, #tpu.memory_space<hbm>>) target(%dma_start3A_84 : memref<100x64xf32, #tpu.memory_space<vmem>>) offsets(%dma_start3A_87 : memref<100xi32, #tpu.memory_space<vmem>>) semaphore(%arg14 : memref<!tpu.dma_semaphore, #tpu.memory_space<semaphore_mem>>)
    %dma_start3A_91 = arith.constant 1 : i32
    %dma_start3A_92 = arith.constant 0 : i32
    %dma_start3A_93 = arith.constant 100 : i32
    %dma_start3A_94 = arith.constant 0 : i32
    %dma_start3A_95 = tpu.memref_slice %arg9[%dma_start3A_92, %dma_start3A_93, %dma_start3A_94] : memref<2x200x64xf32, #tpu.memory_space<vmem>> -> memref<1x100x64xf32, #tpu.memory_space<vmem>>
    %dma_start3A_96 = tpu.memref_squeeze %dma_start3A_95 : memref<1x100x64xf32, #tpu.memory_space<vmem>> -> memref<100x64xf32, #tpu.memory_space<vmem>>
    %dma_start3A_97 = arith.constant 0 : i32
    %dma_start3A_98 = tpu.memref_slice %arg7[%dma_start3A_91, %dma_start3A_97] : memref<4x100xi32, #tpu.memory_space<vmem>> -> memref<1x100xi32, #tpu.memory_space<vmem>>
    %dma_start3A_99 = tpu.memref_squeeze %dma_start3A_98 : memref<1x100xi32, #tpu.memory_space<vmem>> -> memref<100xi32, #tpu.memory_space<vmem>>
    %dma_start3A_100 = arith.constant 0 : i32
    %dma_start3A_101 = arith.constant 0 : i32
    %dma_start3A_102 = tpu.memref_slice %arg3[%dma_start3A_100, %dma_start3A_101] : memref<100000x64xf32, #tpu.memory_space<hbm>> -> memref<100000x64xf32, #tpu.memory_space<hbm>>
    tpu.enqueue_indirect_dma source(%dma_start3A_102 : memref<100000x64xf32, #tpu.memory_space<hbm>>) target(%dma_start3A_96 : memref<100x64xf32, #tpu.memory_space<vmem>>) offsets(%dma_start3A_99 : memref<100xi32, #tpu.memory_space<vmem>>) semaphore(%arg14 : memref<!tpu.dma_semaphore, #tpu.memory_space<semaphore_mem>>)
    %dma_start3A_103 = arith.constant 2 : i32
    %dma_start3A_104 = arith.constant 1 : i32
    %dma_start3A_105 = arith.constant 0 : i32
    %dma_start3A_106 = arith.constant 0 : i32
    %dma_start3A_107 = tpu.memref_slice %arg9[%dma_start3A_104, %dma_start3A_105, %dma_start3A_106] : memref<2x200x64xf32, #tpu.memory_space<vmem>> -> memref<1x100x64xf32, #tpu.memory_space<vmem>>
    %dma_start3A_108 = tpu.memref_squeeze %dma_start3A_107 : memref<1x100x64xf32, #tpu.memory_space<vmem>> -> memref<100x64xf32, #tpu.memory_space<vmem>>
    %dma_start3A_109 = arith.constant 0 : i32
    %dma_start3A_110 = tpu.memref_slice %arg7[%dma_start3A_103, %dma_start3A_109] : memref<4x100xi32, #tpu.memory_space<vmem>> -> memref<1x100xi32, #tpu.memory_space<vmem>>
    %dma_start3A_111 = tpu.memref_squeeze %dma_start3A_110 : memref<1x100xi32, #tpu.memory_space<vmem>> -> memref<100xi32, #tpu.memory_space<vmem>>
    %dma_start3A_112 = arith.constant 0 : i32
    %dma_start3A_113 = arith.constant 0 : i32
    %dma_start3A_114 = tpu.memref_slice %arg3[%dma_start3A_112, %dma_start3A_113] : memref<100000x64xf32, #tpu.memory_space<hbm>> -> memref<100000x64xf32, #tpu.memory_space<hbm>>
    tpu.enqueue_indirect_dma source(%dma_start3A_114 : memref<100000x64xf32, #tpu.memory_space<hbm>>) target(%dma_start3A_108 : memref<100x64xf32, #tpu.memory_space<vmem>>) offsets(%dma_start3A_111 : memref<100xi32, #tpu.memory_space<vmem>>) semaphore(%arg14 : memref<!tpu.dma_semaphore, #tpu.memory_space<semaphore_mem>>)
    %dma_start3A_115 = arith.constant 3 : i32
    %dma_start3A_116 = arith.constant 1 : i32
    %dma_start3A_117 = arith.constant 100 : i32
    %dma_start3A_118 = arith.constant 0 : i32
    %dma_start3A_119 = tpu.memref_slice %arg9[%dma_start3A_116, %dma_start3A_117, %dma_start3A_118] : memref<2x200x64xf32, #tpu.memory_space<vmem>> -> memref<1x100x64xf32, #tpu.memory_space<vmem>>
    %dma_start3A_120 = tpu.memref_squeeze %dma_start3A_119 : memref<1x100x64xf32, #tpu.memory_space<vmem>> -> memref<100x64xf32, #tpu.memory_space<vmem>>
    %dma_start3A_121 = arith.constant 0 : i32
    %dma_start3A_122 = tpu.memref_slice %arg7[%dma_start3A_115, %dma_start3A_121] : memref<4x100xi32, #tpu.memory_space<vmem>> -> memref<1x100xi32, #tpu.memory_space<vmem>>
    %dma_start3A_123 = tpu.memref_squeeze %dma_start3A_122 : memref<1x100xi32, #tpu.memory_space<vmem>> -> memref<100xi32, #tpu.memory_space<vmem>>
    %dma_start3A_124 = arith.constant 0 : i32
    %dma_start3A_125 = arith.constant 0 : i32
    %dma_start3A_126 = tpu.memref_slice %arg3[%dma_start3A_124, %dma_start3A_125] : memref<100000x64xf32, #tpu.memory_space<hbm>> -> memref<100000x64xf32, #tpu.memory_space<hbm>>
    tpu.enqueue_indirect_dma source(%dma_start3A_126 : memref<100000x64xf32, #tpu.memory_space<hbm>>) target(%dma_start3A_120 : memref<100x64xf32, #tpu.memory_space<vmem>>) offsets(%dma_start3A_123 : memref<100xi32, #tpu.memory_space<vmem>>) semaphore(%arg14 : memref<!tpu.dma_semaphore, #tpu.memory_space<semaphore_mem>>)
    %dma_wait3A_127 = arith.constant 0 : i32
    %dma_wait3A_128 = arith.constant 0 : i32
    %dma_wait3A_129 = arith.constant 0 : i32
    %dma_wait3A_130 = arith.constant 0 : i32
    %dma_wait3A_131 = tpu.memref_slice %arg8[%dma_wait3A_128, %dma_wait3A_129, %dma_wait3A_130] : memref<2x200x64xf32, #tpu.memory_space<vmem>> -> memref<1x100x64xf32, #tpu.memory_space<vmem>>
    %dma_wait3A_132 = tpu.memref_squeeze %dma_wait3A_131 : memref<1x100x64xf32, #tpu.memory_space<vmem>> -> memref<100x64xf32, #tpu.memory_space<vmem>>
    %dma_wait3A_133 = arith.constant 0 : i32
    %dma_wait3A_134 = tpu.memref_slice %arg6[%dma_wait3A_127, %dma_wait3A_133] : memref<4x100xi32, #tpu.memory_space<vmem>> -> memref<1x100xi32, #tpu.memory_space<vmem>>
    %dma_wait3A_135 = tpu.memref_squeeze %dma_wait3A_134 : memref<1x100xi32, #tpu.memory_space<vmem>> -> memref<100xi32, #tpu.memory_space<vmem>>
    %dma_wait3A_136 = arith.constant 0 : i32
    %dma_wait3A_137 = arith.constant 0 : i32
    %dma_wait3A_138 = tpu.memref_slice %arg3[%dma_wait3A_136, %dma_wait3A_137] : memref<100000x64xf32, #tpu.memory_space<hbm>> -> memref<100000x64xf32, #tpu.memory_space<hbm>>
    tpu.wait_indirect_dma semaphore(%arg13 : memref<!tpu.dma_semaphore, #tpu.memory_space<semaphore_mem>>) src(%dma_wait3A_138 : memref<100000x64xf32, #tpu.memory_space<hbm>>) dst(%dma_wait3A_132 : memref<100x64xf32, #tpu.memory_space<vmem>>)
    %dma_wait3A_139 = arith.constant 1 : i32
    %dma_wait3A_140 = arith.constant 0 : i32
    %dma_wait3A_141 = arith.constant 100 : i32
    %dma_wait3A_142 = arith.constant 0 : i32
    %dma_wait3A_143 = tpu.memref_slice %arg8[%dma_wait3A_140, %dma_wait3A_141, %dma_wait3A_142] : memref<2x200x64xf32, #tpu.memory_space<vmem>> -> memref<1x100x64xf32, #tpu.memory_space<vmem>>
    %dma_wait3A_144 = tpu.memref_squeeze %dma_wait3A_143 : memref<1x100x64xf32, #tpu.memory_space<vmem>> -> memref<100x64xf32, #tpu.memory_space<vmem>>
    %dma_wait3A_145 = arith.constant 0 : i32
    %dma_wait3A_146 = tpu.memref_slice %arg6[%dma_wait3A_139, %dma_wait3A_145] : memref<4x100xi32, #tpu.memory_space<vmem>> -> memref<1x100xi32, #tpu.memory_space<vmem>>
    %dma_wait3A_147 = tpu.memref_squeeze %dma_wait3A_146 : memref<1x100xi32, #tpu.memory_space<vmem>> -> memref<100xi32, #tpu.memory_space<vmem>>
    %dma_wait3A_148 = arith.constant 0 : i32
    %dma_wait3A_149 = arith.constant 0 : i32
    %dma_wait3A_150 = tpu.memref_slice %arg3[%dma_wait3A_148, %dma_wait3A_149] : memref<100000x64xf32, #tpu.memory_space<hbm>> -> memref<100000x64xf32, #tpu.memory_space<hbm>>
    tpu.wait_indirect_dma semaphore(%arg13 : memref<!tpu.dma_semaphore, #tpu.memory_space<semaphore_mem>>) src(%dma_wait3A_150 : memref<100000x64xf32, #tpu.memory_space<hbm>>) dst(%dma_wait3A_144 : memref<100x64xf32, #tpu.memory_space<vmem>>)
    %dma_wait3A_151 = arith.constant 2 : i32
    %dma_wait3A_152 = arith.constant 1 : i32
    %dma_wait3A_153 = arith.constant 0 : i32
    %dma_wait3A_154 = arith.constant 0 : i32
    %dma_wait3A_155 = tpu.memref_slice %arg8[%dma_wait3A_152, %dma_wait3A_153, %dma_wait3A_154] : memref<2x200x64xf32, #tpu.memory_space<vmem>> -> memref<1x100x64xf32, #tpu.memory_space<vmem>>
    %dma_wait3A_156 = tpu.memref_squeeze %dma_wait3A_155 : memref<1x100x64xf32, #tpu.memory_space<vmem>> -> memref<100x64xf32, #tpu.memory_space<vmem>>
    %dma_wait3A_157 = arith.constant 0 : i32
    %dma_wait3A_158 = tpu.memref_slice %arg6[%dma_wait3A_151, %dma_wait3A_157] : memref<4x100xi32, #tpu.memory_space<vmem>> -> memref<1x100xi32, #tpu.memory_space<vmem>>
    %dma_wait3A_159 = tpu.memref_squeeze %dma_wait3A_158 : memref<1x100xi32, #tpu.memory_space<vmem>> -> memref<100xi32, #tpu.memory_space<vmem>>
    %dma_wait3A_160 = arith.constant 0 : i32
    %dma_wait3A_161 = arith.constant 0 : i32
    %dma_wait3A_162 = tpu.memref_slice %arg3[%dma_wait3A_160, %dma_wait3A_161] : memref<100000x64xf32, #tpu.memory_space<hbm>> -> memref<100000x64xf32, #tpu.memory_space<hbm>>
    tpu.wait_indirect_dma semaphore(%arg13 : memref<!tpu.dma_semaphore, #tpu.memory_space<semaphore_mem>>) src(%dma_wait3A_162 : memref<100000x64xf32, #tpu.memory_space<hbm>>) dst(%dma_wait3A_156 : memref<100x64xf32, #tpu.memory_space<vmem>>)
    %dma_wait3A_163 = arith.constant 3 : i32
    %dma_wait3A_164 = arith.constant 1 : i32
    %dma_wait3A_165 = arith.constant 100 : i32
    %dma_wait3A_166 = arith.constant 0 : i32
    %dma_wait3A_167 = tpu.memref_slice %arg8[%dma_wait3A_164, %dma_wait3A_165, %dma_wait3A_166] : memref<2x200x64xf32, #tpu.memory_space<vmem>> -> memref<1x100x64xf32, #tpu.memory_space<vmem>>
    %dma_wait3A_168 = tpu.memref_squeeze %dma_wait3A_167 : memref<1x100x64xf32, #tpu.memory_space<vmem>> -> memref<100x64xf32, #tpu.memory_space<vmem>>
    %dma_wait3A_169 = arith.constant 0 : i32
    %dma_wait3A_170 = tpu.memref_slice %arg6[%dma_wait3A_163, %dma_wait3A_169] : memref<4x100xi32, #tpu.memory_space<vmem>> -> memref<1x100xi32, #tpu.memory_space<vmem>>
    %dma_wait3A_171 = tpu.memref_squeeze %dma_wait3A_170 : memref<1x100xi32, #tpu.memory_space<vmem>> -> memref<100xi32, #tpu.memory_space<vmem>>
    %dma_wait3A_172 = arith.constant 0 : i32
    %dma_wait3A_173 = arith.constant 0 : i32
    %dma_wait3A_174 = tpu.memref_slice %arg3[%dma_wait3A_172, %dma_wait3A_173] : memref<100000x64xf32, #tpu.memory_space<hbm>> -> memref<100000x64xf32, #tpu.memory_space<hbm>>
    tpu.wait_indirect_dma semaphore(%arg13 : memref<!tpu.dma_semaphore, #tpu.memory_space<semaphore_mem>>) src(%dma_wait3A_174 : memref<100000x64xf32, #tpu.memory_space<hbm>>) dst(%dma_wait3A_168 : memref<100x64xf32, #tpu.memory_space<vmem>>)
    %mul3A_175 = arith.constant 256 : i32
    %mul3A_176 = arith.muli %add3A, %mul3A_175 : i32
    %add3A_177 = arith.constant 8 : i32
    %add3A_178 = arith.addi %mul3A_176, %add3A_177 : i32
    %dma_start3A_179 = arith.constant 0 : i32
    %dma_start3A_180 = tpu.memref_slice %arg2[%add3A_178, %dma_start3A_179] : memref<8192x100xi32, #tpu.memory_space<hbm>> -> memref<4x100xi32, #tpu.memory_space<hbm>>
    %dma_start3A_181 = arith.constant 0 : i32
    %dma_start3A_182 = tpu.memref_slice %arg2[%add3A_178, %dma_start3A_181] : memref<8192x100xi32, #tpu.memory_space<hbm>> -> memref<4x100xi32, #tpu.memory_space<hbm>>
    tpu.enqueue_dma source(%dma_start3A_182 : memref<4x100xi32, #tpu.memory_space<hbm>>) target(%arg6 : memref<4x100xi32, #tpu.memory_space<vmem>>) target_semaphore(%arg17 : memref<!tpu.dma_semaphore, #tpu.memory_space<semaphore_mem>>)
    %parallel_loop3A = arith.constant 0 : i32
    %parallel_loop3A_183 = arith.constant 100 : i32
    %parallel_loop3A_184 = arith.constant 1 : i32
    scf.for %parallel_loop3A_543 = %parallel_loop3A to %parallel_loop3A_183 step %parallel_loop3A_184  : i32 {
      %parallel_loop3A_544 = arith.constant 2 : i32
      %parallel_loop3A_545 = arith.muli %parallel_loop3A_544, %parallel_loop3A_543 : i32
      %parallel_loop3A_546 = arith.constant 0 : i32
      %parallel_loop3A_547 = arith.addi %parallel_loop3A_545, %parallel_loop3A_546 : i32
      %parallel_loop3A_548 = arith.index_cast %parallel_loop3A_547 : i32 to index
      %parallel_loop3A_549 = arith.constant 0 : index
      %parallel_loop3A_550 = tpu.vector_load %arg12[%parallel_loop3A_548, %parallel_loop3A_549] {strides = array<i32>} : memref<200x64xf32, #tpu.memory_space<vmem>>, vector<1x16xf32>,
      %parallel_loop3A_551 = vector.shape_cast %parallel_loop3A_550 : vector<1x16xf32> to vector<16xf32>
      %parallel_loop3A_552 = arith.constant 0 : i32
      %parallel_loop3A_553 = arith.index_cast %parallel_loop3A_552 : i32 to index
      %parallel_loop3A_554 = arith.index_cast %parallel_loop3A_547 : i32 to index
      %parallel_loop3A_555 = arith.constant 0 : index
      %parallel_loop3A_556 = tpu.vector_load %arg8[%parallel_loop3A_553, %parallel_loop3A_554, %parallel_loop3A_555] {strides = array<i32>} : memref<2x200x64xf32, #tpu.memory_space<vmem>>, vector<1x1x16xf32>,
      %parallel_loop3A_557 = vector.shape_cast %parallel_loop3A_556 : vector<1x1x16xf32> to vector<16xf32>
      %parallel_loop3A_558 = arith.addf %parallel_loop3A_557, %parallel_loop3A_551 : vector<16xf32>
      %parallel_loop3A_559 = arith.constant 0 : i32
      %parallel_loop3A_560 = arith.index_cast %parallel_loop3A_559 : i32 to index
      %parallel_loop3A_561 = arith.index_cast %parallel_loop3A_543 : i32 to index
      %parallel_loop3A_562 = arith.constant 0 : index
      %parallel_loop3A_563 = tpu.vector_load %arg10[%parallel_loop3A_560, %parallel_loop3A_561, %parallel_loop3A_562] {strides = array<i32>} : memref<2x100x128xf32, #tpu.memory_space<vmem>>, vector<1x1x16xf32>,
      %parallel_loop3A_564 = vector.shape_cast %parallel_loop3A_563 : vector<1x1x16xf32> to vector<16xf32>
      %parallel_loop3A_565 = vector.shape_cast %parallel_loop3A_558 : vector<16xf32> to vector<1x1x16xf32>
      tpu.vector_store %arg10[%parallel_loop3A_560, %parallel_loop3A_561, %parallel_loop3A_562], %parallel_loop3A_565 {strides = array<i32>} : memref<2x100x128xf32, #tpu.memory_space<vmem>>, vector<1x1x16xf32>,
      %parallel_loop3A_566 = arith.constant 1 : i32
      %parallel_loop3A_567 = arith.index_cast %parallel_loop3A_566 : i32 to index
      %parallel_loop3A_568 = arith.index_cast %parallel_loop3A_547 : i32 to index
      %parallel_loop3A_569 = arith.constant 0 : index
      %parallel_loop3A_570 = tpu.vector_load %arg8[%parallel_loop3A_567, %parallel_loop3A_568, %parallel_loop3A_569] {strides = array<i32>} : memref<2x200x64xf32, #tpu.memory_space<vmem>>, vector<1x1x16xf32>,
      %parallel_loop3A_571 = vector.shape_cast %parallel_loop3A_570 : vector<1x1x16xf32> to vector<16xf32>
      %parallel_loop3A_572 = arith.addf %parallel_loop3A_571, %parallel_loop3A_551 : vector<16xf32>
      %parallel_loop3A_573 = arith.constant 1 : i32
      %parallel_loop3A_574 = arith.index_cast %parallel_loop3A_573 : i32 to index
      %parallel_loop3A_575 = arith.index_cast %parallel_loop3A_543 : i32 to index
      %parallel_loop3A_576 = arith.constant 0 : index
      %parallel_loop3A_577 = tpu.vector_load %arg10[%parallel_loop3A_574, %parallel_loop3A_575, %parallel_loop3A_576] {strides = array<i32>} : memref<2x100x128xf32, #tpu.memory_space<vmem>>, vector<1x1x16xf32>,
      %parallel_loop3A_578 = vector.shape_cast %parallel_loop3A_577 : vector<1x1x16xf32> to vector<16xf32>
      %parallel_loop3A_579 = vector.shape_cast %parallel_loop3A_572 : vector<16xf32> to vector<1x1x16xf32>
      tpu.vector_store %arg10[%parallel_loop3A_574, %parallel_loop3A_575, %parallel_loop3A_576], %parallel_loop3A_579 {strides = array<i32>} : memref<2x100x128xf32, #tpu.memory_space<vmem>>, vector<1x1x16xf32>,
      %parallel_loop3A_580 = arith.index_cast %parallel_loop3A_547 : i32 to index
      %parallel_loop3A_581 = arith.constant 16 : index
      %parallel_loop3A_582 = tpu.vector_load %arg12[%parallel_loop3A_580, %parallel_loop3A_581] {strides = array<i32>} : memref<200x64xf32, #tpu.memory_space<vmem>>, vector<1x16xf32>,
      %parallel_loop3A_583 = vector.shape_cast %parallel_loop3A_582 : vector<1x16xf32> to vector<16xf32>
      %parallel_loop3A_584 = arith.constant 0 : i32
      %parallel_loop3A_585 = arith.index_cast %parallel_loop3A_584 : i32 to index
      %parallel_loop3A_586 = arith.index_cast %parallel_loop3A_547 : i32 to index
      %parallel_loop3A_587 = arith.constant 16 : index
      %parallel_loop3A_588 = tpu.vector_load %arg8[%parallel_loop3A_585, %parallel_loop3A_586, %parallel_loop3A_587] {strides = array<i32>} : memref<2x200x64xf32, #tpu.memory_space<vmem>>, vector<1x1x16xf32>,
      %parallel_loop3A_589 = vector.shape_cast %parallel_loop3A_588 : vector<1x1x16xf32> to vector<16xf32>
      %parallel_loop3A_590 = arith.addf %parallel_loop3A_589, %parallel_loop3A_583 : vector<16xf32>
      %parallel_loop3A_591 = arith.constant 0 : i32
      %parallel_loop3A_592 = arith.index_cast %parallel_loop3A_591 : i32 to index
      %parallel_loop3A_593 = arith.index_cast %parallel_loop3A_543 : i32 to index
      %parallel_loop3A_594 = arith.constant 16 : index
      %parallel_loop3A_595 = tpu.vector_load %arg10[%parallel_loop3A_592, %parallel_loop3A_593, %parallel_loop3A_594] {strides = array<i32>} : memref<2x100x128xf32, #tpu.memory_space<vmem>>, vector<1x1x16xf32>,
      %parallel_loop3A_596 = vector.shape_cast %parallel_loop3A_595 : vector<1x1x16xf32> to vector<16xf32>
      %parallel_loop3A_597 = vector.shape_cast %parallel_loop3A_590 : vector<16xf32> to vector<1x1x16xf32>
      tpu.vector_store %arg10[%parallel_loop3A_592, %parallel_loop3A_593, %parallel_loop3A_594], %parallel_loop3A_597 {strides = array<i32>} : memref<2x100x128xf32, #tpu.memory_space<vmem>>, vector<1x1x16xf32>,
      %parallel_loop3A_598 = arith.constant 1 : i32
      %parallel_loop3A_599 = arith.index_cast %parallel_loop3A_598 : i32 to index
      %parallel_loop3A_600 = arith.index_cast %parallel_loop3A_547 : i32 to index
      %parallel_loop3A_601 = arith.constant 16 : index
      %parallel_loop3A_602 = tpu.vector_load %arg8[%parallel_loop3A_599, %parallel_loop3A_600, %parallel_loop3A_601] {strides = array<i32>} : memref<2x200x64xf32, #tpu.memory_space<vmem>>, vector<1x1x16xf32>,
      %parallel_loop3A_603 = vector.shape_cast %parallel_loop3A_602 : vector<1x1x16xf32> to vector<16xf32>
      %parallel_loop3A_604 = arith.addf %parallel_loop3A_603, %parallel_loop3A_583 : vector<16xf32>
      %parallel_loop3A_605 = arith.constant 1 : i32
      %parallel_loop3A_606 = arith.index_cast %parallel_loop3A_605 : i32 to index
      %parallel_loop3A_607 = arith.index_cast %parallel_loop3A_543 : i32 to index
      %parallel_loop3A_608 = arith.constant 16 : index
      %parallel_loop3A_609 = tpu.vector_load %arg10[%parallel_loop3A_606, %parallel_loop3A_607, %parallel_loop3A_608] {strides = array<i32>} : memref<2x100x128xf32, #tpu.memory_space<vmem>>, vector<1x1x16xf32>,
      %parallel_loop3A_610 = vector.shape_cast %parallel_loop3A_609 : vector<1x1x16xf32> to vector<16xf32>
      %parallel_loop3A_611 = vector.shape_cast %parallel_loop3A_604 : vector<16xf32> to vector<1x1x16xf32>
      tpu.vector_store %arg10[%parallel_loop3A_606, %parallel_loop3A_607, %parallel_loop3A_608], %parallel_loop3A_611 {strides = array<i32>} : memref<2x100x128xf32, #tpu.memory_space<vmem>>, vector<1x1x16xf32>,
      %parallel_loop3A_612 = arith.index_cast %parallel_loop3A_547 : i32 to index
      %parallel_loop3A_613 = arith.constant 32 : index
      %parallel_loop3A_614 = tpu.vector_load %arg12[%parallel_loop3A_612, %parallel_loop3A_613] {strides = array<i32>} : memref<200x64xf32, #tpu.memory_space<vmem>>, vector<1x16xf32>,
      %parallel_loop3A_615 = vector.shape_cast %parallel_loop3A_614 : vector<1x16xf32> to vector<16xf32>
      %parallel_loop3A_616 = arith.constant 0 : i32
      %parallel_loop3A_617 = arith.index_cast %parallel_loop3A_616 : i32 to index
      %parallel_loop3A_618 = arith.index_cast %parallel_loop3A_547 : i32 to index
      %parallel_loop3A_619 = arith.constant 32 : index
      %parallel_loop3A_620 = tpu.vector_load %arg8[%parallel_loop3A_617, %parallel_loop3A_618, %parallel_loop3A_619] {strides = array<i32>} : memref<2x200x64xf32, #tpu.memory_space<vmem>>, vector<1x1x16xf32>,
      %parallel_loop3A_621 = vector.shape_cast %parallel_loop3A_620 : vector<1x1x16xf32> to vector<16xf32>
      %parallel_loop3A_622 = arith.addf %parallel_loop3A_621, %parallel_loop3A_615 : vector<16xf32>
      %parallel_loop3A_623 = arith.constant 0 : i32
      %parallel_loop3A_624 = arith.index_cast %parallel_loop3A_623 : i32 to index
      %parallel_loop3A_625 = arith.index_cast %parallel_loop3A_543 : i32 to index
      %parallel_loop3A_626 = arith.constant 32 : index
      %parallel_loop3A_627 = tpu.vector_load %arg10[%parallel_loop3A_624, %parallel_loop3A_625, %parallel_loop3A_626] {strides = array<i32>} : memref<2x100x128xf32, #tpu.memory_space<vmem>>, vector<1x1x16xf32>,
      %parallel_loop3A_628 = vector.shape_cast %parallel_loop3A_627 : vector<1x1x16xf32> to vector<16xf32>
      %parallel_loop3A_629 = vector.shape_cast %parallel_loop3A_622 : vector<16xf32> to vector<1x1x16xf32>
      tpu.vector_store %arg10[%parallel_loop3A_624, %parallel_loop3A_625, %parallel_loop3A_626], %parallel_loop3A_629 {strides = array<i32>} : memref<2x100x128xf32, #tpu.memory_space<vmem>>, vector<1x1x16xf32>,
      %parallel_loop3A_630 = arith.constant 1 : i32
      %parallel_loop3A_631 = arith.index_cast %parallel_loop3A_630 : i32 to index
      %parallel_loop3A_632 = arith.index_cast %parallel_loop3A_547 : i32 to index
      %parallel_loop3A_633 = arith.constant 32 : index
      %parallel_loop3A_634 = tpu.vector_load %arg8[%parallel_loop3A_631, %parallel_loop3A_632, %parallel_loop3A_633] {strides = array<i32>} : memref<2x200x64xf32, #tpu.memory_space<vmem>>, vector<1x1x16xf32>,
      %parallel_loop3A_635 = vector.shape_cast %parallel_loop3A_634 : vector<1x1x16xf32> to vector<16xf32>
      %parallel_loop3A_636 = arith.addf %parallel_loop3A_635, %parallel_loop3A_615 : vector<16xf32>
      %parallel_loop3A_637 = arith.constant 1 : i32
      %parallel_loop3A_638 = arith.index_cast %parallel_loop3A_637 : i32 to index
      %parallel_loop3A_639 = arith.index_cast %parallel_loop3A_543 : i32 to index
      %parallel_loop3A_640 = arith.constant 32 : index
      %parallel_loop3A_641 = tpu.vector_load %arg10[%parallel_loop3A_638, %parallel_loop3A_639, %parallel_loop3A_640] {strides = array<i32>} : memref<2x100x128xf32, #tpu.memory_space<vmem>>, vector<1x1x16xf32>,
      %parallel_loop3A_642 = vector.shape_cast %parallel_loop3A_641 : vector<1x1x16xf32> to vector<16xf32>
      %parallel_loop3A_643 = vector.shape_cast %parallel_loop3A_636 : vector<16xf32> to vector<1x1x16xf32>
      tpu.vector_store %arg10[%parallel_loop3A_638, %parallel_loop3A_639, %parallel_loop3A_640], %parallel_loop3A_643 {strides = array<i32>} : memref<2x100x128xf32, #tpu.memory_space<vmem>>, vector<1x1x16xf32>,
      %parallel_loop3A_644 = arith.index_cast %parallel_loop3A_547 : i32 to index
      %parallel_loop3A_645 = arith.constant 48 : index
      %parallel_loop3A_646 = tpu.vector_load %arg12[%parallel_loop3A_644, %parallel_loop3A_645] {strides = array<i32>} : memref<200x64xf32, #tpu.memory_space<vmem>>, vector<1x16xf32>,
      %parallel_loop3A_647 = vector.shape_cast %parallel_loop3A_646 : vector<1x16xf32> to vector<16xf32>
      %parallel_loop3A_648 = arith.constant 0 : i32
      %parallel_loop3A_649 = arith.index_cast %parallel_loop3A_648 : i32 to index
      %parallel_loop3A_650 = arith.index_cast %parallel_loop3A_547 : i32 to index
      %parallel_loop3A_651 = arith.constant 48 : index
      %parallel_loop3A_652 = tpu.vector_load %arg8[%parallel_loop3A_649, %parallel_loop3A_650, %parallel_loop3A_651] {strides = array<i32>} : memref<2x200x64xf32, #tpu.memory_space<vmem>>, vector<1x1x16xf32>,
      %parallel_loop3A_653 = vector.shape_cast %parallel_loop3A_652 : vector<1x1x16xf32> to vector<16xf32>
      %parallel_loop3A_654 = arith.addf %parallel_loop3A_653, %parallel_loop3A_647 : vector<16xf32>
      %parallel_loop3A_655 = arith.constant 0 : i32
      %parallel_loop3A_656 = arith.index_cast %parallel_loop3A_655 : i32 to index
      %parallel_loop3A_657 = arith.index_cast %parallel_loop3A_543 : i32 to index
      %parallel_loop3A_658 = arith.constant 48 : index
      %parallel_loop3A_659 = tpu.vector_load %arg10[%parallel_loop3A_656, %parallel_loop3A_657, %parallel_loop3A_658] {strides = array<i32>} : memref<2x100x128xf32, #tpu.memory_space<vmem>>, vector<1x1x16xf32>,
      %parallel_loop3A_660 = vector.shape_cast %parallel_loop3A_659 : vector<1x1x16xf32> to vector<16xf32>
      %parallel_loop3A_661 = vector.shape_cast %parallel_loop3A_654 : vector<16xf32> to vector<1x1x16xf32>
      tpu.vector_store %arg10[%parallel_loop3A_656, %parallel_loop3A_657, %parallel_loop3A_658], %parallel_loop3A_661 {strides = array<i32>} : memref<2x100x128xf32, #tpu.memory_space<vmem>>, vector<1x1x16xf32>,
      %parallel_loop3A_662 = arith.constant 1 : i32
      %parallel_loop3A_663 = arith.index_cast %parallel_loop3A_662 : i32 to index
      %parallel_loop3A_664 = arith.index_cast %parallel_loop3A_547 : i32 to index
      %parallel_loop3A_665 = arith.constant 48 : index
      %parallel_loop3A_666 = tpu.vector_load %arg8[%parallel_loop3A_663, %parallel_loop3A_664, %parallel_loop3A_665] {strides = array<i32>} : memref<2x200x64xf32, #tpu.memory_space<vmem>>, vector<1x1x16xf32>,
      %parallel_loop3A_667 = vector.shape_cast %parallel_loop3A_666 : vector<1x1x16xf32> to vector<16xf32>
      %parallel_loop3A_668 = arith.addf %parallel_loop3A_667, %parallel_loop3A_647 : vector<16xf32>
      %parallel_loop3A_669 = arith.constant 1 : i32
      %parallel_loop3A_670 = arith.index_cast %parallel_loop3A_669 : i32 to index
      %parallel_loop3A_671 = arith.index_cast %parallel_loop3A_543 : i32 to index
      %parallel_loop3A_672 = arith.constant 48 : index
      %parallel_loop3A_673 = tpu.vector_load %arg10[%parallel_loop3A_670, %parallel_loop3A_671, %parallel_loop3A_672] {strides = array<i32>} : memref<2x100x128xf32, #tpu.memory_space<vmem>>, vector<1x1x16xf32>,
      %parallel_loop3A_674 = vector.shape_cast %parallel_loop3A_673 : vector<1x1x16xf32> to vector<16xf32>
      %parallel_loop3A_675 = vector.shape_cast %parallel_loop3A_668 : vector<16xf32> to vector<1x1x16xf32>
      tpu.vector_store %arg10[%parallel_loop3A_670, %parallel_loop3A_671, %parallel_loop3A_672], %parallel_loop3A_675 {strides = array<i32>} : memref<2x100x128xf32, #tpu.memory_space<vmem>>, vector<1x1x16xf32>,
      %parallel_loop3A_676 = arith.constant 2 : i32
      %parallel_loop3A_677 = arith.muli %parallel_loop3A_676, %parallel_loop3A_543 : i32
      %parallel_loop3A_678 = arith.constant 1 : i32
      %parallel_loop3A_679 = arith.addi %parallel_loop3A_677, %parallel_loop3A_678 : i32
      %parallel_loop3A_680 = arith.index_cast %parallel_loop3A_679 : i32 to index
      %parallel_loop3A_681 = arith.constant 0 : index
      %parallel_loop3A_682 = tpu.vector_load %arg12[%parallel_loop3A_680, %parallel_loop3A_681] {strides = array<i32>} : memref<200x64xf32, #tpu.memory_space<vmem>>, vector<1x16xf32>,
      %parallel_loop3A_683 = vector.shape_cast %parallel_loop3A_682 : vector<1x16xf32> to vector<16xf32>
      %parallel_loop3A_684 = arith.constant 0 : i32
      %parallel_loop3A_685 = arith.index_cast %parallel_loop3A_684 : i32 to index
      %parallel_loop3A_686 = arith.index_cast %parallel_loop3A_679 : i32 to index
      %parallel_loop3A_687 = arith.constant 0 : index
      %parallel_loop3A_688 = tpu.vector_load %arg8[%parallel_loop3A_685, %parallel_loop3A_686, %parallel_loop3A_687] {strides = array<i32>} : memref<2x200x64xf32, #tpu.memory_space<vmem>>, vector<1x1x16xf32>,
      %parallel_loop3A_689 = vector.shape_cast %parallel_loop3A_688 : vector<1x1x16xf32> to vector<16xf32>
      %parallel_loop3A_690 = arith.addf %parallel_loop3A_689, %parallel_loop3A_683 : vector<16xf32>
      %parallel_loop3A_691 = arith.constant 0 : i32
      %parallel_loop3A_692 = arith.index_cast %parallel_loop3A_691 : i32 to index
      %parallel_loop3A_693 = arith.index_cast %parallel_loop3A_543 : i32 to index
      %parallel_loop3A_694 = arith.constant 64 : index
      %parallel_loop3A_695 = tpu.vector_load %arg10[%parallel_loop3A_692, %parallel_loop3A_693, %parallel_loop3A_694] {strides = array<i32>} : memref<2x100x128xf32, #tpu.memory_space<vmem>>, vector<1x1x16xf32>,
      %parallel_loop3A_696 = vector.shape_cast %parallel_loop3A_695 : vector<1x1x16xf32> to vector<16xf32>
      %parallel_loop3A_697 = vector.shape_cast %parallel_loop3A_690 : vector<16xf32> to vector<1x1x16xf32>
      tpu.vector_store %arg10[%parallel_loop3A_692, %parallel_loop3A_693, %parallel_loop3A_694], %parallel_loop3A_697 {strides = array<i32>} : memref<2x100x128xf32, #tpu.memory_space<vmem>>, vector<1x1x16xf32>,
      %parallel_loop3A_698 = arith.constant 1 : i32
      %parallel_loop3A_699 = arith.index_cast %parallel_loop3A_698 : i32 to index
      %parallel_loop3A_700 = arith.index_cast %parallel_loop3A_679 : i32 to index
      %parallel_loop3A_701 = arith.constant 0 : index
      %parallel_loop3A_702 = tpu.vector_load %arg8[%parallel_loop3A_699, %parallel_loop3A_700, %parallel_loop3A_701] {strides = array<i32>} : memref<2x200x64xf32, #tpu.memory_space<vmem>>, vector<1x1x16xf32>,
      %parallel_loop3A_703 = vector.shape_cast %parallel_loop3A_702 : vector<1x1x16xf32> to vector<16xf32>
      %parallel_loop3A_704 = arith.addf %parallel_loop3A_703, %parallel_loop3A_683 : vector<16xf32>
      %parallel_loop3A_705 = arith.constant 1 : i32
      %parallel_loop3A_706 = arith.index_cast %parallel_loop3A_705 : i32 to index
      %parallel_loop3A_707 = arith.index_cast %parallel_loop3A_543 : i32 to index
      %parallel_loop3A_708 = arith.constant 64 : index
      %parallel_loop3A_709 = tpu.vector_load %arg10[%parallel_loop3A_706, %parallel_loop3A_707, %parallel_loop3A_708] {strides = array<i32>} : memref<2x100x128xf32, #tpu.memory_space<vmem>>, vector<1x1x16xf32>,
      %parallel_loop3A_710 = vector.shape_cast %parallel_loop3A_709 : vector<1x1x16xf32> to vector<16xf32>
      %parallel_loop3A_711 = vector.shape_cast %parallel_loop3A_704 : vector<16xf32> to vector<1x1x16xf32>
      tpu.vector_store %arg10[%parallel_loop3A_706, %parallel_loop3A_707, %parallel_loop3A_708], %parallel_loop3A_711 {strides = array<i32>} : memref<2x100x128xf32, #tpu.memory_space<vmem>>, vector<1x1x16xf32>,
      %parallel_loop3A_712 = arith.index_cast %parallel_loop3A_679 : i32 to index
      %parallel_loop3A_713 = arith.constant 16 : index
      %parallel_loop3A_714 = tpu.vector_load %arg12[%parallel_loop3A_712, %parallel_loop3A_713] {strides = array<i32>} : memref<200x64xf32, #tpu.memory_space<vmem>>, vector<1x16xf32>,
      %parallel_loop3A_715 = vector.shape_cast %parallel_loop3A_714 : vector<1x16xf32> to vector<16xf32>
      %parallel_loop3A_716 = arith.constant 0 : i32
      %parallel_loop3A_717 = arith.index_cast %parallel_loop3A_716 : i32 to index
      %parallel_loop3A_718 = arith.index_cast %parallel_loop3A_679 : i32 to index
      %parallel_loop3A_719 = arith.constant 16 : index
      %parallel_loop3A_720 = tpu.vector_load %arg8[%parallel_loop3A_717, %parallel_loop3A_718, %parallel_loop3A_719] {strides = array<i32>} : memref<2x200x64xf32, #tpu.memory_space<vmem>>, vector<1x1x16xf32>,
      %parallel_loop3A_721 = vector.shape_cast %parallel_loop3A_720 : vector<1x1x16xf32> to vector<16xf32>
      %parallel_loop3A_722 = arith.addf %parallel_loop3A_721, %parallel_loop3A_715 : vector<16xf32>
      %parallel_loop3A_723 = arith.constant 0 : i32
      %parallel_loop3A_724 = arith.index_cast %parallel_loop3A_723 : i32 to index
      %parallel_loop3A_725 = arith.index_cast %parallel_loop3A_543 : i32 to index
      %parallel_loop3A_726 = arith.constant 80 : index
      %parallel_loop3A_727 = tpu.vector_load %arg10[%parallel_loop3A_724, %parallel_loop3A_725, %parallel_loop3A_726] {strides = array<i32>} : memref<2x100x128xf32, #tpu.memory_space<vmem>>, vector<1x1x16xf32>,
      %parallel_loop3A_728 = vector.shape_cast %parallel_loop3A_727 : vector<1x1x16xf32> to vector<16xf32>
      %parallel_loop3A_729 = vector.shape_cast %parallel_loop3A_722 : vector<16xf32> to vector<1x1x16xf32>
      tpu.vector_store %arg10[%parallel_loop3A_724, %parallel_loop3A_725, %parallel_loop3A_726], %parallel_loop3A_729 {strides = array<i32>} : memref<2x100x128xf32, #tpu.memory_space<vmem>>, vector<1x1x16xf32>,
      %parallel_loop3A_730 = arith.constant 1 : i32
      %parallel_loop3A_731 = arith.index_cast %parallel_loop3A_730 : i32 to index
      %parallel_loop3A_732 = arith.index_cast %parallel_loop3A_679 : i32 to index
      %parallel_loop3A_733 = arith.constant 16 : index
      %parallel_loop3A_734 = tpu.vector_load %arg8[%parallel_loop3A_731, %parallel_loop3A_732, %parallel_loop3A_733] {strides = array<i32>} : memref<2x200x64xf32, #tpu.memory_space<vmem>>, vector<1x1x16xf32>,
      %parallel_loop3A_735 = vector.shape_cast %parallel_loop3A_734 : vector<1x1x16xf32> to vector<16xf32>
      %parallel_loop3A_736 = arith.addf %parallel_loop3A_735, %parallel_loop3A_715 : vector<16xf32>
      %parallel_loop3A_737 = arith.constant 1 : i32
      %parallel_loop3A_738 = arith.index_cast %parallel_loop3A_737 : i32 to index
      %parallel_loop3A_739 = arith.index_cast %parallel_loop3A_543 : i32 to index
      %parallel_loop3A_740 = arith.constant 80 : index
      %parallel_loop3A_741 = tpu.vector_load %arg10[%parallel_loop3A_738, %parallel_loop3A_739, %parallel_loop3A_740] {strides = array<i32>} : memref<2x100x128xf32, #tpu.memory_space<vmem>>, vector<1x1x16xf32>,
      %parallel_loop3A_742 = vector.shape_cast %parallel_loop3A_741 : vector<1x1x16xf32> to vector<16xf32>
      %parallel_loop3A_743 = vector.shape_cast %parallel_loop3A_736 : vector<16xf32> to vector<1x1x16xf32>
      tpu.vector_store %arg10[%parallel_loop3A_738, %parallel_loop3A_739, %parallel_loop3A_740], %parallel_loop3A_743 {strides = array<i32>} : memref<2x100x128xf32, #tpu.memory_space<vmem>>, vector<1x1x16xf32>,
      %parallel_loop3A_744 = arith.index_cast %parallel_loop3A_679 : i32 to index
      %parallel_loop3A_745 = arith.constant 32 : index
      %parallel_loop3A_746 = tpu.vector_load %arg12[%parallel_loop3A_744, %parallel_loop3A_745] {strides = array<i32>} : memref<200x64xf32, #tpu.memory_space<vmem>>, vector<1x16xf32>,
      %parallel_loop3A_747 = vector.shape_cast %parallel_loop3A_746 : vector<1x16xf32> to vector<16xf32>
      %parallel_loop3A_748 = arith.constant 0 : i32
      %parallel_loop3A_749 = arith.index_cast %parallel_loop3A_748 : i32 to index
      %parallel_loop3A_750 = arith.index_cast %parallel_loop3A_679 : i32 to index
      %parallel_loop3A_751 = arith.constant 32 : index
      %parallel_loop3A_752 = tpu.vector_load %arg8[%parallel_loop3A_749, %parallel_loop3A_750, %parallel_loop3A_751] {strides = array<i32>} : memref<2x200x64xf32, #tpu.memory_space<vmem>>, vector<1x1x16xf32>,
      %parallel_loop3A_753 = vector.shape_cast %parallel_loop3A_752 : vector<1x1x16xf32> to vector<16xf32>
      %parallel_loop3A_754 = arith.addf %parallel_loop3A_753, %parallel_loop3A_747 : vector<16xf32>
      %parallel_loop3A_755 = arith.constant 0 : i32
      %parallel_loop3A_756 = arith.index_cast %parallel_loop3A_755 : i32 to index
      %parallel_loop3A_757 = arith.index_cast %parallel_loop3A_543 : i32 to index
      %parallel_loop3A_758 = arith.constant 96 : index
      %parallel_loop3A_759 = tpu.vector_load %arg10[%parallel_loop3A_756, %parallel_loop3A_757, %parallel_loop3A_758] {strides = array<i32>} : memref<2x100x128xf32, #tpu.memory_space<vmem>>, vector<1x1x16xf32>,
      %parallel_loop3A_760 = vector.shape_cast %parallel_loop3A_759 : vector<1x1x16xf32> to vector<16xf32>
      %parallel_loop3A_761 = vector.shape_cast %parallel_loop3A_754 : vector<16xf32> to vector<1x1x16xf32>
      tpu.vector_store %arg10[%parallel_loop3A_756, %parallel_loop3A_757, %parallel_loop3A_758], %parallel_loop3A_761 {strides = array<i32>} : memref<2x100x128xf32, #tpu.memory_space<vmem>>, vector<1x1x16xf32>,
      %parallel_loop3A_762 = arith.constant 1 : i32
      %parallel_loop3A_763 = arith.index_cast %parallel_loop3A_762 : i32 to index
      %parallel_loop3A_764 = arith.index_cast %parallel_loop3A_679 : i32 to index
      %parallel_loop3A_765 = arith.constant 32 : index
      %parallel_loop3A_766 = tpu.vector_load %arg8[%parallel_loop3A_763, %parallel_loop3A_764, %parallel_loop3A_765] {strides = array<i32>} : memref<2x200x64xf32, #tpu.memory_space<vmem>>, vector<1x1x16xf32>,
      %parallel_loop3A_767 = vector.shape_cast %parallel_loop3A_766 : vector<1x1x16xf32> to vector<16xf32>
      %parallel_loop3A_768 = arith.addf %parallel_loop3A_767, %parallel_loop3A_747 : vector<16xf32>
      %parallel_loop3A_769 = arith.constant 1 : i32
      %parallel_loop3A_770 = arith.index_cast %parallel_loop3A_769 : i32 to index
      %parallel_loop3A_771 = arith.index_cast %parallel_loop3A_543 : i32 to index
      %parallel_loop3A_772 = arith.constant 96 : index
      %parallel_loop3A_773 = tpu.vector_load %arg10[%parallel_loop3A_770, %parallel_loop3A_771, %parallel_loop3A_772] {strides = array<i32>} : memref<2x100x128xf32, #tpu.memory_space<vmem>>, vector<1x1x16xf32>,
      %parallel_loop3A_774 = vector.shape_cast %parallel_loop3A_773 : vector<1x1x16xf32> to vector<16xf32>
      %parallel_loop3A_775 = vector.shape_cast %parallel_loop3A_768 : vector<16xf32> to vector<1x1x16xf32>
      tpu.vector_store %arg10[%parallel_loop3A_770, %parallel_loop3A_771, %parallel_loop3A_772], %parallel_loop3A_775 {strides = array<i32>} : memref<2x100x128xf32, #tpu.memory_space<vmem>>, vector<1x1x16xf32>,
      %parallel_loop3A_776 = arith.index_cast %parallel_loop3A_679 : i32 to index
      %parallel_loop3A_777 = arith.constant 48 : index
      %parallel_loop3A_778 = tpu.vector_load %arg12[%parallel_loop3A_776, %parallel_loop3A_777] {strides = array<i32>} : memref<200x64xf32, #tpu.memory_space<vmem>>, vector<1x16xf32>,
      %parallel_loop3A_779 = vector.shape_cast %parallel_loop3A_778 : vector<1x16xf32> to vector<16xf32>
      %parallel_loop3A_780 = arith.constant 0 : i32
      %parallel_loop3A_781 = arith.index_cast %parallel_loop3A_780 : i32 to index
      %parallel_loop3A_782 = arith.index_cast %parallel_loop3A_679 : i32 to index
      %parallel_loop3A_783 = arith.constant 48 : index
      %parallel_loop3A_784 = tpu.vector_load %arg8[%parallel_loop3A_781, %parallel_loop3A_782, %parallel_loop3A_783] {strides = array<i32>} : memref<2x200x64xf32, #tpu.memory_space<vmem>>, vector<1x1x16xf32>,
      %parallel_loop3A_785 = vector.shape_cast %parallel_loop3A_784 : vector<1x1x16xf32> to vector<16xf32>
      %parallel_loop3A_786 = arith.addf %parallel_loop3A_785, %parallel_loop3A_779 : vector<16xf32>
      %parallel_loop3A_787 = arith.constant 0 : i32
      %parallel_loop3A_788 = arith.index_cast %parallel_loop3A_787 : i32 to index
      %parallel_loop3A_789 = arith.index_cast %parallel_loop3A_543 : i32 to index
      %parallel_loop3A_790 = arith.constant 112 : index
      %parallel_loop3A_791 = tpu.vector_load %arg10[%parallel_loop3A_788, %parallel_loop3A_789, %parallel_loop3A_790] {strides = array<i32>} : memref<2x100x128xf32, #tpu.memory_space<vmem>>, vector<1x1x16xf32>,
      %parallel_loop3A_792 = vector.shape_cast %parallel_loop3A_791 : vector<1x1x16xf32> to vector<16xf32>
      %parallel_loop3A_793 = vector.shape_cast %parallel_loop3A_786 : vector<16xf32> to vector<1x1x16xf32>
      tpu.vector_store %arg10[%parallel_loop3A_788, %parallel_loop3A_789, %parallel_loop3A_790], %parallel_loop3A_793 {strides = array<i32>} : memref<2x100x128xf32, #tpu.memory_space<vmem>>, vector<1x1x16xf32>,
      %parallel_loop3A_794 = arith.constant 1 : i32
      %parallel_loop3A_795 = arith.index_cast %parallel_loop3A_794 : i32 to index
      %parallel_loop3A_796 = arith.index_cast %parallel_loop3A_679 : i32 to index
      %parallel_loop3A_797 = arith.constant 48 : index
      %parallel_loop3A_798 = tpu.vector_load %arg8[%parallel_loop3A_795, %parallel_loop3A_796, %parallel_loop3A_797] {strides = array<i32>} : memref<2x200x64xf32, #tpu.memory_space<vmem>>, vector<1x1x16xf32>,
      %parallel_loop3A_799 = vector.shape_cast %parallel_loop3A_798 : vector<1x1x16xf32> to vector<16xf32>
      %parallel_loop3A_800 = arith.addf %parallel_loop3A_799, %parallel_loop3A_779 : vector<16xf32>
      %parallel_loop3A_801 = arith.constant 1 : i32
      %parallel_loop3A_802 = arith.index_cast %parallel_loop3A_801 : i32 to index
      %parallel_loop3A_803 = arith.index_cast %parallel_loop3A_543 : i32 to index
      %parallel_loop3A_804 = arith.constant 112 : index
      %parallel_loop3A_805 = tpu.vector_load %arg10[%parallel_loop3A_802, %parallel_loop3A_803, %parallel_loop3A_804] {strides = array<i32>} : memref<2x100x128xf32, #tpu.memory_space<vmem>>, vector<1x1x16xf32>,
      %parallel_loop3A_806 = vector.shape_cast %parallel_loop3A_805 : vector<1x1x16xf32> to vector<16xf32>
      %parallel_loop3A_807 = vector.shape_cast %parallel_loop3A_800 : vector<16xf32> to vector<1x1x16xf32>
      tpu.vector_store %arg10[%parallel_loop3A_802, %parallel_loop3A_803, %parallel_loop3A_804], %parallel_loop3A_807 {strides = array<i32>} : memref<2x100x128xf32, #tpu.memory_space<vmem>>, vector<1x1x16xf32>,
    } {sc.loop_unroll_factor = 2 : i64, sc.parallel_access}
    %mul3A_185 = arith.constant 128 : i32
    %mul3A_186 = arith.muli %add3A, %mul3A_185 : i32
    %add3A_187 = arith.constant 0 : i32
    %add3A_188 = arith.addi %mul3A_186, %add3A_187 : i32
    %dma_start3A_189 = arith.constant 0 : i32
    %dma_start3A_190 = arith.constant 0 : i32
    %dma_start3A_191 = tpu.memref_slice %arg5[%add3A_188, %dma_start3A_189, %dma_start3A_190] : memref<4096x104x128xf32, #tpu.memory_space<hbm>> -> memref<2x100x128xf32, #tpu.memory_space<hbm>>
    %dma_start3A_192 = arith.constant 0 : i32
    %dma_start3A_193 = arith.constant 0 : i32
    %dma_start3A_194 = tpu.memref_slice %arg5[%add3A_188, %dma_start3A_192, %dma_start3A_193] : memref<4096x104x128xf32, #tpu.memory_space<hbm>> -> memref<2x100x128xf32, #tpu.memory_space<hbm>>
    tpu.enqueue_dma source(%arg10 : memref<2x100x128xf32, #tpu.memory_space<vmem>>) target(%dma_start3A_194 : memref<2x100x128xf32, #tpu.memory_space<hbm>>) target_semaphore(%arg15 : memref<!tpu.dma_semaphore, #tpu.memory_space<semaphore_mem>>)
    %mul3A_195 = arith.constant 256 : i32
    %mul3A_196 = arith.muli %add3A, %mul3A_195 : i32
    %add3A_197 = arith.constant 8 : i32
    %add3A_198 = arith.addi %mul3A_196, %add3A_197 : i32
    %dma_wait3A_199 = arith.constant 0 : i32
    %dma_wait3A_200 = tpu.memref_slice %arg2[%add3A_198, %dma_wait3A_199] : memref<8192x100xi32, #tpu.memory_space<hbm>> -> memref<4x100xi32, #tpu.memory_space<hbm>>
    %dma_wait3A_201 = arith.constant 0 : i32
    %dma_wait3A_202 = tpu.memref_slice %arg2[%add3A_198, %dma_wait3A_201] : memref<8192x100xi32, #tpu.memory_space<hbm>> -> memref<4x100xi32, #tpu.memory_space<hbm>>
    tpu.wait_dma2 semaphore(%arg17 : memref<!tpu.dma_semaphore, #tpu.memory_space<semaphore_mem>>) src(%dma_wait3A_202 : memref<4x100xi32, #tpu.memory_space<hbm>>) dst(%arg6 : memref<4x100xi32, #tpu.memory_space<vmem>>)
    %dma_start3A_203 = arith.constant 0 : i32
    %dma_start3A_204 = arith.constant 0 : i32
    %dma_start3A_205 = arith.constant 0 : i32
    %dma_start3A_206 = arith.constant 0 : i32
    %dma_start3A_207 = tpu.memref_slice %arg8[%dma_start3A_204, %dma_start3A_205, %dma_start3A_206] : memref<2x200x64xf32, #tpu.memory_space<vmem>> -> memref<1x100x64xf32, #tpu.memory_space<vmem>>
    %dma_start3A_208 = tpu.memref_squeeze %dma_start3A_207 : memref<1x100x64xf32, #tpu.memory_space<vmem>> -> memref<100x64xf32, #tpu.memory_space<vmem>>
    %dma_start3A_209 = arith.constant 0 : i32
    %dma_start3A_210 = tpu.memref_slice %arg6[%dma_start3A_203, %dma_start3A_209] : memref<4x100xi32, #tpu.memory_space<vmem>> -> memref<1x100xi32, #tpu.memory_space<vmem>>
    %dma_start3A_211 = tpu.memref_squeeze %dma_start3A_210 : memref<1x100xi32, #tpu.memory_space<vmem>> -> memref<100xi32, #tpu.memory_space<vmem>>
    %dma_start3A_212 = arith.constant 0 : i32
    %dma_start3A_213 = arith.constant 0 : i32
    %dma_start3A_214 = tpu.memref_slice %arg3[%dma_start3A_212, %dma_start3A_213] : memref<100000x64xf32, #tpu.memory_space<hbm>> -> memref<100000x64xf32, #tpu.memory_space<hbm>>
    tpu.enqueue_indirect_dma source(%dma_start3A_214 : memref<100000x64xf32, #tpu.memory_space<hbm>>) target(%dma_start3A_208 : memref<100x64xf32, #tpu.memory_space<vmem>>) offsets(%dma_start3A_211 : memref<100xi32, #tpu.memory_space<vmem>>) semaphore(%arg13 : memref<!tpu.dma_semaphore, #tpu.memory_space<semaphore_mem>>)
    %dma_start3A_215 = arith.constant 1 : i32
    %dma_start3A_216 = arith.constant 0 : i32
    %dma_start3A_217 = arith.constant 100 : i32
    %dma_start3A_218 = arith.constant 0 : i32
    %dma_start3A_219 = tpu.memref_slice %arg8[%dma_start3A_216, %dma_start3A_217, %dma_start3A_218] : memref<2x200x64xf32, #tpu.memory_space<vmem>> -> memref<1x100x64xf32, #tpu.memory_space<vmem>>
    %dma_start3A_220 = tpu.memref_squeeze %dma_start3A_219 : memref<1x100x64xf32, #tpu.memory_space<vmem>> -> memref<100x64xf32, #tpu.memory_space<vmem>>
    %dma_start3A_221 = arith.constant 0 : i32
    %dma_start3A_222 = tpu.memref_slice %arg6[%dma_start3A_215, %dma_start3A_221] : memref<4x100xi32, #tpu.memory_space<vmem>> -> memref<1x100xi32, #tpu.memory_space<vmem>>
    %dma_start3A_223 = tpu.memref_squeeze %dma_start3A_222 : memref<1x100xi32, #tpu.memory_space<vmem>> -> memref<100xi32, #tpu.memory_space<vmem>>
    %dma_start3A_224 = arith.constant 0 : i32
    %dma_start3A_225 = arith.constant 0 : i32
    %dma_start3A_226 = tpu.memref_slice %arg3[%dma_start3A_224, %dma_start3A_225] : memref<100000x64xf32, #tpu.memory_space<hbm>> -> memref<100000x64xf32, #tpu.memory_space<hbm>>
    tpu.enqueue_indirect_dma source(%dma_start3A_226 : memref<100000x64xf32, #tpu.memory_space<hbm>>) target(%dma_start3A_220 : memref<100x64xf32, #tpu.memory_space<vmem>>) offsets(%dma_start3A_223 : memref<100xi32, #tpu.memory_space<vmem>>) semaphore(%arg13 : memref<!tpu.dma_semaphore, #tpu.memory_space<semaphore_mem>>)
    %dma_start3A_227 = arith.constant 2 : i32
    %dma_start3A_228 = arith.constant 1 : i32
    %dma_start3A_229 = arith.constant 0 : i32
    %dma_start3A_230 = arith.constant 0 : i32
    %dma_start3A_231 = tpu.memref_slice %arg8[%dma_start3A_228, %dma_start3A_229, %dma_start3A_230] : memref<2x200x64xf32, #tpu.memory_space<vmem>> -> memref<1x100x64xf32, #tpu.memory_space<vmem>>
    %dma_start3A_232 = tpu.memref_squeeze %dma_start3A_231 : memref<1x100x64xf32, #tpu.memory_space<vmem>> -> memref<100x64xf32, #tpu.memory_space<vmem>>
    %dma_start3A_233 = arith.constant 0 : i32
    %dma_start3A_234 = tpu.memref_slice %arg6[%dma_start3A_227, %dma_start3A_233] : memref<4x100xi32, #tpu.memory_space<vmem>> -> memref<1x100xi32, #tpu.memory_space<vmem>>
    %dma_start3A_235 = tpu.memref_squeeze %dma_start3A_234 : memref<1x100xi32, #tpu.memory_space<vmem>> -> memref<100xi32, #tpu.memory_space<vmem>>
    %dma_start3A_236 = arith.constant 0 : i32
    %dma_start3A_237 = arith.constant 0 : i32
    %dma_start3A_238 = tpu.memref_slice %arg3[%dma_start3A_236, %dma_start3A_237] : memref<100000x64xf32, #tpu.memory_space<hbm>> -> memref<100000x64xf32, #tpu.memory_space<hbm>>
    tpu.enqueue_indirect_dma source(%dma_start3A_238 : memref<100000x64xf32, #tpu.memory_space<hbm>>) target(%dma_start3A_232 : memref<100x64xf32, #tpu.memory_space<vmem>>) offsets(%dma_start3A_235 : memref<100xi32, #tpu.memory_space<vmem>>) semaphore(%arg13 : memref<!tpu.dma_semaphore, #tpu.memory_space<semaphore_mem>>)
    %dma_start3A_239 = arith.constant 3 : i32
    %dma_start3A_240 = arith.constant 1 : i32
    %dma_start3A_241 = arith.constant 100 : i32
    %dma_start3A_242 = arith.constant 0 : i32
    %dma_start3A_243 = tpu.memref_slice %arg8[%dma_start3A_240, %dma_start3A_241, %dma_start3A_242] : memref<2x200x64xf32, #tpu.memory_space<vmem>> -> memref<1x100x64xf32, #tpu.memory_space<vmem>>
    %dma_start3A_244 = tpu.memref_squeeze %dma_start3A_243 : memref<1x100x64xf32, #tpu.memory_space<vmem>> -> memref<100x64xf32, #tpu.memory_space<vmem>>
    %dma_start3A_245 = arith.constant 0 : i32
    %dma_start3A_246 = tpu.memref_slice %arg6[%dma_start3A_239, %dma_start3A_245] : memref<4x100xi32, #tpu.memory_space<vmem>> -> memref<1x100xi32, #tpu.memory_space<vmem>>
    %dma_start3A_247 = tpu.memref_squeeze %dma_start3A_246 : memref<1x100xi32, #tpu.memory_space<vmem>> -> memref<100xi32, #tpu.memory_space<vmem>>
    %dma_start3A_248 = arith.constant 0 : i32
    %dma_start3A_249 = arith.constant 0 : i32
    %dma_start3A_250 = tpu.memref_slice %arg3[%dma_start3A_248, %dma_start3A_249] : memref<100000x64xf32, #tpu.memory_space<hbm>> -> memref<100000x64xf32, #tpu.memory_space<hbm>>
    tpu.enqueue_indirect_dma source(%dma_start3A_250 : memref<100000x64xf32, #tpu.memory_space<hbm>>) target(%dma_start3A_244 : memref<100x64xf32, #tpu.memory_space<vmem>>) offsets(%dma_start3A_247 : memref<100xi32, #tpu.memory_space<vmem>>) semaphore(%arg13 : memref<!tpu.dma_semaphore, #tpu.memory_space<semaphore_mem>>)
    %dma_wait3A_251 = arith.constant 0 : i32
    %dma_wait3A_252 = arith.constant 0 : i32
    %dma_wait3A_253 = arith.constant 0 : i32
    %dma_wait3A_254 = arith.constant 0 : i32
    %dma_wait3A_255 = tpu.memref_slice %arg9[%dma_wait3A_252, %dma_wait3A_253, %dma_wait3A_254] : memref<2x200x64xf32, #tpu.memory_space<vmem>> -> memref<1x100x64xf32, #tpu.memory_space<vmem>>
    %dma_wait3A_256 = tpu.memref_squeeze %dma_wait3A_255 : memref<1x100x64xf32, #tpu.memory_space<vmem>> -> memref<100x64xf32, #tpu.memory_space<vmem>>
    %dma_wait3A_257 = arith.constant 0 : i32
    %dma_wait3A_258 = tpu.memref_slice %arg7[%dma_wait3A_251, %dma_wait3A_257] : memref<4x100xi32, #tpu.memory_space<vmem>> -> memref<1x100xi32, #tpu.memory_space<vmem>>
    %dma_wait3A_259 = tpu.memref_squeeze %dma_wait3A_258 : memref<1x100xi32, #tpu.memory_space<vmem>> -> memref<100xi32, #tpu.memory_space<vmem>>
    %dma_wait3A_260 = arith.constant 0 : i32
    %dma_wait3A_261 = arith.constant 0 : i32
    %dma_wait3A_262 = tpu.memref_slice %arg3[%dma_wait3A_260, %dma_wait3A_261] : memref<100000x64xf32, #tpu.memory_space<hbm>> -> memref<100000x64xf32, #tpu.memory_space<hbm>>
    tpu.wait_indirect_dma semaphore(%arg14 : memref<!tpu.dma_semaphore, #tpu.memory_space<semaphore_mem>>) src(%dma_wait3A_262 : memref<100000x64xf32, #tpu.memory_space<hbm>>) dst(%dma_wait3A_256 : memref<100x64xf32, #tpu.memory_space<vmem>>)
    %dma_wait3A_263 = arith.constant 1 : i32
    %dma_wait3A_264 = arith.constant 0 : i32
    %dma_wait3A_265 = arith.constant 100 : i32
    %dma_wait3A_266 = arith.constant 0 : i32
    %dma_wait3A_267 = tpu.memref_slice %arg9[%dma_wait3A_264, %dma_wait3A_265, %dma_wait3A_266] : memref<2x200x64xf32, #tpu.memory_space<vmem>> -> memref<1x100x64xf32, #tpu.memory_space<vmem>>
    %dma_wait3A_268 = tpu.memref_squeeze %dma_wait3A_267 : memref<1x100x64xf32, #tpu.memory_space<vmem>> -> memref<100x64xf32, #tpu.memory_space<vmem>>
    %dma_wait3A_269 = arith.constant 0 : i32
    %dma_wait3A_270 = tpu.memref_slice %arg7[%dma_wait3A_263, %dma_wait3A_269] : memref<4x100xi32, #tpu.memory_space<vmem>> -> memref<1x100xi32, #tpu.memory_space<vmem>>
    %dma_wait3A_271 = tpu.memref_squeeze %dma_wait3A_270 : memref<1x100xi32, #tpu.memory_space<vmem>> -> memref<100xi32, #tpu.memory_space<vmem>>
    %dma_wait3A_272 = arith.constant 0 : i32
    %dma_wait3A_273 = arith.constant 0 : i32
    %dma_wait3A_274 = tpu.memref_slice %arg3[%dma_wait3A_272, %dma_wait3A_273] : memref<100000x64xf32, #tpu.memory_space<hbm>> -> memref<100000x64xf32, #tpu.memory_space<hbm>>
    tpu.wait_indirect_dma semaphore(%arg14 : memref<!tpu.dma_semaphore, #tpu.memory_space<semaphore_mem>>) src(%dma_wait3A_274 : memref<100000x64xf32, #tpu.memory_space<hbm>>) dst(%dma_wait3A_268 : memref<100x64xf32, #tpu.memory_space<vmem>>)
    %dma_wait3A_275 = arith.constant 2 : i32
    %dma_wait3A_276 = arith.constant 1 : i32
    %dma_wait3A_277 = arith.constant 0 : i32
    %dma_wait3A_278 = arith.constant 0 : i32
    %dma_wait3A_279 = tpu.memref_slice %arg9[%dma_wait3A_276, %dma_wait3A_277, %dma_wait3A_278] : memref<2x200x64xf32, #tpu.memory_space<vmem>> -> memref<1x100x64xf32, #tpu.memory_space<vmem>>
    %dma_wait3A_280 = tpu.memref_squeeze %dma_wait3A_279 : memref<1x100x64xf32, #tpu.memory_space<vmem>> -> memref<100x64xf32, #tpu.memory_space<vmem>>
    %dma_wait3A_281 = arith.constant 0 : i32
    %dma_wait3A_282 = tpu.memref_slice %arg7[%dma_wait3A_275, %dma_wait3A_281] : memref<4x100xi32, #tpu.memory_space<vmem>> -> memref<1x100xi32, #tpu.memory_space<vmem>>
    %dma_wait3A_283 = tpu.memref_squeeze %dma_wait3A_282 : memref<1x100xi32, #tpu.memory_space<vmem>> -> memref<100xi32, #tpu.memory_space<vmem>>
    %dma_wait3A_284 = arith.constant 0 : i32
    %dma_wait3A_285 = arith.constant 0 : i32
    %dma_wait3A_286 = tpu.memref_slice %arg3[%dma_wait3A_284, %dma_wait3A_285] : memref<100000x64xf32, #tpu.memory_space<hbm>> -> memref<100000x64xf32, #tpu.memory_space<hbm>>
    tpu.wait_indirect_dma semaphore(%arg14 : memref<!tpu.dma_semaphore, #tpu.memory_space<semaphore_mem>>) src(%dma_wait3A_286 : memref<100000x64xf32, #tpu.memory_space<hbm>>) dst(%dma_wait3A_280 : memref<100x64xf32, #tpu.memory_space<vmem>>)
    %dma_wait3A_287 = arith.constant 3 : i32
    %dma_wait3A_288 = arith.constant 1 : i32
    %dma_wait3A_289 = arith.constant 100 : i32
    %dma_wait3A_290 = arith.constant 0 : i32
    %dma_wait3A_291 = tpu.memref_slice %arg9[%dma_wait3A_288, %dma_wait3A_289, %dma_wait3A_290] : memref<2x200x64xf32, #tpu.memory_space<vmem>> -> memref<1x100x64xf32, #tpu.memory_space<vmem>>
    %dma_wait3A_292 = tpu.memref_squeeze %dma_wait3A_291 : memref<1x100x64xf32, #tpu.memory_space<vmem>> -> memref<100x64xf32, #tpu.memory_space<vmem>>
    %dma_wait3A_293 = arith.constant 0 : i32
    %dma_wait3A_294 = tpu.memref_slice %arg7[%dma_wait3A_287, %dma_wait3A_293] : memref<4x100xi32, #tpu.memory_space<vmem>> -> memref<1x100xi32, #tpu.memory_space<vmem>>
    %dma_wait3A_295 = tpu.memref_squeeze %dma_wait3A_294 : memref<1x100xi32, #tpu.memory_space<vmem>> -> memref<100xi32, #tpu.memory_space<vmem>>
    %dma_wait3A_296 = arith.constant 0 : i32
    %dma_wait3A_297 = arith.constant 0 : i32
    %dma_wait3A_298 = tpu.memref_slice %arg3[%dma_wait3A_296, %dma_wait3A_297] : memref<100000x64xf32, #tpu.memory_space<hbm>> -> memref<100000x64xf32, #tpu.memory_space<hbm>>
    tpu.wait_indirect_dma semaphore(%arg14 : memref<!tpu.dma_semaphore, #tpu.memory_space<semaphore_mem>>) src(%dma_wait3A_298 : memref<100000x64xf32, #tpu.memory_space<hbm>>) dst(%dma_wait3A_292 : memref<100x64xf32, #tpu.memory_space<vmem>>)
    %mul3A_299 = arith.constant 256 : i32
    %mul3A_300 = arith.muli %add3A, %mul3A_299 : i32
    %add3A_301 = arith.constant 12 : i32
    %add3A_302 = arith.addi %mul3A_300, %add3A_301 : i32
    %dma_start3A_303 = arith.constant 0 : i32
    %dma_start3A_304 = tpu.memref_slice %arg2[%add3A_302, %dma_start3A_303] : memref<8192x100xi32, #tpu.memory_space<hbm>> -> memref<4x100xi32, #tpu.memory_space<hbm>>
    %dma_start3A_305 = arith.constant 0 : i32
    %dma_start3A_306 = tpu.memref_slice %arg2[%add3A_302, %dma_start3A_305] : memref<8192x100xi32, #tpu.memory_space<hbm>> -> memref<4x100xi32, #tpu.memory_space<hbm>>
    tpu.enqueue_dma source(%dma_start3A_306 : memref<4x100xi32, #tpu.memory_space<hbm>>) target(%arg7 : memref<4x100xi32, #tpu.memory_space<vmem>>) target_semaphore(%arg18 : memref<!tpu.dma_semaphore, #tpu.memory_space<semaphore_mem>>)
    %parallel_loop3A_307 = arith.constant 0 : i32
    %parallel_loop3A_308 = arith.constant 100 : i32
    %parallel_loop3A_309 = arith.constant 1 : i32
    scf.for %parallel_loop3A_543 = %parallel_loop3A_307 to %parallel_loop3A_308 step %parallel_loop3A_309  : i32 {
      %parallel_loop3A_544 = arith.constant 2 : i32
      %parallel_loop3A_545 = arith.muli %parallel_loop3A_544, %parallel_loop3A_543 : i32
      %parallel_loop3A_546 = arith.constant 0 : i32
      %parallel_loop3A_547 = arith.addi %parallel_loop3A_545, %parallel_loop3A_546 : i32
      %parallel_loop3A_548 = arith.index_cast %parallel_loop3A_547 : i32 to index
      %parallel_loop3A_549 = arith.constant 0 : index
      %parallel_loop3A_550 = tpu.vector_load %arg12[%parallel_loop3A_548, %parallel_loop3A_549] {strides = array<i32>} : memref<200x64xf32, #tpu.memory_space<vmem>>, vector<1x16xf32>,
      %parallel_loop3A_551 = vector.shape_cast %parallel_loop3A_550 : vector<1x16xf32> to vector<16xf32>
      %parallel_loop3A_552 = arith.constant 0 : i32
      %parallel_loop3A_553 = arith.index_cast %parallel_loop3A_552 : i32 to index
      %parallel_loop3A_554 = arith.index_cast %parallel_loop3A_547 : i32 to index
      %parallel_loop3A_555 = arith.constant 0 : index
      %parallel_loop3A_556 = tpu.vector_load %arg9[%parallel_loop3A_553, %parallel_loop3A_554, %parallel_loop3A_555] {strides = array<i32>} : memref<2x200x64xf32, #tpu.memory_space<vmem>>, vector<1x1x16xf32>,
      %parallel_loop3A_557 = vector.shape_cast %parallel_loop3A_556 : vector<1x1x16xf32> to vector<16xf32>
      %parallel_loop3A_558 = arith.addf %parallel_loop3A_557, %parallel_loop3A_551 : vector<16xf32>
      %parallel_loop3A_559 = arith.constant 0 : i32
      %parallel_loop3A_560 = arith.index_cast %parallel_loop3A_559 : i32 to index
      %parallel_loop3A_561 = arith.index_cast %parallel_loop3A_543 : i32 to index
      %parallel_loop3A_562 = arith.constant 0 : index
      %parallel_loop3A_563 = tpu.vector_load %arg11[%parallel_loop3A_560, %parallel_loop3A_561, %parallel_loop3A_562] {strides = array<i32>} : memref<2x100x128xf32, #tpu.memory_space<vmem>>, vector<1x1x16xf32>,
      %parallel_loop3A_564 = vector.shape_cast %parallel_loop3A_563 : vector<1x1x16xf32> to vector<16xf32>
      %parallel_loop3A_565 = vector.shape_cast %parallel_loop3A_558 : vector<16xf32> to vector<1x1x16xf32>
      tpu.vector_store %arg11[%parallel_loop3A_560, %parallel_loop3A_561, %parallel_loop3A_562], %parallel_loop3A_565 {strides = array<i32>} : memref<2x100x128xf32, #tpu.memory_space<vmem>>, vector<1x1x16xf32>,
      %parallel_loop3A_566 = arith.constant 1 : i32
      %parallel_loop3A_567 = arith.index_cast %parallel_loop3A_566 : i32 to index
      %parallel_loop3A_568 = arith.index_cast %parallel_loop3A_547 : i32 to index
      %parallel_loop3A_569 = arith.constant 0 : index
      %parallel_loop3A_570 = tpu.vector_load %arg9[%parallel_loop3A_567, %parallel_loop3A_568, %parallel_loop3A_569] {strides = array<i32>} : memref<2x200x64xf32, #tpu.memory_space<vmem>>, vector<1x1x16xf32>,
      %parallel_loop3A_571 = vector.shape_cast %parallel_loop3A_570 : vector<1x1x16xf32> to vector<16xf32>
      %parallel_loop3A_572 = arith.addf %parallel_loop3A_571, %parallel_loop3A_551 : vector<16xf32>
      %parallel_loop3A_573 = arith.constant 1 : i32
      %parallel_loop3A_574 = arith.index_cast %parallel_loop3A_573 : i32 to index
      %parallel_loop3A_575 = arith.index_cast %parallel_loop3A_543 : i32 to index
      %parallel_loop3A_576 = arith.constant 0 : index
      %parallel_loop3A_577 = tpu.vector_load %arg11[%parallel_loop3A_574, %parallel_loop3A_575, %parallel_loop3A_576] {strides = array<i32>} : memref<2x100x128xf32, #tpu.memory_space<vmem>>, vector<1x1x16xf32>,
      %parallel_loop3A_578 = vector.shape_cast %parallel_loop3A_577 : vector<1x1x16xf32> to vector<16xf32>
      %parallel_loop3A_579 = vector.shape_cast %parallel_loop3A_572 : vector<16xf32> to vector<1x1x16xf32>
      tpu.vector_store %arg11[%parallel_loop3A_574, %parallel_loop3A_575, %parallel_loop3A_576], %parallel_loop3A_579 {strides = array<i32>} : memref<2x100x128xf32, #tpu.memory_space<vmem>>, vector<1x1x16xf32>,
      %parallel_loop3A_580 = arith.index_cast %parallel_loop3A_547 : i32 to index
      %parallel_loop3A_581 = arith.constant 16 : index
      %parallel_loop3A_582 = tpu.vector_load %arg12[%parallel_loop3A_580, %parallel_loop3A_581] {strides = array<i32>} : memref<200x64xf32, #tpu.memory_space<vmem>>, vector<1x16xf32>,
      %parallel_loop3A_583 = vector.shape_cast %parallel_loop3A_582 : vector<1x16xf32> to vector<16xf32>
      %parallel_loop3A_584 = arith.constant 0 : i32
      %parallel_loop3A_585 = arith.index_cast %parallel_loop3A_584 : i32 to index
      %parallel_loop3A_586 = arith.index_cast %parallel_loop3A_547 : i32 to index
      %parallel_loop3A_587 = arith.constant 16 : index
      %parallel_loop3A_588 = tpu.vector_load %arg9[%parallel_loop3A_585, %parallel_loop3A_586, %parallel_loop3A_587] {strides = array<i32>} : memref<2x200x64xf32, #tpu.memory_space<vmem>>, vector<1x1x16xf32>,
      %parallel_loop3A_589 = vector.shape_cast %parallel_loop3A_588 : vector<1x1x16xf32> to vector<16xf32>
      %parallel_loop3A_590 = arith.addf %parallel_loop3A_589, %parallel_loop3A_583 : vector<16xf32>
      %parallel_loop3A_591 = arith.constant 0 : i32
      %parallel_loop3A_592 = arith.index_cast %parallel_loop3A_591 : i32 to index
      %parallel_loop3A_593 = arith.index_cast %parallel_loop3A_543 : i32 to index
      %parallel_loop3A_594 = arith.constant 16 : index
      %parallel_loop3A_595 = tpu.vector_load %arg11[%parallel_loop3A_592, %parallel_loop3A_593, %parallel_loop3A_594] {strides = array<i32>} : memref<2x100x128xf32, #tpu.memory_space<vmem>>, vector<1x1x16xf32>,
      %parallel_loop3A_596 = vector.shape_cast %parallel_loop3A_595 : vector<1x1x16xf32> to vector<16xf32>
      %parallel_loop3A_597 = vector.shape_cast %parallel_loop3A_590 : vector<16xf32> to vector<1x1x16xf32>
      tpu.vector_store %arg11[%parallel_loop3A_592, %parallel_loop3A_593, %parallel_loop3A_594], %parallel_loop3A_597 {strides = array<i32>} : memref<2x100x128xf32, #tpu.memory_space<vmem>>, vector<1x1x16xf32>,
      %parallel_loop3A_598 = arith.constant 1 : i32
      %parallel_loop3A_599 = arith.index_cast %parallel_loop3A_598 : i32 to index
      %parallel_loop3A_600 = arith.index_cast %parallel_loop3A_547 : i32 to index
      %parallel_loop3A_601 = arith.constant 16 : index
      %parallel_loop3A_602 = tpu.vector_load %arg9[%parallel_loop3A_599, %parallel_loop3A_600, %parallel_loop3A_601] {strides = array<i32>} : memref<2x200x64xf32, #tpu.memory_space<vmem>>, vector<1x1x16xf32>,
      %parallel_loop3A_603 = vector.shape_cast %parallel_loop3A_602 : vector<1x1x16xf32> to vector<16xf32>
      %parallel_loop3A_604 = arith.addf %parallel_loop3A_603, %parallel_loop3A_583 : vector<16xf32>
      %parallel_loop3A_605 = arith.constant 1 : i32
      %parallel_loop3A_606 = arith.index_cast %parallel_loop3A_605 : i32 to index
      %parallel_loop3A_607 = arith.index_cast %parallel_loop3A_543 : i32 to index
      %parallel_loop3A_608 = arith.constant 16 : index
      %parallel_loop3A_609 = tpu.vector_load %arg11[%parallel_loop3A_606, %parallel_loop3A_607, %parallel_loop3A_608] {strides = array<i32>} : memref<2x100x128xf32, #tpu.memory_space<vmem>>, vector<1x1x16xf32>,
      %parallel_loop3A_610 = vector.shape_cast %parallel_loop3A_609 : vector<1x1x16xf32> to vector<16xf32>
      %parallel_loop3A_611 = vector.shape_cast %parallel_loop3A_604 : vector<16xf32> to vector<1x1x16xf32>
      tpu.vector_store %arg11[%parallel_loop3A_606, %parallel_loop3A_607, %parallel_loop3A_608], %parallel_loop3A_611 {strides = array<i32>} : memref<2x100x128xf32, #tpu.memory_space<vmem>>, vector<1x1x16xf32>,
      %parallel_loop3A_612 = arith.index_cast %parallel_loop3A_547 : i32 to index
      %parallel_loop3A_613 = arith.constant 32 : index
      %parallel_loop3A_614 = tpu.vector_load %arg12[%parallel_loop3A_612, %parallel_loop3A_613] {strides = array<i32>} : memref<200x64xf32, #tpu.memory_space<vmem>>, vector<1x16xf32>,
      %parallel_loop3A_615 = vector.shape_cast %parallel_loop3A_614 : vector<1x16xf32> to vector<16xf32>
      %parallel_loop3A_616 = arith.constant 0 : i32
      %parallel_loop3A_617 = arith.index_cast %parallel_loop3A_616 : i32 to index
      %parallel_loop3A_618 = arith.index_cast %parallel_loop3A_547 : i32 to index
      %parallel_loop3A_619 = arith.constant 32 : index
      %parallel_loop3A_620 = tpu.vector_load %arg9[%parallel_loop3A_617, %parallel_loop3A_618, %parallel_loop3A_619] {strides = array<i32>} : memref<2x200x64xf32, #tpu.memory_space<vmem>>, vector<1x1x16xf32>,
      %parallel_loop3A_621 = vector.shape_cast %parallel_loop3A_620 : vector<1x1x16xf32> to vector<16xf32>
      %parallel_loop3A_622 = arith.addf %parallel_loop3A_621, %parallel_loop3A_615 : vector<16xf32>
      %parallel_loop3A_623 = arith.constant 0 : i32
      %parallel_loop3A_624 = arith.index_cast %parallel_loop3A_623 : i32 to index
      %parallel_loop3A_625 = arith.index_cast %parallel_loop3A_543 : i32 to index
      %parallel_loop3A_626 = arith.constant 32 : index
      %parallel_loop3A_627 = tpu.vector_load %arg11[%parallel_loop3A_624, %parallel_loop3A_625, %parallel_loop3A_626] {strides = array<i32>} : memref<2x100x128xf32, #tpu.memory_space<vmem>>, vector<1x1x16xf32>,
      %parallel_loop3A_628 = vector.shape_cast %parallel_loop3A_627 : vector<1x1x16xf32> to vector<16xf32>
      %parallel_loop3A_629 = vector.shape_cast %parallel_loop3A_622 : vector<16xf32> to vector<1x1x16xf32>
      tpu.vector_store %arg11[%parallel_loop3A_624, %parallel_loop3A_625, %parallel_loop3A_626], %parallel_loop3A_629 {strides = array<i32>} : memref<2x100x128xf32, #tpu.memory_space<vmem>>, vector<1x1x16xf32>,
      %parallel_loop3A_630 = arith.constant 1 : i32
      %parallel_loop3A_631 = arith.index_cast %parallel_loop3A_630 : i32 to index
      %parallel_loop3A_632 = arith.index_cast %parallel_loop3A_547 : i32 to index
      %parallel_loop3A_633 = arith.constant 32 : index
      %parallel_loop3A_634 = tpu.vector_load %arg9[%parallel_loop3A_631, %parallel_loop3A_632, %parallel_loop3A_633] {strides = array<i32>} : memref<2x200x64xf32, #tpu.memory_space<vmem>>, vector<1x1x16xf32>,
      %parallel_loop3A_635 = vector.shape_cast %parallel_loop3A_634 : vector<1x1x16xf32> to vector<16xf32>
      %parallel_loop3A_636 = arith.addf %parallel_loop3A_635, %parallel_loop3A_615 : vector<16xf32>
      %parallel_loop3A_637 = arith.constant 1 : i32
      %parallel_loop3A_638 = arith.index_cast %parallel_loop3A_637 : i32 to index
      %parallel_loop3A_639 = arith.index_cast %parallel_loop3A_543 : i32 to index
      %parallel_loop3A_640 = arith.constant 32 : index
      %parallel_loop3A_641 = tpu.vector_load %arg11[%parallel_loop3A_638, %parallel_loop3A_639, %parallel_loop3A_640] {strides = array<i32>} : memref<2x100x128xf32, #tpu.memory_space<vmem>>, vector<1x1x16xf32>,
      %parallel_loop3A_642 = vector.shape_cast %parallel_loop3A_641 : vector<1x1x16xf32> to vector<16xf32>
      %parallel_loop3A_643 = vector.shape_cast %parallel_loop3A_636 : vector<16xf32> to vector<1x1x16xf32>
      tpu.vector_store %arg11[%parallel_loop3A_638, %parallel_loop3A_639, %parallel_loop3A_640], %parallel_loop3A_643 {strides = array<i32>} : memref<2x100x128xf32, #tpu.memory_space<vmem>>, vector<1x1x16xf32>,
      %parallel_loop3A_644 = arith.index_cast %parallel_loop3A_547 : i32 to index
      %parallel_loop3A_645 = arith.constant 48 : index
      %parallel_loop3A_646 = tpu.vector_load %arg12[%parallel_loop3A_644, %parallel_loop3A_645] {strides = array<i32>} : memref<200x64xf32, #tpu.memory_space<vmem>>, vector<1x16xf32>,
      %parallel_loop3A_647 = vector.shape_cast %parallel_loop3A_646 : vector<1x16xf32> to vector<16xf32>
      %parallel_loop3A_648 = arith.constant 0 : i32
      %parallel_loop3A_649 = arith.index_cast %parallel_loop3A_648 : i32 to index
      %parallel_loop3A_650 = arith.index_cast %parallel_loop3A_547 : i32 to index
      %parallel_loop3A_651 = arith.constant 48 : index
      %parallel_loop3A_652 = tpu.vector_load %arg9[%parallel_loop3A_649, %parallel_loop3A_650, %parallel_loop3A_651] {strides = array<i32>} : memref<2x200x64xf32, #tpu.memory_space<vmem>>, vector<1x1x16xf32>,
      %parallel_loop3A_653 = vector.shape_cast %parallel_loop3A_652 : vector<1x1x16xf32> to vector<16xf32>
      %parallel_loop3A_654 = arith.addf %parallel_loop3A_653, %parallel_loop3A_647 : vector<16xf32>
      %parallel_loop3A_655 = arith.constant 0 : i32
      %parallel_loop3A_656 = arith.index_cast %parallel_loop3A_655 : i32 to index
      %parallel_loop3A_657 = arith.index_cast %parallel_loop3A_543 : i32 to index
      %parallel_loop3A_658 = arith.constant 48 : index
      %parallel_loop3A_659 = tpu.vector_load %arg11[%parallel_loop3A_656, %parallel_loop3A_657, %parallel_loop3A_658] {strides = array<i32>} : memref<2x100x128xf32, #tpu.memory_space<vmem>>, vector<1x1x16xf32>,
      %parallel_loop3A_660 = vector.shape_cast %parallel_loop3A_659 : vector<1x1x16xf32> to vector<16xf32>
      %parallel_loop3A_661 = vector.shape_cast %parallel_loop3A_654 : vector<16xf32> to vector<1x1x16xf32>
      tpu.vector_store %arg11[%parallel_loop3A_656, %parallel_loop3A_657, %parallel_loop3A_658], %parallel_loop3A_661 {strides = array<i32>} : memref<2x100x128xf32, #tpu.memory_space<vmem>>, vector<1x1x16xf32>,
      %parallel_loop3A_662 = arith.constant 1 : i32
      %parallel_loop3A_663 = arith.index_cast %parallel_loop3A_662 : i32 to index
      %parallel_loop3A_664 = arith.index_cast %parallel_loop3A_547 : i32 to index
      %parallel_loop3A_665 = arith.constant 48 : index
      %parallel_loop3A_666 = tpu.vector_load %arg9[%parallel_loop3A_663, %parallel_loop3A_664, %parallel_loop3A_665] {strides = array<i32>} : memref<2x200x64xf32, #tpu.memory_space<vmem>>, vector<1x1x16xf32>,
      %parallel_loop3A_667 = vector.shape_cast %parallel_loop3A_666 : vector<1x1x16xf32> to vector<16xf32>
      %parallel_loop3A_668 = arith.addf %parallel_loop3A_667, %parallel_loop3A_647 : vector<16xf32>
      %parallel_loop3A_669 = arith.constant 1 : i32
      %parallel_loop3A_670 = arith.index_cast %parallel_loop3A_669 : i32 to index
      %parallel_loop3A_671 = arith.index_cast %parallel_loop3A_543 : i32 to index
      %parallel_loop3A_672 = arith.constant 48 : index
      %parallel_loop3A_673 = tpu.vector_load %arg11[%parallel_loop3A_670, %parallel_loop3A_671, %parallel_loop3A_672] {strides = array<i32>} : memref<2x100x128xf32, #tpu.memory_space<vmem>>, vector<1x1x16xf32>,
      %parallel_loop3A_674 = vector.shape_cast %parallel_loop3A_673 : vector<1x1x16xf32> to vector<16xf32>
      %parallel_loop3A_675 = vector.shape_cast %parallel_loop3A_668 : vector<16xf32> to vector<1x1x16xf32>
      tpu.vector_store %arg11[%parallel_loop3A_670, %parallel_loop3A_671, %parallel_loop3A_672], %parallel_loop3A_675 {strides = array<i32>} : memref<2x100x128xf32, #tpu.memory_space<vmem>>, vector<1x1x16xf32>,
      %parallel_loop3A_676 = arith.constant 2 : i32
      %parallel_loop3A_677 = arith.muli %parallel_loop3A_676, %parallel_loop3A_543 : i32
      %parallel_loop3A_678 = arith.constant 1 : i32
      %parallel_loop3A_679 = arith.addi %parallel_loop3A_677, %parallel_loop3A_678 : i32
      %parallel_loop3A_680 = arith.index_cast %parallel_loop3A_679 : i32 to index
      %parallel_loop3A_681 = arith.constant 0 : index
      %parallel_loop3A_682 = tpu.vector_load %arg12[%parallel_loop3A_680, %parallel_loop3A_681] {strides = array<i32>} : memref<200x64xf32, #tpu.memory_space<vmem>>, vector<1x16xf32>,
      %parallel_loop3A_683 = vector.shape_cast %parallel_loop3A_682 : vector<1x16xf32> to vector<16xf32>
      %parallel_loop3A_684 = arith.constant 0 : i32
      %parallel_loop3A_685 = arith.index_cast %parallel_loop3A_684 : i32 to index
      %parallel_loop3A_686 = arith.index_cast %parallel_loop3A_679 : i32 to index
      %parallel_loop3A_687 = arith.constant 0 : index
      %parallel_loop3A_688 = tpu.vector_load %arg9[%parallel_loop3A_685, %parallel_loop3A_686, %parallel_loop3A_687] {strides = array<i32>} : memref<2x200x64xf32, #tpu.memory_space<vmem>>, vector<1x1x16xf32>,
      %parallel_loop3A_689 = vector.shape_cast %parallel_loop3A_688 : vector<1x1x16xf32> to vector<16xf32>
      %parallel_loop3A_690 = arith.addf %parallel_loop3A_689, %parallel_loop3A_683 : vector<16xf32>
      %parallel_loop3A_691 = arith.constant 0 : i32
      %parallel_loop3A_692 = arith.index_cast %parallel_loop3A_691 : i32 to index
      %parallel_loop3A_693 = arith.index_cast %parallel_loop3A_543 : i32 to index
      %parallel_loop3A_694 = arith.constant 64 : index
      %parallel_loop3A_695 = tpu.vector_load %arg11[%parallel_loop3A_692, %parallel_loop3A_693, %parallel_loop3A_694] {strides = array<i32>} : memref<2x100x128xf32, #tpu.memory_space<vmem>>, vector<1x1x16xf32>,
      %parallel_loop3A_696 = vector.shape_cast %parallel_loop3A_695 : vector<1x1x16xf32> to vector<16xf32>
      %parallel_loop3A_697 = vector.shape_cast %parallel_loop3A_690 : vector<16xf32> to vector<1x1x16xf32>
      tpu.vector_store %arg11[%parallel_loop3A_692, %parallel_loop3A_693, %parallel_loop3A_694], %parallel_loop3A_697 {strides = array<i32>} : memref<2x100x128xf32, #tpu.memory_space<vmem>>, vector<1x1x16xf32>,
      %parallel_loop3A_698 = arith.constant 1 : i32
      %parallel_loop3A_699 = arith.index_cast %parallel_loop3A_698 : i32 to index
      %parallel_loop3A_700 = arith.index_cast %parallel_loop3A_679 : i32 to index
      %parallel_loop3A_701 = arith.constant 0 : index
      %parallel_loop3A_702 = tpu.vector_load %arg9[%parallel_loop3A_699, %parallel_loop3A_700, %parallel_loop3A_701] {strides = array<i32>} : memref<2x200x64xf32, #tpu.memory_space<vmem>>, vector<1x1x16xf32>,
      %parallel_loop3A_703 = vector.shape_cast %parallel_loop3A_702 : vector<1x1x16xf32> to vector<16xf32>
      %parallel_loop3A_704 = arith.addf %parallel_loop3A_703, %parallel_loop3A_683 : vector<16xf32>
      %parallel_loop3A_705 = arith.constant 1 : i32
      %parallel_loop3A_706 = arith.index_cast %parallel_loop3A_705 : i32 to index
      %parallel_loop3A_707 = arith.index_cast %parallel_loop3A_543 : i32 to index
      %parallel_loop3A_708 = arith.constant 64 : index
      %parallel_loop3A_709 = tpu.vector_load %arg11[%parallel_loop3A_706, %parallel_loop3A_707, %parallel_loop3A_708] {strides = array<i32>} : memref<2x100x128xf32, #tpu.memory_space<vmem>>, vector<1x1x16xf32>,
      %parallel_loop3A_710 = vector.shape_cast %parallel_loop3A_709 : vector<1x1x16xf32> to vector<16xf32>
      %parallel_loop3A_711 = vector.shape_cast %parallel_loop3A_704 : vector<16xf32> to vector<1x1x16xf32>
      tpu.vector_store %arg11[%parallel_loop3A_706, %parallel_loop3A_707, %parallel_loop3A_708], %parallel_loop3A_711 {strides = array<i32>} : memref<2x100x128xf32, #tpu.memory_space<vmem>>, vector<1x1x16xf32>,
      %parallel_loop3A_712 = arith.index_cast %parallel_loop3A_679 : i32 to index
      %parallel_loop3A_713 = arith.constant 16 : index
      %parallel_loop3A_714 = tpu.vector_load %arg12[%parallel_loop3A_712, %parallel_loop3A_713] {strides = array<i32>} : memref<200x64xf32, #tpu.memory_space<vmem>>, vector<1x16xf32>,
      %parallel_loop3A_715 = vector.shape_cast %parallel_loop3A_714 : vector<1x16xf32> to vector<16xf32>
      %parallel_loop3A_716 = arith.constant 0 : i32
      %parallel_loop3A_717 = arith.index_cast %parallel_loop3A_716 : i32 to index
      %parallel_loop3A_718 = arith.index_cast %parallel_loop3A_679 : i32 to index
      %parallel_loop3A_719 = arith.constant 16 : index
      %parallel_loop3A_720 = tpu.vector_load %arg9[%parallel_loop3A_717, %parallel_loop3A_718, %parallel_loop3A_719] {strides = array<i32>} : memref<2x200x64xf32, #tpu.memory_space<vmem>>, vector<1x1x16xf32>,
      %parallel_loop3A_721 = vector.shape_cast %parallel_loop3A_720 : vector<1x1x16xf32> to vector<16xf32>
      %parallel_loop3A_722 = arith.addf %parallel_loop3A_721, %parallel_loop3A_715 : vector<16xf32>
      %parallel_loop3A_723 = arith.constant 0 : i32
      %parallel_loop3A_724 = arith.index_cast %parallel_loop3A_723 : i32 to index
      %parallel_loop3A_725 = arith.index_cast %parallel_loop3A_543 : i32 to index
      %parallel_loop3A_726 = arith.constant 80 : index
      %parallel_loop3A_727 = tpu.vector_load %arg11[%parallel_loop3A_724, %parallel_loop3A_725, %parallel_loop3A_726] {strides = array<i32>} : memref<2x100x128xf32, #tpu.memory_space<vmem>>, vector<1x1x16xf32>,
      %parallel_loop3A_728 = vector.shape_cast %parallel_loop3A_727 : vector<1x1x16xf32> to vector<16xf32>
      %parallel_loop3A_729 = vector.shape_cast %parallel_loop3A_722 : vector<16xf32> to vector<1x1x16xf32>
      tpu.vector_store %arg11[%parallel_loop3A_724, %parallel_loop3A_725, %parallel_loop3A_726], %parallel_loop3A_729 {strides = array<i32>} : memref<2x100x128xf32, #tpu.memory_space<vmem>>, vector<1x1x16xf32>,
      %parallel_loop3A_730 = arith.constant 1 : i32
      %parallel_loop3A_731 = arith.index_cast %parallel_loop3A_730 : i32 to index
      %parallel_loop3A_732 = arith.index_cast %parallel_loop3A_679 : i32 to index
      %parallel_loop3A_733 = arith.constant 16 : index
      %parallel_loop3A_734 = tpu.vector_load %arg9[%parallel_loop3A_731, %parallel_loop3A_732, %parallel_loop3A_733] {strides = array<i32>} : memref<2x200x64xf32, #tpu.memory_space<vmem>>, vector<1x1x16xf32>,
      %parallel_loop3A_735 = vector.shape_cast %parallel_loop3A_734 : vector<1x1x16xf32> to vector<16xf32>
      %parallel_loop3A_736 = arith.addf %parallel_loop3A_735, %parallel_loop3A_715 : vector<16xf32>
      %parallel_loop3A_737 = arith.constant 1 : i32
      %parallel_loop3A_738 = arith.index_cast %parallel_loop3A_737 : i32 to index
      %parallel_loop3A_739 = arith.index_cast %parallel_loop3A_543 : i32 to index
      %parallel_loop3A_740 = arith.constant 80 : index
      %parallel_loop3A_741 = tpu.vector_load %arg11[%parallel_loop3A_738, %parallel_loop3A_739, %parallel_loop3A_740] {strides = array<i32>} : memref<2x100x128xf32, #tpu.memory_space<vmem>>, vector<1x1x16xf32>,
      %parallel_loop3A_742 = vector.shape_cast %parallel_loop3A_741 : vector<1x1x16xf32> to vector<16xf32>
      %parallel_loop3A_743 = vector.shape_cast %parallel_loop3A_736 : vector<16xf32> to vector<1x1x16xf32>
      tpu.vector_store %arg11[%parallel_loop3A_738, %parallel_loop3A_739, %parallel_loop3A_740], %parallel_loop3A_743 {strides = array<i32>} : memref<2x100x128xf32, #tpu.memory_space<vmem>>, vector<1x1x16xf32>,
      %parallel_loop3A_744 = arith.index_cast %parallel_loop3A_679 : i32 to index
      %parallel_loop3A_745 = arith.constant 32 : index
      %parallel_loop3A_746 = tpu.vector_load %arg12[%parallel_loop3A_744, %parallel_loop3A_745] {strides = array<i32>} : memref<200x64xf32, #tpu.memory_space<vmem>>, vector<1x16xf32>,
      %parallel_loop3A_747 = vector.shape_cast %parallel_loop3A_746 : vector<1x16xf32> to vector<16xf32>
      %parallel_loop3A_748 = arith.constant 0 : i32
      %parallel_loop3A_749 = arith.index_cast %parallel_loop3A_748 : i32 to index
      %parallel_loop3A_750 = arith.index_cast %parallel_loop3A_679 : i32 to index
      %parallel_loop3A_751 = arith.constant 32 : index
      %parallel_loop3A_752 = tpu.vector_load %arg9[%parallel_loop3A_749, %parallel_loop3A_750, %parallel_loop3A_751] {strides = array<i32>} : memref<2x200x64xf32, #tpu.memory_space<vmem>>, vector<1x1x16xf32>,
      %parallel_loop3A_753 = vector.shape_cast %parallel_loop3A_752 : vector<1x1x16xf32> to vector<16xf32>
      %parallel_loop3A_754 = arith.addf %parallel_loop3A_753, %parallel_loop3A_747 : vector<16xf32>
      %parallel_loop3A_755 = arith.constant 0 : i32
      %parallel_loop3A_756 = arith.index_cast %parallel_loop3A_755 : i32 to index
      %parallel_loop3A_757 = arith.index_cast %parallel_loop3A_543 : i32 to index
      %parallel_loop3A_758 = arith.constant 96 : index
      %parallel_loop3A_759 = tpu.vector_load %arg11[%parallel_loop3A_756, %parallel_loop3A_757, %parallel_loop3A_758] {strides = array<i32>} : memref<2x100x128xf32, #tpu.memory_space<vmem>>, vector<1x1x16xf32>,
      %parallel_loop3A_760 = vector.shape_cast %parallel_loop3A_759 : vector<1x1x16xf32> to vector<16xf32>
      %parallel_loop3A_761 = vector.shape_cast %parallel_loop3A_754 : vector<16xf32> to vector<1x1x16xf32>
      tpu.vector_store %arg11[%parallel_loop3A_756, %parallel_loop3A_757, %parallel_loop3A_758], %parallel_loop3A_761 {strides = array<i32>} : memref<2x100x128xf32, #tpu.memory_space<vmem>>, vector<1x1x16xf32>,
      %parallel_loop3A_762 = arith.constant 1 : i32
      %parallel_loop3A_763 = arith.index_cast %parallel_loop3A_762 : i32 to index
      %parallel_loop3A_764 = arith.index_cast %parallel_loop3A_679 : i32 to index
      %parallel_loop3A_765 = arith.constant 32 : index
      %parallel_loop3A_766 = tpu.vector_load %arg9[%parallel_loop3A_763, %parallel_loop3A_764, %parallel_loop3A_765] {strides = array<i32>} : memref<2x200x64xf32, #tpu.memory_space<vmem>>, vector<1x1x16xf32>,
      %parallel_loop3A_767 = vector.shape_cast %parallel_loop3A_766 : vector<1x1x16xf32> to vector<16xf32>
      %parallel_loop3A_768 = arith.addf %parallel_loop3A_767, %parallel_loop3A_747 : vector<16xf32>
      %parallel_loop3A_769 = arith.constant 1 : i32
      %parallel_loop3A_770 = arith.index_cast %parallel_loop3A_769 : i32 to index
      %parallel_loop3A_771 = arith.index_cast %parallel_loop3A_543 : i32 to index
      %parallel_loop3A_772 = arith.constant 96 : index
      %parallel_loop3A_773 = tpu.vector_load %arg11[%parallel_loop3A_770, %parallel_loop3A_771, %parallel_loop3A_772] {strides = array<i32>} : memref<2x100x128xf32, #tpu.memory_space<vmem>>, vector<1x1x16xf32>,
      %parallel_loop3A_774 = vector.shape_cast %parallel_loop3A_773 : vector<1x1x16xf32> to vector<16xf32>
      %parallel_loop3A_775 = vector.shape_cast %parallel_loop3A_768 : vector<16xf32> to vector<1x1x16xf32>
      tpu.vector_store %arg11[%parallel_loop3A_770, %parallel_loop3A_771, %parallel_loop3A_772], %parallel_loop3A_775 {strides = array<i32>} : memref<2x100x128xf32, #tpu.memory_space<vmem>>, vector<1x1x16xf32>,
      %parallel_loop3A_776 = arith.index_cast %parallel_loop3A_679 : i32 to index
      %parallel_loop3A_777 = arith.constant 48 : index
      %parallel_loop3A_778 = tpu.vector_load %arg12[%parallel_loop3A_776, %parallel_loop3A_777] {strides = array<i32>} : memref<200x64xf32, #tpu.memory_space<vmem>>, vector<1x16xf32>,
      %parallel_loop3A_779 = vector.shape_cast %parallel_loop3A_778 : vector<1x16xf32> to vector<16xf32>
      %parallel_loop3A_780 = arith.constant 0 : i32
      %parallel_loop3A_781 = arith.index_cast %parallel_loop3A_780 : i32 to index
      %parallel_loop3A_782 = arith.index_cast %parallel_loop3A_679 : i32 to index
      %parallel_loop3A_783 = arith.constant 48 : index
      %parallel_loop3A_784 = tpu.vector_load %arg9[%parallel_loop3A_781, %parallel_loop3A_782, %parallel_loop3A_783] {strides = array<i32>} : memref<2x200x64xf32, #tpu.memory_space<vmem>>, vector<1x1x16xf32>,
      %parallel_loop3A_785 = vector.shape_cast %parallel_loop3A_784 : vector<1x1x16xf32> to vector<16xf32>
      %parallel_loop3A_786 = arith.addf %parallel_loop3A_785, %parallel_loop3A_779 : vector<16xf32>
      %parallel_loop3A_787 = arith.constant 0 : i32
      %parallel_loop3A_788 = arith.index_cast %parallel_loop3A_787 : i32 to index
      %parallel_loop3A_789 = arith.index_cast %parallel_loop3A_543 : i32 to index
      %parallel_loop3A_790 = arith.constant 112 : index
      %parallel_loop3A_791 = tpu.vector_load %arg11[%parallel_loop3A_788, %parallel_loop3A_789, %parallel_loop3A_790] {strides = array<i32>} : memref<2x100x128xf32, #tpu.memory_space<vmem>>, vector<1x1x16xf32>,
      %parallel_loop3A_792 = vector.shape_cast %parallel_loop3A_791 : vector<1x1x16xf32> to vector<16xf32>
      %parallel_loop3A_793 = vector.shape_cast %parallel_loop3A_786 : vector<16xf32> to vector<1x1x16xf32>
      tpu.vector_store %arg11[%parallel_loop3A_788, %parallel_loop3A_789, %parallel_loop3A_790], %parallel_loop3A_793 {strides = array<i32>} : memref<2x100x128xf32, #tpu.memory_space<vmem>>, vector<1x1x16xf32>,
      %parallel_loop3A_794 = arith.constant 1 : i32
      %parallel_loop3A_795 = arith.index_cast %parallel_loop3A_794 : i32 to index
      %parallel_loop3A_796 = arith.index_cast %parallel_loop3A_679 : i32 to index
      %parallel_loop3A_797 = arith.constant 48 : index
      %parallel_loop3A_798 = tpu.vector_load %arg9[%parallel_loop3A_795, %parallel_loop3A_796, %parallel_loop3A_797] {strides = array<i32>} : memref<2x200x64xf32, #tpu.memory_space<vmem>>, vector<1x1x16xf32>,
      %parallel_loop3A_799 = vector.shape_cast %parallel_loop3A_798 : vector<1x1x16xf32> to vector<16xf32>
      %parallel_loop3A_800 = arith.addf %parallel_loop3A_799, %parallel_loop3A_779 : vector<16xf32>
      %parallel_loop3A_801 = arith.constant 1 : i32
      %parallel_loop3A_802 = arith.index_cast %parallel_loop3A_801 : i32 to index
      %parallel_loop3A_803 = arith.index_cast %parallel_loop3A_543 : i32 to index
      %parallel_loop3A_804 = arith.constant 112 : index
      %parallel_loop3A_805 = tpu.vector_load %arg11[%parallel_loop3A_802, %parallel_loop3A_803, %parallel_loop3A_804] {strides = array<i32>} : memref<2x100x128xf32, #tpu.memory_space<vmem>>, vector<1x1x16xf32>,
      %parallel_loop3A_806 = vector.shape_cast %parallel_loop3A_805 : vector<1x1x16xf32> to vector<16xf32>
      %parallel_loop3A_807 = vector.shape_cast %parallel_loop3A_800 : vector<16xf32> to vector<1x1x16xf32>
      tpu.vector_store %arg11[%parallel_loop3A_802, %parallel_loop3A_803, %parallel_loop3A_804], %parallel_loop3A_807 {strides = array<i32>} : memref<2x100x128xf32, #tpu.memory_space<vmem>>, vector<1x1x16xf32>,
    } {sc.loop_unroll_factor = 2 : i64, sc.parallel_access}
    %mul3A_310 = arith.constant 128 : i32
    %mul3A_311 = arith.muli %add3A, %mul3A_310 : i32
    %add3A_312 = arith.constant 2 : i32
    %add3A_313 = arith.addi %mul3A_311, %add3A_312 : i32
    %dma_start3A_314 = arith.constant 0 : i32
    %dma_start3A_315 = arith.constant 0 : i32
    %dma_start3A_316 = tpu.memref_slice %arg5[%add3A_313, %dma_start3A_314, %dma_start3A_315] : memref<4096x104x128xf32, #tpu.memory_space<hbm>> -> memref<2x100x128xf32, #tpu.memory_space<hbm>>
    %dma_start3A_317 = arith.constant 0 : i32
    %dma_start3A_318 = arith.constant 0 : i32
    %dma_start3A_319 = tpu.memref_slice %arg5[%add3A_313, %dma_start3A_317, %dma_start3A_318] : memref<4096x104x128xf32, #tpu.memory_space<hbm>> -> memref<2x100x128xf32, #tpu.memory_space<hbm>>
    tpu.enqueue_dma source(%arg11 : memref<2x100x128xf32, #tpu.memory_space<vmem>>) target(%dma_start3A_319 : memref<2x100x128xf32, #tpu.memory_space<hbm>>) target_semaphore(%arg16 : memref<!tpu.dma_semaphore, #tpu.memory_space<semaphore_mem>>)
    %mul3A_320 = arith.constant 256 : i32
    %mul3A_321 = arith.muli %add3A, %mul3A_320 : i32
    %add3A_322 = arith.constant 12 : i32
    %add3A_323 = arith.addi %mul3A_321, %add3A_322 : i32
    %dma_wait3A_324 = arith.constant 0 : i32
    %dma_wait3A_325 = tpu.memref_slice %arg2[%add3A_323, %dma_wait3A_324] : memref<8192x100xi32, #tpu.memory_space<hbm>> -> memref<4x100xi32, #tpu.memory_space<hbm>>
    %dma_wait3A_326 = arith.constant 0 : i32
    %dma_wait3A_327 = tpu.memref_slice %arg2[%add3A_323, %dma_wait3A_326] : memref<8192x100xi32, #tpu.memory_space<hbm>> -> memref<4x100xi32, #tpu.memory_space<hbm>>
    tpu.wait_dma2 semaphore(%arg18 : memref<!tpu.dma_semaphore, #tpu.memory_space<semaphore_mem>>) src(%dma_wait3A_327 : memref<4x100xi32, #tpu.memory_space<hbm>>) dst(%arg7 : memref<4x100xi32, #tpu.memory_space<vmem>>)
    %dma_start3A_328 = arith.constant 0 : i32
    %dma_start3A_329 = arith.constant 0 : i32
    %dma_start3A_330 = arith.constant 0 : i32
    %dma_start3A_331 = arith.constant 0 : i32
    %dma_start3A_332 = tpu.memref_slice %arg9[%dma_start3A_329, %dma_start3A_330, %dma_start3A_331] : memref<2x200x64xf32, #tpu.memory_space<vmem>> -> memref<1x100x64xf32, #tpu.memory_space<vmem>>
    %dma_start3A_333 = tpu.memref_squeeze %dma_start3A_332 : memref<1x100x64xf32, #tpu.memory_space<vmem>> -> memref<100x64xf32, #tpu.memory_space<vmem>>
    %dma_start3A_334 = arith.constant 0 : i32
    %dma_start3A_335 = tpu.memref_slice %arg7[%dma_start3A_328, %dma_start3A_334] : memref<4x100xi32, #tpu.memory_space<vmem>> -> memref<1x100xi32, #tpu.memory_space<vmem>>
    %dma_start3A_336 = tpu.memref_squeeze %dma_start3A_335 : memref<1x100xi32, #tpu.memory_space<vmem>> -> memref<100xi32, #tpu.memory_space<vmem>>
    %dma_start3A_337 = arith.constant 0 : i32
    %dma_start3A_338 = arith.constant 0 : i32
    %dma_start3A_339 = tpu.memref_slice %arg3[%dma_start3A_337, %dma_start3A_338] : memref<100000x64xf32, #tpu.memory_space<hbm>> -> memref<100000x64xf32, #tpu.memory_space<hbm>>
    tpu.enqueue_indirect_dma source(%dma_start3A_339 : memref<100000x64xf32, #tpu.memory_space<hbm>>) target(%dma_start3A_333 : memref<100x64xf32, #tpu.memory_space<vmem>>) offsets(%dma_start3A_336 : memref<100xi32, #tpu.memory_space<vmem>>) semaphore(%arg14 : memref<!tpu.dma_semaphore, #tpu.memory_space<semaphore_mem>>)
    %dma_start3A_340 = arith.constant 1 : i32
    %dma_start3A_341 = arith.constant 0 : i32
    %dma_start3A_342 = arith.constant 100 : i32
    %dma_start3A_343 = arith.constant 0 : i32
    %dma_start3A_344 = tpu.memref_slice %arg9[%dma_start3A_341, %dma_start3A_342, %dma_start3A_343] : memref<2x200x64xf32, #tpu.memory_space<vmem>> -> memref<1x100x64xf32, #tpu.memory_space<vmem>>
    %dma_start3A_345 = tpu.memref_squeeze %dma_start3A_344 : memref<1x100x64xf32, #tpu.memory_space<vmem>> -> memref<100x64xf32, #tpu.memory_space<vmem>>
    %dma_start3A_346 = arith.constant 0 : i32
    %dma_start3A_347 = tpu.memref_slice %arg7[%dma_start3A_340, %dma_start3A_346] : memref<4x100xi32, #tpu.memory_space<vmem>> -> memref<1x100xi32, #tpu.memory_space<vmem>>
    %dma_start3A_348 = tpu.memref_squeeze %dma_start3A_347 : memref<1x100xi32, #tpu.memory_space<vmem>> -> memref<100xi32, #tpu.memory_space<vmem>>
    %dma_start3A_349 = arith.constant 0 : i32
    %dma_start3A_350 = arith.constant 0 : i32
    %dma_start3A_351 = tpu.memref_slice %arg3[%dma_start3A_349, %dma_start3A_350] : memref<100000x64xf32, #tpu.memory_space<hbm>> -> memref<100000x64xf32, #tpu.memory_space<hbm>>
    tpu.enqueue_indirect_dma source(%dma_start3A_351 : memref<100000x64xf32, #tpu.memory_space<hbm>>) target(%dma_start3A_345 : memref<100x64xf32, #tpu.memory_space<vmem>>) offsets(%dma_start3A_348 : memref<100xi32, #tpu.memory_space<vmem>>) semaphore(%arg14 : memref<!tpu.dma_semaphore, #tpu.memory_space<semaphore_mem>>)
    %dma_start3A_352 = arith.constant 2 : i32
    %dma_start3A_353 = arith.constant 1 : i32
    %dma_start3A_354 = arith.constant 0 : i32
    %dma_start3A_355 = arith.constant 0 : i32
    %dma_start3A_356 = tpu.memref_slice %arg9[%dma_start3A_353, %dma_start3A_354, %dma_start3A_355] : memref<2x200x64xf32, #tpu.memory_space<vmem>> -> memref<1x100x64xf32, #tpu.memory_space<vmem>>
    %dma_start3A_357 = tpu.memref_squeeze %dma_start3A_356 : memref<1x100x64xf32, #tpu.memory_space<vmem>> -> memref<100x64xf32, #tpu.memory_space<vmem>>
    %dma_start3A_358 = arith.constant 0 : i32
    %dma_start3A_359 = tpu.memref_slice %arg7[%dma_start3A_352, %dma_start3A_358] : memref<4x100xi32, #tpu.memory_space<vmem>> -> memref<1x100xi32, #tpu.memory_space<vmem>>
    %dma_start3A_360 = tpu.memref_squeeze %dma_start3A_359 : memref<1x100xi32, #tpu.memory_space<vmem>> -> memref<100xi32, #tpu.memory_space<vmem>>
    %dma_start3A_361 = arith.constant 0 : i32
    %dma_start3A_362 = arith.constant 0 : i32
    %dma_start3A_363 = tpu.memref_slice %arg3[%dma_start3A_361, %dma_start3A_362] : memref<100000x64xf32, #tpu.memory_space<hbm>> -> memref<100000x64xf32, #tpu.memory_space<hbm>>
    tpu.enqueue_indirect_dma source(%dma_start3A_363 : memref<100000x64xf32, #tpu.memory_space<hbm>>) target(%dma_start3A_357 : memref<100x64xf32, #tpu.memory_space<vmem>>) offsets(%dma_start3A_360 : memref<100xi32, #tpu.memory_space<vmem>>) semaphore(%arg14 : memref<!tpu.dma_semaphore, #tpu.memory_space<semaphore_mem>>)
    %dma_start3A_364 = arith.constant 3 : i32
    %dma_start3A_365 = arith.constant 1 : i32
    %dma_start3A_366 = arith.constant 100 : i32
    %dma_start3A_367 = arith.constant 0 : i32
    %dma_start3A_368 = tpu.memref_slice %arg9[%dma_start3A_365, %dma_start3A_366, %dma_start3A_367] : memref<2x200x64xf32, #tpu.memory_space<vmem>> -> memref<1x100x64xf32, #tpu.memory_space<vmem>>
    %dma_start3A_369 = tpu.memref_squeeze %dma_start3A_368 : memref<1x100x64xf32, #tpu.memory_space<vmem>> -> memref<100x64xf32, #tpu.memory_space<vmem>>
    %dma_start3A_370 = arith.constant 0 : i32
    %dma_start3A_371 = tpu.memref_slice %arg7[%dma_start3A_364, %dma_start3A_370] : memref<4x100xi32, #tpu.memory_space<vmem>> -> memref<1x100xi32, #tpu.memory_space<vmem>>
    %dma_start3A_372 = tpu.memref_squeeze %dma_start3A_371 : memref<1x100xi32, #tpu.memory_space<vmem>> -> memref<100xi32, #tpu.memory_space<vmem>>
    %dma_start3A_373 = arith.constant 0 : i32
    %dma_start3A_374 = arith.constant 0 : i32
    %dma_start3A_375 = tpu.memref_slice %arg3[%dma_start3A_373, %dma_start3A_374] : memref<100000x64xf32, #tpu.memory_space<hbm>> -> memref<100000x64xf32, #tpu.memory_space<hbm>>
    tpu.enqueue_indirect_dma source(%dma_start3A_375 : memref<100000x64xf32, #tpu.memory_space<hbm>>) target(%dma_start3A_369 : memref<100x64xf32, #tpu.memory_space<vmem>>) offsets(%dma_start3A_372 : memref<100xi32, #tpu.memory_space<vmem>>) semaphore(%arg14 : memref<!tpu.dma_semaphore, #tpu.memory_space<semaphore_mem>>)
    %scan3A = arith.constant 0 : i32
    %scan3A_376 = arith.constant 1 : i32
    %scan3A_377 = arith.constant 30 : i32
    %scan3A_378 = arith.addi %scan3A_376, %scan3A_377 : i32
    %scan3A_379 = arith.constant 1 : i32
    scf.for %scan3A_543 = %scan3A_376 to %scan3A_378 step %scan3A_379  : i32 {
      %mul3A_544 = arith.constant 2 : i32
      %mul3A_545 = arith.muli %mul3A_544, %scan3A_543 : i32
      %dma_wait3A_546 = arith.constant 0 : i32
      %dma_wait3A_547 = arith.constant 0 : i32
      %dma_wait3A_548 = arith.constant 0 : i32
      %dma_wait3A_549 = arith.constant 0 : i32
      %dma_wait3A_550 = tpu.memref_slice %arg8[%dma_wait3A_547, %dma_wait3A_548, %dma_wait3A_549] : memref<2x200x64xf32, #tpu.memory_space<vmem>> -> memref<1x100x64xf32, #tpu.memory_space<vmem>>
      %dma_wait3A_551 = tpu.memref_squeeze %dma_wait3A_550 : memref<1x100x64xf32, #tpu.memory_space<vmem>> -> memref<100x64xf32, #tpu.memory_space<vmem>>
      %dma_wait3A_552 = arith.constant 0 : i32
      %dma_wait3A_553 = tpu.memref_slice %arg6[%dma_wait3A_546, %dma_wait3A_552] : memref<4x100xi32, #tpu.memory_space<vmem>> -> memref<1x100xi32, #tpu.memory_space<vmem>>
      %dma_wait3A_554 = tpu.memref_squeeze %dma_wait3A_553 : memref<1x100xi32, #tpu.memory_space<vmem>> -> memref<100xi32, #tpu.memory_space<vmem>>
      %dma_wait3A_555 = arith.constant 0 : i32
      %dma_wait3A_556 = arith.constant 0 : i32
      %dma_wait3A_557 = tpu.memref_slice %arg3[%dma_wait3A_555, %dma_wait3A_556] : memref<100000x64xf32, #tpu.memory_space<hbm>> -> memref<100000x64xf32, #tpu.memory_space<hbm>>
      tpu.wait_indirect_dma semaphore(%arg13 : memref<!tpu.dma_semaphore, #tpu.memory_space<semaphore_mem>>) src(%dma_wait3A_557 : memref<100000x64xf32, #tpu.memory_space<hbm>>) dst(%dma_wait3A_551 : memref<100x64xf32, #tpu.memory_space<vmem>>)
      %dma_wait3A_558 = arith.constant 1 : i32
      %dma_wait3A_559 = arith.constant 0 : i32
      %dma_wait3A_560 = arith.constant 100 : i32
      %dma_wait3A_561 = arith.constant 0 : i32
      %dma_wait3A_562 = tpu.memref_slice %arg8[%dma_wait3A_559, %dma_wait3A_560, %dma_wait3A_561] : memref<2x200x64xf32, #tpu.memory_space<vmem>> -> memref<1x100x64xf32, #tpu.memory_space<vmem>>
      %dma_wait3A_563 = tpu.memref_squeeze %dma_wait3A_562 : memref<1x100x64xf32, #tpu.memory_space<vmem>> -> memref<100x64xf32, #tpu.memory_space<vmem>>
      %dma_wait3A_564 = arith.constant 0 : i32
      %dma_wait3A_565 = tpu.memref_slice %arg6[%dma_wait3A_558, %dma_wait3A_564] : memref<4x100xi32, #tpu.memory_space<vmem>> -> memref<1x100xi32, #tpu.memory_space<vmem>>
      %dma_wait3A_566 = tpu.memref_squeeze %dma_wait3A_565 : memref<1x100xi32, #tpu.memory_space<vmem>> -> memref<100xi32, #tpu.memory_space<vmem>>
      %dma_wait3A_567 = arith.constant 0 : i32
      %dma_wait3A_568 = arith.constant 0 : i32
      %dma_wait3A_569 = tpu.memref_slice %arg3[%dma_wait3A_567, %dma_wait3A_568] : memref<100000x64xf32, #tpu.memory_space<hbm>> -> memref<100000x64xf32, #tpu.memory_space<hbm>>
      tpu.wait_indirect_dma semaphore(%arg13 : memref<!tpu.dma_semaphore, #tpu.memory_space<semaphore_mem>>) src(%dma_wait3A_569 : memref<100000x64xf32, #tpu.memory_space<hbm>>) dst(%dma_wait3A_563 : memref<100x64xf32, #tpu.memory_space<vmem>>)
      %dma_wait3A_570 = arith.constant 2 : i32
      %dma_wait3A_571 = arith.constant 1 : i32
      %dma_wait3A_572 = arith.constant 0 : i32
      %dma_wait3A_573 = arith.constant 0 : i32
      %dma_wait3A_574 = tpu.memref_slice %arg8[%dma_wait3A_571, %dma_wait3A_572, %dma_wait3A_573] : memref<2x200x64xf32, #tpu.memory_space<vmem>> -> memref<1x100x64xf32, #tpu.memory_space<vmem>>
      %dma_wait3A_575 = tpu.memref_squeeze %dma_wait3A_574 : memref<1x100x64xf32, #tpu.memory_space<vmem>> -> memref<100x64xf32, #tpu.memory_space<vmem>>
      %dma_wait3A_576 = arith.constant 0 : i32
      %dma_wait3A_577 = tpu.memref_slice %arg6[%dma_wait3A_570, %dma_wait3A_576] : memref<4x100xi32, #tpu.memory_space<vmem>> -> memref<1x100xi32, #tpu.memory_space<vmem>>
      %dma_wait3A_578 = tpu.memref_squeeze %dma_wait3A_577 : memref<1x100xi32, #tpu.memory_space<vmem>> -> memref<100xi32, #tpu.memory_space<vmem>>
      %dma_wait3A_579 = arith.constant 0 : i32
      %dma_wait3A_580 = arith.constant 0 : i32
      %dma_wait3A_581 = tpu.memref_slice %arg3[%dma_wait3A_579, %dma_wait3A_580] : memref<100000x64xf32, #tpu.memory_space<hbm>> -> memref<100000x64xf32, #tpu.memory_space<hbm>>
      tpu.wait_indirect_dma semaphore(%arg13 : memref<!tpu.dma_semaphore, #tpu.memory_space<semaphore_mem>>) src(%dma_wait3A_581 : memref<100000x64xf32, #tpu.memory_space<hbm>>) dst(%dma_wait3A_575 : memref<100x64xf32, #tpu.memory_space<vmem>>)
      %dma_wait3A_582 = arith.constant 3 : i32
      %dma_wait3A_583 = arith.constant 1 : i32
      %dma_wait3A_584 = arith.constant 100 : i32
      %dma_wait3A_585 = arith.constant 0 : i32
      %dma_wait3A_586 = tpu.memref_slice %arg8[%dma_wait3A_583, %dma_wait3A_584, %dma_wait3A_585] : memref<2x200x64xf32, #tpu.memory_space<vmem>> -> memref<1x100x64xf32, #tpu.memory_space<vmem>>
      %dma_wait3A_587 = tpu.memref_squeeze %dma_wait3A_586 : memref<1x100x64xf32, #tpu.memory_space<vmem>> -> memref<100x64xf32, #tpu.memory_space<vmem>>
      %dma_wait3A_588 = arith.constant 0 : i32
      %dma_wait3A_589 = tpu.memref_slice %arg6[%dma_wait3A_582, %dma_wait3A_588] : memref<4x100xi32, #tpu.memory_space<vmem>> -> memref<1x100xi32, #tpu.memory_space<vmem>>
      %dma_wait3A_590 = tpu.memref_squeeze %dma_wait3A_589 : memref<1x100xi32, #tpu.memory_space<vmem>> -> memref<100xi32, #tpu.memory_space<vmem>>
      %dma_wait3A_591 = arith.constant 0 : i32
      %dma_wait3A_592 = arith.constant 0 : i32
      %dma_wait3A_593 = tpu.memref_slice %arg3[%dma_wait3A_591, %dma_wait3A_592] : memref<100000x64xf32, #tpu.memory_space<hbm>> -> memref<100000x64xf32, #tpu.memory_space<hbm>>
      tpu.wait_indirect_dma semaphore(%arg13 : memref<!tpu.dma_semaphore, #tpu.memory_space<semaphore_mem>>) src(%dma_wait3A_593 : memref<100000x64xf32, #tpu.memory_space<hbm>>) dst(%dma_wait3A_587 : memref<100x64xf32, #tpu.memory_space<vmem>>)
      %add3A_594 = arith.constant 2 : i32
      %add3A_595 = arith.addi %mul3A_545, %add3A_594 : i32
      %mul3A_596 = arith.constant 256 : i32
      %mul3A_597 = arith.muli %add3A, %mul3A_596 : i32
      %mul3A_598 = arith.constant 4 : i32
      %mul3A_599 = arith.muli %add3A_595, %mul3A_598 : i32
      %add3A_600 = arith.addi %mul3A_597, %mul3A_599 : i32
      %dma_start3A_601 = arith.constant 0 : i32
      %dma_start3A_602 = tpu.memref_slice %arg2[%add3A_600, %dma_start3A_601] : memref<8192x100xi32, #tpu.memory_space<hbm>> -> memref<4x100xi32, #tpu.memory_space<hbm>>
      %dma_start3A_603 = arith.constant 0 : i32
      %dma_start3A_604 = tpu.memref_slice %arg2[%add3A_600, %dma_start3A_603] : memref<8192x100xi32, #tpu.memory_space<hbm>> -> memref<4x100xi32, #tpu.memory_space<hbm>>
      tpu.enqueue_dma source(%dma_start3A_604 : memref<4x100xi32, #tpu.memory_space<hbm>>) target(%arg6 : memref<4x100xi32, #tpu.memory_space<vmem>>) target_semaphore(%arg17 : memref<!tpu.dma_semaphore, #tpu.memory_space<semaphore_mem>>)
      %mul3A_605 = arith.constant 128 : i32
      %mul3A_606 = arith.muli %add3A, %mul3A_605 : i32
      %mul3A_607 = arith.constant 2 : i32
      %mul3A_608 = arith.muli %mul3A_545, %mul3A_607 : i32
      %add3A_609 = arith.addi %mul3A_606, %mul3A_608 : i32
      %dma_wait3A_610 = arith.constant 0 : i32
      %dma_wait3A_611 = arith.constant 0 : i32
      %dma_wait3A_612 = tpu.memref_slice %arg5[%add3A_609, %dma_wait3A_610, %dma_wait3A_611] : memref<4096x104x128xf32, #tpu.memory_space<hbm>> -> memref<2x100x128xf32, #tpu.memory_space<hbm>>
      %dma_wait3A_613 = arith.constant 0 : i32
      %dma_wait3A_614 = arith.constant 0 : i32
      %dma_wait3A_615 = tpu.memref_slice %arg5[%add3A_609, %dma_wait3A_613, %dma_wait3A_614] : memref<4096x104x128xf32, #tpu.memory_space<hbm>> -> memref<2x100x128xf32, #tpu.memory_space<hbm>>
      tpu.wait_dma2 semaphore(%arg15 : memref<!tpu.dma_semaphore, #tpu.memory_space<semaphore_mem>>) src(%arg10 : memref<2x100x128xf32, #tpu.memory_space<vmem>>) dst(%dma_wait3A_615 : memref<2x100x128xf32, #tpu.memory_space<hbm>>)
      %parallel_loop3A_616 = arith.constant 0 : i32
      %parallel_loop3A_617 = arith.constant 100 : i32
      %parallel_loop3A_618 = arith.constant 1 : i32
      scf.for %parallel_loop3A_836 = %parallel_loop3A_616 to %parallel_loop3A_617 step %parallel_loop3A_618  : i32 {
        %parallel_loop3A_837 = arith.constant 2 : i32
        %parallel_loop3A_838 = arith.muli %parallel_loop3A_837, %parallel_loop3A_836 : i32
        %parallel_loop3A_839 = arith.constant 0 : i32
        %parallel_loop3A_840 = arith.addi %parallel_loop3A_838, %parallel_loop3A_839 : i32
        %parallel_loop3A_841 = arith.index_cast %parallel_loop3A_840 : i32 to index
        %parallel_loop3A_842 = arith.constant 0 : index
        %parallel_loop3A_843 = tpu.vector_load %arg12[%parallel_loop3A_841, %parallel_loop3A_842] {strides = array<i32>} : memref<200x64xf32, #tpu.memory_space<vmem>>, vector<1x16xf32>,
        %parallel_loop3A_844 = vector.shape_cast %parallel_loop3A_843 : vector<1x16xf32> to vector<16xf32>
        %parallel_loop3A_845 = arith.constant 0 : i32
        %parallel_loop3A_846 = arith.index_cast %parallel_loop3A_845 : i32 to index
        %parallel_loop3A_847 = arith.index_cast %parallel_loop3A_840 : i32 to index
        %parallel_loop3A_848 = arith.constant 0 : index
        %parallel_loop3A_849 = tpu.vector_load %arg8[%parallel_loop3A_846, %parallel_loop3A_847, %parallel_loop3A_848] {strides = array<i32>} : memref<2x200x64xf32, #tpu.memory_space<vmem>>, vector<1x1x16xf32>,
        %parallel_loop3A_850 = vector.shape_cast %parallel_loop3A_849 : vector<1x1x16xf32> to vector<16xf32>
        %parallel_loop3A_851 = arith.addf %parallel_loop3A_850, %parallel_loop3A_844 : vector<16xf32>
        %parallel_loop3A_852 = arith.constant 0 : i32
        %parallel_loop3A_853 = arith.index_cast %parallel_loop3A_852 : i32 to index
        %parallel_loop3A_854 = arith.index_cast %parallel_loop3A_836 : i32 to index
        %parallel_loop3A_855 = arith.constant 0 : index
        %parallel_loop3A_856 = tpu.vector_load %arg10[%parallel_loop3A_853, %parallel_loop3A_854, %parallel_loop3A_855] {strides = array<i32>} : memref<2x100x128xf32, #tpu.memory_space<vmem>>, vector<1x1x16xf32>,
        %parallel_loop3A_857 = vector.shape_cast %parallel_loop3A_856 : vector<1x1x16xf32> to vector<16xf32>
        %parallel_loop3A_858 = vector.shape_cast %parallel_loop3A_851 : vector<16xf32> to vector<1x1x16xf32>
        tpu.vector_store %arg10[%parallel_loop3A_853, %parallel_loop3A_854, %parallel_loop3A_855], %parallel_loop3A_858 {strides = array<i32>} : memref<2x100x128xf32, #tpu.memory_space<vmem>>, vector<1x1x16xf32>,
        %parallel_loop3A_859 = arith.constant 1 : i32
        %parallel_loop3A_860 = arith.index_cast %parallel_loop3A_859 : i32 to index
        %parallel_loop3A_861 = arith.index_cast %parallel_loop3A_840 : i32 to index
        %parallel_loop3A_862 = arith.constant 0 : index
        %parallel_loop3A_863 = tpu.vector_load %arg8[%parallel_loop3A_860, %parallel_loop3A_861, %parallel_loop3A_862] {strides = array<i32>} : memref<2x200x64xf32, #tpu.memory_space<vmem>>, vector<1x1x16xf32>,
        %parallel_loop3A_864 = vector.shape_cast %parallel_loop3A_863 : vector<1x1x16xf32> to vector<16xf32>
        %parallel_loop3A_865 = arith.addf %parallel_loop3A_864, %parallel_loop3A_844 : vector<16xf32>
        %parallel_loop3A_866 = arith.constant 1 : i32
        %parallel_loop3A_867 = arith.index_cast %parallel_loop3A_866 : i32 to index
        %parallel_loop3A_868 = arith.index_cast %parallel_loop3A_836 : i32 to index
        %parallel_loop3A_869 = arith.constant 0 : index
        %parallel_loop3A_870 = tpu.vector_load %arg10[%parallel_loop3A_867, %parallel_loop3A_868, %parallel_loop3A_869] {strides = array<i32>} : memref<2x100x128xf32, #tpu.memory_space<vmem>>, vector<1x1x16xf32>,
        %parallel_loop3A_871 = vector.shape_cast %parallel_loop3A_870 : vector<1x1x16xf32> to vector<16xf32>
        %parallel_loop3A_872 = vector.shape_cast %parallel_loop3A_865 : vector<16xf32> to vector<1x1x16xf32>
        tpu.vector_store %arg10[%parallel_loop3A_867, %parallel_loop3A_868, %parallel_loop3A_869], %parallel_loop3A_872 {strides = array<i32>} : memref<2x100x128xf32, #tpu.memory_space<vmem>>, vector<1x1x16xf32>,
        %parallel_loop3A_873 = arith.index_cast %parallel_loop3A_840 : i32 to index
        %parallel_loop3A_874 = arith.constant 16 : index
        %parallel_loop3A_875 = tpu.vector_load %arg12[%parallel_loop3A_873, %parallel_loop3A_874] {strides = array<i32>} : memref<200x64xf32, #tpu.memory_space<vmem>>, vector<1x16xf32>,
        %parallel_loop3A_876 = vector.shape_cast %parallel_loop3A_875 : vector<1x16xf32> to vector<16xf32>
        %parallel_loop3A_877 = arith.constant 0 : i32
        %parallel_loop3A_878 = arith.index_cast %parallel_loop3A_877 : i32 to index
        %parallel_loop3A_879 = arith.index_cast %parallel_loop3A_840 : i32 to index
        %parallel_loop3A_880 = arith.constant 16 : index
        %parallel_loop3A_881 = tpu.vector_load %arg8[%parallel_loop3A_878, %parallel_loop3A_879, %parallel_loop3A_880] {strides = array<i32>} : memref<2x200x64xf32, #tpu.memory_space<vmem>>, vector<1x1x16xf32>,
        %parallel_loop3A_882 = vector.shape_cast %parallel_loop3A_881 : vector<1x1x16xf32> to vector<16xf32>
        %parallel_loop3A_883 = arith.addf %parallel_loop3A_882, %parallel_loop3A_876 : vector<16xf32>
        %parallel_loop3A_884 = arith.constant 0 : i32
        %parallel_loop3A_885 = arith.index_cast %parallel_loop3A_884 : i32 to index
        %parallel_loop3A_886 = arith.index_cast %parallel_loop3A_836 : i32 to index
        %parallel_loop3A_887 = arith.constant 16 : index
        %parallel_loop3A_888 = tpu.vector_load %arg10[%parallel_loop3A_885, %parallel_loop3A_886, %parallel_loop3A_887] {strides = array<i32>} : memref<2x100x128xf32, #tpu.memory_space<vmem>>, vector<1x1x16xf32>,
        %parallel_loop3A_889 = vector.shape_cast %parallel_loop3A_888 : vector<1x1x16xf32> to vector<16xf32>
        %parallel_loop3A_890 = vector.shape_cast %parallel_loop3A_883 : vector<16xf32> to vector<1x1x16xf32>
        tpu.vector_store %arg10[%parallel_loop3A_885, %parallel_loop3A_886, %parallel_loop3A_887], %parallel_loop3A_890 {strides = array<i32>} : memref<2x100x128xf32, #tpu.memory_space<vmem>>, vector<1x1x16xf32>,
        %parallel_loop3A_891 = arith.constant 1 : i32
        %parallel_loop3A_892 = arith.index_cast %parallel_loop3A_891 : i32 to index
        %parallel_loop3A_893 = arith.index_cast %parallel_loop3A_840 : i32 to index
        %parallel_loop3A_894 = arith.constant 16 : index
        %parallel_loop3A_895 = tpu.vector_load %arg8[%parallel_loop3A_892, %parallel_loop3A_893, %parallel_loop3A_894] {strides = array<i32>} : memref<2x200x64xf32, #tpu.memory_space<vmem>>, vector<1x1x16xf32>,
        %parallel_loop3A_896 = vector.shape_cast %parallel_loop3A_895 : vector<1x1x16xf32> to vector<16xf32>
        %parallel_loop3A_897 = arith.addf %parallel_loop3A_896, %parallel_loop3A_876 : vector<16xf32>
        %parallel_loop3A_898 = arith.constant 1 : i32
        %parallel_loop3A_899 = arith.index_cast %parallel_loop3A_898 : i32 to index
        %parallel_loop3A_900 = arith.index_cast %parallel_loop3A_836 : i32 to index
        %parallel_loop3A_901 = arith.constant 16 : index
        %parallel_loop3A_902 = tpu.vector_load %arg10[%parallel_loop3A_899, %parallel_loop3A_900, %parallel_loop3A_901] {strides = array<i32>} : memref<2x100x128xf32, #tpu.memory_space<vmem>>, vector<1x1x16xf32>,
        %parallel_loop3A_903 = vector.shape_cast %parallel_loop3A_902 : vector<1x1x16xf32> to vector<16xf32>
        %parallel_loop3A_904 = vector.shape_cast %parallel_loop3A_897 : vector<16xf32> to vector<1x1x16xf32>
        tpu.vector_store %arg10[%parallel_loop3A_899, %parallel_loop3A_900, %parallel_loop3A_901], %parallel_loop3A_904 {strides = array<i32>} : memref<2x100x128xf32, #tpu.memory_space<vmem>>, vector<1x1x16xf32>,
        %parallel_loop3A_905 = arith.index_cast %parallel_loop3A_840 : i32 to index
        %parallel_loop3A_906 = arith.constant 32 : index
        %parallel_loop3A_907 = tpu.vector_load %arg12[%parallel_loop3A_905, %parallel_loop3A_906] {strides = array<i32>} : memref<200x64xf32, #tpu.memory_space<vmem>>, vector<1x16xf32>,
        %parallel_loop3A_908 = vector.shape_cast %parallel_loop3A_907 : vector<1x16xf32> to vector<16xf32>
        %parallel_loop3A_909 = arith.constant 0 : i32
        %parallel_loop3A_910 = arith.index_cast %parallel_loop3A_909 : i32 to index
        %parallel_loop3A_911 = arith.index_cast %parallel_loop3A_840 : i32 to index
        %parallel_loop3A_912 = arith.constant 32 : index
        %parallel_loop3A_913 = tpu.vector_load %arg8[%parallel_loop3A_910, %parallel_loop3A_911, %parallel_loop3A_912] {strides = array<i32>} : memref<2x200x64xf32, #tpu.memory_space<vmem>>, vector<1x1x16xf32>,
        %parallel_loop3A_914 = vector.shape_cast %parallel_loop3A_913 : vector<1x1x16xf32> to vector<16xf32>
        %parallel_loop3A_915 = arith.addf %parallel_loop3A_914, %parallel_loop3A_908 : vector<16xf32>
        %parallel_loop3A_916 = arith.constant 0 : i32
        %parallel_loop3A_917 = arith.index_cast %parallel_loop3A_916 : i32 to index
        %parallel_loop3A_918 = arith.index_cast %parallel_loop3A_836 : i32 to index
        %parallel_loop3A_919 = arith.constant 32 : index
        %parallel_loop3A_920 = tpu.vector_load %arg10[%parallel_loop3A_917, %parallel_loop3A_918, %parallel_loop3A_919] {strides = array<i32>} : memref<2x100x128xf32, #tpu.memory_space<vmem>>, vector<1x1x16xf32>,
        %parallel_loop3A_921 = vector.shape_cast %parallel_loop3A_920 : vector<1x1x16xf32> to vector<16xf32>
        %parallel_loop3A_922 = vector.shape_cast %parallel_loop3A_915 : vector<16xf32> to vector<1x1x16xf32>
        tpu.vector_store %arg10[%parallel_loop3A_917, %parallel_loop3A_918, %parallel_loop3A_919], %parallel_loop3A_922 {strides = array<i32>} : memref<2x100x128xf32, #tpu.memory_space<vmem>>, vector<1x1x16xf32>,
        %parallel_loop3A_923 = arith.constant 1 : i32
        %parallel_loop3A_924 = arith.index_cast %parallel_loop3A_923 : i32 to index
        %parallel_loop3A_925 = arith.index_cast %parallel_loop3A_840 : i32 to index
        %parallel_loop3A_926 = arith.constant 32 : index
        %parallel_loop3A_927 = tpu.vector_load %arg8[%parallel_loop3A_924, %parallel_loop3A_925, %parallel_loop3A_926] {strides = array<i32>} : memref<2x200x64xf32, #tpu.memory_space<vmem>>, vector<1x1x16xf32>,
        %parallel_loop3A_928 = vector.shape_cast %parallel_loop3A_927 : vector<1x1x16xf32> to vector<16xf32>
        %parallel_loop3A_929 = arith.addf %parallel_loop3A_928, %parallel_loop3A_908 : vector<16xf32>
        %parallel_loop3A_930 = arith.constant 1 : i32
        %parallel_loop3A_931 = arith.index_cast %parallel_loop3A_930 : i32 to index
        %parallel_loop3A_932 = arith.index_cast %parallel_loop3A_836 : i32 to index
        %parallel_loop3A_933 = arith.constant 32 : index
        %parallel_loop3A_934 = tpu.vector_load %arg10[%parallel_loop3A_931, %parallel_loop3A_932, %parallel_loop3A_933] {strides = array<i32>} : memref<2x100x128xf32, #tpu.memory_space<vmem>>, vector<1x1x16xf32>,
        %parallel_loop3A_935 = vector.shape_cast %parallel_loop3A_934 : vector<1x1x16xf32> to vector<16xf32>
        %parallel_loop3A_936 = vector.shape_cast %parallel_loop3A_929 : vector<16xf32> to vector<1x1x16xf32>
        tpu.vector_store %arg10[%parallel_loop3A_931, %parallel_loop3A_932, %parallel_loop3A_933], %parallel_loop3A_936 {strides = array<i32>} : memref<2x100x128xf32, #tpu.memory_space<vmem>>, vector<1x1x16xf32>,
        %parallel_loop3A_937 = arith.index_cast %parallel_loop3A_840 : i32 to index
        %parallel_loop3A_938 = arith.constant 48 : index
        %parallel_loop3A_939 = tpu.vector_load %arg12[%parallel_loop3A_937, %parallel_loop3A_938] {strides = array<i32>} : memref<200x64xf32, #tpu.memory_space<vmem>>, vector<1x16xf32>,
        %parallel_loop3A_940 = vector.shape_cast %parallel_loop3A_939 : vector<1x16xf32> to vector<16xf32>
        %parallel_loop3A_941 = arith.constant 0 : i32
        %parallel_loop3A_942 = arith.index_cast %parallel_loop3A_941 : i32 to index
        %parallel_loop3A_943 = arith.index_cast %parallel_loop3A_840 : i32 to index
        %parallel_loop3A_944 = arith.constant 48 : index
        %parallel_loop3A_945 = tpu.vector_load %arg8[%parallel_loop3A_942, %parallel_loop3A_943, %parallel_loop3A_944] {strides = array<i32>} : memref<2x200x64xf32, #tpu.memory_space<vmem>>, vector<1x1x16xf32>,
        %parallel_loop3A_946 = vector.shape_cast %parallel_loop3A_945 : vector<1x1x16xf32> to vector<16xf32>
        %parallel_loop3A_947 = arith.addf %parallel_loop3A_946, %parallel_loop3A_940 : vector<16xf32>
        %parallel_loop3A_948 = arith.constant 0 : i32
        %parallel_loop3A_949 = arith.index_cast %parallel_loop3A_948 : i32 to index
        %parallel_loop3A_950 = arith.index_cast %parallel_loop3A_836 : i32 to index
        %parallel_loop3A_951 = arith.constant 48 : index
        %parallel_loop3A_952 = tpu.vector_load %arg10[%parallel_loop3A_949, %parallel_loop3A_950, %parallel_loop3A_951] {strides = array<i32>} : memref<2x100x128xf32, #tpu.memory_space<vmem>>, vector<1x1x16xf32>,
        %parallel_loop3A_953 = vector.shape_cast %parallel_loop3A_952 : vector<1x1x16xf32> to vector<16xf32>
        %parallel_loop3A_954 = vector.shape_cast %parallel_loop3A_947 : vector<16xf32> to vector<1x1x16xf32>
        tpu.vector_store %arg10[%parallel_loop3A_949, %parallel_loop3A_950, %parallel_loop3A_951], %parallel_loop3A_954 {strides = array<i32>} : memref<2x100x128xf32, #tpu.memory_space<vmem>>, vector<1x1x16xf32>,
        %parallel_loop3A_955 = arith.constant 1 : i32
        %parallel_loop3A_956 = arith.index_cast %parallel_loop3A_955 : i32 to index
        %parallel_loop3A_957 = arith.index_cast %parallel_loop3A_840 : i32 to index
        %parallel_loop3A_958 = arith.constant 48 : index
        %parallel_loop3A_959 = tpu.vector_load %arg8[%parallel_loop3A_956, %parallel_loop3A_957, %parallel_loop3A_958] {strides = array<i32>} : memref<2x200x64xf32, #tpu.memory_space<vmem>>, vector<1x1x16xf32>,
        %parallel_loop3A_960 = vector.shape_cast %parallel_loop3A_959 : vector<1x1x16xf32> to vector<16xf32>
        %parallel_loop3A_961 = arith.addf %parallel_loop3A_960, %parallel_loop3A_940 : vector<16xf32>
        %parallel_loop3A_962 = arith.constant 1 : i32
        %parallel_loop3A_963 = arith.index_cast %parallel_loop3A_962 : i32 to index
        %parallel_loop3A_964 = arith.index_cast %parallel_loop3A_836 : i32 to index
        %parallel_loop3A_965 = arith.constant 48 : index
        %parallel_loop3A_966 = tpu.vector_load %arg10[%parallel_loop3A_963, %parallel_loop3A_964, %parallel_loop3A_965] {strides = array<i32>} : memref<2x100x128xf32, #tpu.memory_space<vmem>>, vector<1x1x16xf32>,
        %parallel_loop3A_967 = vector.shape_cast %parallel_loop3A_966 : vector<1x1x16xf32> to vector<16xf32>
        %parallel_loop3A_968 = vector.shape_cast %parallel_loop3A_961 : vector<16xf32> to vector<1x1x16xf32>
        tpu.vector_store %arg10[%parallel_loop3A_963, %parallel_loop3A_964, %parallel_loop3A_965], %parallel_loop3A_968 {strides = array<i32>} : memref<2x100x128xf32, #tpu.memory_space<vmem>>, vector<1x1x16xf32>,
        %parallel_loop3A_969 = arith.constant 2 : i32
        %parallel_loop3A_970 = arith.muli %parallel_loop3A_969, %parallel_loop3A_836 : i32
        %parallel_loop3A_971 = arith.constant 1 : i32
        %parallel_loop3A_972 = arith.addi %parallel_loop3A_970, %parallel_loop3A_971 : i32
        %parallel_loop3A_973 = arith.index_cast %parallel_loop3A_972 : i32 to index
        %parallel_loop3A_974 = arith.constant 0 : index
        %parallel_loop3A_975 = tpu.vector_load %arg12[%parallel_loop3A_973, %parallel_loop3A_974] {strides = array<i32>} : memref<200x64xf32, #tpu.memory_space<vmem>>, vector<1x16xf32>,
        %parallel_loop3A_976 = vector.shape_cast %parallel_loop3A_975 : vector<1x16xf32> to vector<16xf32>
        %parallel_loop3A_977 = arith.constant 0 : i32
        %parallel_loop3A_978 = arith.index_cast %parallel_loop3A_977 : i32 to index
        %parallel_loop3A_979 = arith.index_cast %parallel_loop3A_972 : i32 to index
        %parallel_loop3A_980 = arith.constant 0 : index
        %parallel_loop3A_981 = tpu.vector_load %arg8[%parallel_loop3A_978, %parallel_loop3A_979, %parallel_loop3A_980] {strides = array<i32>} : memref<2x200x64xf32, #tpu.memory_space<vmem>>, vector<1x1x16xf32>,
        %parallel_loop3A_982 = vector.shape_cast %parallel_loop3A_981 : vector<1x1x16xf32> to vector<16xf32>
        %parallel_loop3A_983 = arith.addf %parallel_loop3A_982, %parallel_loop3A_976 : vector<16xf32>
        %parallel_loop3A_984 = arith.constant 0 : i32
        %parallel_loop3A_985 = arith.index_cast %parallel_loop3A_984 : i32 to index
        %parallel_loop3A_986 = arith.index_cast %parallel_loop3A_836 : i32 to index
        %parallel_loop3A_987 = arith.constant 64 : index
        %parallel_loop3A_988 = tpu.vector_load %arg10[%parallel_loop3A_985, %parallel_loop3A_986, %parallel_loop3A_987] {strides = array<i32>} : memref<2x100x128xf32, #tpu.memory_space<vmem>>, vector<1x1x16xf32>,
        %parallel_loop3A_989 = vector.shape_cast %parallel_loop3A_988 : vector<1x1x16xf32> to vector<16xf32>
        %parallel_loop3A_990 = vector.shape_cast %parallel_loop3A_983 : vector<16xf32> to vector<1x1x16xf32>
        tpu.vector_store %arg10[%parallel_loop3A_985, %parallel_loop3A_986, %parallel_loop3A_987], %parallel_loop3A_990 {strides = array<i32>} : memref<2x100x128xf32, #tpu.memory_space<vmem>>, vector<1x1x16xf32>,
        %parallel_loop3A_991 = arith.constant 1 : i32
        %parallel_loop3A_992 = arith.index_cast %parallel_loop3A_991 : i32 to index
        %parallel_loop3A_993 = arith.index_cast %parallel_loop3A_972 : i32 to index
        %parallel_loop3A_994 = arith.constant 0 : index
        %parallel_loop3A_995 = tpu.vector_load %arg8[%parallel_loop3A_992, %parallel_loop3A_993, %parallel_loop3A_994] {strides = array<i32>} : memref<2x200x64xf32, #tpu.memory_space<vmem>>, vector<1x1x16xf32>,
        %parallel_loop3A_996 = vector.shape_cast %parallel_loop3A_995 : vector<1x1x16xf32> to vector<16xf32>
        %parallel_loop3A_997 = arith.addf %parallel_loop3A_996, %parallel_loop3A_976 : vector<16xf32>
        %parallel_loop3A_998 = arith.constant 1 : i32
        %parallel_loop3A_999 = arith.index_cast %parallel_loop3A_998 : i32 to index
        %parallel_loop3A_1000 = arith.index_cast %parallel_loop3A_836 : i32 to index
        %parallel_loop3A_1001 = arith.constant 64 : index
        %parallel_loop3A_1002 = tpu.vector_load %arg10[%parallel_loop3A_999, %parallel_loop3A_1000, %parallel_loop3A_1001] {strides = array<i32>} : memref<2x100x128xf32, #tpu.memory_space<vmem>>, vector<1x1x16xf32>,
        %parallel_loop3A_1003 = vector.shape_cast %parallel_loop3A_1002 : vector<1x1x16xf32> to vector<16xf32>
        %parallel_loop3A_1004 = vector.shape_cast %parallel_loop3A_997 : vector<16xf32> to vector<1x1x16xf32>
        tpu.vector_store %arg10[%parallel_loop3A_999, %parallel_loop3A_1000, %parallel_loop3A_1001], %parallel_loop3A_1004 {strides = array<i32>} : memref<2x100x128xf32, #tpu.memory_space<vmem>>, vector<1x1x16xf32>,
        %parallel_loop3A_1005 = arith.index_cast %parallel_loop3A_972 : i32 to index
        %parallel_loop3A_1006 = arith.constant 16 : index
        %parallel_loop3A_1007 = tpu.vector_load %arg12[%parallel_loop3A_1005, %parallel_loop3A_1006] {strides = array<i32>} : memref<200x64xf32, #tpu.memory_space<vmem>>, vector<1x16xf32>,
        %parallel_loop3A_1008 = vector.shape_cast %parallel_loop3A_1007 : vector<1x16xf32> to vector<16xf32>
        %parallel_loop3A_1009 = arith.constant 0 : i32
        %parallel_loop3A_1010 = arith.index_cast %parallel_loop3A_1009 : i32 to index
        %parallel_loop3A_1011 = arith.index_cast %parallel_loop3A_972 : i32 to index
        %parallel_loop3A_1012 = arith.constant 16 : index
        %parallel_loop3A_1013 = tpu.vector_load %arg8[%parallel_loop3A_1010, %parallel_loop3A_1011, %parallel_loop3A_1012] {strides = array<i32>} : memref<2x200x64xf32, #tpu.memory_space<vmem>>, vector<1x1x16xf32>,
        %parallel_loop3A_1014 = vector.shape_cast %parallel_loop3A_1013 : vector<1x1x16xf32> to vector<16xf32>
        %parallel_loop3A_1015 = arith.addf %parallel_loop3A_1014, %parallel_loop3A_1008 : vector<16xf32>
        %parallel_loop3A_1016 = arith.constant 0 : i32
        %parallel_loop3A_1017 = arith.index_cast %parallel_loop3A_1016 : i32 to index
        %parallel_loop3A_1018 = arith.index_cast %parallel_loop3A_836 : i32 to index
        %parallel_loop3A_1019 = arith.constant 80 : index
        %parallel_loop3A_1020 = tpu.vector_load %arg10[%parallel_loop3A_1017, %parallel_loop3A_1018, %parallel_loop3A_1019] {strides = array<i32>} : memref<2x100x128xf32, #tpu.memory_space<vmem>>, vector<1x1x16xf32>,
        %parallel_loop3A_1021 = vector.shape_cast %parallel_loop3A_1020 : vector<1x1x16xf32> to vector<16xf32>
        %parallel_loop3A_1022 = vector.shape_cast %parallel_loop3A_1015 : vector<16xf32> to vector<1x1x16xf32>
        tpu.vector_store %arg10[%parallel_loop3A_1017, %parallel_loop3A_1018, %parallel_loop3A_1019], %parallel_loop3A_1022 {strides = array<i32>} : memref<2x100x128xf32, #tpu.memory_space<vmem>>, vector<1x1x16xf32>,
        %parallel_loop3A_1023 = arith.constant 1 : i32
        %parallel_loop3A_1024 = arith.index_cast %parallel_loop3A_1023 : i32 to index
        %parallel_loop3A_1025 = arith.index_cast %parallel_loop3A_972 : i32 to index
        %parallel_loop3A_1026 = arith.constant 16 : index
        %parallel_loop3A_1027 = tpu.vector_load %arg8[%parallel_loop3A_1024, %parallel_loop3A_1025, %parallel_loop3A_1026] {strides = array<i32>} : memref<2x200x64xf32, #tpu.memory_space<vmem>>, vector<1x1x16xf32>,
        %parallel_loop3A_1028 = vector.shape_cast %parallel_loop3A_1027 : vector<1x1x16xf32> to vector<16xf32>
        %parallel_loop3A_1029 = arith.addf %parallel_loop3A_1028, %parallel_loop3A_1008 : vector<16xf32>
        %parallel_loop3A_1030 = arith.constant 1 : i32
        %parallel_loop3A_1031 = arith.index_cast %parallel_loop3A_1030 : i32 to index
        %parallel_loop3A_1032 = arith.index_cast %parallel_loop3A_836 : i32 to index
        %parallel_loop3A_1033 = arith.constant 80 : index
        %parallel_loop3A_1034 = tpu.vector_load %arg10[%parallel_loop3A_1031, %parallel_loop3A_1032, %parallel_loop3A_1033] {strides = array<i32>} : memref<2x100x128xf32, #tpu.memory_space<vmem>>, vector<1x1x16xf32>,
        %parallel_loop3A_1035 = vector.shape_cast %parallel_loop3A_1034 : vector<1x1x16xf32> to vector<16xf32>
        %parallel_loop3A_1036 = vector.shape_cast %parallel_loop3A_1029 : vector<16xf32> to vector<1x1x16xf32>
        tpu.vector_store %arg10[%parallel_loop3A_1031, %parallel_loop3A_1032, %parallel_loop3A_1033], %parallel_loop3A_1036 {strides = array<i32>} : memref<2x100x128xf32, #tpu.memory_space<vmem>>, vector<1x1x16xf32>,
        %parallel_loop3A_1037 = arith.index_cast %parallel_loop3A_972 : i32 to index
        %parallel_loop3A_1038 = arith.constant 32 : index
        %parallel_loop3A_1039 = tpu.vector_load %arg12[%parallel_loop3A_1037, %parallel_loop3A_1038] {strides = array<i32>} : memref<200x64xf32, #tpu.memory_space<vmem>>, vector<1x16xf32>,
        %parallel_loop3A_1040 = vector.shape_cast %parallel_loop3A_1039 : vector<1x16xf32> to vector<16xf32>
        %parallel_loop3A_1041 = arith.constant 0 : i32
        %parallel_loop3A_1042 = arith.index_cast %parallel_loop3A_1041 : i32 to index
        %parallel_loop3A_1043 = arith.index_cast %parallel_loop3A_972 : i32 to index
        %parallel_loop3A_1044 = arith.constant 32 : index
        %parallel_loop3A_1045 = tpu.vector_load %arg8[%parallel_loop3A_1042, %parallel_loop3A_1043, %parallel_loop3A_1044] {strides = array<i32>} : memref<2x200x64xf32, #tpu.memory_space<vmem>>, vector<1x1x16xf32>,
        %parallel_loop3A_1046 = vector.shape_cast %parallel_loop3A_1045 : vector<1x1x16xf32> to vector<16xf32>
        %parallel_loop3A_1047 = arith.addf %parallel_loop3A_1046, %parallel_loop3A_1040 : vector<16xf32>
        %parallel_loop3A_1048 = arith.constant 0 : i32
        %parallel_loop3A_1049 = arith.index_cast %parallel_loop3A_1048 : i32 to index
        %parallel_loop3A_1050 = arith.index_cast %parallel_loop3A_836 : i32 to index
        %parallel_loop3A_1051 = arith.constant 96 : index
        %parallel_loop3A_1052 = tpu.vector_load %arg10[%parallel_loop3A_1049, %parallel_loop3A_1050, %parallel_loop3A_1051] {strides = array<i32>} : memref<2x100x128xf32, #tpu.memory_space<vmem>>, vector<1x1x16xf32>,
        %parallel_loop3A_1053 = vector.shape_cast %parallel_loop3A_1052 : vector<1x1x16xf32> to vector<16xf32>
        %parallel_loop3A_1054 = vector.shape_cast %parallel_loop3A_1047 : vector<16xf32> to vector<1x1x16xf32>
        tpu.vector_store %arg10[%parallel_loop3A_1049, %parallel_loop3A_1050, %parallel_loop3A_1051], %parallel_loop3A_1054 {strides = array<i32>} : memref<2x100x128xf32, #tpu.memory_space<vmem>>, vector<1x1x16xf32>,
        %parallel_loop3A_1055 = arith.constant 1 : i32
        %parallel_loop3A_1056 = arith.index_cast %parallel_loop3A_1055 : i32 to index
        %parallel_loop3A_1057 = arith.index_cast %parallel_loop3A_972 : i32 to index
        %parallel_loop3A_1058 = arith.constant 32 : index
        %parallel_loop3A_1059 = tpu.vector_load %arg8[%parallel_loop3A_1056, %parallel_loop3A_1057, %parallel_loop3A_1058] {strides = array<i32>} : memref<2x200x64xf32, #tpu.memory_space<vmem>>, vector<1x1x16xf32>,
        %parallel_loop3A_1060 = vector.shape_cast %parallel_loop3A_1059 : vector<1x1x16xf32> to vector<16xf32>
        %parallel_loop3A_1061 = arith.addf %parallel_loop3A_1060, %parallel_loop3A_1040 : vector<16xf32>
        %parallel_loop3A_1062 = arith.constant 1 : i32
        %parallel_loop3A_1063 = arith.index_cast %parallel_loop3A_1062 : i32 to index
        %parallel_loop3A_1064 = arith.index_cast %parallel_loop3A_836 : i32 to index
        %parallel_loop3A_1065 = arith.constant 96 : index
        %parallel_loop3A_1066 = tpu.vector_load %arg10[%parallel_loop3A_1063, %parallel_loop3A_1064, %parallel_loop3A_1065] {strides = array<i32>} : memref<2x100x128xf32, #tpu.memory_space<vmem>>, vector<1x1x16xf32>,
        %parallel_loop3A_1067 = vector.shape_cast %parallel_loop3A_1066 : vector<1x1x16xf32> to vector<16xf32>
        %parallel_loop3A_1068 = vector.shape_cast %parallel_loop3A_1061 : vector<16xf32> to vector<1x1x16xf32>
        tpu.vector_store %arg10[%parallel_loop3A_1063, %parallel_loop3A_1064, %parallel_loop3A_1065], %parallel_loop3A_1068 {strides = array<i32>} : memref<2x100x128xf32, #tpu.memory_space<vmem>>, vector<1x1x16xf32>,
        %parallel_loop3A_1069 = arith.index_cast %parallel_loop3A_972 : i32 to index
        %parallel_loop3A_1070 = arith.constant 48 : index
        %parallel_loop3A_1071 = tpu.vector_load %arg12[%parallel_loop3A_1069, %parallel_loop3A_1070] {strides = array<i32>} : memref<200x64xf32, #tpu.memory_space<vmem>>, vector<1x16xf32>,
        %parallel_loop3A_1072 = vector.shape_cast %parallel_loop3A_1071 : vector<1x16xf32> to vector<16xf32>
        %parallel_loop3A_1073 = arith.constant 0 : i32
        %parallel_loop3A_1074 = arith.index_cast %parallel_loop3A_1073 : i32 to index
        %parallel_loop3A_1075 = arith.index_cast %parallel_loop3A_972 : i32 to index
        %parallel_loop3A_1076 = arith.constant 48 : index
        %parallel_loop3A_1077 = tpu.vector_load %arg8[%parallel_loop3A_1074, %parallel_loop3A_1075, %parallel_loop3A_1076] {strides = array<i32>} : memref<2x200x64xf32, #tpu.memory_space<vmem>>, vector<1x1x16xf32>,
        %parallel_loop3A_1078 = vector.shape_cast %parallel_loop3A_1077 : vector<1x1x16xf32> to vector<16xf32>
        %parallel_loop3A_1079 = arith.addf %parallel_loop3A_1078, %parallel_loop3A_1072 : vector<16xf32>
        %parallel_loop3A_1080 = arith.constant 0 : i32
        %parallel_loop3A_1081 = arith.index_cast %parallel_loop3A_1080 : i32 to index
        %parallel_loop3A_1082 = arith.index_cast %parallel_loop3A_836 : i32 to index
        %parallel_loop3A_1083 = arith.constant 112 : index
        %parallel_loop3A_1084 = tpu.vector_load %arg10[%parallel_loop3A_1081, %parallel_loop3A_1082, %parallel_loop3A_1083] {strides = array<i32>} : memref<2x100x128xf32, #tpu.memory_space<vmem>>, vector<1x1x16xf32>,
        %parallel_loop3A_1085 = vector.shape_cast %parallel_loop3A_1084 : vector<1x1x16xf32> to vector<16xf32>
        %parallel_loop3A_1086 = vector.shape_cast %parallel_loop3A_1079 : vector<16xf32> to vector<1x1x16xf32>
        tpu.vector_store %arg10[%parallel_loop3A_1081, %parallel_loop3A_1082, %parallel_loop3A_1083], %parallel_loop3A_1086 {strides = array<i32>} : memref<2x100x128xf32, #tpu.memory_space<vmem>>, vector<1x1x16xf32>,
        %parallel_loop3A_1087 = arith.constant 1 : i32
        %parallel_loop3A_1088 = arith.index_cast %parallel_loop3A_1087 : i32 to index
        %parallel_loop3A_1089 = arith.index_cast %parallel_loop3A_972 : i32 to index
        %parallel_loop3A_1090 = arith.constant 48 : index
        %parallel_loop3A_1091 = tpu.vector_load %arg8[%parallel_loop3A_1088, %parallel_loop3A_1089, %parallel_loop3A_1090] {strides = array<i32>} : memref<2x200x64xf32, #tpu.memory_space<vmem>>, vector<1x1x16xf32>,
        %parallel_loop3A_1092 = vector.shape_cast %parallel_loop3A_1091 : vector<1x1x16xf32> to vector<16xf32>
        %parallel_loop3A_1093 = arith.addf %parallel_loop3A_1092, %parallel_loop3A_1072 : vector<16xf32>
        %parallel_loop3A_1094 = arith.constant 1 : i32
        %parallel_loop3A_1095 = arith.index_cast %parallel_loop3A_1094 : i32 to index
        %parallel_loop3A_1096 = arith.index_cast %parallel_loop3A_836 : i32 to index
        %parallel_loop3A_1097 = arith.constant 112 : index
        %parallel_loop3A_1098 = tpu.vector_load %arg10[%parallel_loop3A_1095, %parallel_loop3A_1096, %parallel_loop3A_1097] {strides = array<i32>} : memref<2x100x128xf32, #tpu.memory_space<vmem>>, vector<1x1x16xf32>,
        %parallel_loop3A_1099 = vector.shape_cast %parallel_loop3A_1098 : vector<1x1x16xf32> to vector<16xf32>
        %parallel_loop3A_1100 = vector.shape_cast %parallel_loop3A_1093 : vector<16xf32> to vector<1x1x16xf32>
        tpu.vector_store %arg10[%parallel_loop3A_1095, %parallel_loop3A_1096, %parallel_loop3A_1097], %parallel_loop3A_1100 {strides = array<i32>} : memref<2x100x128xf32, #tpu.memory_space<vmem>>, vector<1x1x16xf32>,
      } {sc.loop_unroll_factor = 2 : i64, sc.parallel_access}
      %mul3A_619 = arith.constant 128 : i32
      %mul3A_620 = arith.muli %add3A, %mul3A_619 : i32
      %mul3A_621 = arith.constant 2 : i32
      %mul3A_622 = arith.muli %mul3A_545, %mul3A_621 : i32
      %add3A_623 = arith.addi %mul3A_620, %mul3A_622 : i32
      %dma_start3A_624 = arith.constant 0 : i32
      %dma_start3A_625 = arith.constant 0 : i32
      %dma_start3A_626 = tpu.memref_slice %arg5[%add3A_623, %dma_start3A_624, %dma_start3A_625] : memref<4096x104x128xf32, #tpu.memory_space<hbm>> -> memref<2x100x128xf32, #tpu.memory_space<hbm>>
      %dma_start3A_627 = arith.constant 0 : i32
      %dma_start3A_628 = arith.constant 0 : i32
      %dma_start3A_629 = tpu.memref_slice %arg5[%add3A_623, %dma_start3A_627, %dma_start3A_628] : memref<4096x104x128xf32, #tpu.memory_space<hbm>> -> memref<2x100x128xf32, #tpu.memory_space<hbm>>
      tpu.enqueue_dma source(%arg10 : memref<2x100x128xf32, #tpu.memory_space<vmem>>) target(%dma_start3A_629 : memref<2x100x128xf32, #tpu.memory_space<hbm>>) target_semaphore(%arg15 : memref<!tpu.dma_semaphore, #tpu.memory_space<semaphore_mem>>)
      %add3A_630 = arith.constant 2 : i32
      %add3A_631 = arith.addi %mul3A_545, %add3A_630 : i32
      %mul3A_632 = arith.constant 256 : i32
      %mul3A_633 = arith.muli %add3A, %mul3A_632 : i32
      %mul3A_634 = arith.constant 4 : i32
      %mul3A_635 = arith.muli %add3A_631, %mul3A_634 : i32
      %add3A_636 = arith.addi %mul3A_633, %mul3A_635 : i32
      %dma_wait3A_637 = arith.constant 0 : i32
      %dma_wait3A_638 = tpu.memref_slice %arg2[%add3A_636, %dma_wait3A_637] : memref<8192x100xi32, #tpu.memory_space<hbm>> -> memref<4x100xi32, #tpu.memory_space<hbm>>
      %dma_wait3A_639 = arith.constant 0 : i32
      %dma_wait3A_640 = tpu.memref_slice %arg2[%add3A_636, %dma_wait3A_639] : memref<8192x100xi32, #tpu.memory_space<hbm>> -> memref<4x100xi32, #tpu.memory_space<hbm>>
      tpu.wait_dma2 semaphore(%arg17 : memref<!tpu.dma_semaphore, #tpu.memory_space<semaphore_mem>>) src(%dma_wait3A_640 : memref<4x100xi32, #tpu.memory_space<hbm>>) dst(%arg6 : memref<4x100xi32, #tpu.memory_space<vmem>>)
      %dma_start3A_641 = arith.constant 0 : i32
      %dma_start3A_642 = arith.constant 0 : i32
      %dma_start3A_643 = arith.constant 0 : i32
      %dma_start3A_644 = arith.constant 0 : i32
      %dma_start3A_645 = tpu.memref_slice %arg8[%dma_start3A_642, %dma_start3A_643, %dma_start3A_644] : memref<2x200x64xf32, #tpu.memory_space<vmem>> -> memref<1x100x64xf32, #tpu.memory_space<vmem>>
      %dma_start3A_646 = tpu.memref_squeeze %dma_start3A_645 : memref<1x100x64xf32, #tpu.memory_space<vmem>> -> memref<100x64xf32, #tpu.memory_space<vmem>>
      %dma_start3A_647 = arith.constant 0 : i32
      %dma_start3A_648 = tpu.memref_slice %arg6[%dma_start3A_641, %dma_start3A_647] : memref<4x100xi32, #tpu.memory_space<vmem>> -> memref<1x100xi32, #tpu.memory_space<vmem>>
      %dma_start3A_649 = tpu.memref_squeeze %dma_start3A_648 : memref<1x100xi32, #tpu.memory_space<vmem>> -> memref<100xi32, #tpu.memory_space<vmem>>
      %dma_start3A_650 = arith.constant 0 : i32
      %dma_start3A_651 = arith.constant 0 : i32
      %dma_start3A_652 = tpu.memref_slice %arg3[%dma_start3A_650, %dma_start3A_651] : memref<100000x64xf32, #tpu.memory_space<hbm>> -> memref<100000x64xf32, #tpu.memory_space<hbm>>
      tpu.enqueue_indirect_dma source(%dma_start3A_652 : memref<100000x64xf32, #tpu.memory_space<hbm>>) target(%dma_start3A_646 : memref<100x64xf32, #tpu.memory_space<vmem>>) offsets(%dma_start3A_649 : memref<100xi32, #tpu.memory_space<vmem>>) semaphore(%arg13 : memref<!tpu.dma_semaphore, #tpu.memory_space<semaphore_mem>>)
      %dma_start3A_653 = arith.constant 1 : i32
      %dma_start3A_654 = arith.constant 0 : i32
      %dma_start3A_655 = arith.constant 100 : i32
      %dma_start3A_656 = arith.constant 0 : i32
      %dma_start3A_657 = tpu.memref_slice %arg8[%dma_start3A_654, %dma_start3A_655, %dma_start3A_656] : memref<2x200x64xf32, #tpu.memory_space<vmem>> -> memref<1x100x64xf32, #tpu.memory_space<vmem>>
      %dma_start3A_658 = tpu.memref_squeeze %dma_start3A_657 : memref<1x100x64xf32, #tpu.memory_space<vmem>> -> memref<100x64xf32, #tpu.memory_space<vmem>>
      %dma_start3A_659 = arith.constant 0 : i32
      %dma_start3A_660 = tpu.memref_slice %arg6[%dma_start3A_653, %dma_start3A_659] : memref<4x100xi32, #tpu.memory_space<vmem>> -> memref<1x100xi32, #tpu.memory_space<vmem>>
      %dma_start3A_661 = tpu.memref_squeeze %dma_start3A_660 : memref<1x100xi32, #tpu.memory_space<vmem>> -> memref<100xi32, #tpu.memory_space<vmem>>
      %dma_start3A_662 = arith.constant 0 : i32
      %dma_start3A_663 = arith.constant 0 : i32
      %dma_start3A_664 = tpu.memref_slice %arg3[%dma_start3A_662, %dma_start3A_663] : memref<100000x64xf32, #tpu.memory_space<hbm>> -> memref<100000x64xf32, #tpu.memory_space<hbm>>
      tpu.enqueue_indirect_dma source(%dma_start3A_664 : memref<100000x64xf32, #tpu.memory_space<hbm>>) target(%dma_start3A_658 : memref<100x64xf32, #tpu.memory_space<vmem>>) offsets(%dma_start3A_661 : memref<100xi32, #tpu.memory_space<vmem>>) semaphore(%arg13 : memref<!tpu.dma_semaphore, #tpu.memory_space<semaphore_mem>>)
      %dma_start3A_665 = arith.constant 2 : i32
      %dma_start3A_666 = arith.constant 1 : i32
      %dma_start3A_667 = arith.constant 0 : i32
      %dma_start3A_668 = arith.constant 0 : i32
      %dma_start3A_669 = tpu.memref_slice %arg8[%dma_start3A_666, %dma_start3A_667, %dma_start3A_668] : memref<2x200x64xf32, #tpu.memory_space<vmem>> -> memref<1x100x64xf32, #tpu.memory_space<vmem>>
      %dma_start3A_670 = tpu.memref_squeeze %dma_start3A_669 : memref<1x100x64xf32, #tpu.memory_space<vmem>> -> memref<100x64xf32, #tpu.memory_space<vmem>>
      %dma_start3A_671 = arith.constant 0 : i32
      %dma_start3A_672 = tpu.memref_slice %arg6[%dma_start3A_665, %dma_start3A_671] : memref<4x100xi32, #tpu.memory_space<vmem>> -> memref<1x100xi32, #tpu.memory_space<vmem>>
      %dma_start3A_673 = tpu.memref_squeeze %dma_start3A_672 : memref<1x100xi32, #tpu.memory_space<vmem>> -> memref<100xi32, #tpu.memory_space<vmem>>
      %dma_start3A_674 = arith.constant 0 : i32
      %dma_start3A_675 = arith.constant 0 : i32
      %dma_start3A_676 = tpu.memref_slice %arg3[%dma_start3A_674, %dma_start3A_675] : memref<100000x64xf32, #tpu.memory_space<hbm>> -> memref<100000x64xf32, #tpu.memory_space<hbm>>
      tpu.enqueue_indirect_dma source(%dma_start3A_676 : memref<100000x64xf32, #tpu.memory_space<hbm>>) target(%dma_start3A_670 : memref<100x64xf32, #tpu.memory_space<vmem>>) offsets(%dma_start3A_673 : memref<100xi32, #tpu.memory_space<vmem>>) semaphore(%arg13 : memref<!tpu.dma_semaphore, #tpu.memory_space<semaphore_mem>>)
      %dma_start3A_677 = arith.constant 3 : i32
      %dma_start3A_678 = arith.constant 1 : i32
      %dma_start3A_679 = arith.constant 100 : i32
      %dma_start3A_680 = arith.constant 0 : i32
      %dma_start3A_681 = tpu.memref_slice %arg8[%dma_start3A_678, %dma_start3A_679, %dma_start3A_680] : memref<2x200x64xf32, #tpu.memory_space<vmem>> -> memref<1x100x64xf32, #tpu.memory_space<vmem>>
      %dma_start3A_682 = tpu.memref_squeeze %dma_start3A_681 : memref<1x100x64xf32, #tpu.memory_space<vmem>> -> memref<100x64xf32, #tpu.memory_space<vmem>>
      %dma_start3A_683 = arith.constant 0 : i32
      %dma_start3A_684 = tpu.memref_slice %arg6[%dma_start3A_677, %dma_start3A_683] : memref<4x100xi32, #tpu.memory_space<vmem>> -> memref<1x100xi32, #tpu.memory_space<vmem>>
      %dma_start3A_685 = tpu.memref_squeeze %dma_start3A_684 : memref<1x100xi32, #tpu.memory_space<vmem>> -> memref<100xi32, #tpu.memory_space<vmem>>
      %dma_start3A_686 = arith.constant 0 : i32
      %dma_start3A_687 = arith.constant 0 : i32
      %dma_start3A_688 = tpu.memref_slice %arg3[%dma_start3A_686, %dma_start3A_687] : memref<100000x64xf32, #tpu.memory_space<hbm>> -> memref<100000x64xf32, #tpu.memory_space<hbm>>
      tpu.enqueue_indirect_dma source(%dma_start3A_688 : memref<100000x64xf32, #tpu.memory_space<hbm>>) target(%dma_start3A_682 : memref<100x64xf32, #tpu.memory_space<vmem>>) offsets(%dma_start3A_685 : memref<100xi32, #tpu.memory_space<vmem>>) semaphore(%arg13 : memref<!tpu.dma_semaphore, #tpu.memory_space<semaphore_mem>>)
      %dma_wait3A_689 = arith.constant 0 : i32
      %dma_wait3A_690 = arith.constant 0 : i32
      %dma_wait3A_691 = arith.constant 0 : i32
      %dma_wait3A_692 = arith.constant 0 : i32
      %dma_wait3A_693 = tpu.memref_slice %arg9[%dma_wait3A_690, %dma_wait3A_691, %dma_wait3A_692] : memref<2x200x64xf32, #tpu.memory_space<vmem>> -> memref<1x100x64xf32, #tpu.memory_space<vmem>>
      %dma_wait3A_694 = tpu.memref_squeeze %dma_wait3A_693 : memref<1x100x64xf32, #tpu.memory_space<vmem>> -> memref<100x64xf32, #tpu.memory_space<vmem>>
      %dma_wait3A_695 = arith.constant 0 : i32
      %dma_wait3A_696 = tpu.memref_slice %arg7[%dma_wait3A_689, %dma_wait3A_695] : memref<4x100xi32, #tpu.memory_space<vmem>> -> memref<1x100xi32, #tpu.memory_space<vmem>>
      %dma_wait3A_697 = tpu.memref_squeeze %dma_wait3A_696 : memref<1x100xi32, #tpu.memory_space<vmem>> -> memref<100xi32, #tpu.memory_space<vmem>>
      %dma_wait3A_698 = arith.constant 0 : i32
      %dma_wait3A_699 = arith.constant 0 : i32
      %dma_wait3A_700 = tpu.memref_slice %arg3[%dma_wait3A_698, %dma_wait3A_699] : memref<100000x64xf32, #tpu.memory_space<hbm>> -> memref<100000x64xf32, #tpu.memory_space<hbm>>
      tpu.wait_indirect_dma semaphore(%arg14 : memref<!tpu.dma_semaphore, #tpu.memory_space<semaphore_mem>>) src(%dma_wait3A_700 : memref<100000x64xf32, #tpu.memory_space<hbm>>) dst(%dma_wait3A_694 : memref<100x64xf32, #tpu.memory_space<vmem>>)
      %dma_wait3A_701 = arith.constant 1 : i32
      %dma_wait3A_702 = arith.constant 0 : i32
      %dma_wait3A_703 = arith.constant 100 : i32
      %dma_wait3A_704 = arith.constant 0 : i32
      %dma_wait3A_705 = tpu.memref_slice %arg9[%dma_wait3A_702, %dma_wait3A_703, %dma_wait3A_704] : memref<2x200x64xf32, #tpu.memory_space<vmem>> -> memref<1x100x64xf32, #tpu.memory_space<vmem>>
      %dma_wait3A_706 = tpu.memref_squeeze %dma_wait3A_705 : memref<1x100x64xf32, #tpu.memory_space<vmem>> -> memref<100x64xf32, #tpu.memory_space<vmem>>
      %dma_wait3A_707 = arith.constant 0 : i32
      %dma_wait3A_708 = tpu.memref_slice %arg7[%dma_wait3A_701, %dma_wait3A_707] : memref<4x100xi32, #tpu.memory_space<vmem>> -> memref<1x100xi32, #tpu.memory_space<vmem>>
      %dma_wait3A_709 = tpu.memref_squeeze %dma_wait3A_708 : memref<1x100xi32, #tpu.memory_space<vmem>> -> memref<100xi32, #tpu.memory_space<vmem>>
      %dma_wait3A_710 = arith.constant 0 : i32
      %dma_wait3A_711 = arith.constant 0 : i32
      %dma_wait3A_712 = tpu.memref_slice %arg3[%dma_wait3A_710, %dma_wait3A_711] : memref<100000x64xf32, #tpu.memory_space<hbm>> -> memref<100000x64xf32, #tpu.memory_space<hbm>>
      tpu.wait_indirect_dma semaphore(%arg14 : memref<!tpu.dma_semaphore, #tpu.memory_space<semaphore_mem>>) src(%dma_wait3A_712 : memref<100000x64xf32, #tpu.memory_space<hbm>>) dst(%dma_wait3A_706 : memref<100x64xf32, #tpu.memory_space<vmem>>)
      %dma_wait3A_713 = arith.constant 2 : i32
      %dma_wait3A_714 = arith.constant 1 : i32
      %dma_wait3A_715 = arith.constant 0 : i32
      %dma_wait3A_716 = arith.constant 0 : i32
      %dma_wait3A_717 = tpu.memref_slice %arg9[%dma_wait3A_714, %dma_wait3A_715, %dma_wait3A_716] : memref<2x200x64xf32, #tpu.memory_space<vmem>> -> memref<1x100x64xf32, #tpu.memory_space<vmem>>
      %dma_wait3A_718 = tpu.memref_squeeze %dma_wait3A_717 : memref<1x100x64xf32, #tpu.memory_space<vmem>> -> memref<100x64xf32, #tpu.memory_space<vmem>>
      %dma_wait3A_719 = arith.constant 0 : i32
      %dma_wait3A_720 = tpu.memref_slice %arg7[%dma_wait3A_713, %dma_wait3A_719] : memref<4x100xi32, #tpu.memory_space<vmem>> -> memref<1x100xi32, #tpu.memory_space<vmem>>
      %dma_wait3A_721 = tpu.memref_squeeze %dma_wait3A_720 : memref<1x100xi32, #tpu.memory_space<vmem>> -> memref<100xi32, #tpu.memory_space<vmem>>
      %dma_wait3A_722 = arith.constant 0 : i32
      %dma_wait3A_723 = arith.constant 0 : i32
      %dma_wait3A_724 = tpu.memref_slice %arg3[%dma_wait3A_722, %dma_wait3A_723] : memref<100000x64xf32, #tpu.memory_space<hbm>> -> memref<100000x64xf32, #tpu.memory_space<hbm>>
      tpu.wait_indirect_dma semaphore(%arg14 : memref<!tpu.dma_semaphore, #tpu.memory_space<semaphore_mem>>) src(%dma_wait3A_724 : memref<100000x64xf32, #tpu.memory_space<hbm>>) dst(%dma_wait3A_718 : memref<100x64xf32, #tpu.memory_space<vmem>>)
      %dma_wait3A_725 = arith.constant 3 : i32
      %dma_wait3A_726 = arith.constant 1 : i32
      %dma_wait3A_727 = arith.constant 100 : i32
      %dma_wait3A_728 = arith.constant 0 : i32
      %dma_wait3A_729 = tpu.memref_slice %arg9[%dma_wait3A_726, %dma_wait3A_727, %dma_wait3A_728] : memref<2x200x64xf32, #tpu.memory_space<vmem>> -> memref<1x100x64xf32, #tpu.memory_space<vmem>>
      %dma_wait3A_730 = tpu.memref_squeeze %dma_wait3A_729 : memref<1x100x64xf32, #tpu.memory_space<vmem>> -> memref<100x64xf32, #tpu.memory_space<vmem>>
      %dma_wait3A_731 = arith.constant 0 : i32
      %dma_wait3A_732 = tpu.memref_slice %arg7[%dma_wait3A_725, %dma_wait3A_731] : memref<4x100xi32, #tpu.memory_space<vmem>> -> memref<1x100xi32, #tpu.memory_space<vmem>>
      %dma_wait3A_733 = tpu.memref_squeeze %dma_wait3A_732 : memref<1x100xi32, #tpu.memory_space<vmem>> -> memref<100xi32, #tpu.memory_space<vmem>>
      %dma_wait3A_734 = arith.constant 0 : i32
      %dma_wait3A_735 = arith.constant 0 : i32
      %dma_wait3A_736 = tpu.memref_slice %arg3[%dma_wait3A_734, %dma_wait3A_735] : memref<100000x64xf32, #tpu.memory_space<hbm>> -> memref<100000x64xf32, #tpu.memory_space<hbm>>
      tpu.wait_indirect_dma semaphore(%arg14 : memref<!tpu.dma_semaphore, #tpu.memory_space<semaphore_mem>>) src(%dma_wait3A_736 : memref<100000x64xf32, #tpu.memory_space<hbm>>) dst(%dma_wait3A_730 : memref<100x64xf32, #tpu.memory_space<vmem>>)
      %add3A_737 = arith.constant 3 : i32
      %add3A_738 = arith.addi %mul3A_545, %add3A_737 : i32
      %mul3A_739 = arith.constant 256 : i32
      %mul3A_740 = arith.muli %add3A, %mul3A_739 : i32
      %mul3A_741 = arith.constant 4 : i32
      %mul3A_742 = arith.muli %add3A_738, %mul3A_741 : i32
      %add3A_743 = arith.addi %mul3A_740, %mul3A_742 : i32
      %dma_start3A_744 = arith.constant 0 : i32
      %dma_start3A_745 = tpu.memref_slice %arg2[%add3A_743, %dma_start3A_744] : memref<8192x100xi32, #tpu.memory_space<hbm>> -> memref<4x100xi32, #tpu.memory_space<hbm>>
      %dma_start3A_746 = arith.constant 0 : i32
      %dma_start3A_747 = tpu.memref_slice %arg2[%add3A_743, %dma_start3A_746] : memref<8192x100xi32, #tpu.memory_space<hbm>> -> memref<4x100xi32, #tpu.memory_space<hbm>>
      tpu.enqueue_dma source(%dma_start3A_747 : memref<4x100xi32, #tpu.memory_space<hbm>>) target(%arg7 : memref<4x100xi32, #tpu.memory_space<vmem>>) target_semaphore(%arg18 : memref<!tpu.dma_semaphore, #tpu.memory_space<semaphore_mem>>)
      %add3A_748 = arith.constant 1 : i32
      %add3A_749 = arith.addi %mul3A_545, %add3A_748 : i32
      %mul3A_750 = arith.constant 128 : i32
      %mul3A_751 = arith.muli %add3A, %mul3A_750 : i32
      %mul3A_752 = arith.constant 2 : i32
      %mul3A_753 = arith.muli %add3A_749, %mul3A_752 : i32
      %add3A_754 = arith.addi %mul3A_751, %mul3A_753 : i32
      %dma_wait3A_755 = arith.constant 0 : i32
      %dma_wait3A_756 = arith.constant 0 : i32
      %dma_wait3A_757 = tpu.memref_slice %arg5[%add3A_754, %dma_wait3A_755, %dma_wait3A_756] : memref<4096x104x128xf32, #tpu.memory_space<hbm>> -> memref<2x100x128xf32, #tpu.memory_space<hbm>>
      %dma_wait3A_758 = arith.constant 0 : i32
      %dma_wait3A_759 = arith.constant 0 : i32
      %dma_wait3A_760 = tpu.memref_slice %arg5[%add3A_754, %dma_wait3A_758, %dma_wait3A_759] : memref<4096x104x128xf32, #tpu.memory_space<hbm>> -> memref<2x100x128xf32, #tpu.memory_space<hbm>>
      tpu.wait_dma2 semaphore(%arg16 : memref<!tpu.dma_semaphore, #tpu.memory_space<semaphore_mem>>) src(%arg11 : memref<2x100x128xf32, #tpu.memory_space<vmem>>) dst(%dma_wait3A_760 : memref<2x100x128xf32, #tpu.memory_space<hbm>>)
      %parallel_loop3A_761 = arith.constant 0 : i32
      %parallel_loop3A_762 = arith.constant 100 : i32
      %parallel_loop3A_763 = arith.constant 1 : i32
      scf.for %parallel_loop3A_836 = %parallel_loop3A_761 to %parallel_loop3A_762 step %parallel_loop3A_763  : i32 {
        %parallel_loop3A_837 = arith.constant 2 : i32
        %parallel_loop3A_838 = arith.muli %parallel_loop3A_837, %parallel_loop3A_836 : i32
        %parallel_loop3A_839 = arith.constant 0 : i32
        %parallel_loop3A_840 = arith.addi %parallel_loop3A_838, %parallel_loop3A_839 : i32
        %parallel_loop3A_841 = arith.index_cast %parallel_loop3A_840 : i32 to index
        %parallel_loop3A_842 = arith.constant 0 : index
        %parallel_loop3A_843 = tpu.vector_load %arg12[%parallel_loop3A_841, %parallel_loop3A_842] {strides = array<i32>} : memref<200x64xf32, #tpu.memory_space<vmem>>, vector<1x16xf32>,
        %parallel_loop3A_844 = vector.shape_cast %parallel_loop3A_843 : vector<1x16xf32> to vector<16xf32>
        %parallel_loop3A_845 = arith.constant 0 : i32
        %parallel_loop3A_846 = arith.index_cast %parallel_loop3A_845 : i32 to index
        %parallel_loop3A_847 = arith.index_cast %parallel_loop3A_840 : i32 to index
        %parallel_loop3A_848 = arith.constant 0 : index
        %parallel_loop3A_849 = tpu.vector_load %arg9[%parallel_loop3A_846, %parallel_loop3A_847, %parallel_loop3A_848] {strides = array<i32>} : memref<2x200x64xf32, #tpu.memory_space<vmem>>, vector<1x1x16xf32>,
        %parallel_loop3A_850 = vector.shape_cast %parallel_loop3A_849 : vector<1x1x16xf32> to vector<16xf32>
        %parallel_loop3A_851 = arith.addf %parallel_loop3A_850, %parallel_loop3A_844 : vector<16xf32>
        %parallel_loop3A_852 = arith.constant 0 : i32
        %parallel_loop3A_853 = arith.index_cast %parallel_loop3A_852 : i32 to index
        %parallel_loop3A_854 = arith.index_cast %parallel_loop3A_836 : i32 to index
        %parallel_loop3A_855 = arith.constant 0 : index
        %parallel_loop3A_856 = tpu.vector_load %arg11[%parallel_loop3A_853, %parallel_loop3A_854, %parallel_loop3A_855] {strides = array<i32>} : memref<2x100x128xf32, #tpu.memory_space<vmem>>, vector<1x1x16xf32>,
        %parallel_loop3A_857 = vector.shape_cast %parallel_loop3A_856 : vector<1x1x16xf32> to vector<16xf32>
        %parallel_loop3A_858 = vector.shape_cast %parallel_loop3A_851 : vector<16xf32> to vector<1x1x16xf32>
        tpu.vector_store %arg11[%parallel_loop3A_853, %parallel_loop3A_854, %parallel_loop3A_855], %parallel_loop3A_858 {strides = array<i32>} : memref<2x100x128xf32, #tpu.memory_space<vmem>>, vector<1x1x16xf32>,
        %parallel_loop3A_859 = arith.constant 1 : i32
        %parallel_loop3A_860 = arith.index_cast %parallel_loop3A_859 : i32 to index
        %parallel_loop3A_861 = arith.index_cast %parallel_loop3A_840 : i32 to index
        %parallel_loop3A_862 = arith.constant 0 : index
        %parallel_loop3A_863 = tpu.vector_load %arg9[%parallel_loop3A_860, %parallel_loop3A_861, %parallel_loop3A_862] {strides = array<i32>} : memref<2x200x64xf32, #tpu.memory_space<vmem>>, vector<1x1x16xf32>,
        %parallel_loop3A_864 = vector.shape_cast %parallel_loop3A_863 : vector<1x1x16xf32> to vector<16xf32>
        %parallel_loop3A_865 = arith.addf %parallel_loop3A_864, %parallel_loop3A_844 : vector<16xf32>
        %parallel_loop3A_866 = arith.constant 1 : i32
        %parallel_loop3A_867 = arith.index_cast %parallel_loop3A_866 : i32 to index
        %parallel_loop3A_868 = arith.index_cast %parallel_loop3A_836 : i32 to index
        %parallel_loop3A_869 = arith.constant 0 : index
        %parallel_loop3A_870 = tpu.vector_load %arg11[%parallel_loop3A_867, %parallel_loop3A_868, %parallel_loop3A_869] {strides = array<i32>} : memref<2x100x128xf32, #tpu.memory_space<vmem>>, vector<1x1x16xf32>,
        %parallel_loop3A_871 = vector.shape_cast %parallel_loop3A_870 : vector<1x1x16xf32> to vector<16xf32>
        %parallel_loop3A_872 = vector.shape_cast %parallel_loop3A_865 : vector<16xf32> to vector<1x1x16xf32>
        tpu.vector_store %arg11[%parallel_loop3A_867, %parallel_loop3A_868, %parallel_loop3A_869], %parallel_loop3A_872 {strides = array<i32>} : memref<2x100x128xf32, #tpu.memory_space<vmem>>, vector<1x1x16xf32>,
        %parallel_loop3A_873 = arith.index_cast %parallel_loop3A_840 : i32 to index
        %parallel_loop3A_874 = arith.constant 16 : index
        %parallel_loop3A_875 = tpu.vector_load %arg12[%parallel_loop3A_873, %parallel_loop3A_874] {strides = array<i32>} : memref<200x64xf32, #tpu.memory_space<vmem>>, vector<1x16xf32>,
        %parallel_loop3A_876 = vector.shape_cast %parallel_loop3A_875 : vector<1x16xf32> to vector<16xf32>
        %parallel_loop3A_877 = arith.constant 0 : i32
        %parallel_loop3A_878 = arith.index_cast %parallel_loop3A_877 : i32 to index
        %parallel_loop3A_879 = arith.index_cast %parallel_loop3A_840 : i32 to index
        %parallel_loop3A_880 = arith.constant 16 : index
        %parallel_loop3A_881 = tpu.vector_load %arg9[%parallel_loop3A_878, %parallel_loop3A_879, %parallel_loop3A_880] {strides = array<i32>} : memref<2x200x64xf32, #tpu.memory_space<vmem>>, vector<1x1x16xf32>,
        %parallel_loop3A_882 = vector.shape_cast %parallel_loop3A_881 : vector<1x1x16xf32> to vector<16xf32>
        %parallel_loop3A_883 = arith.addf %parallel_loop3A_882, %parallel_loop3A_876 : vector<16xf32>
        %parallel_loop3A_884 = arith.constant 0 : i32
        %parallel_loop3A_885 = arith.index_cast %parallel_loop3A_884 : i32 to index
        %parallel_loop3A_886 = arith.index_cast %parallel_loop3A_836 : i32 to index
        %parallel_loop3A_887 = arith.constant 16 : index
        %parallel_loop3A_888 = tpu.vector_load %arg11[%parallel_loop3A_885, %parallel_loop3A_886, %parallel_loop3A_887] {strides = array<i32>} : memref<2x100x128xf32, #tpu.memory_space<vmem>>, vector<1x1x16xf32>,
        %parallel_loop3A_889 = vector.shape_cast %parallel_loop3A_888 : vector<1x1x16xf32> to vector<16xf32>
        %parallel_loop3A_890 = vector.shape_cast %parallel_loop3A_883 : vector<16xf32> to vector<1x1x16xf32>
        tpu.vector_store %arg11[%parallel_loop3A_885, %parallel_loop3A_886, %parallel_loop3A_887], %parallel_loop3A_890 {strides = array<i32>} : memref<2x100x128xf32, #tpu.memory_space<vmem>>, vector<1x1x16xf32>,
        %parallel_loop3A_891 = arith.constant 1 : i32
        %parallel_loop3A_892 = arith.index_cast %parallel_loop3A_891 : i32 to index
        %parallel_loop3A_893 = arith.index_cast %parallel_loop3A_840 : i32 to index
        %parallel_loop3A_894 = arith.constant 16 : index
        %parallel_loop3A_895 = tpu.vector_load %arg9[%parallel_loop3A_892, %parallel_loop3A_893, %parallel_loop3A_894] {strides = array<i32>} : memref<2x200x64xf32, #tpu.memory_space<vmem>>, vector<1x1x16xf32>,
        %parallel_loop3A_896 = vector.shape_cast %parallel_loop3A_895 : vector<1x1x16xf32> to vector<16xf32>
        %parallel_loop3A_897 = arith.addf %parallel_loop3A_896, %parallel_loop3A_876 : vector<16xf32>
        %parallel_loop3A_898 = arith.constant 1 : i32
        %parallel_loop3A_899 = arith.index_cast %parallel_loop3A_898 : i32 to index
        %parallel_loop3A_900 = arith.index_cast %parallel_loop3A_836 : i32 to index
        %parallel_loop3A_901 = arith.constant 16 : index
        %parallel_loop3A_902 = tpu.vector_load %arg11[%parallel_loop3A_899, %parallel_loop3A_900, %parallel_loop3A_901] {strides = array<i32>} : memref<2x100x128xf32, #tpu.memory_space<vmem>>, vector<1x1x16xf32>,
        %parallel_loop3A_903 = vector.shape_cast %parallel_loop3A_902 : vector<1x1x16xf32> to vector<16xf32>
        %parallel_loop3A_904 = vector.shape_cast %parallel_loop3A_897 : vector<16xf32> to vector<1x1x16xf32>
        tpu.vector_store %arg11[%parallel_loop3A_899, %parallel_loop3A_900, %parallel_loop3A_901], %parallel_loop3A_904 {strides = array<i32>} : memref<2x100x128xf32, #tpu.memory_space<vmem>>, vector<1x1x16xf32>,
        %parallel_loop3A_905 = arith.index_cast %parallel_loop3A_840 : i32 to index
        %parallel_loop3A_906 = arith.constant 32 : index
        %parallel_loop3A_907 = tpu.vector_load %arg12[%parallel_loop3A_905, %parallel_loop3A_906] {strides = array<i32>} : memref<200x64xf32, #tpu.memory_space<vmem>>, vector<1x16xf32>,
        %parallel_loop3A_908 = vector.shape_cast %parallel_loop3A_907 : vector<1x16xf32> to vector<16xf32>
        %parallel_loop3A_909 = arith.constant 0 : i32
        %parallel_loop3A_910 = arith.index_cast %parallel_loop3A_909 : i32 to index
        %parallel_loop3A_911 = arith.index_cast %parallel_loop3A_840 : i32 to index
        %parallel_loop3A_912 = arith.constant 32 : index
        %parallel_loop3A_913 = tpu.vector_load %arg9[%parallel_loop3A_910, %parallel_loop3A_911, %parallel_loop3A_912] {strides = array<i32>} : memref<2x200x64xf32, #tpu.memory_space<vmem>>, vector<1x1x16xf32>,
        %parallel_loop3A_914 = vector.shape_cast %parallel_loop3A_913 : vector<1x1x16xf32> to vector<16xf32>
        %parallel_loop3A_915 = arith.addf %parallel_loop3A_914, %parallel_loop3A_908 : vector<16xf32>
        %parallel_loop3A_916 = arith.constant 0 : i32
        %parallel_loop3A_917 = arith.index_cast %parallel_loop3A_916 : i32 to index
        %parallel_loop3A_918 = arith.index_cast %parallel_loop3A_836 : i32 to index
        %parallel_loop3A_919 = arith.constant 32 : index
        %parallel_loop3A_920 = tpu.vector_load %arg11[%parallel_loop3A_917, %parallel_loop3A_918, %parallel_loop3A_919] {strides = array<i32>} : memref<2x100x128xf32, #tpu.memory_space<vmem>>, vector<1x1x16xf32>,
        %parallel_loop3A_921 = vector.shape_cast %parallel_loop3A_920 : vector<1x1x16xf32> to vector<16xf32>
        %parallel_loop3A_922 = vector.shape_cast %parallel_loop3A_915 : vector<16xf32> to vector<1x1x16xf32>
        tpu.vector_store %arg11[%parallel_loop3A_917, %parallel_loop3A_918, %parallel_loop3A_919], %parallel_loop3A_922 {strides = array<i32>} : memref<2x100x128xf32, #tpu.memory_space<vmem>>, vector<1x1x16xf32>,
        %parallel_loop3A_923 = arith.constant 1 : i32
        %parallel_loop3A_924 = arith.index_cast %parallel_loop3A_923 : i32 to index
        %parallel_loop3A_925 = arith.index_cast %parallel_loop3A_840 : i32 to index
        %parallel_loop3A_926 = arith.constant 32 : index
        %parallel_loop3A_927 = tpu.vector_load %arg9[%parallel_loop3A_924, %parallel_loop3A_925, %parallel_loop3A_926] {strides = array<i32>} : memref<2x200x64xf32, #tpu.memory_space<vmem>>, vector<1x1x16xf32>,
        %parallel_loop3A_928 = vector.shape_cast %parallel_loop3A_927 : vector<1x1x16xf32> to vector<16xf32>
        %parallel_loop3A_929 = arith.addf %parallel_loop3A_928, %parallel_loop3A_908 : vector<16xf32>
        %parallel_loop3A_930 = arith.constant 1 : i32
        %parallel_loop3A_931 = arith.index_cast %parallel_loop3A_930 : i32 to index
        %parallel_loop3A_932 = arith.index_cast %parallel_loop3A_836 : i32 to index
        %parallel_loop3A_933 = arith.constant 32 : index
        %parallel_loop3A_934 = tpu.vector_load %arg11[%parallel_loop3A_931, %parallel_loop3A_932, %parallel_loop3A_933] {strides = array<i32>} : memref<2x100x128xf32, #tpu.memory_space<vmem>>, vector<1x1x16xf32>,
        %parallel_loop3A_935 = vector.shape_cast %parallel_loop3A_934 : vector<1x1x16xf32> to vector<16xf32>
        %parallel_loop3A_936 = vector.shape_cast %parallel_loop3A_929 : vector<16xf32> to vector<1x1x16xf32>
        tpu.vector_store %arg11[%parallel_loop3A_931, %parallel_loop3A_932, %parallel_loop3A_933], %parallel_loop3A_936 {strides = array<i32>} : memref<2x100x128xf32, #tpu.memory_space<vmem>>, vector<1x1x16xf32>,
        %parallel_loop3A_937 = arith.index_cast %parallel_loop3A_840 : i32 to index
        %parallel_loop3A_938 = arith.constant 48 : index
        %parallel_loop3A_939 = tpu.vector_load %arg12[%parallel_loop3A_937, %parallel_loop3A_938] {strides = array<i32>} : memref<200x64xf32, #tpu.memory_space<vmem>>, vector<1x16xf32>,
        %parallel_loop3A_940 = vector.shape_cast %parallel_loop3A_939 : vector<1x16xf32> to vector<16xf32>
        %parallel_loop3A_941 = arith.constant 0 : i32
        %parallel_loop3A_942 = arith.index_cast %parallel_loop3A_941 : i32 to index
        %parallel_loop3A_943 = arith.index_cast %parallel_loop3A_840 : i32 to index
        %parallel_loop3A_944 = arith.constant 48 : index
        %parallel_loop3A_945 = tpu.vector_load %arg9[%parallel_loop3A_942, %parallel_loop3A_943, %parallel_loop3A_944] {strides = array<i32>} : memref<2x200x64xf32, #tpu.memory_space<vmem>>, vector<1x1x16xf32>,
        %parallel_loop3A_946 = vector.shape_cast %parallel_loop3A_945 : vector<1x1x16xf32> to vector<16xf32>
        %parallel_loop3A_947 = arith.addf %parallel_loop3A_946, %parallel_loop3A_940 : vector<16xf32>
        %parallel_loop3A_948 = arith.constant 0 : i32
        %parallel_loop3A_949 = arith.index_cast %parallel_loop3A_948 : i32 to index
        %parallel_loop3A_950 = arith.index_cast %parallel_loop3A_836 : i32 to index
        %parallel_loop3A_951 = arith.constant 48 : index
        %parallel_loop3A_952 = tpu.vector_load %arg11[%parallel_loop3A_949, %parallel_loop3A_950, %parallel_loop3A_951] {strides = array<i32>} : memref<2x100x128xf32, #tpu.memory_space<vmem>>, vector<1x1x16xf32>,
        %parallel_loop3A_953 = vector.shape_cast %parallel_loop3A_952 : vector<1x1x16xf32> to vector<16xf32>
        %parallel_loop3A_954 = vector.shape_cast %parallel_loop3A_947 : vector<16xf32> to vector<1x1x16xf32>
        tpu.vector_store %arg11[%parallel_loop3A_949, %parallel_loop3A_950, %parallel_loop3A_951], %parallel_loop3A_954 {strides = array<i32>} : memref<2x100x128xf32, #tpu.memory_space<vmem>>, vector<1x1x16xf32>,
        %parallel_loop3A_955 = arith.constant 1 : i32
        %parallel_loop3A_956 = arith.index_cast %parallel_loop3A_955 : i32 to index
        %parallel_loop3A_957 = arith.index_cast %parallel_loop3A_840 : i32 to index
        %parallel_loop3A_958 = arith.constant 48 : index
        %parallel_loop3A_959 = tpu.vector_load %arg9[%parallel_loop3A_956, %parallel_loop3A_957, %parallel_loop3A_958] {strides = array<i32>} : memref<2x200x64xf32, #tpu.memory_space<vmem>>, vector<1x1x16xf32>,
        %parallel_loop3A_960 = vector.shape_cast %parallel_loop3A_959 : vector<1x1x16xf32> to vector<16xf32>
        %parallel_loop3A_961 = arith.addf %parallel_loop3A_960, %parallel_loop3A_940 : vector<16xf32>
        %parallel_loop3A_962 = arith.constant 1 : i32
        %parallel_loop3A_963 = arith.index_cast %parallel_loop3A_962 : i32 to index
        %parallel_loop3A_964 = arith.index_cast %parallel_loop3A_836 : i32 to index
        %parallel_loop3A_965 = arith.constant 48 : index
        %parallel_loop3A_966 = tpu.vector_load %arg11[%parallel_loop3A_963, %parallel_loop3A_964, %parallel_loop3A_965] {strides = array<i32>} : memref<2x100x128xf32, #tpu.memory_space<vmem>>, vector<1x1x16xf32>,
        %parallel_loop3A_967 = vector.shape_cast %parallel_loop3A_966 : vector<1x1x16xf32> to vector<16xf32>
        %parallel_loop3A_968 = vector.shape_cast %parallel_loop3A_961 : vector<16xf32> to vector<1x1x16xf32>
        tpu.vector_store %arg11[%parallel_loop3A_963, %parallel_loop3A_964, %parallel_loop3A_965], %parallel_loop3A_968 {strides = array<i32>} : memref<2x100x128xf32, #tpu.memory_space<vmem>>, vector<1x1x16xf32>,
        %parallel_loop3A_969 = arith.constant 2 : i32
        %parallel_loop3A_970 = arith.muli %parallel_loop3A_969, %parallel_loop3A_836 : i32
        %parallel_loop3A_971 = arith.constant 1 : i32
        %parallel_loop3A_972 = arith.addi %parallel_loop3A_970, %parallel_loop3A_971 : i32
        %parallel_loop3A_973 = arith.index_cast %parallel_loop3A_972 : i32 to index
        %parallel_loop3A_974 = arith.constant 0 : index
        %parallel_loop3A_975 = tpu.vector_load %arg12[%parallel_loop3A_973, %parallel_loop3A_974] {strides = array<i32>} : memref<200x64xf32, #tpu.memory_space<vmem>>, vector<1x16xf32>,
        %parallel_loop3A_976 = vector.shape_cast %parallel_loop3A_975 : vector<1x16xf32> to vector<16xf32>
        %parallel_loop3A_977 = arith.constant 0 : i32
        %parallel_loop3A_978 = arith.index_cast %parallel_loop3A_977 : i32 to index
        %parallel_loop3A_979 = arith.index_cast %parallel_loop3A_972 : i32 to index
        %parallel_loop3A_980 = arith.constant 0 : index
        %parallel_loop3A_981 = tpu.vector_load %arg9[%parallel_loop3A_978, %parallel_loop3A_979, %parallel_loop3A_980] {strides = array<i32>} : memref<2x200x64xf32, #tpu.memory_space<vmem>>, vector<1x1x16xf32>,
        %parallel_loop3A_982 = vector.shape_cast %parallel_loop3A_981 : vector<1x1x16xf32> to vector<16xf32>
        %parallel_loop3A_983 = arith.addf %parallel_loop3A_982, %parallel_loop3A_976 : vector<16xf32>
        %parallel_loop3A_984 = arith.constant 0 : i32
        %parallel_loop3A_985 = arith.index_cast %parallel_loop3A_984 : i32 to index
        %parallel_loop3A_986 = arith.index_cast %parallel_loop3A_836 : i32 to index
        %parallel_loop3A_987 = arith.constant 64 : index
        %parallel_loop3A_988 = tpu.vector_load %arg11[%parallel_loop3A_985, %parallel_loop3A_986, %parallel_loop3A_987] {strides = array<i32>} : memref<2x100x128xf32, #tpu.memory_space<vmem>>, vector<1x1x16xf32>,
        %parallel_loop3A_989 = vector.shape_cast %parallel_loop3A_988 : vector<1x1x16xf32> to vector<16xf32>
        %parallel_loop3A_990 = vector.shape_cast %parallel_loop3A_983 : vector<16xf32> to vector<1x1x16xf32>
        tpu.vector_store %arg11[%parallel_loop3A_985, %parallel_loop3A_986, %parallel_loop3A_987], %parallel_loop3A_990 {strides = array<i32>} : memref<2x100x128xf32, #tpu.memory_space<vmem>>, vector<1x1x16xf32>,
        %parallel_loop3A_991 = arith.constant 1 : i32
        %parallel_loop3A_992 = arith.index_cast %parallel_loop3A_991 : i32 to index
        %parallel_loop3A_993 = arith.index_cast %parallel_loop3A_972 : i32 to index
        %parallel_loop3A_994 = arith.constant 0 : index
        %parallel_loop3A_995 = tpu.vector_load %arg9[%parallel_loop3A_992, %parallel_loop3A_993, %parallel_loop3A_994] {strides = array<i32>} : memref<2x200x64xf32, #tpu.memory_space<vmem>>, vector<1x1x16xf32>,
        %parallel_loop3A_996 = vector.shape_cast %parallel_loop3A_995 : vector<1x1x16xf32> to vector<16xf32>
        %parallel_loop3A_997 = arith.addf %parallel_loop3A_996, %parallel_loop3A_976 : vector<16xf32>
        %parallel_loop3A_998 = arith.constant 1 : i32
        %parallel_loop3A_999 = arith.index_cast %parallel_loop3A_998 : i32 to index
        %parallel_loop3A_1000 = arith.index_cast %parallel_loop3A_836 : i32 to index
        %parallel_loop3A_1001 = arith.constant 64 : index
        %parallel_loop3A_1002 = tpu.vector_load %arg11[%parallel_loop3A_999, %parallel_loop3A_1000, %parallel_loop3A_1001] {strides = array<i32>} : memref<2x100x128xf32, #tpu.memory_space<vmem>>, vector<1x1x16xf32>,
        %parallel_loop3A_1003 = vector.shape_cast %parallel_loop3A_1002 : vector<1x1x16xf32> to vector<16xf32>
        %parallel_loop3A_1004 = vector.shape_cast %parallel_loop3A_997 : vector<16xf32> to vector<1x1x16xf32>
        tpu.vector_store %arg11[%parallel_loop3A_999, %parallel_loop3A_1000, %parallel_loop3A_1001], %parallel_loop3A_1004 {strides = array<i32>} : memref<2x100x128xf32, #tpu.memory_space<vmem>>, vector<1x1x16xf32>,
        %parallel_loop3A_1005 = arith.index_cast %parallel_loop3A_972 : i32 to index
        %parallel_loop3A_1006 = arith.constant 16 : index
        %parallel_loop3A_1007 = tpu.vector_load %arg12[%parallel_loop3A_1005, %parallel_loop3A_1006] {strides = array<i32>} : memref<200x64xf32, #tpu.memory_space<vmem>>, vector<1x16xf32>,
        %parallel_loop3A_1008 = vector.shape_cast %parallel_loop3A_1007 : vector<1x16xf32> to vector<16xf32>
        %parallel_loop3A_1009 = arith.constant 0 : i32
        %parallel_loop3A_1010 = arith.index_cast %parallel_loop3A_1009 : i32 to index
        %parallel_loop3A_1011 = arith.index_cast %parallel_loop3A_972 : i32 to index
        %parallel_loop3A_1012 = arith.constant 16 : index
        %parallel_loop3A_1013 = tpu.vector_load %arg9[%parallel_loop3A_1010, %parallel_loop3A_1011, %parallel_loop3A_1012] {strides = array<i32>} : memref<2x200x64xf32, #tpu.memory_space<vmem>>, vector<1x1x16xf32>,
        %parallel_loop3A_1014 = vector.shape_cast %parallel_loop3A_1013 : vector<1x1x16xf32> to vector<16xf32>
        %parallel_loop3A_1015 = arith.addf %parallel_loop3A_1014, %parallel_loop3A_1008 : vector<16xf32>
        %parallel_loop3A_1016 = arith.constant 0 : i32
        %parallel_loop3A_1017 = arith.index_cast %parallel_loop3A_1016 : i32 to index
        %parallel_loop3A_1018 = arith.index_cast %parallel_loop3A_836 : i32 to index
        %parallel_loop3A_1019 = arith.constant 80 : index
        %parallel_loop3A_1020 = tpu.vector_load %arg11[%parallel_loop3A_1017, %parallel_loop3A_1018, %parallel_loop3A_1019] {strides = array<i32>} : memref<2x100x128xf32, #tpu.memory_space<vmem>>, vector<1x1x16xf32>,
        %parallel_loop3A_1021 = vector.shape_cast %parallel_loop3A_1020 : vector<1x1x16xf32> to vector<16xf32>
        %parallel_loop3A_1022 = vector.shape_cast %parallel_loop3A_1015 : vector<16xf32> to vector<1x1x16xf32>
        tpu.vector_store %arg11[%parallel_loop3A_1017, %parallel_loop3A_1018, %parallel_loop3A_1019], %parallel_loop3A_1022 {strides = array<i32>} : memref<2x100x128xf32, #tpu.memory_space<vmem>>, vector<1x1x16xf32>,
        %parallel_loop3A_1023 = arith.constant 1 : i32
        %parallel_loop3A_1024 = arith.index_cast %parallel_loop3A_1023 : i32 to index
        %parallel_loop3A_1025 = arith.index_cast %parallel_loop3A_972 : i32 to index
        %parallel_loop3A_1026 = arith.constant 16 : index
        %parallel_loop3A_1027 = tpu.vector_load %arg9[%parallel_loop3A_1024, %parallel_loop3A_1025, %parallel_loop3A_1026] {strides = array<i32>} : memref<2x200x64xf32, #tpu.memory_space<vmem>>, vector<1x1x16xf32>,
        %parallel_loop3A_1028 = vector.shape_cast %parallel_loop3A_1027 : vector<1x1x16xf32> to vector<16xf32>
        %parallel_loop3A_1029 = arith.addf %parallel_loop3A_1028, %parallel_loop3A_1008 : vector<16xf32>
        %parallel_loop3A_1030 = arith.constant 1 : i32
        %parallel_loop3A_1031 = arith.index_cast %parallel_loop3A_1030 : i32 to index
        %parallel_loop3A_1032 = arith.index_cast %parallel_loop3A_836 : i32 to index
        %parallel_loop3A_1033 = arith.constant 80 : index
        %parallel_loop3A_1034 = tpu.vector_load %arg11[%parallel_loop3A_1031, %parallel_loop3A_1032, %parallel_loop3A_1033] {strides = array<i32>} : memref<2x100x128xf32, #tpu.memory_space<vmem>>, vector<1x1x16xf32>,
        %parallel_loop3A_1035 = vector.shape_cast %parallel_loop3A_1034 : vector<1x1x16xf32> to vector<16xf32>
        %parallel_loop3A_1036 = vector.shape_cast %parallel_loop3A_1029 : vector<16xf32> to vector<1x1x16xf32>
        tpu.vector_store %arg11[%parallel_loop3A_1031, %parallel_loop3A_1032, %parallel_loop3A_1033], %parallel_loop3A_1036 {strides = array<i32>} : memref<2x100x128xf32, #tpu.memory_space<vmem>>, vector<1x1x16xf32>,
        %parallel_loop3A_1037 = arith.index_cast %parallel_loop3A_972 : i32 to index
        %parallel_loop3A_1038 = arith.constant 32 : index
        %parallel_loop3A_1039 = tpu.vector_load %arg12[%parallel_loop3A_1037, %parallel_loop3A_1038] {strides = array<i32>} : memref<200x64xf32, #tpu.memory_space<vmem>>, vector<1x16xf32>,
        %parallel_loop3A_1040 = vector.shape_cast %parallel_loop3A_1039 : vector<1x16xf32> to vector<16xf32>
        %parallel_loop3A_1041 = arith.constant 0 : i32
        %parallel_loop3A_1042 = arith.index_cast %parallel_loop3A_1041 : i32 to index
        %parallel_loop3A_1043 = arith.index_cast %parallel_loop3A_972 : i32 to index
        %parallel_loop3A_1044 = arith.constant 32 : index
        %parallel_loop3A_1045 = tpu.vector_load %arg9[%parallel_loop3A_1042, %parallel_loop3A_1043, %parallel_loop3A_1044] {strides = array<i32>} : memref<2x200x64xf32, #tpu.memory_space<vmem>>, vector<1x1x16xf32>,
        %parallel_loop3A_1046 = vector.shape_cast %parallel_loop3A_1045 : vector<1x1x16xf32> to vector<16xf32>
        %parallel_loop3A_1047 = arith.addf %parallel_loop3A_1046, %parallel_loop3A_1040 : vector<16xf32>
        %parallel_loop3A_1048 = arith.constant 0 : i32
        %parallel_loop3A_1049 = arith.index_cast %parallel_loop3A_1048 : i32 to index
        %parallel_loop3A_1050 = arith.index_cast %parallel_loop3A_836 : i32 to index
        %parallel_loop3A_1051 = arith.constant 96 : index
        %parallel_loop3A_1052 = tpu.vector_load %arg11[%parallel_loop3A_1049, %parallel_loop3A_1050, %parallel_loop3A_1051] {strides = array<i32>} : memref<2x100x128xf32, #tpu.memory_space<vmem>>, vector<1x1x16xf32>,
        %parallel_loop3A_1053 = vector.shape_cast %parallel_loop3A_1052 : vector<1x1x16xf32> to vector<16xf32>
        %parallel_loop3A_1054 = vector.shape_cast %parallel_loop3A_1047 : vector<16xf32> to vector<1x1x16xf32>
        tpu.vector_store %arg11[%parallel_loop3A_1049, %parallel_loop3A_1050, %parallel_loop3A_1051], %parallel_loop3A_1054 {strides = array<i32>} : memref<2x100x128xf32, #tpu.memory_space<vmem>>, vector<1x1x16xf32>,
        %parallel_loop3A_1055 = arith.constant 1 : i32
        %parallel_loop3A_1056 = arith.index_cast %parallel_loop3A_1055 : i32 to index
        %parallel_loop3A_1057 = arith.index_cast %parallel_loop3A_972 : i32 to index
        %parallel_loop3A_1058 = arith.constant 32 : index
        %parallel_loop3A_1059 = tpu.vector_load %arg9[%parallel_loop3A_1056, %parallel_loop3A_1057, %parallel_loop3A_1058] {strides = array<i32>} : memref<2x200x64xf32, #tpu.memory_space<vmem>>, vector<1x1x16xf32>,
        %parallel_loop3A_1060 = vector.shape_cast %parallel_loop3A_1059 : vector<1x1x16xf32> to vector<16xf32>
        %parallel_loop3A_1061 = arith.addf %parallel_loop3A_1060, %parallel_loop3A_1040 : vector<16xf32>
        %parallel_loop3A_1062 = arith.constant 1 : i32
        %parallel_loop3A_1063 = arith.index_cast %parallel_loop3A_1062 : i32 to index
        %parallel_loop3A_1064 = arith.index_cast %parallel_loop3A_836 : i32 to index
        %parallel_loop3A_1065 = arith.constant 96 : index
        %parallel_loop3A_1066 = tpu.vector_load %arg11[%parallel_loop3A_1063, %parallel_loop3A_1064, %parallel_loop3A_1065] {strides = array<i32>} : memref<2x100x128xf32, #tpu.memory_space<vmem>>, vector<1x1x16xf32>,
        %parallel_loop3A_1067 = vector.shape_cast %parallel_loop3A_1066 : vector<1x1x16xf32> to vector<16xf32>
        %parallel_loop3A_1068 = vector.shape_cast %parallel_loop3A_1061 : vector<16xf32> to vector<1x1x16xf32>
        tpu.vector_store %arg11[%parallel_loop3A_1063, %parallel_loop3A_1064, %parallel_loop3A_1065], %parallel_loop3A_1068 {strides = array<i32>} : memref<2x100x128xf32, #tpu.memory_space<vmem>>, vector<1x1x16xf32>,
        %parallel_loop3A_1069 = arith.index_cast %parallel_loop3A_972 : i32 to index
        %parallel_loop3A_1070 = arith.constant 48 : index
        %parallel_loop3A_1071 = tpu.vector_load %arg12[%parallel_loop3A_1069, %parallel_loop3A_1070] {strides = array<i32>} : memref<200x64xf32, #tpu.memory_space<vmem>>, vector<1x16xf32>,
        %parallel_loop3A_1072 = vector.shape_cast %parallel_loop3A_1071 : vector<1x16xf32> to vector<16xf32>
        %parallel_loop3A_1073 = arith.constant 0 : i32
        %parallel_loop3A_1074 = arith.index_cast %parallel_loop3A_1073 : i32 to index
        %parallel_loop3A_1075 = arith.index_cast %parallel_loop3A_972 : i32 to index
        %parallel_loop3A_1076 = arith.constant 48 : index
        %parallel_loop3A_1077 = tpu.vector_load %arg9[%parallel_loop3A_1074, %parallel_loop3A_1075, %parallel_loop3A_1076] {strides = array<i32>} : memref<2x200x64xf32, #tpu.memory_space<vmem>>, vector<1x1x16xf32>,
        %parallel_loop3A_1078 = vector.shape_cast %parallel_loop3A_1077 : vector<1x1x16xf32> to vector<16xf32>
        %parallel_loop3A_1079 = arith.addf %parallel_loop3A_1078, %parallel_loop3A_1072 : vector<16xf32>
        %parallel_loop3A_1080 = arith.constant 0 : i32
        %parallel_loop3A_1081 = arith.index_cast %parallel_loop3A_1080 : i32 to index
        %parallel_loop3A_1082 = arith.index_cast %parallel_loop3A_836 : i32 to index
        %parallel_loop3A_1083 = arith.constant 112 : index
        %parallel_loop3A_1084 = tpu.vector_load %arg11[%parallel_loop3A_1081, %parallel_loop3A_1082, %parallel_loop3A_1083] {strides = array<i32>} : memref<2x100x128xf32, #tpu.memory_space<vmem>>, vector<1x1x16xf32>,
        %parallel_loop3A_1085 = vector.shape_cast %parallel_loop3A_1084 : vector<1x1x16xf32> to vector<16xf32>
        %parallel_loop3A_1086 = vector.shape_cast %parallel_loop3A_1079 : vector<16xf32> to vector<1x1x16xf32>
        tpu.vector_store %arg11[%parallel_loop3A_1081, %parallel_loop3A_1082, %parallel_loop3A_1083], %parallel_loop3A_1086 {strides = array<i32>} : memref<2x100x128xf32, #tpu.memory_space<vmem>>, vector<1x1x16xf32>,
        %parallel_loop3A_1087 = arith.constant 1 : i32
        %parallel_loop3A_1088 = arith.index_cast %parallel_loop3A_1087 : i32 to index
        %parallel_loop3A_1089 = arith.index_cast %parallel_loop3A_972 : i32 to index
        %parallel_loop3A_1090 = arith.constant 48 : index
        %parallel_loop3A_1091 = tpu.vector_load %arg9[%parallel_loop3A_1088, %parallel_loop3A_1089, %parallel_loop3A_1090] {strides = array<i32>} : memref<2x200x64xf32, #tpu.memory_space<vmem>>, vector<1x1x16xf32>,
        %parallel_loop3A_1092 = vector.shape_cast %parallel_loop3A_1091 : vector<1x1x16xf32> to vector<16xf32>
        %parallel_loop3A_1093 = arith.addf %parallel_loop3A_1092, %parallel_loop3A_1072 : vector<16xf32>
        %parallel_loop3A_1094 = arith.constant 1 : i32
        %parallel_loop3A_1095 = arith.index_cast %parallel_loop3A_1094 : i32 to index
        %parallel_loop3A_1096 = arith.index_cast %parallel_loop3A_836 : i32 to index
        %parallel_loop3A_1097 = arith.constant 112 : index
        %parallel_loop3A_1098 = tpu.vector_load %arg11[%parallel_loop3A_1095, %parallel_loop3A_1096, %parallel_loop3A_1097] {strides = array<i32>} : memref<2x100x128xf32, #tpu.memory_space<vmem>>, vector<1x1x16xf32>,
        %parallel_loop3A_1099 = vector.shape_cast %parallel_loop3A_1098 : vector<1x1x16xf32> to vector<16xf32>
        %parallel_loop3A_1100 = vector.shape_cast %parallel_loop3A_1093 : vector<16xf32> to vector<1x1x16xf32>
        tpu.vector_store %arg11[%parallel_loop3A_1095, %parallel_loop3A_1096, %parallel_loop3A_1097], %parallel_loop3A_1100 {strides = array<i32>} : memref<2x100x128xf32, #tpu.memory_space<vmem>>, vector<1x1x16xf32>,
      } {sc.loop_unroll_factor = 2 : i64, sc.parallel_access}
      %add3A_764 = arith.constant 1 : i32
      %add3A_765 = arith.addi %mul3A_545, %add3A_764 : i32
      %mul3A_766 = arith.constant 128 : i32
      %mul3A_767 = arith.muli %add3A, %mul3A_766 : i32
      %mul3A_768 = arith.constant 2 : i32
      %mul3A_769 = arith.muli %add3A_765, %mul3A_768 : i32
      %add3A_770 = arith.addi %mul3A_767, %mul3A_769 : i32
      %dma_start3A_771 = arith.constant 0 : i32
      %dma_start3A_772 = arith.constant 0 : i32
      %dma_start3A_773 = tpu.memref_slice %arg5[%add3A_770, %dma_start3A_771, %dma_start3A_772] : memref<4096x104x128xf32, #tpu.memory_space<hbm>> -> memref<2x100x128xf32, #tpu.memory_space<hbm>>
      %dma_start3A_774 = arith.constant 0 : i32
      %dma_start3A_775 = arith.constant 0 : i32
      %dma_start3A_776 = tpu.memref_slice %arg5[%add3A_770, %dma_start3A_774, %dma_start3A_775] : memref<4096x104x128xf32, #tpu.memory_space<hbm>> -> memref<2x100x128xf32, #tpu.memory_space<hbm>>
      tpu.enqueue_dma source(%arg11 : memref<2x100x128xf32, #tpu.memory_space<vmem>>) target(%dma_start3A_776 : memref<2x100x128xf32, #tpu.memory_space<hbm>>) target_semaphore(%arg16 : memref<!tpu.dma_semaphore, #tpu.memory_space<semaphore_mem>>)
      %add3A_777 = arith.constant 3 : i32
      %add3A_778 = arith.addi %mul3A_545, %add3A_777 : i32
      %mul3A_779 = arith.constant 256 : i32
      %mul3A_780 = arith.muli %add3A, %mul3A_779 : i32
      %mul3A_781 = arith.constant 4 : i32
      %mul3A_782 = arith.muli %add3A_778, %mul3A_781 : i32
      %add3A_783 = arith.addi %mul3A_780, %mul3A_782 : i32
      %dma_wait3A_784 = arith.constant 0 : i32
      %dma_wait3A_785 = tpu.memref_slice %arg2[%add3A_783, %dma_wait3A_784] : memref<8192x100xi32, #tpu.memory_space<hbm>> -> memref<4x100xi32, #tpu.memory_space<hbm>>
      %dma_wait3A_786 = arith.constant 0 : i32
      %dma_wait3A_787 = tpu.memref_slice %arg2[%add3A_783, %dma_wait3A_786] : memref<8192x100xi32, #tpu.memory_space<hbm>> -> memref<4x100xi32, #tpu.memory_space<hbm>>
      tpu.wait_dma2 semaphore(%arg18 : memref<!tpu.dma_semaphore, #tpu.memory_space<semaphore_mem>>) src(%dma_wait3A_787 : memref<4x100xi32, #tpu.memory_space<hbm>>) dst(%arg7 : memref<4x100xi32, #tpu.memory_space<vmem>>)
      %dma_start3A_788 = arith.constant 0 : i32
      %dma_start3A_789 = arith.constant 0 : i32
      %dma_start3A_790 = arith.constant 0 : i32
      %dma_start3A_791 = arith.constant 0 : i32
      %dma_start3A_792 = tpu.memref_slice %arg9[%dma_start3A_789, %dma_start3A_790, %dma_start3A_791] : memref<2x200x64xf32, #tpu.memory_space<vmem>> -> memref<1x100x64xf32, #tpu.memory_space<vmem>>
      %dma_start3A_793 = tpu.memref_squeeze %dma_start3A_792 : memref<1x100x64xf32, #tpu.memory_space<vmem>> -> memref<100x64xf32, #tpu.memory_space<vmem>>
      %dma_start3A_794 = arith.constant 0 : i32
      %dma_start3A_795 = tpu.memref_slice %arg7[%dma_start3A_788, %dma_start3A_794] : memref<4x100xi32, #tpu.memory_space<vmem>> -> memref<1x100xi32, #tpu.memory_space<vmem>>
      %dma_start3A_796 = tpu.memref_squeeze %dma_start3A_795 : memref<1x100xi32, #tpu.memory_space<vmem>> -> memref<100xi32, #tpu.memory_space<vmem>>
      %dma_start3A_797 = arith.constant 0 : i32
      %dma_start3A_798 = arith.constant 0 : i32
      %dma_start3A_799 = tpu.memref_slice %arg3[%dma_start3A_797, %dma_start3A_798] : memref<100000x64xf32, #tpu.memory_space<hbm>> -> memref<100000x64xf32, #tpu.memory_space<hbm>>
      tpu.enqueue_indirect_dma source(%dma_start3A_799 : memref<100000x64xf32, #tpu.memory_space<hbm>>) target(%dma_start3A_793 : memref<100x64xf32, #tpu.memory_space<vmem>>) offsets(%dma_start3A_796 : memref<100xi32, #tpu.memory_space<vmem>>) semaphore(%arg14 : memref<!tpu.dma_semaphore, #tpu.memory_space<semaphore_mem>>)
      %dma_start3A_800 = arith.constant 1 : i32
      %dma_start3A_801 = arith.constant 0 : i32
      %dma_start3A_802 = arith.constant 100 : i32
      %dma_start3A_803 = arith.constant 0 : i32
      %dma_start3A_804 = tpu.memref_slice %arg9[%dma_start3A_801, %dma_start3A_802, %dma_start3A_803] : memref<2x200x64xf32, #tpu.memory_space<vmem>> -> memref<1x100x64xf32, #tpu.memory_space<vmem>>
      %dma_start3A_805 = tpu.memref_squeeze %dma_start3A_804 : memref<1x100x64xf32, #tpu.memory_space<vmem>> -> memref<100x64xf32, #tpu.memory_space<vmem>>
      %dma_start3A_806 = arith.constant 0 : i32
      %dma_start3A_807 = tpu.memref_slice %arg7[%dma_start3A_800, %dma_start3A_806] : memref<4x100xi32, #tpu.memory_space<vmem>> -> memref<1x100xi32, #tpu.memory_space<vmem>>
      %dma_start3A_808 = tpu.memref_squeeze %dma_start3A_807 : memref<1x100xi32, #tpu.memory_space<vmem>> -> memref<100xi32, #tpu.memory_space<vmem>>
      %dma_start3A_809 = arith.constant 0 : i32
      %dma_start3A_810 = arith.constant 0 : i32
      %dma_start3A_811 = tpu.memref_slice %arg3[%dma_start3A_809, %dma_start3A_810] : memref<100000x64xf32, #tpu.memory_space<hbm>> -> memref<100000x64xf32, #tpu.memory_space<hbm>>
      tpu.enqueue_indirect_dma source(%dma_start3A_811 : memref<100000x64xf32, #tpu.memory_space<hbm>>) target(%dma_start3A_805 : memref<100x64xf32, #tpu.memory_space<vmem>>) offsets(%dma_start3A_808 : memref<100xi32, #tpu.memory_space<vmem>>) semaphore(%arg14 : memref<!tpu.dma_semaphore, #tpu.memory_space<semaphore_mem>>)
      %dma_start3A_812 = arith.constant 2 : i32
      %dma_start3A_813 = arith.constant 1 : i32
      %dma_start3A_814 = arith.constant 0 : i32
      %dma_start3A_815 = arith.constant 0 : i32
      %dma_start3A_816 = tpu.memref_slice %arg9[%dma_start3A_813, %dma_start3A_814, %dma_start3A_815] : memref<2x200x64xf32, #tpu.memory_space<vmem>> -> memref<1x100x64xf32, #tpu.memory_space<vmem>>
      %dma_start3A_817 = tpu.memref_squeeze %dma_start3A_816 : memref<1x100x64xf32, #tpu.memory_space<vmem>> -> memref<100x64xf32, #tpu.memory_space<vmem>>
      %dma_start3A_818 = arith.constant 0 : i32
      %dma_start3A_819 = tpu.memref_slice %arg7[%dma_start3A_812, %dma_start3A_818] : memref<4x100xi32, #tpu.memory_space<vmem>> -> memref<1x100xi32, #tpu.memory_space<vmem>>
      %dma_start3A_820 = tpu.memref_squeeze %dma_start3A_819 : memref<1x100xi32, #tpu.memory_space<vmem>> -> memref<100xi32, #tpu.memory_space<vmem>>
      %dma_start3A_821 = arith.constant 0 : i32
      %dma_start3A_822 = arith.constant 0 : i32
      %dma_start3A_823 = tpu.memref_slice %arg3[%dma_start3A_821, %dma_start3A_822] : memref<100000x64xf32, #tpu.memory_space<hbm>> -> memref<100000x64xf32, #tpu.memory_space<hbm>>
      tpu.enqueue_indirect_dma source(%dma_start3A_823 : memref<100000x64xf32, #tpu.memory_space<hbm>>) target(%dma_start3A_817 : memref<100x64xf32, #tpu.memory_space<vmem>>) offsets(%dma_start3A_820 : memref<100xi32, #tpu.memory_space<vmem>>) semaphore(%arg14 : memref<!tpu.dma_semaphore, #tpu.memory_space<semaphore_mem>>)
      %dma_start3A_824 = arith.constant 3 : i32
      %dma_start3A_825 = arith.constant 1 : i32
      %dma_start3A_826 = arith.constant 100 : i32
      %dma_start3A_827 = arith.constant 0 : i32
      %dma_start3A_828 = tpu.memref_slice %arg9[%dma_start3A_825, %dma_start3A_826, %dma_start3A_827] : memref<2x200x64xf32, #tpu.memory_space<vmem>> -> memref<1x100x64xf32, #tpu.memory_space<vmem>>
      %dma_start3A_829 = tpu.memref_squeeze %dma_start3A_828 : memref<1x100x64xf32, #tpu.memory_space<vmem>> -> memref<100x64xf32, #tpu.memory_space<vmem>>
      %dma_start3A_830 = arith.constant 0 : i32
      %dma_start3A_831 = tpu.memref_slice %arg7[%dma_start3A_824, %dma_start3A_830] : memref<4x100xi32, #tpu.memory_space<vmem>> -> memref<1x100xi32, #tpu.memory_space<vmem>>
      %dma_start3A_832 = tpu.memref_squeeze %dma_start3A_831 : memref<1x100xi32, #tpu.memory_space<vmem>> -> memref<100xi32, #tpu.memory_space<vmem>>
      %dma_start3A_833 = arith.constant 0 : i32
      %dma_start3A_834 = arith.constant 0 : i32
      %dma_start3A_835 = tpu.memref_slice %arg3[%dma_start3A_833, %dma_start3A_834] : memref<100000x64xf32, #tpu.memory_space<hbm>> -> memref<100000x64xf32, #tpu.memory_space<hbm>>
      tpu.enqueue_indirect_dma source(%dma_start3A_835 : memref<100000x64xf32, #tpu.memory_space<hbm>>) target(%dma_start3A_829 : memref<100x64xf32, #tpu.memory_space<vmem>>) offsets(%dma_start3A_832 : memref<100xi32, #tpu.memory_space<vmem>>) semaphore(%arg14 : memref<!tpu.dma_semaphore, #tpu.memory_space<semaphore_mem>>)
    }
    %scan3A_380 = arith.constant 30 : i32
    %dma_wait3A_381 = arith.constant 0 : i32
    %dma_wait3A_382 = arith.constant 0 : i32
    %dma_wait3A_383 = arith.constant 0 : i32
    %dma_wait3A_384 = arith.constant 0 : i32
    %dma_wait3A_385 = tpu.memref_slice %arg8[%dma_wait3A_382, %dma_wait3A_383, %dma_wait3A_384] : memref<2x200x64xf32, #tpu.memory_space<vmem>> -> memref<1x100x64xf32, #tpu.memory_space<vmem>>
    %dma_wait3A_386 = tpu.memref_squeeze %dma_wait3A_385 : memref<1x100x64xf32, #tpu.memory_space<vmem>> -> memref<100x64xf32, #tpu.memory_space<vmem>>
    %dma_wait3A_387 = arith.constant 0 : i32
    %dma_wait3A_388 = tpu.memref_slice %arg6[%dma_wait3A_381, %dma_wait3A_387] : memref<4x100xi32, #tpu.memory_space<vmem>> -> memref<1x100xi32, #tpu.memory_space<vmem>>
    %dma_wait3A_389 = tpu.memref_squeeze %dma_wait3A_388 : memref<1x100xi32, #tpu.memory_space<vmem>> -> memref<100xi32, #tpu.memory_space<vmem>>
    %dma_wait3A_390 = arith.constant 0 : i32
    %dma_wait3A_391 = arith.constant 0 : i32
    %dma_wait3A_392 = tpu.memref_slice %arg3[%dma_wait3A_390, %dma_wait3A_391] : memref<100000x64xf32, #tpu.memory_space<hbm>> -> memref<100000x64xf32, #tpu.memory_space<hbm>>
    tpu.wait_indirect_dma semaphore(%arg13 : memref<!tpu.dma_semaphore, #tpu.memory_space<semaphore_mem>>) src(%dma_wait3A_392 : memref<100000x64xf32, #tpu.memory_space<hbm>>) dst(%dma_wait3A_386 : memref<100x64xf32, #tpu.memory_space<vmem>>)
    %dma_wait3A_393 = arith.constant 1 : i32
    %dma_wait3A_394 = arith.constant 0 : i32
    %dma_wait3A_395 = arith.constant 100 : i32
    %dma_wait3A_396 = arith.constant 0 : i32
    %dma_wait3A_397 = tpu.memref_slice %arg8[%dma_wait3A_394, %dma_wait3A_395, %dma_wait3A_396] : memref<2x200x64xf32, #tpu.memory_space<vmem>> -> memref<1x100x64xf32, #tpu.memory_space<vmem>>
    %dma_wait3A_398 = tpu.memref_squeeze %dma_wait3A_397 : memref<1x100x64xf32, #tpu.memory_space<vmem>> -> memref<100x64xf32, #tpu.memory_space<vmem>>
    %dma_wait3A_399 = arith.constant 0 : i32
    %dma_wait3A_400 = tpu.memref_slice %arg6[%dma_wait3A_393, %dma_wait3A_399] : memref<4x100xi32, #tpu.memory_space<vmem>> -> memref<1x100xi32, #tpu.memory_space<vmem>>
    %dma_wait3A_401 = tpu.memref_squeeze %dma_wait3A_400 : memref<1x100xi32, #tpu.memory_space<vmem>> -> memref<100xi32, #tpu.memory_space<vmem>>
    %dma_wait3A_402 = arith.constant 0 : i32
    %dma_wait3A_403 = arith.constant 0 : i32
    %dma_wait3A_404 = tpu.memref_slice %arg3[%dma_wait3A_402, %dma_wait3A_403] : memref<100000x64xf32, #tpu.memory_space<hbm>> -> memref<100000x64xf32, #tpu.memory_space<hbm>>
    tpu.wait_indirect_dma semaphore(%arg13 : memref<!tpu.dma_semaphore, #tpu.memory_space<semaphore_mem>>) src(%dma_wait3A_404 : memref<100000x64xf32, #tpu.memory_space<hbm>>) dst(%dma_wait3A_398 : memref<100x64xf32, #tpu.memory_space<vmem>>)
    %dma_wait3A_405 = arith.constant 2 : i32
    %dma_wait3A_406 = arith.constant 1 : i32
    %dma_wait3A_407 = arith.constant 0 : i32
    %dma_wait3A_408 = arith.constant 0 : i32
    %dma_wait3A_409 = tpu.memref_slice %arg8[%dma_wait3A_406, %dma_wait3A_407, %dma_wait3A_408] : memref<2x200x64xf32, #tpu.memory_space<vmem>> -> memref<1x100x64xf32, #tpu.memory_space<vmem>>
    %dma_wait3A_410 = tpu.memref_squeeze %dma_wait3A_409 : memref<1x100x64xf32, #tpu.memory_space<vmem>> -> memref<100x64xf32, #tpu.memory_space<vmem>>
    %dma_wait3A_411 = arith.constant 0 : i32
    %dma_wait3A_412 = tpu.memref_slice %arg6[%dma_wait3A_405, %dma_wait3A_411] : memref<4x100xi32, #tpu.memory_space<vmem>> -> memref<1x100xi32, #tpu.memory_space<vmem>>
    %dma_wait3A_413 = tpu.memref_squeeze %dma_wait3A_412 : memref<1x100xi32, #tpu.memory_space<vmem>> -> memref<100xi32, #tpu.memory_space<vmem>>
    %dma_wait3A_414 = arith.constant 0 : i32
    %dma_wait3A_415 = arith.constant 0 : i32
    %dma_wait3A_416 = tpu.memref_slice %arg3[%dma_wait3A_414, %dma_wait3A_415] : memref<100000x64xf32, #tpu.memory_space<hbm>> -> memref<100000x64xf32, #tpu.memory_space<hbm>>
    tpu.wait_indirect_dma semaphore(%arg13 : memref<!tpu.dma_semaphore, #tpu.memory_space<semaphore_mem>>) src(%dma_wait3A_416 : memref<100000x64xf32, #tpu.memory_space<hbm>>) dst(%dma_wait3A_410 : memref<100x64xf32, #tpu.memory_space<vmem>>)
    %dma_wait3A_417 = arith.constant 3 : i32
    %dma_wait3A_418 = arith.constant 1 : i32
    %dma_wait3A_419 = arith.constant 100 : i32
    %dma_wait3A_420 = arith.constant 0 : i32
    %dma_wait3A_421 = tpu.memref_slice %arg8[%dma_wait3A_418, %dma_wait3A_419, %dma_wait3A_420] : memref<2x200x64xf32, #tpu.memory_space<vmem>> -> memref<1x100x64xf32, #tpu.memory_space<vmem>>
    %dma_wait3A_422 = tpu.memref_squeeze %dma_wait3A_421 : memref<1x100x64xf32, #tpu.memory_space<vmem>> -> memref<100x64xf32, #tpu.memory_space<vmem>>
    %dma_wait3A_423 = arith.constant 0 : i32
    %dma_wait3A_424 = tpu.memref_slice %arg6[%dma_wait3A_417, %dma_wait3A_423] : memref<4x100xi32, #tpu.memory_space<vmem>> -> memref<1x100xi32, #tpu.memory_space<vmem>>
    %dma_wait3A_425 = tpu.memref_squeeze %dma_wait3A_424 : memref<1x100xi32, #tpu.memory_space<vmem>> -> memref<100xi32, #tpu.memory_space<vmem>>
    %dma_wait3A_426 = arith.constant 0 : i32
    %dma_wait3A_427 = arith.constant 0 : i32
    %dma_wait3A_428 = tpu.memref_slice %arg3[%dma_wait3A_426, %dma_wait3A_427] : memref<100000x64xf32, #tpu.memory_space<hbm>> -> memref<100000x64xf32, #tpu.memory_space<hbm>>
    tpu.wait_indirect_dma semaphore(%arg13 : memref<!tpu.dma_semaphore, #tpu.memory_space<semaphore_mem>>) src(%dma_wait3A_428 : memref<100000x64xf32, #tpu.memory_space<hbm>>) dst(%dma_wait3A_422 : memref<100x64xf32, #tpu.memory_space<vmem>>)
    %mul3A_429 = arith.constant 128 : i32
    %mul3A_430 = arith.muli %add3A, %mul3A_429 : i32
    %add3A_431 = arith.constant 124 : i32
    %add3A_432 = arith.addi %mul3A_430, %add3A_431 : i32
    %dma_wait3A_433 = arith.constant 0 : i32
    %dma_wait3A_434 = arith.constant 0 : i32
    %dma_wait3A_435 = tpu.memref_slice %arg5[%add3A_432, %dma_wait3A_433, %dma_wait3A_434] : memref<4096x104x128xf32, #tpu.memory_space<hbm>> -> memref<2x100x128xf32, #tpu.memory_space<hbm>>
    %dma_wait3A_436 = arith.constant 0 : i32
    %dma_wait3A_437 = arith.constant 0 : i32
    %dma_wait3A_438 = tpu.memref_slice %arg5[%add3A_432, %dma_wait3A_436, %dma_wait3A_437] : memref<4096x104x128xf32, #tpu.memory_space<hbm>> -> memref<2x100x128xf32, #tpu.memory_space<hbm>>
    tpu.wait_dma2 semaphore(%arg15 : memref<!tpu.dma_semaphore, #tpu.memory_space<semaphore_mem>>) src(%arg10 : memref<2x100x128xf32, #tpu.memory_space<vmem>>) dst(%dma_wait3A_438 : memref<2x100x128xf32, #tpu.memory_space<hbm>>)
    %parallel_loop3A_439 = arith.constant 0 : i32
    %parallel_loop3A_440 = arith.constant 100 : i32
    %parallel_loop3A_441 = arith.constant 1 : i32
    scf.for %parallel_loop3A_543 = %parallel_loop3A_439 to %parallel_loop3A_440 step %parallel_loop3A_441  : i32 {
      %parallel_loop3A_544 = arith.constant 2 : i32
      %parallel_loop3A_545 = arith.muli %parallel_loop3A_544, %parallel_loop3A_543 : i32
      %parallel_loop3A_546 = arith.constant 0 : i32
      %parallel_loop3A_547 = arith.addi %parallel_loop3A_545, %parallel_loop3A_546 : i32
      %parallel_loop3A_548 = arith.index_cast %parallel_loop3A_547 : i32 to index
      %parallel_loop3A_549 = arith.constant 0 : index
      %parallel_loop3A_550 = tpu.vector_load %arg12[%parallel_loop3A_548, %parallel_loop3A_549] {strides = array<i32>} : memref<200x64xf32, #tpu.memory_space<vmem>>, vector<1x16xf32>,
      %parallel_loop3A_551 = vector.shape_cast %parallel_loop3A_550 : vector<1x16xf32> to vector<16xf32>
      %parallel_loop3A_552 = arith.constant 0 : i32
      %parallel_loop3A_553 = arith.index_cast %parallel_loop3A_552 : i32 to index
      %parallel_loop3A_554 = arith.index_cast %parallel_loop3A_547 : i32 to index
      %parallel_loop3A_555 = arith.constant 0 : index
      %parallel_loop3A_556 = tpu.vector_load %arg8[%parallel_loop3A_553, %parallel_loop3A_554, %parallel_loop3A_555] {strides = array<i32>} : memref<2x200x64xf32, #tpu.memory_space<vmem>>, vector<1x1x16xf32>,
      %parallel_loop3A_557 = vector.shape_cast %parallel_loop3A_556 : vector<1x1x16xf32> to vector<16xf32>
      %parallel_loop3A_558 = arith.addf %parallel_loop3A_557, %parallel_loop3A_551 : vector<16xf32>
      %parallel_loop3A_559 = arith.constant 0 : i32
      %parallel_loop3A_560 = arith.index_cast %parallel_loop3A_559 : i32 to index
      %parallel_loop3A_561 = arith.index_cast %parallel_loop3A_543 : i32 to index
      %parallel_loop3A_562 = arith.constant 0 : index
      %parallel_loop3A_563 = tpu.vector_load %arg10[%parallel_loop3A_560, %parallel_loop3A_561, %parallel_loop3A_562] {strides = array<i32>} : memref<2x100x128xf32, #tpu.memory_space<vmem>>, vector<1x1x16xf32>,
      %parallel_loop3A_564 = vector.shape_cast %parallel_loop3A_563 : vector<1x1x16xf32> to vector<16xf32>
      %parallel_loop3A_565 = vector.shape_cast %parallel_loop3A_558 : vector<16xf32> to vector<1x1x16xf32>
      tpu.vector_store %arg10[%parallel_loop3A_560, %parallel_loop3A_561, %parallel_loop3A_562], %parallel_loop3A_565 {strides = array<i32>} : memref<2x100x128xf32, #tpu.memory_space<vmem>>, vector<1x1x16xf32>,
      %parallel_loop3A_566 = arith.constant 1 : i32
      %parallel_loop3A_567 = arith.index_cast %parallel_loop3A_566 : i32 to index
      %parallel_loop3A_568 = arith.index_cast %parallel_loop3A_547 : i32 to index
      %parallel_loop3A_569 = arith.constant 0 : index
      %parallel_loop3A_570 = tpu.vector_load %arg8[%parallel_loop3A_567, %parallel_loop3A_568, %parallel_loop3A_569] {strides = array<i32>} : memref<2x200x64xf32, #tpu.memory_space<vmem>>, vector<1x1x16xf32>,
      %parallel_loop3A_571 = vector.shape_cast %parallel_loop3A_570 : vector<1x1x16xf32> to vector<16xf32>
      %parallel_loop3A_572 = arith.addf %parallel_loop3A_571, %parallel_loop3A_551 : vector<16xf32>
      %parallel_loop3A_573 = arith.constant 1 : i32
      %parallel_loop3A_574 = arith.index_cast %parallel_loop3A_573 : i32 to index
      %parallel_loop3A_575 = arith.index_cast %parallel_loop3A_543 : i32 to index
      %parallel_loop3A_576 = arith.constant 0 : index
      %parallel_loop3A_577 = tpu.vector_load %arg10[%parallel_loop3A_574, %parallel_loop3A_575, %parallel_loop3A_576] {strides = array<i32>} : memref<2x100x128xf32, #tpu.memory_space<vmem>>, vector<1x1x16xf32>,
      %parallel_loop3A_578 = vector.shape_cast %parallel_loop3A_577 : vector<1x1x16xf32> to vector<16xf32>
      %parallel_loop3A_579 = vector.shape_cast %parallel_loop3A_572 : vector<16xf32> to vector<1x1x16xf32>
      tpu.vector_store %arg10[%parallel_loop3A_574, %parallel_loop3A_575, %parallel_loop3A_576], %parallel_loop3A_579 {strides = array<i32>} : memref<2x100x128xf32, #tpu.memory_space<vmem>>, vector<1x1x16xf32>,
      %parallel_loop3A_580 = arith.index_cast %parallel_loop3A_547 : i32 to index
      %parallel_loop3A_581 = arith.constant 16 : index
      %parallel_loop3A_582 = tpu.vector_load %arg12[%parallel_loop3A_580, %parallel_loop3A_581] {strides = array<i32>} : memref<200x64xf32, #tpu.memory_space<vmem>>, vector<1x16xf32>,
      %parallel_loop3A_583 = vector.shape_cast %parallel_loop3A_582 : vector<1x16xf32> to vector<16xf32>
      %parallel_loop3A_584 = arith.constant 0 : i32
      %parallel_loop3A_585 = arith.index_cast %parallel_loop3A_584 : i32 to index
      %parallel_loop3A_586 = arith.index_cast %parallel_loop3A_547 : i32 to index
      %parallel_loop3A_587 = arith.constant 16 : index
      %parallel_loop3A_588 = tpu.vector_load %arg8[%parallel_loop3A_585, %parallel_loop3A_586, %parallel_loop3A_587] {strides = array<i32>} : memref<2x200x64xf32, #tpu.memory_space<vmem>>, vector<1x1x16xf32>,
      %parallel_loop3A_589 = vector.shape_cast %parallel_loop3A_588 : vector<1x1x16xf32> to vector<16xf32>
      %parallel_loop3A_590 = arith.addf %parallel_loop3A_589, %parallel_loop3A_583 : vector<16xf32>
      %parallel_loop3A_591 = arith.constant 0 : i32
      %parallel_loop3A_592 = arith.index_cast %parallel_loop3A_591 : i32 to index
      %parallel_loop3A_593 = arith.index_cast %parallel_loop3A_543 : i32 to index
      %parallel_loop3A_594 = arith.constant 16 : index
      %parallel_loop3A_595 = tpu.vector_load %arg10[%parallel_loop3A_592, %parallel_loop3A_593, %parallel_loop3A_594] {strides = array<i32>} : memref<2x100x128xf32, #tpu.memory_space<vmem>>, vector<1x1x16xf32>,
      %parallel_loop3A_596 = vector.shape_cast %parallel_loop3A_595 : vector<1x1x16xf32> to vector<16xf32>
      %parallel_loop3A_597 = vector.shape_cast %parallel_loop3A_590 : vector<16xf32> to vector<1x1x16xf32>
      tpu.vector_store %arg10[%parallel_loop3A_592, %parallel_loop3A_593, %parallel_loop3A_594], %parallel_loop3A_597 {strides = array<i32>} : memref<2x100x128xf32, #tpu.memory_space<vmem>>, vector<1x1x16xf32>,
      %parallel_loop3A_598 = arith.constant 1 : i32
      %parallel_loop3A_599 = arith.index_cast %parallel_loop3A_598 : i32 to index
      %parallel_loop3A_600 = arith.index_cast %parallel_loop3A_547 : i32 to index
      %parallel_loop3A_601 = arith.constant 16 : index
      %parallel_loop3A_602 = tpu.vector_load %arg8[%parallel_loop3A_599, %parallel_loop3A_600, %parallel_loop3A_601] {strides = array<i32>} : memref<2x200x64xf32, #tpu.memory_space<vmem>>, vector<1x1x16xf32>,
      %parallel_loop3A_603 = vector.shape_cast %parallel_loop3A_602 : vector<1x1x16xf32> to vector<16xf32>
      %parallel_loop3A_604 = arith.addf %parallel_loop3A_603, %parallel_loop3A_583 : vector<16xf32>
      %parallel_loop3A_605 = arith.constant 1 : i32
      %parallel_loop3A_606 = arith.index_cast %parallel_loop3A_605 : i32 to index
      %parallel_loop3A_607 = arith.index_cast %parallel_loop3A_543 : i32 to index
      %parallel_loop3A_608 = arith.constant 16 : index
      %parallel_loop3A_609 = tpu.vector_load %arg10[%parallel_loop3A_606, %parallel_loop3A_607, %parallel_loop3A_608] {strides = array<i32>} : memref<2x100x128xf32, #tpu.memory_space<vmem>>, vector<1x1x16xf32>,
      %parallel_loop3A_610 = vector.shape_cast %parallel_loop3A_609 : vector<1x1x16xf32> to vector<16xf32>
      %parallel_loop3A_611 = vector.shape_cast %parallel_loop3A_604 : vector<16xf32> to vector<1x1x16xf32>
      tpu.vector_store %arg10[%parallel_loop3A_606, %parallel_loop3A_607, %parallel_loop3A_608], %parallel_loop3A_611 {strides = array<i32>} : memref<2x100x128xf32, #tpu.memory_space<vmem>>, vector<1x1x16xf32>,
      %parallel_loop3A_612 = arith.index_cast %parallel_loop3A_547 : i32 to index
      %parallel_loop3A_613 = arith.constant 32 : index
      %parallel_loop3A_614 = tpu.vector_load %arg12[%parallel_loop3A_612, %parallel_loop3A_613] {strides = array<i32>} : memref<200x64xf32, #tpu.memory_space<vmem>>, vector<1x16xf32>,
      %parallel_loop3A_615 = vector.shape_cast %parallel_loop3A_614 : vector<1x16xf32> to vector<16xf32>
      %parallel_loop3A_616 = arith.constant 0 : i32
      %parallel_loop3A_617 = arith.index_cast %parallel_loop3A_616 : i32 to index
      %parallel_loop3A_618 = arith.index_cast %parallel_loop3A_547 : i32 to index
      %parallel_loop3A_619 = arith.constant 32 : index
      %parallel_loop3A_620 = tpu.vector_load %arg8[%parallel_loop3A_617, %parallel_loop3A_618, %parallel_loop3A_619] {strides = array<i32>} : memref<2x200x64xf32, #tpu.memory_space<vmem>>, vector<1x1x16xf32>,
      %parallel_loop3A_621 = vector.shape_cast %parallel_loop3A_620 : vector<1x1x16xf32> to vector<16xf32>
      %parallel_loop3A_622 = arith.addf %parallel_loop3A_621, %parallel_loop3A_615 : vector<16xf32>
      %parallel_loop3A_623 = arith.constant 0 : i32
      %parallel_loop3A_624 = arith.index_cast %parallel_loop3A_623 : i32 to index
      %parallel_loop3A_625 = arith.index_cast %parallel_loop3A_543 : i32 to index
      %parallel_loop3A_626 = arith.constant 32 : index
      %parallel_loop3A_627 = tpu.vector_load %arg10[%parallel_loop3A_624, %parallel_loop3A_625, %parallel_loop3A_626] {strides = array<i32>} : memref<2x100x128xf32, #tpu.memory_space<vmem>>, vector<1x1x16xf32>,
      %parallel_loop3A_628 = vector.shape_cast %parallel_loop3A_627 : vector<1x1x16xf32> to vector<16xf32>
      %parallel_loop3A_629 = vector.shape_cast %parallel_loop3A_622 : vector<16xf32> to vector<1x1x16xf32>
      tpu.vector_store %arg10[%parallel_loop3A_624, %parallel_loop3A_625, %parallel_loop3A_626], %parallel_loop3A_629 {strides = array<i32>} : memref<2x100x128xf32, #tpu.memory_space<vmem>>, vector<1x1x16xf32>,
      %parallel_loop3A_630 = arith.constant 1 : i32
      %parallel_loop3A_631 = arith.index_cast %parallel_loop3A_630 : i32 to index
      %parallel_loop3A_632 = arith.index_cast %parallel_loop3A_547 : i32 to index
      %parallel_loop3A_633 = arith.constant 32 : index
      %parallel_loop3A_634 = tpu.vector_load %arg8[%parallel_loop3A_631, %parallel_loop3A_632, %parallel_loop3A_633] {strides = array<i32>} : memref<2x200x64xf32, #tpu.memory_space<vmem>>, vector<1x1x16xf32>,
      %parallel_loop3A_635 = vector.shape_cast %parallel_loop3A_634 : vector<1x1x16xf32> to vector<16xf32>
      %parallel_loop3A_636 = arith.addf %parallel_loop3A_635, %parallel_loop3A_615 : vector<16xf32>
      %parallel_loop3A_637 = arith.constant 1 : i32
      %parallel_loop3A_638 = arith.index_cast %parallel_loop3A_637 : i32 to index
      %parallel_loop3A_639 = arith.index_cast %parallel_loop3A_543 : i32 to index
      %parallel_loop3A_640 = arith.constant 32 : index
      %parallel_loop3A_641 = tpu.vector_load %arg10[%parallel_loop3A_638, %parallel_loop3A_639, %parallel_loop3A_640] {strides = array<i32>} : memref<2x100x128xf32, #tpu.memory_space<vmem>>, vector<1x1x16xf32>,
      %parallel_loop3A_642 = vector.shape_cast %parallel_loop3A_641 : vector<1x1x16xf32> to vector<16xf32>
      %parallel_loop3A_643 = vector.shape_cast %parallel_loop3A_636 : vector<16xf32> to vector<1x1x16xf32>
      tpu.vector_store %arg10[%parallel_loop3A_638, %parallel_loop3A_639, %parallel_loop3A_640], %parallel_loop3A_643 {strides = array<i32>} : memref<2x100x128xf32, #tpu.memory_space<vmem>>, vector<1x1x16xf32>,
      %parallel_loop3A_644 = arith.index_cast %parallel_loop3A_547 : i32 to index
      %parallel_loop3A_645 = arith.constant 48 : index
      %parallel_loop3A_646 = tpu.vector_load %arg12[%parallel_loop3A_644, %parallel_loop3A_645] {strides = array<i32>} : memref<200x64xf32, #tpu.memory_space<vmem>>, vector<1x16xf32>,
      %parallel_loop3A_647 = vector.shape_cast %parallel_loop3A_646 : vector<1x16xf32> to vector<16xf32>
      %parallel_loop3A_648 = arith.constant 0 : i32
      %parallel_loop3A_649 = arith.index_cast %parallel_loop3A_648 : i32 to index
      %parallel_loop3A_650 = arith.index_cast %parallel_loop3A_547 : i32 to index
      %parallel_loop3A_651 = arith.constant 48 : index
      %parallel_loop3A_652 = tpu.vector_load %arg8[%parallel_loop3A_649, %parallel_loop3A_650, %parallel_loop3A_651] {strides = array<i32>} : memref<2x200x64xf32, #tpu.memory_space<vmem>>, vector<1x1x16xf32>,
      %parallel_loop3A_653 = vector.shape_cast %parallel_loop3A_652 : vector<1x1x16xf32> to vector<16xf32>
      %parallel_loop3A_654 = arith.addf %parallel_loop3A_653, %parallel_loop3A_647 : vector<16xf32>
      %parallel_loop3A_655 = arith.constant 0 : i32
      %parallel_loop3A_656 = arith.index_cast %parallel_loop3A_655 : i32 to index
      %parallel_loop3A_657 = arith.index_cast %parallel_loop3A_543 : i32 to index
      %parallel_loop3A_658 = arith.constant 48 : index
      %parallel_loop3A_659 = tpu.vector_load %arg10[%parallel_loop3A_656, %parallel_loop3A_657, %parallel_loop3A_658] {strides = array<i32>} : memref<2x100x128xf32, #tpu.memory_space<vmem>>, vector<1x1x16xf32>,
      %parallel_loop3A_660 = vector.shape_cast %parallel_loop3A_659 : vector<1x1x16xf32> to vector<16xf32>
      %parallel_loop3A_661 = vector.shape_cast %parallel_loop3A_654 : vector<16xf32> to vector<1x1x16xf32>
      tpu.vector_store %arg10[%parallel_loop3A_656, %parallel_loop3A_657, %parallel_loop3A_658], %parallel_loop3A_661 {strides = array<i32>} : memref<2x100x128xf32, #tpu.memory_space<vmem>>, vector<1x1x16xf32>,
      %parallel_loop3A_662 = arith.constant 1 : i32
      %parallel_loop3A_663 = arith.index_cast %parallel_loop3A_662 : i32 to index
      %parallel_loop3A_664 = arith.index_cast %parallel_loop3A_547 : i32 to index
      %parallel_loop3A_665 = arith.constant 48 : index
      %parallel_loop3A_666 = tpu.vector_load %arg8[%parallel_loop3A_663, %parallel_loop3A_664, %parallel_loop3A_665] {strides = array<i32>} : memref<2x200x64xf32, #tpu.memory_space<vmem>>, vector<1x1x16xf32>,
      %parallel_loop3A_667 = vector.shape_cast %parallel_loop3A_666 : vector<1x1x16xf32> to vector<16xf32>
      %parallel_loop3A_668 = arith.addf %parallel_loop3A_667, %parallel_loop3A_647 : vector<16xf32>
      %parallel_loop3A_669 = arith.constant 1 : i32
      %parallel_loop3A_670 = arith.index_cast %parallel_loop3A_669 : i32 to index
      %parallel_loop3A_671 = arith.index_cast %parallel_loop3A_543 : i32 to index
      %parallel_loop3A_672 = arith.constant 48 : index
      %parallel_loop3A_673 = tpu.vector_load %arg10[%parallel_loop3A_670, %parallel_loop3A_671, %parallel_loop3A_672] {strides = array<i32>} : memref<2x100x128xf32, #tpu.memory_space<vmem>>, vector<1x1x16xf32>,
      %parallel_loop3A_674 = vector.shape_cast %parallel_loop3A_673 : vector<1x1x16xf32> to vector<16xf32>
      %parallel_loop3A_675 = vector.shape_cast %parallel_loop3A_668 : vector<16xf32> to vector<1x1x16xf32>
      tpu.vector_store %arg10[%parallel_loop3A_670, %parallel_loop3A_671, %parallel_loop3A_672], %parallel_loop3A_675 {strides = array<i32>} : memref<2x100x128xf32, #tpu.memory_space<vmem>>, vector<1x1x16xf32>,
      %parallel_loop3A_676 = arith.constant 2 : i32
      %parallel_loop3A_677 = arith.muli %parallel_loop3A_676, %parallel_loop3A_543 : i32
      %parallel_loop3A_678 = arith.constant 1 : i32
      %parallel_loop3A_679 = arith.addi %parallel_loop3A_677, %parallel_loop3A_678 : i32
      %parallel_loop3A_680 = arith.index_cast %parallel_loop3A_679 : i32 to index
      %parallel_loop3A_681 = arith.constant 0 : index
      %parallel_loop3A_682 = tpu.vector_load %arg12[%parallel_loop3A_680, %parallel_loop3A_681] {strides = array<i32>} : memref<200x64xf32, #tpu.memory_space<vmem>>, vector<1x16xf32>,
      %parallel_loop3A_683 = vector.shape_cast %parallel_loop3A_682 : vector<1x16xf32> to vector<16xf32>
      %parallel_loop3A_684 = arith.constant 0 : i32
      %parallel_loop3A_685 = arith.index_cast %parallel_loop3A_684 : i32 to index
      %parallel_loop3A_686 = arith.index_cast %parallel_loop3A_679 : i32 to index
      %parallel_loop3A_687 = arith.constant 0 : index
      %parallel_loop3A_688 = tpu.vector_load %arg8[%parallel_loop3A_685, %parallel_loop3A_686, %parallel_loop3A_687] {strides = array<i32>} : memref<2x200x64xf32, #tpu.memory_space<vmem>>, vector<1x1x16xf32>,
      %parallel_loop3A_689 = vector.shape_cast %parallel_loop3A_688 : vector<1x1x16xf32> to vector<16xf32>
      %parallel_loop3A_690 = arith.addf %parallel_loop3A_689, %parallel_loop3A_683 : vector<16xf32>
      %parallel_loop3A_691 = arith.constant 0 : i32
      %parallel_loop3A_692 = arith.index_cast %parallel_loop3A_691 : i32 to index
      %parallel_loop3A_693 = arith.index_cast %parallel_loop3A_543 : i32 to index
      %parallel_loop3A_694 = arith.constant 64 : index
      %parallel_loop3A_695 = tpu.vector_load %arg10[%parallel_loop3A_692, %parallel_loop3A_693, %parallel_loop3A_694] {strides = array<i32>} : memref<2x100x128xf32, #tpu.memory_space<vmem>>, vector<1x1x16xf32>,
      %parallel_loop3A_696 = vector.shape_cast %parallel_loop3A_695 : vector<1x1x16xf32> to vector<16xf32>
      %parallel_loop3A_697 = vector.shape_cast %parallel_loop3A_690 : vector<16xf32> to vector<1x1x16xf32>
      tpu.vector_store %arg10[%parallel_loop3A_692, %parallel_loop3A_693, %parallel_loop3A_694], %parallel_loop3A_697 {strides = array<i32>} : memref<2x100x128xf32, #tpu.memory_space<vmem>>, vector<1x1x16xf32>,
      %parallel_loop3A_698 = arith.constant 1 : i32
      %parallel_loop3A_699 = arith.index_cast %parallel_loop3A_698 : i32 to index
      %parallel_loop3A_700 = arith.index_cast %parallel_loop3A_679 : i32 to index
      %parallel_loop3A_701 = arith.constant 0 : index
      %parallel_loop3A_702 = tpu.vector_load %arg8[%parallel_loop3A_699, %parallel_loop3A_700, %parallel_loop3A_701] {strides = array<i32>} : memref<2x200x64xf32, #tpu.memory_space<vmem>>, vector<1x1x16xf32>,
      %parallel_loop3A_703 = vector.shape_cast %parallel_loop3A_702 : vector<1x1x16xf32> to vector<16xf32>
      %parallel_loop3A_704 = arith.addf %parallel_loop3A_703, %parallel_loop3A_683 : vector<16xf32>
      %parallel_loop3A_705 = arith.constant 1 : i32
      %parallel_loop3A_706 = arith.index_cast %parallel_loop3A_705 : i32 to index
      %parallel_loop3A_707 = arith.index_cast %parallel_loop3A_543 : i32 to index
      %parallel_loop3A_708 = arith.constant 64 : index
      %parallel_loop3A_709 = tpu.vector_load %arg10[%parallel_loop3A_706, %parallel_loop3A_707, %parallel_loop3A_708] {strides = array<i32>} : memref<2x100x128xf32, #tpu.memory_space<vmem>>, vector<1x1x16xf32>,
      %parallel_loop3A_710 = vector.shape_cast %parallel_loop3A_709 : vector<1x1x16xf32> to vector<16xf32>
      %parallel_loop3A_711 = vector.shape_cast %parallel_loop3A_704 : vector<16xf32> to vector<1x1x16xf32>
      tpu.vector_store %arg10[%parallel_loop3A_706, %parallel_loop3A_707, %parallel_loop3A_708], %parallel_loop3A_711 {strides = array<i32>} : memref<2x100x128xf32, #tpu.memory_space<vmem>>, vector<1x1x16xf32>,
      %parallel_loop3A_712 = arith.index_cast %parallel_loop3A_679 : i32 to index
      %parallel_loop3A_713 = arith.constant 16 : index
      %parallel_loop3A_714 = tpu.vector_load %arg12[%parallel_loop3A_712, %parallel_loop3A_713] {strides = array<i32>} : memref<200x64xf32, #tpu.memory_space<vmem>>, vector<1x16xf32>,
      %parallel_loop3A_715 = vector.shape_cast %parallel_loop3A_714 : vector<1x16xf32> to vector<16xf32>
      %parallel_loop3A_716 = arith.constant 0 : i32
      %parallel_loop3A_717 = arith.index_cast %parallel_loop3A_716 : i32 to index
      %parallel_loop3A_718 = arith.index_cast %parallel_loop3A_679 : i32 to index
      %parallel_loop3A_719 = arith.constant 16 : index
      %parallel_loop3A_720 = tpu.vector_load %arg8[%parallel_loop3A_717, %parallel_loop3A_718, %parallel_loop3A_719] {strides = array<i32>} : memref<2x200x64xf32, #tpu.memory_space<vmem>>, vector<1x1x16xf32>,
      %parallel_loop3A_721 = vector.shape_cast %parallel_loop3A_720 : vector<1x1x16xf32> to vector<16xf32>
      %parallel_loop3A_722 = arith.addf %parallel_loop3A_721, %parallel_loop3A_715 : vector<16xf32>
      %parallel_loop3A_723 = arith.constant 0 : i32
      %parallel_loop3A_724 = arith.index_cast %parallel_loop3A_723 : i32 to index
      %parallel_loop3A_725 = arith.index_cast %parallel_loop3A_543 : i32 to index
      %parallel_loop3A_726 = arith.constant 80 : index
      %parallel_loop3A_727 = tpu.vector_load %arg10[%parallel_loop3A_724, %parallel_loop3A_725, %parallel_loop3A_726] {strides = array<i32>} : memref<2x100x128xf32, #tpu.memory_space<vmem>>, vector<1x1x16xf32>,
      %parallel_loop3A_728 = vector.shape_cast %parallel_loop3A_727 : vector<1x1x16xf32> to vector<16xf32>
      %parallel_loop3A_729 = vector.shape_cast %parallel_loop3A_722 : vector<16xf32> to vector<1x1x16xf32>
      tpu.vector_store %arg10[%parallel_loop3A_724, %parallel_loop3A_725, %parallel_loop3A_726], %parallel_loop3A_729 {strides = array<i32>} : memref<2x100x128xf32, #tpu.memory_space<vmem>>, vector<1x1x16xf32>,
      %parallel_loop3A_730 = arith.constant 1 : i32
      %parallel_loop3A_731 = arith.index_cast %parallel_loop3A_730 : i32 to index
      %parallel_loop3A_732 = arith.index_cast %parallel_loop3A_679 : i32 to index
      %parallel_loop3A_733 = arith.constant 16 : index
      %parallel_loop3A_734 = tpu.vector_load %arg8[%parallel_loop3A_731, %parallel_loop3A_732, %parallel_loop3A_733] {strides = array<i32>} : memref<2x200x64xf32, #tpu.memory_space<vmem>>, vector<1x1x16xf32>,
      %parallel_loop3A_735 = vector.shape_cast %parallel_loop3A_734 : vector<1x1x16xf32> to vector<16xf32>
      %parallel_loop3A_736 = arith.addf %parallel_loop3A_735, %parallel_loop3A_715 : vector<16xf32>
      %parallel_loop3A_737 = arith.constant 1 : i32
      %parallel_loop3A_738 = arith.index_cast %parallel_loop3A_737 : i32 to index
      %parallel_loop3A_739 = arith.index_cast %parallel_loop3A_543 : i32 to index
      %parallel_loop3A_740 = arith.constant 80 : index
      %parallel_loop3A_741 = tpu.vector_load %arg10[%parallel_loop3A_738, %parallel_loop3A_739, %parallel_loop3A_740] {strides = array<i32>} : memref<2x100x128xf32, #tpu.memory_space<vmem>>, vector<1x1x16xf32>,
      %parallel_loop3A_742 = vector.shape_cast %parallel_loop3A_741 : vector<1x1x16xf32> to vector<16xf32>
      %parallel_loop3A_743 = vector.shape_cast %parallel_loop3A_736 : vector<16xf32> to vector<1x1x16xf32>
      tpu.vector_store %arg10[%parallel_loop3A_738, %parallel_loop3A_739, %parallel_loop3A_740], %parallel_loop3A_743 {strides = array<i32>} : memref<2x100x128xf32, #tpu.memory_space<vmem>>, vector<1x1x16xf32>,
      %parallel_loop3A_744 = arith.index_cast %parallel_loop3A_679 : i32 to index
      %parallel_loop3A_745 = arith.constant 32 : index
      %parallel_loop3A_746 = tpu.vector_load %arg12[%parallel_loop3A_744, %parallel_loop3A_745] {strides = array<i32>} : memref<200x64xf32, #tpu.memory_space<vmem>>, vector<1x16xf32>,
      %parallel_loop3A_747 = vector.shape_cast %parallel_loop3A_746 : vector<1x16xf32> to vector<16xf32>
      %parallel_loop3A_748 = arith.constant 0 : i32
      %parallel_loop3A_749 = arith.index_cast %parallel_loop3A_748 : i32 to index
      %parallel_loop3A_750 = arith.index_cast %parallel_loop3A_679 : i32 to index
      %parallel_loop3A_751 = arith.constant 32 : index
      %parallel_loop3A_752 = tpu.vector_load %arg8[%parallel_loop3A_749, %parallel_loop3A_750, %parallel_loop3A_751] {strides = array<i32>} : memref<2x200x64xf32, #tpu.memory_space<vmem>>, vector<1x1x16xf32>,
      %parallel_loop3A_753 = vector.shape_cast %parallel_loop3A_752 : vector<1x1x16xf32> to vector<16xf32>
      %parallel_loop3A_754 = arith.addf %parallel_loop3A_753, %parallel_loop3A_747 : vector<16xf32>
      %parallel_loop3A_755 = arith.constant 0 : i32
      %parallel_loop3A_756 = arith.index_cast %parallel_loop3A_755 : i32 to index
      %parallel_loop3A_757 = arith.index_cast %parallel_loop3A_543 : i32 to index
      %parallel_loop3A_758 = arith.constant 96 : index
      %parallel_loop3A_759 = tpu.vector_load %arg10[%parallel_loop3A_756, %parallel_loop3A_757, %parallel_loop3A_758] {strides = array<i32>} : memref<2x100x128xf32, #tpu.memory_space<vmem>>, vector<1x1x16xf32>,
      %parallel_loop3A_760 = vector.shape_cast %parallel_loop3A_759 : vector<1x1x16xf32> to vector<16xf32>
      %parallel_loop3A_761 = vector.shape_cast %parallel_loop3A_754 : vector<16xf32> to vector<1x1x16xf32>
      tpu.vector_store %arg10[%parallel_loop3A_756, %parallel_loop3A_757, %parallel_loop3A_758], %parallel_loop3A_761 {strides = array<i32>} : memref<2x100x128xf32, #tpu.memory_space<vmem>>, vector<1x1x16xf32>,
      %parallel_loop3A_762 = arith.constant 1 : i32
      %parallel_loop3A_763 = arith.index_cast %parallel_loop3A_762 : i32 to index
      %parallel_loop3A_764 = arith.index_cast %parallel_loop3A_679 : i32 to index
      %parallel_loop3A_765 = arith.constant 32 : index
      %parallel_loop3A_766 = tpu.vector_load %arg8[%parallel_loop3A_763, %parallel_loop3A_764, %parallel_loop3A_765] {strides = array<i32>} : memref<2x200x64xf32, #tpu.memory_space<vmem>>, vector<1x1x16xf32>,
      %parallel_loop3A_767 = vector.shape_cast %parallel_loop3A_766 : vector<1x1x16xf32> to vector<16xf32>
      %parallel_loop3A_768 = arith.addf %parallel_loop3A_767, %parallel_loop3A_747 : vector<16xf32>
      %parallel_loop3A_769 = arith.constant 1 : i32
      %parallel_loop3A_770 = arith.index_cast %parallel_loop3A_769 : i32 to index
      %parallel_loop3A_771 = arith.index_cast %parallel_loop3A_543 : i32 to index
      %parallel_loop3A_772 = arith.constant 96 : index
      %parallel_loop3A_773 = tpu.vector_load %arg10[%parallel_loop3A_770, %parallel_loop3A_771, %parallel_loop3A_772] {strides = array<i32>} : memref<2x100x128xf32, #tpu.memory_space<vmem>>, vector<1x1x16xf32>,
      %parallel_loop3A_774 = vector.shape_cast %parallel_loop3A_773 : vector<1x1x16xf32> to vector<16xf32>
      %parallel_loop3A_775 = vector.shape_cast %parallel_loop3A_768 : vector<16xf32> to vector<1x1x16xf32>
      tpu.vector_store %arg10[%parallel_loop3A_770, %parallel_loop3A_771, %parallel_loop3A_772], %parallel_loop3A_775 {strides = array<i32>} : memref<2x100x128xf32, #tpu.memory_space<vmem>>, vector<1x1x16xf32>,
      %parallel_loop3A_776 = arith.index_cast %parallel_loop3A_679 : i32 to index
      %parallel_loop3A_777 = arith.constant 48 : index
      %parallel_loop3A_778 = tpu.vector_load %arg12[%parallel_loop3A_776, %parallel_loop3A_777] {strides = array<i32>} : memref<200x64xf32, #tpu.memory_space<vmem>>, vector<1x16xf32>,
      %parallel_loop3A_779 = vector.shape_cast %parallel_loop3A_778 : vector<1x16xf32> to vector<16xf32>
      %parallel_loop3A_780 = arith.constant 0 : i32
      %parallel_loop3A_781 = arith.index_cast %parallel_loop3A_780 : i32 to index
      %parallel_loop3A_782 = arith.index_cast %parallel_loop3A_679 : i32 to index
      %parallel_loop3A_783 = arith.constant 48 : index
      %parallel_loop3A_784 = tpu.vector_load %arg8[%parallel_loop3A_781, %parallel_loop3A_782, %parallel_loop3A_783] {strides = array<i32>} : memref<2x200x64xf32, #tpu.memory_space<vmem>>, vector<1x1x16xf32>,
      %parallel_loop3A_785 = vector.shape_cast %parallel_loop3A_784 : vector<1x1x16xf32> to vector<16xf32>
      %parallel_loop3A_786 = arith.addf %parallel_loop3A_785, %parallel_loop3A_779 : vector<16xf32>
      %parallel_loop3A_787 = arith.constant 0 : i32
      %parallel_loop3A_788 = arith.index_cast %parallel_loop3A_787 : i32 to index
      %parallel_loop3A_789 = arith.index_cast %parallel_loop3A_543 : i32 to index
      %parallel_loop3A_790 = arith.constant 112 : index
      %parallel_loop3A_791 = tpu.vector_load %arg10[%parallel_loop3A_788, %parallel_loop3A_789, %parallel_loop3A_790] {strides = array<i32>} : memref<2x100x128xf32, #tpu.memory_space<vmem>>, vector<1x1x16xf32>,
      %parallel_loop3A_792 = vector.shape_cast %parallel_loop3A_791 : vector<1x1x16xf32> to vector<16xf32>
      %parallel_loop3A_793 = vector.shape_cast %parallel_loop3A_786 : vector<16xf32> to vector<1x1x16xf32>
      tpu.vector_store %arg10[%parallel_loop3A_788, %parallel_loop3A_789, %parallel_loop3A_790], %parallel_loop3A_793 {strides = array<i32>} : memref<2x100x128xf32, #tpu.memory_space<vmem>>, vector<1x1x16xf32>,
      %parallel_loop3A_794 = arith.constant 1 : i32
      %parallel_loop3A_795 = arith.index_cast %parallel_loop3A_794 : i32 to index
      %parallel_loop3A_796 = arith.index_cast %parallel_loop3A_679 : i32 to index
      %parallel_loop3A_797 = arith.constant 48 : index
      %parallel_loop3A_798 = tpu.vector_load %arg8[%parallel_loop3A_795, %parallel_loop3A_796, %parallel_loop3A_797] {strides = array<i32>} : memref<2x200x64xf32, #tpu.memory_space<vmem>>, vector<1x1x16xf32>,
      %parallel_loop3A_799 = vector.shape_cast %parallel_loop3A_798 : vector<1x1x16xf32> to vector<16xf32>
      %parallel_loop3A_800 = arith.addf %parallel_loop3A_799, %parallel_loop3A_779 : vector<16xf32>
      %parallel_loop3A_801 = arith.constant 1 : i32
      %parallel_loop3A_802 = arith.index_cast %parallel_loop3A_801 : i32 to index
      %parallel_loop3A_803 = arith.index_cast %parallel_loop3A_543 : i32 to index
      %parallel_loop3A_804 = arith.constant 112 : index
      %parallel_loop3A_805 = tpu.vector_load %arg10[%parallel_loop3A_802, %parallel_loop3A_803, %parallel_loop3A_804] {strides = array<i32>} : memref<2x100x128xf32, #tpu.memory_space<vmem>>, vector<1x1x16xf32>,
      %parallel_loop3A_806 = vector.shape_cast %parallel_loop3A_805 : vector<1x1x16xf32> to vector<16xf32>
      %parallel_loop3A_807 = vector.shape_cast %parallel_loop3A_800 : vector<16xf32> to vector<1x1x16xf32>
      tpu.vector_store %arg10[%parallel_loop3A_802, %parallel_loop3A_803, %parallel_loop3A_804], %parallel_loop3A_807 {strides = array<i32>} : memref<2x100x128xf32, #tpu.memory_space<vmem>>, vector<1x1x16xf32>,
    } {sc.loop_unroll_factor = 2 : i64, sc.parallel_access}
    %mul3A_442 = arith.constant 128 : i32
    %mul3A_443 = arith.muli %add3A, %mul3A_442 : i32
    %add3A_444 = arith.constant 124 : i32
    %add3A_445 = arith.addi %mul3A_443, %add3A_444 : i32
    %dma_start3A_446 = arith.constant 0 : i32
    %dma_start3A_447 = arith.constant 0 : i32
    %dma_start3A_448 = tpu.memref_slice %arg5[%add3A_445, %dma_start3A_446, %dma_start3A_447] : memref<4096x104x128xf32, #tpu.memory_space<hbm>> -> memref<2x100x128xf32, #tpu.memory_space<hbm>>
    %dma_start3A_449 = arith.constant 0 : i32
    %dma_start3A_450 = arith.constant 0 : i32
    %dma_start3A_451 = tpu.memref_slice %arg5[%add3A_445, %dma_start3A_449, %dma_start3A_450] : memref<4096x104x128xf32, #tpu.memory_space<hbm>> -> memref<2x100x128xf32, #tpu.memory_space<hbm>>
    tpu.enqueue_dma source(%arg10 : memref<2x100x128xf32, #tpu.memory_space<vmem>>) target(%dma_start3A_451 : memref<2x100x128xf32, #tpu.memory_space<hbm>>) target_semaphore(%arg15 : memref<!tpu.dma_semaphore, #tpu.memory_space<semaphore_mem>>)
    %dma_wait3A_452 = arith.constant 0 : i32
    %dma_wait3A_453 = arith.constant 0 : i32
    %dma_wait3A_454 = arith.constant 0 : i32
    %dma_wait3A_455 = arith.constant 0 : i32
    %dma_wait3A_456 = tpu.memref_slice %arg9[%dma_wait3A_453, %dma_wait3A_454, %dma_wait3A_455] : memref<2x200x64xf32, #tpu.memory_space<vmem>> -> memref<1x100x64xf32, #tpu.memory_space<vmem>>
    %dma_wait3A_457 = tpu.memref_squeeze %dma_wait3A_456 : memref<1x100x64xf32, #tpu.memory_space<vmem>> -> memref<100x64xf32, #tpu.memory_space<vmem>>
    %dma_wait3A_458 = arith.constant 0 : i32
    %dma_wait3A_459 = tpu.memref_slice %arg7[%dma_wait3A_452, %dma_wait3A_458] : memref<4x100xi32, #tpu.memory_space<vmem>> -> memref<1x100xi32, #tpu.memory_space<vmem>>
    %dma_wait3A_460 = tpu.memref_squeeze %dma_wait3A_459 : memref<1x100xi32, #tpu.memory_space<vmem>> -> memref<100xi32, #tpu.memory_space<vmem>>
    %dma_wait3A_461 = arith.constant 0 : i32
    %dma_wait3A_462 = arith.constant 0 : i32
    %dma_wait3A_463 = tpu.memref_slice %arg3[%dma_wait3A_461, %dma_wait3A_462] : memref<100000x64xf32, #tpu.memory_space<hbm>> -> memref<100000x64xf32, #tpu.memory_space<hbm>>
    tpu.wait_indirect_dma semaphore(%arg14 : memref<!tpu.dma_semaphore, #tpu.memory_space<semaphore_mem>>) src(%dma_wait3A_463 : memref<100000x64xf32, #tpu.memory_space<hbm>>) dst(%dma_wait3A_457 : memref<100x64xf32, #tpu.memory_space<vmem>>)
    %dma_wait3A_464 = arith.constant 1 : i32
    %dma_wait3A_465 = arith.constant 0 : i32
    %dma_wait3A_466 = arith.constant 100 : i32
    %dma_wait3A_467 = arith.constant 0 : i32
    %dma_wait3A_468 = tpu.memref_slice %arg9[%dma_wait3A_465, %dma_wait3A_466, %dma_wait3A_467] : memref<2x200x64xf32, #tpu.memory_space<vmem>> -> memref<1x100x64xf32, #tpu.memory_space<vmem>>
    %dma_wait3A_469 = tpu.memref_squeeze %dma_wait3A_468 : memref<1x100x64xf32, #tpu.memory_space<vmem>> -> memref<100x64xf32, #tpu.memory_space<vmem>>
    %dma_wait3A_470 = arith.constant 0 : i32
    %dma_wait3A_471 = tpu.memref_slice %arg7[%dma_wait3A_464, %dma_wait3A_470] : memref<4x100xi32, #tpu.memory_space<vmem>> -> memref<1x100xi32, #tpu.memory_space<vmem>>
    %dma_wait3A_472 = tpu.memref_squeeze %dma_wait3A_471 : memref<1x100xi32, #tpu.memory_space<vmem>> -> memref<100xi32, #tpu.memory_space<vmem>>
    %dma_wait3A_473 = arith.constant 0 : i32
    %dma_wait3A_474 = arith.constant 0 : i32
    %dma_wait3A_475 = tpu.memref_slice %arg3[%dma_wait3A_473, %dma_wait3A_474] : memref<100000x64xf32, #tpu.memory_space<hbm>> -> memref<100000x64xf32, #tpu.memory_space<hbm>>
    tpu.wait_indirect_dma semaphore(%arg14 : memref<!tpu.dma_semaphore, #tpu.memory_space<semaphore_mem>>) src(%dma_wait3A_475 : memref<100000x64xf32, #tpu.memory_space<hbm>>) dst(%dma_wait3A_469 : memref<100x64xf32, #tpu.memory_space<vmem>>)
    %dma_wait3A_476 = arith.constant 2 : i32
    %dma_wait3A_477 = arith.constant 1 : i32
    %dma_wait3A_478 = arith.constant 0 : i32
    %dma_wait3A_479 = arith.constant 0 : i32
    %dma_wait3A_480 = tpu.memref_slice %arg9[%dma_wait3A_477, %dma_wait3A_478, %dma_wait3A_479] : memref<2x200x64xf32, #tpu.memory_space<vmem>> -> memref<1x100x64xf32, #tpu.memory_space<vmem>>
    %dma_wait3A_481 = tpu.memref_squeeze %dma_wait3A_480 : memref<1x100x64xf32, #tpu.memory_space<vmem>> -> memref<100x64xf32, #tpu.memory_space<vmem>>
    %dma_wait3A_482 = arith.constant 0 : i32
    %dma_wait3A_483 = tpu.memref_slice %arg7[%dma_wait3A_476, %dma_wait3A_482] : memref<4x100xi32, #tpu.memory_space<vmem>> -> memref<1x100xi32, #tpu.memory_space<vmem>>
    %dma_wait3A_484 = tpu.memref_squeeze %dma_wait3A_483 : memref<1x100xi32, #tpu.memory_space<vmem>> -> memref<100xi32, #tpu.memory_space<vmem>>
    %dma_wait3A_485 = arith.constant 0 : i32
    %dma_wait3A_486 = arith.constant 0 : i32
    %dma_wait3A_487 = tpu.memref_slice %arg3[%dma_wait3A_485, %dma_wait3A_486] : memref<100000x64xf32, #tpu.memory_space<hbm>> -> memref<100000x64xf32, #tpu.memory_space<hbm>>
    tpu.wait_indirect_dma semaphore(%arg14 : memref<!tpu.dma_semaphore, #tpu.memory_space<semaphore_mem>>) src(%dma_wait3A_487 : memref<100000x64xf32, #tpu.memory_space<hbm>>) dst(%dma_wait3A_481 : memref<100x64xf32, #tpu.memory_space<vmem>>)
    %dma_wait3A_488 = arith.constant 3 : i32
    %dma_wait3A_489 = arith.constant 1 : i32
    %dma_wait3A_490 = arith.constant 100 : i32
    %dma_wait3A_491 = arith.constant 0 : i32
    %dma_wait3A_492 = tpu.memref_slice %arg9[%dma_wait3A_489, %dma_wait3A_490, %dma_wait3A_491] : memref<2x200x64xf32, #tpu.memory_space<vmem>> -> memref<1x100x64xf32, #tpu.memory_space<vmem>>
    %dma_wait3A_493 = tpu.memref_squeeze %dma_wait3A_492 : memref<1x100x64xf32, #tpu.memory_space<vmem>> -> memref<100x64xf32, #tpu.memory_space<vmem>>
    %dma_wait3A_494 = arith.constant 0 : i32
    %dma_wait3A_495 = tpu.memref_slice %arg7[%dma_wait3A_488, %dma_wait3A_494] : memref<4x100xi32, #tpu.memory_space<vmem>> -> memref<1x100xi32, #tpu.memory_space<vmem>>
    %dma_wait3A_496 = tpu.memref_squeeze %dma_wait3A_495 : memref<1x100xi32, #tpu.memory_space<vmem>> -> memref<100xi32, #tpu.memory_space<vmem>>
    %dma_wait3A_497 = arith.constant 0 : i32
    %dma_wait3A_498 = arith.constant 0 : i32
    %dma_wait3A_499 = tpu.memref_slice %arg3[%dma_wait3A_497, %dma_wait3A_498] : memref<100000x64xf32, #tpu.memory_space<hbm>> -> memref<100000x64xf32, #tpu.memory_space<hbm>>
    tpu.wait_indirect_dma semaphore(%arg14 : memref<!tpu.dma_semaphore, #tpu.memory_space<semaphore_mem>>) src(%dma_wait3A_499 : memref<100000x64xf32, #tpu.memory_space<hbm>>) dst(%dma_wait3A_493 : memref<100x64xf32, #tpu.memory_space<vmem>>)
    %mul3A_500 = arith.constant 128 : i32
    %mul3A_501 = arith.muli %add3A, %mul3A_500 : i32
    %add3A_502 = arith.constant 126 : i32
    %add3A_503 = arith.addi %mul3A_501, %add3A_502 : i32
    %dma_wait3A_504 = arith.constant 0 : i32
    %dma_wait3A_505 = arith.constant 0 : i32
    %dma_wait3A_506 = tpu.memref_slice %arg5[%add3A_503, %dma_wait3A_504, %dma_wait3A_505] : memref<4096x104x128xf32, #tpu.memory_space<hbm>> -> memref<2x100x128xf32, #tpu.memory_space<hbm>>
    %dma_wait3A_507 = arith.constant 0 : i32
    %dma_wait3A_508 = arith.constant 0 : i32
    %dma_wait3A_509 = tpu.memref_slice %arg5[%add3A_503, %dma_wait3A_507, %dma_wait3A_508] : memref<4096x104x128xf32, #tpu.memory_space<hbm>> -> memref<2x100x128xf32, #tpu.memory_space<hbm>>
    tpu.wait_dma2 semaphore(%arg16 : memref<!tpu.dma_semaphore, #tpu.memory_space<semaphore_mem>>) src(%arg11 : memref<2x100x128xf32, #tpu.memory_space<vmem>>) dst(%dma_wait3A_509 : memref<2x100x128xf32, #tpu.memory_space<hbm>>)
    %parallel_loop3A_510 = arith.constant 0 : i32
    %parallel_loop3A_511 = arith.constant 100 : i32
    %parallel_loop3A_512 = arith.constant 1 : i32
    scf.for %parallel_loop3A_543 = %parallel_loop3A_510 to %parallel_loop3A_511 step %parallel_loop3A_512  : i32 {
      %parallel_loop3A_544 = arith.constant 2 : i32
      %parallel_loop3A_545 = arith.muli %parallel_loop3A_544, %parallel_loop3A_543 : i32
      %parallel_loop3A_546 = arith.constant 0 : i32
      %parallel_loop3A_547 = arith.addi %parallel_loop3A_545, %parallel_loop3A_546 : i32
      %parallel_loop3A_548 = arith.index_cast %parallel_loop3A_547 : i32 to index
      %parallel_loop3A_549 = arith.constant 0 : index
      %parallel_loop3A_550 = tpu.vector_load %arg12[%parallel_loop3A_548, %parallel_loop3A_549] {strides = array<i32>} : memref<200x64xf32, #tpu.memory_space<vmem>>, vector<1x16xf32>,
      %parallel_loop3A_551 = vector.shape_cast %parallel_loop3A_550 : vector<1x16xf32> to vector<16xf32>
      %parallel_loop3A_552 = arith.constant 0 : i32
      %parallel_loop3A_553 = arith.index_cast %parallel_loop3A_552 : i32 to index
      %parallel_loop3A_554 = arith.index_cast %parallel_loop3A_547 : i32 to index
      %parallel_loop3A_555 = arith.constant 0 : index
      %parallel_loop3A_556 = tpu.vector_load %arg9[%parallel_loop3A_553, %parallel_loop3A_554, %parallel_loop3A_555] {strides = array<i32>} : memref<2x200x64xf32, #tpu.memory_space<vmem>>, vector<1x1x16xf32>,
      %parallel_loop3A_557 = vector.shape_cast %parallel_loop3A_556 : vector<1x1x16xf32> to vector<16xf32>
      %parallel_loop3A_558 = arith.addf %parallel_loop3A_557, %parallel_loop3A_551 : vector<16xf32>
      %parallel_loop3A_559 = arith.constant 0 : i32
      %parallel_loop3A_560 = arith.index_cast %parallel_loop3A_559 : i32 to index
      %parallel_loop3A_561 = arith.index_cast %parallel_loop3A_543 : i32 to index
      %parallel_loop3A_562 = arith.constant 0 : index
      %parallel_loop3A_563 = tpu.vector_load %arg11[%parallel_loop3A_560, %parallel_loop3A_561, %parallel_loop3A_562] {strides = array<i32>} : memref<2x100x128xf32, #tpu.memory_space<vmem>>, vector<1x1x16xf32>,
      %parallel_loop3A_564 = vector.shape_cast %parallel_loop3A_563 : vector<1x1x16xf32> to vector<16xf32>
      %parallel_loop3A_565 = vector.shape_cast %parallel_loop3A_558 : vector<16xf32> to vector<1x1x16xf32>
      tpu.vector_store %arg11[%parallel_loop3A_560, %parallel_loop3A_561, %parallel_loop3A_562], %parallel_loop3A_565 {strides = array<i32>} : memref<2x100x128xf32, #tpu.memory_space<vmem>>, vector<1x1x16xf32>,
      %parallel_loop3A_566 = arith.constant 1 : i32
      %parallel_loop3A_567 = arith.index_cast %parallel_loop3A_566 : i32 to index
      %parallel_loop3A_568 = arith.index_cast %parallel_loop3A_547 : i32 to index
      %parallel_loop3A_569 = arith.constant 0 : index
      %parallel_loop3A_570 = tpu.vector_load %arg9[%parallel_loop3A_567, %parallel_loop3A_568, %parallel_loop3A_569] {strides = array<i32>} : memref<2x200x64xf32, #tpu.memory_space<vmem>>, vector<1x1x16xf32>,
      %parallel_loop3A_571 = vector.shape_cast %parallel_loop3A_570 : vector<1x1x16xf32> to vector<16xf32>
      %parallel_loop3A_572 = arith.addf %parallel_loop3A_571, %parallel_loop3A_551 : vector<16xf32>
      %parallel_loop3A_573 = arith.constant 1 : i32
      %parallel_loop3A_574 = arith.index_cast %parallel_loop3A_573 : i32 to index
      %parallel_loop3A_575 = arith.index_cast %parallel_loop3A_543 : i32 to index
      %parallel_loop3A_576 = arith.constant 0 : index
      %parallel_loop3A_577 = tpu.vector_load %arg11[%parallel_loop3A_574, %parallel_loop3A_575, %parallel_loop3A_576] {strides = array<i32>} : memref<2x100x128xf32, #tpu.memory_space<vmem>>, vector<1x1x16xf32>,
      %parallel_loop3A_578 = vector.shape_cast %parallel_loop3A_577 : vector<1x1x16xf32> to vector<16xf32>
      %parallel_loop3A_579 = vector.shape_cast %parallel_loop3A_572 : vector<16xf32> to vector<1x1x16xf32>
      tpu.vector_store %arg11[%parallel_loop3A_574, %parallel_loop3A_575, %parallel_loop3A_576], %parallel_loop3A_579 {strides = array<i32>} : memref<2x100x128xf32, #tpu.memory_space<vmem>>, vector<1x1x16xf32>,
      %parallel_loop3A_580 = arith.index_cast %parallel_loop3A_547 : i32 to index
      %parallel_loop3A_581 = arith.constant 16 : index
      %parallel_loop3A_582 = tpu.vector_load %arg12[%parallel_loop3A_580, %parallel_loop3A_581] {strides = array<i32>} : memref<200x64xf32, #tpu.memory_space<vmem>>, vector<1x16xf32>,
      %parallel_loop3A_583 = vector.shape_cast %parallel_loop3A_582 : vector<1x16xf32> to vector<16xf32>
      %parallel_loop3A_584 = arith.constant 0 : i32
      %parallel_loop3A_585 = arith.index_cast %parallel_loop3A_584 : i32 to index
      %parallel_loop3A_586 = arith.index_cast %parallel_loop3A_547 : i32 to index
      %parallel_loop3A_587 = arith.constant 16 : index
      %parallel_loop3A_588 = tpu.vector_load %arg9[%parallel_loop3A_585, %parallel_loop3A_586, %parallel_loop3A_587] {strides = array<i32>} : memref<2x200x64xf32, #tpu.memory_space<vmem>>, vector<1x1x16xf32>,
      %parallel_loop3A_589 = vector.shape_cast %parallel_loop3A_588 : vector<1x1x16xf32> to vector<16xf32>
      %parallel_loop3A_590 = arith.addf %parallel_loop3A_589, %parallel_loop3A_583 : vector<16xf32>
      %parallel_loop3A_591 = arith.constant 0 : i32
      %parallel_loop3A_592 = arith.index_cast %parallel_loop3A_591 : i32 to index
      %parallel_loop3A_593 = arith.index_cast %parallel_loop3A_543 : i32 to index
      %parallel_loop3A_594 = arith.constant 16 : index
      %parallel_loop3A_595 = tpu.vector_load %arg11[%parallel_loop3A_592, %parallel_loop3A_593, %parallel_loop3A_594] {strides = array<i32>} : memref<2x100x128xf32, #tpu.memory_space<vmem>>, vector<1x1x16xf32>,
      %parallel_loop3A_596 = vector.shape_cast %parallel_loop3A_595 : vector<1x1x16xf32> to vector<16xf32>
      %parallel_loop3A_597 = vector.shape_cast %parallel_loop3A_590 : vector<16xf32> to vector<1x1x16xf32>
      tpu.vector_store %arg11[%parallel_loop3A_592, %parallel_loop3A_593, %parallel_loop3A_594], %parallel_loop3A_597 {strides = array<i32>} : memref<2x100x128xf32, #tpu.memory_space<vmem>>, vector<1x1x16xf32>,
      %parallel_loop3A_598 = arith.constant 1 : i32
      %parallel_loop3A_599 = arith.index_cast %parallel_loop3A_598 : i32 to index
      %parallel_loop3A_600 = arith.index_cast %parallel_loop3A_547 : i32 to index
      %parallel_loop3A_601 = arith.constant 16 : index
      %parallel_loop3A_602 = tpu.vector_load %arg9[%parallel_loop3A_599, %parallel_loop3A_600, %parallel_loop3A_601] {strides = array<i32>} : memref<2x200x64xf32, #tpu.memory_space<vmem>>, vector<1x1x16xf32>,
      %parallel_loop3A_603 = vector.shape_cast %parallel_loop3A_602 : vector<1x1x16xf32> to vector<16xf32>
      %parallel_loop3A_604 = arith.addf %parallel_loop3A_603, %parallel_loop3A_583 : vector<16xf32>
      %parallel_loop3A_605 = arith.constant 1 : i32
      %parallel_loop3A_606 = arith.index_cast %parallel_loop3A_605 : i32 to index
      %parallel_loop3A_607 = arith.index_cast %parallel_loop3A_543 : i32 to index
      %parallel_loop3A_608 = arith.constant 16 : index
      %parallel_loop3A_609 = tpu.vector_load %arg11[%parallel_loop3A_606, %parallel_loop3A_607, %parallel_loop3A_608] {strides = array<i32>} : memref<2x100x128xf32, #tpu.memory_space<vmem>>, vector<1x1x16xf32>,
      %parallel_loop3A_610 = vector.shape_cast %parallel_loop3A_609 : vector<1x1x16xf32> to vector<16xf32>
      %parallel_loop3A_611 = vector.shape_cast %parallel_loop3A_604 : vector<16xf32> to vector<1x1x16xf32>
      tpu.vector_store %arg11[%parallel_loop3A_606, %parallel_loop3A_607, %parallel_loop3A_608], %parallel_loop3A_611 {strides = array<i32>} : memref<2x100x128xf32, #tpu.memory_space<vmem>>, vector<1x1x16xf32>,
      %parallel_loop3A_612 = arith.index_cast %parallel_loop3A_547 : i32 to index
      %parallel_loop3A_613 = arith.constant 32 : index
      %parallel_loop3A_614 = tpu.vector_load %arg12[%parallel_loop3A_612, %parallel_loop3A_613] {strides = array<i32>} : memref<200x64xf32, #tpu.memory_space<vmem>>, vector<1x16xf32>,
      %parallel_loop3A_615 = vector.shape_cast %parallel_loop3A_614 : vector<1x16xf32> to vector<16xf32>
      %parallel_loop3A_616 = arith.constant 0 : i32
      %parallel_loop3A_617 = arith.index_cast %parallel_loop3A_616 : i32 to index
      %parallel_loop3A_618 = arith.index_cast %parallel_loop3A_547 : i32 to index
      %parallel_loop3A_619 = arith.constant 32 : index
      %parallel_loop3A_620 = tpu.vector_load %arg9[%parallel_loop3A_617, %parallel_loop3A_618, %parallel_loop3A_619] {strides = array<i32>} : memref<2x200x64xf32, #tpu.memory_space<vmem>>, vector<1x1x16xf32>,
      %parallel_loop3A_621 = vector.shape_cast %parallel_loop3A_620 : vector<1x1x16xf32> to vector<16xf32>
      %parallel_loop3A_622 = arith.addf %parallel_loop3A_621, %parallel_loop3A_615 : vector<16xf32>
      %parallel_loop3A_623 = arith.constant 0 : i32
      %parallel_loop3A_624 = arith.index_cast %parallel_loop3A_623 : i32 to index
      %parallel_loop3A_625 = arith.index_cast %parallel_loop3A_543 : i32 to index
      %parallel_loop3A_626 = arith.constant 32 : index
      %parallel_loop3A_627 = tpu.vector_load %arg11[%parallel_loop3A_624, %parallel_loop3A_625, %parallel_loop3A_626] {strides = array<i32>} : memref<2x100x128xf32, #tpu.memory_space<vmem>>, vector<1x1x16xf32>,
      %parallel_loop3A_628 = vector.shape_cast %parallel_loop3A_627 : vector<1x1x16xf32> to vector<16xf32>
      %parallel_loop3A_629 = vector.shape_cast %parallel_loop3A_622 : vector<16xf32> to vector<1x1x16xf32>
      tpu.vector_store %arg11[%parallel_loop3A_624, %parallel_loop3A_625, %parallel_loop3A_626], %parallel_loop3A_629 {strides = array<i32>} : memref<2x100x128xf32, #tpu.memory_space<vmem>>, vector<1x1x16xf32>,
      %parallel_loop3A_630 = arith.constant 1 : i32
      %parallel_loop3A_631 = arith.index_cast %parallel_loop3A_630 : i32 to index
      %parallel_loop3A_632 = arith.index_cast %parallel_loop3A_547 : i32 to index
      %parallel_loop3A_633 = arith.constant 32 : index
      %parallel_loop3A_634 = tpu.vector_load %arg9[%parallel_loop3A_631, %parallel_loop3A_632, %parallel_loop3A_633] {strides = array<i32>} : memref<2x200x64xf32, #tpu.memory_space<vmem>>, vector<1x1x16xf32>,
      %parallel_loop3A_635 = vector.shape_cast %parallel_loop3A_634 : vector<1x1x16xf32> to vector<16xf32>
      %parallel_loop3A_636 = arith.addf %parallel_loop3A_635, %parallel_loop3A_615 : vector<16xf32>
      %parallel_loop3A_637 = arith.constant 1 : i32
      %parallel_loop3A_638 = arith.index_cast %parallel_loop3A_637 : i32 to index
      %parallel_loop3A_639 = arith.index_cast %parallel_loop3A_543 : i32 to index
      %parallel_loop3A_640 = arith.constant 32 : index
      %parallel_loop3A_641 = tpu.vector_load %arg11[%parallel_loop3A_638, %parallel_loop3A_639, %parallel_loop3A_640] {strides = array<i32>} : memref<2x100x128xf32, #tpu.memory_space<vmem>>, vector<1x1x16xf32>,
      %parallel_loop3A_642 = vector.shape_cast %parallel_loop3A_641 : vector<1x1x16xf32> to vector<16xf32>
      %parallel_loop3A_643 = vector.shape_cast %parallel_loop3A_636 : vector<16xf32> to vector<1x1x16xf32>
      tpu.vector_store %arg11[%parallel_loop3A_638, %parallel_loop3A_639, %parallel_loop3A_640], %parallel_loop3A_643 {strides = array<i32>} : memref<2x100x128xf32, #tpu.memory_space<vmem>>, vector<1x1x16xf32>,
      %parallel_loop3A_644 = arith.index_cast %parallel_loop3A_547 : i32 to index
      %parallel_loop3A_645 = arith.constant 48 : index
      %parallel_loop3A_646 = tpu.vector_load %arg12[%parallel_loop3A_644, %parallel_loop3A_645] {strides = array<i32>} : memref<200x64xf32, #tpu.memory_space<vmem>>, vector<1x16xf32>,
      %parallel_loop3A_647 = vector.shape_cast %parallel_loop3A_646 : vector<1x16xf32> to vector<16xf32>
      %parallel_loop3A_648 = arith.constant 0 : i32
      %parallel_loop3A_649 = arith.index_cast %parallel_loop3A_648 : i32 to index
      %parallel_loop3A_650 = arith.index_cast %parallel_loop3A_547 : i32 to index
      %parallel_loop3A_651 = arith.constant 48 : index
      %parallel_loop3A_652 = tpu.vector_load %arg9[%parallel_loop3A_649, %parallel_loop3A_650, %parallel_loop3A_651] {strides = array<i32>} : memref<2x200x64xf32, #tpu.memory_space<vmem>>, vector<1x1x16xf32>,
      %parallel_loop3A_653 = vector.shape_cast %parallel_loop3A_652 : vector<1x1x16xf32> to vector<16xf32>
      %parallel_loop3A_654 = arith.addf %parallel_loop3A_653, %parallel_loop3A_647 : vector<16xf32>
      %parallel_loop3A_655 = arith.constant 0 : i32
      %parallel_loop3A_656 = arith.index_cast %parallel_loop3A_655 : i32 to index
      %parallel_loop3A_657 = arith.index_cast %parallel_loop3A_543 : i32 to index
      %parallel_loop3A_658 = arith.constant 48 : index
      %parallel_loop3A_659 = tpu.vector_load %arg11[%parallel_loop3A_656, %parallel_loop3A_657, %parallel_loop3A_658] {strides = array<i32>} : memref<2x100x128xf32, #tpu.memory_space<vmem>>, vector<1x1x16xf32>,
      %parallel_loop3A_660 = vector.shape_cast %parallel_loop3A_659 : vector<1x1x16xf32> to vector<16xf32>
      %parallel_loop3A_661 = vector.shape_cast %parallel_loop3A_654 : vector<16xf32> to vector<1x1x16xf32>
      tpu.vector_store %arg11[%parallel_loop3A_656, %parallel_loop3A_657, %parallel_loop3A_658], %parallel_loop3A_661 {strides = array<i32>} : memref<2x100x128xf32, #tpu.memory_space<vmem>>, vector<1x1x16xf32>,
      %parallel_loop3A_662 = arith.constant 1 : i32
      %parallel_loop3A_663 = arith.index_cast %parallel_loop3A_662 : i32 to index
      %parallel_loop3A_664 = arith.index_cast %parallel_loop3A_547 : i32 to index
      %parallel_loop3A_665 = arith.constant 48 : index
      %parallel_loop3A_666 = tpu.vector_load %arg9[%parallel_loop3A_663, %parallel_loop3A_664, %parallel_loop3A_665] {strides = array<i32>} : memref<2x200x64xf32, #tpu.memory_space<vmem>>, vector<1x1x16xf32>,
      %parallel_loop3A_667 = vector.shape_cast %parallel_loop3A_666 : vector<1x1x16xf32> to vector<16xf32>
      %parallel_loop3A_668 = arith.addf %parallel_loop3A_667, %parallel_loop3A_647 : vector<16xf32>
      %parallel_loop3A_669 = arith.constant 1 : i32
      %parallel_loop3A_670 = arith.index_cast %parallel_loop3A_669 : i32 to index
      %parallel_loop3A_671 = arith.index_cast %parallel_loop3A_543 : i32 to index
      %parallel_loop3A_672 = arith.constant 48 : index
      %parallel_loop3A_673 = tpu.vector_load %arg11[%parallel_loop3A_670, %parallel_loop3A_671, %parallel_loop3A_672] {strides = array<i32>} : memref<2x100x128xf32, #tpu.memory_space<vmem>>, vector<1x1x16xf32>,
      %parallel_loop3A_674 = vector.shape_cast %parallel_loop3A_673 : vector<1x1x16xf32> to vector<16xf32>
      %parallel_loop3A_675 = vector.shape_cast %parallel_loop3A_668 : vector<16xf32> to vector<1x1x16xf32>
      tpu.vector_store %arg11[%parallel_loop3A_670, %parallel_loop3A_671, %parallel_loop3A_672], %parallel_loop3A_675 {strides = array<i32>} : memref<2x100x128xf32, #tpu.memory_space<vmem>>, vector<1x1x16xf32>,
      %parallel_loop3A_676 = arith.constant 2 : i32
      %parallel_loop3A_677 = arith.muli %parallel_loop3A_676, %parallel_loop3A_543 : i32
      %parallel_loop3A_678 = arith.constant 1 : i32
      %parallel_loop3A_679 = arith.addi %parallel_loop3A_677, %parallel_loop3A_678 : i32
      %parallel_loop3A_680 = arith.index_cast %parallel_loop3A_679 : i32 to index
      %parallel_loop3A_681 = arith.constant 0 : index
      %parallel_loop3A_682 = tpu.vector_load %arg12[%parallel_loop3A_680, %parallel_loop3A_681] {strides = array<i32>} : memref<200x64xf32, #tpu.memory_space<vmem>>, vector<1x16xf32>,
      %parallel_loop3A_683 = vector.shape_cast %parallel_loop3A_682 : vector<1x16xf32> to vector<16xf32>
      %parallel_loop3A_684 = arith.constant 0 : i32
      %parallel_loop3A_685 = arith.index_cast %parallel_loop3A_684 : i32 to index
      %parallel_loop3A_686 = arith.index_cast %parallel_loop3A_679 : i32 to index
      %parallel_loop3A_687 = arith.constant 0 : index
      %parallel_loop3A_688 = tpu.vector_load %arg9[%parallel_loop3A_685, %parallel_loop3A_686, %parallel_loop3A_687] {strides = array<i32>} : memref<2x200x64xf32, #tpu.memory_space<vmem>>, vector<1x1x16xf32>,
      %parallel_loop3A_689 = vector.shape_cast %parallel_loop3A_688 : vector<1x1x16xf32> to vector<16xf32>
      %parallel_loop3A_690 = arith.addf %parallel_loop3A_689, %parallel_loop3A_683 : vector<16xf32>
      %parallel_loop3A_691 = arith.constant 0 : i32
      %parallel_loop3A_692 = arith.index_cast %parallel_loop3A_691 : i32 to index
      %parallel_loop3A_693 = arith.index_cast %parallel_loop3A_543 : i32 to index
      %parallel_loop3A_694 = arith.constant 64 : index
      %parallel_loop3A_695 = tpu.vector_load %arg11[%parallel_loop3A_692, %parallel_loop3A_693, %parallel_loop3A_694] {strides = array<i32>} : memref<2x100x128xf32, #tpu.memory_space<vmem>>, vector<1x1x16xf32>,
      %parallel_loop3A_696 = vector.shape_cast %parallel_loop3A_695 : vector<1x1x16xf32> to vector<16xf32>
      %parallel_loop3A_697 = vector.shape_cast %parallel_loop3A_690 : vector<16xf32> to vector<1x1x16xf32>
      tpu.vector_store %arg11[%parallel_loop3A_692, %parallel_loop3A_693, %parallel_loop3A_694], %parallel_loop3A_697 {strides = array<i32>} : memref<2x100x128xf32, #tpu.memory_space<vmem>>, vector<1x1x16xf32>,
      %parallel_loop3A_698 = arith.constant 1 : i32
      %parallel_loop3A_699 = arith.index_cast %parallel_loop3A_698 : i32 to index
      %parallel_loop3A_700 = arith.index_cast %parallel_loop3A_679 : i32 to index
      %parallel_loop3A_701 = arith.constant 0 : index
      %parallel_loop3A_702 = tpu.vector_load %arg9[%parallel_loop3A_699, %parallel_loop3A_700, %parallel_loop3A_701] {strides = array<i32>} : memref<2x200x64xf32, #tpu.memory_space<vmem>>, vector<1x1x16xf32>,
      %parallel_loop3A_703 = vector.shape_cast %parallel_loop3A_702 : vector<1x1x16xf32> to vector<16xf32>
      %parallel_loop3A_704 = arith.addf %parallel_loop3A_703, %parallel_loop3A_683 : vector<16xf32>
      %parallel_loop3A_705 = arith.constant 1 : i32
      %parallel_loop3A_706 = arith.index_cast %parallel_loop3A_705 : i32 to index
      %parallel_loop3A_707 = arith.index_cast %parallel_loop3A_543 : i32 to index
      %parallel_loop3A_708 = arith.constant 64 : index
      %parallel_loop3A_709 = tpu.vector_load %arg11[%parallel_loop3A_706, %parallel_loop3A_707, %parallel_loop3A_708] {strides = array<i32>} : memref<2x100x128xf32, #tpu.memory_space<vmem>>, vector<1x1x16xf32>,
      %parallel_loop3A_710 = vector.shape_cast %parallel_loop3A_709 : vector<1x1x16xf32> to vector<16xf32>
      %parallel_loop3A_711 = vector.shape_cast %parallel_loop3A_704 : vector<16xf32> to vector<1x1x16xf32>
      tpu.vector_store %arg11[%parallel_loop3A_706, %parallel_loop3A_707, %parallel_loop3A_708], %parallel_loop3A_711 {strides = array<i32>} : memref<2x100x128xf32, #tpu.memory_space<vmem>>, vector<1x1x16xf32>,
      %parallel_loop3A_712 = arith.index_cast %parallel_loop3A_679 : i32 to index
      %parallel_loop3A_713 = arith.constant 16 : index
      %parallel_loop3A_714 = tpu.vector_load %arg12[%parallel_loop3A_712, %parallel_loop3A_713] {strides = array<i32>} : memref<200x64xf32, #tpu.memory_space<vmem>>, vector<1x16xf32>,
      %parallel_loop3A_715 = vector.shape_cast %parallel_loop3A_714 : vector<1x16xf32> to vector<16xf32>
      %parallel_loop3A_716 = arith.constant 0 : i32
      %parallel_loop3A_717 = arith.index_cast %parallel_loop3A_716 : i32 to index
      %parallel_loop3A_718 = arith.index_cast %parallel_loop3A_679 : i32 to index
      %parallel_loop3A_719 = arith.constant 16 : index
      %parallel_loop3A_720 = tpu.vector_load %arg9[%parallel_loop3A_717, %parallel_loop3A_718, %parallel_loop3A_719] {strides = array<i32>} : memref<2x200x64xf32, #tpu.memory_space<vmem>>, vector<1x1x16xf32>,
      %parallel_loop3A_721 = vector.shape_cast %parallel_loop3A_720 : vector<1x1x16xf32> to vector<16xf32>
      %parallel_loop3A_722 = arith.addf %parallel_loop3A_721, %parallel_loop3A_715 : vector<16xf32>
      %parallel_loop3A_723 = arith.constant 0 : i32
      %parallel_loop3A_724 = arith.index_cast %parallel_loop3A_723 : i32 to index
      %parallel_loop3A_725 = arith.index_cast %parallel_loop3A_543 : i32 to index
      %parallel_loop3A_726 = arith.constant 80 : index
      %parallel_loop3A_727 = tpu.vector_load %arg11[%parallel_loop3A_724, %parallel_loop3A_725, %parallel_loop3A_726] {strides = array<i32>} : memref<2x100x128xf32, #tpu.memory_space<vmem>>, vector<1x1x16xf32>,
      %parallel_loop3A_728 = vector.shape_cast %parallel_loop3A_727 : vector<1x1x16xf32> to vector<16xf32>
      %parallel_loop3A_729 = vector.shape_cast %parallel_loop3A_722 : vector<16xf32> to vector<1x1x16xf32>
      tpu.vector_store %arg11[%parallel_loop3A_724, %parallel_loop3A_725, %parallel_loop3A_726], %parallel_loop3A_729 {strides = array<i32>} : memref<2x100x128xf32, #tpu.memory_space<vmem>>, vector<1x1x16xf32>,
      %parallel_loop3A_730 = arith.constant 1 : i32
      %parallel_loop3A_731 = arith.index_cast %parallel_loop3A_730 : i32 to index
      %parallel_loop3A_732 = arith.index_cast %parallel_loop3A_679 : i32 to index
      %parallel_loop3A_733 = arith.constant 16 : index
      %parallel_loop3A_734 = tpu.vector_load %arg9[%parallel_loop3A_731, %parallel_loop3A_732, %parallel_loop3A_733] {strides = array<i32>} : memref<2x200x64xf32, #tpu.memory_space<vmem>>, vector<1x1x16xf32>,
      %parallel_loop3A_735 = vector.shape_cast %parallel_loop3A_734 : vector<1x1x16xf32> to vector<16xf32>
      %parallel_loop3A_736 = arith.addf %parallel_loop3A_735, %parallel_loop3A_715 : vector<16xf32>
      %parallel_loop3A_737 = arith.constant 1 : i32
      %parallel_loop3A_738 = arith.index_cast %parallel_loop3A_737 : i32 to index
      %parallel_loop3A_739 = arith.index_cast %parallel_loop3A_543 : i32 to index
      %parallel_loop3A_740 = arith.constant 80 : index
      %parallel_loop3A_741 = tpu.vector_load %arg11[%parallel_loop3A_738, %parallel_loop3A_739, %parallel_loop3A_740] {strides = array<i32>} : memref<2x100x128xf32, #tpu.memory_space<vmem>>, vector<1x1x16xf32>,
      %parallel_loop3A_742 = vector.shape_cast %parallel_loop3A_741 : vector<1x1x16xf32> to vector<16xf32>
      %parallel_loop3A_743 = vector.shape_cast %parallel_loop3A_736 : vector<16xf32> to vector<1x1x16xf32>
      tpu.vector_store %arg11[%parallel_loop3A_738, %parallel_loop3A_739, %parallel_loop3A_740], %parallel_loop3A_743 {strides = array<i32>} : memref<2x100x128xf32, #tpu.memory_space<vmem>>, vector<1x1x16xf32>,
      %parallel_loop3A_744 = arith.index_cast %parallel_loop3A_679 : i32 to index
      %parallel_loop3A_745 = arith.constant 32 : index
      %parallel_loop3A_746 = tpu.vector_load %arg12[%parallel_loop3A_744, %parallel_loop3A_745] {strides = array<i32>} : memref<200x64xf32, #tpu.memory_space<vmem>>, vector<1x16xf32>,
      %parallel_loop3A_747 = vector.shape_cast %parallel_loop3A_746 : vector<1x16xf32> to vector<16xf32>
      %parallel_loop3A_748 = arith.constant 0 : i32
      %parallel_loop3A_749 = arith.index_cast %parallel_loop3A_748 : i32 to index
      %parallel_loop3A_750 = arith.index_cast %parallel_loop3A_679 : i32 to index
      %parallel_loop3A_751 = arith.constant 32 : index
      %parallel_loop3A_752 = tpu.vector_load %arg9[%parallel_loop3A_749, %parallel_loop3A_750, %parallel_loop3A_751] {strides = array<i32>} : memref<2x200x64xf32, #tpu.memory_space<vmem>>, vector<1x1x16xf32>,
      %parallel_loop3A_753 = vector.shape_cast %parallel_loop3A_752 : vector<1x1x16xf32> to vector<16xf32>
      %parallel_loop3A_754 = arith.addf %parallel_loop3A_753, %parallel_loop3A_747 : vector<16xf32>
      %parallel_loop3A_755 = arith.constant 0 : i32
      %parallel_loop3A_756 = arith.index_cast %parallel_loop3A_755 : i32 to index
      %parallel_loop3A_757 = arith.index_cast %parallel_loop3A_543 : i32 to index
      %parallel_loop3A_758 = arith.constant 96 : index
      %parallel_loop3A_759 = tpu.vector_load %arg11[%parallel_loop3A_756, %parallel_loop3A_757, %parallel_loop3A_758] {strides = array<i32>} : memref<2x100x128xf32, #tpu.memory_space<vmem>>, vector<1x1x16xf32>,
      %parallel_loop3A_760 = vector.shape_cast %parallel_loop3A_759 : vector<1x1x16xf32> to vector<16xf32>
      %parallel_loop3A_761 = vector.shape_cast %parallel_loop3A_754 : vector<16xf32> to vector<1x1x16xf32>
      tpu.vector_store %arg11[%parallel_loop3A_756, %parallel_loop3A_757, %parallel_loop3A_758], %parallel_loop3A_761 {strides = array<i32>} : memref<2x100x128xf32, #tpu.memory_space<vmem>>, vector<1x1x16xf32>,
      %parallel_loop3A_762 = arith.constant 1 : i32
      %parallel_loop3A_763 = arith.index_cast %parallel_loop3A_762 : i32 to index
      %parallel_loop3A_764 = arith.index_cast %parallel_loop3A_679 : i32 to index
      %parallel_loop3A_765 = arith.constant 32 : index
      %parallel_loop3A_766 = tpu.vector_load %arg9[%parallel_loop3A_763, %parallel_loop3A_764, %parallel_loop3A_765] {strides = array<i32>} : memref<2x200x64xf32, #tpu.memory_space<vmem>>, vector<1x1x16xf32>,
      %parallel_loop3A_767 = vector.shape_cast %parallel_loop3A_766 : vector<1x1x16xf32> to vector<16xf32>
      %parallel_loop3A_768 = arith.addf %parallel_loop3A_767, %parallel_loop3A_747 : vector<16xf32>
      %parallel_loop3A_769 = arith.constant 1 : i32
      %parallel_loop3A_770 = arith.index_cast %parallel_loop3A_769 : i32 to index
      %parallel_loop3A_771 = arith.index_cast %parallel_loop3A_543 : i32 to index
      %parallel_loop3A_772 = arith.constant 96 : index
      %parallel_loop3A_773 = tpu.vector_load %arg11[%parallel_loop3A_770, %parallel_loop3A_771, %parallel_loop3A_772] {strides = array<i32>} : memref<2x100x128xf32, #tpu.memory_space<vmem>>, vector<1x1x16xf32>,
      %parallel_loop3A_774 = vector.shape_cast %parallel_loop3A_773 : vector<1x1x16xf32> to vector<16xf32>
      %parallel_loop3A_775 = vector.shape_cast %parallel_loop3A_768 : vector<16xf32> to vector<1x1x16xf32>
      tpu.vector_store %arg11[%parallel_loop3A_770, %parallel_loop3A_771, %parallel_loop3A_772], %parallel_loop3A_775 {strides = array<i32>} : memref<2x100x128xf32, #tpu.memory_space<vmem>>, vector<1x1x16xf32>,
      %parallel_loop3A_776 = arith.index_cast %parallel_loop3A_679 : i32 to index
      %parallel_loop3A_777 = arith.constant 48 : index
      %parallel_loop3A_778 = tpu.vector_load %arg12[%parallel_loop3A_776, %parallel_loop3A_777] {strides = array<i32>} : memref<200x64xf32, #tpu.memory_space<vmem>>, vector<1x16xf32>,
      %parallel_loop3A_779 = vector.shape_cast %parallel_loop3A_778 : vector<1x16xf32> to vector<16xf32>
      %parallel_loop3A_780 = arith.constant 0 : i32
      %parallel_loop3A_781 = arith.index_cast %parallel_loop3A_780 : i32 to index
      %parallel_loop3A_782 = arith.index_cast %parallel_loop3A_679 : i32 to index
      %parallel_loop3A_783 = arith.constant 48 : index
      %parallel_loop3A_784 = tpu.vector_load %arg9[%parallel_loop3A_781, %parallel_loop3A_782, %parallel_loop3A_783] {strides = array<i32>} : memref<2x200x64xf32, #tpu.memory_space<vmem>>, vector<1x1x16xf32>,
      %parallel_loop3A_785 = vector.shape_cast %parallel_loop3A_784 : vector<1x1x16xf32> to vector<16xf32>
      %parallel_loop3A_786 = arith.addf %parallel_loop3A_785, %parallel_loop3A_779 : vector<16xf32>
      %parallel_loop3A_787 = arith.constant 0 : i32
      %parallel_loop3A_788 = arith.index_cast %parallel_loop3A_787 : i32 to index
      %parallel_loop3A_789 = arith.index_cast %parallel_loop3A_543 : i32 to index
      %parallel_loop3A_790 = arith.constant 112 : index
      %parallel_loop3A_791 = tpu.vector_load %arg11[%parallel_loop3A_788, %parallel_loop3A_789, %parallel_loop3A_790] {strides = array<i32>} : memref<2x100x128xf32, #tpu.memory_space<vmem>>, vector<1x1x16xf32>,
      %parallel_loop3A_792 = vector.shape_cast %parallel_loop3A_791 : vector<1x1x16xf32> to vector<16xf32>
      %parallel_loop3A_793 = vector.shape_cast %parallel_loop3A_786 : vector<16xf32> to vector<1x1x16xf32>
      tpu.vector_store %arg11[%parallel_loop3A_788, %parallel_loop3A_789, %parallel_loop3A_790], %parallel_loop3A_793 {strides = array<i32>} : memref<2x100x128xf32, #tpu.memory_space<vmem>>, vector<1x1x16xf32>,
      %parallel_loop3A_794 = arith.constant 1 : i32
      %parallel_loop3A_795 = arith.index_cast %parallel_loop3A_794 : i32 to index
      %parallel_loop3A_796 = arith.index_cast %parallel_loop3A_679 : i32 to index
      %parallel_loop3A_797 = arith.constant 48 : index
      %parallel_loop3A_798 = tpu.vector_load %arg9[%parallel_loop3A_795, %parallel_loop3A_796, %parallel_loop3A_797] {strides = array<i32>} : memref<2x200x64xf32, #tpu.memory_space<vmem>>, vector<1x1x16xf32>,
      %parallel_loop3A_799 = vector.shape_cast %parallel_loop3A_798 : vector<1x1x16xf32> to vector<16xf32>
      %parallel_loop3A_800 = arith.addf %parallel_loop3A_799, %parallel_loop3A_779 : vector<16xf32>
      %parallel_loop3A_801 = arith.constant 1 : i32
      %parallel_loop3A_802 = arith.index_cast %parallel_loop3A_801 : i32 to index
      %parallel_loop3A_803 = arith.index_cast %parallel_loop3A_543 : i32 to index
      %parallel_loop3A_804 = arith.constant 112 : index
      %parallel_loop3A_805 = tpu.vector_load %arg11[%parallel_loop3A_802, %parallel_loop3A_803, %parallel_loop3A_804] {strides = array<i32>} : memref<2x100x128xf32, #tpu.memory_space<vmem>>, vector<1x1x16xf32>,
      %parallel_loop3A_806 = vector.shape_cast %parallel_loop3A_805 : vector<1x1x16xf32> to vector<16xf32>
      %parallel_loop3A_807 = vector.shape_cast %parallel_loop3A_800 : vector<16xf32> to vector<1x1x16xf32>
      tpu.vector_store %arg11[%parallel_loop3A_802, %parallel_loop3A_803, %parallel_loop3A_804], %parallel_loop3A_807 {strides = array<i32>} : memref<2x100x128xf32, #tpu.memory_space<vmem>>, vector<1x1x16xf32>,
    } {sc.loop_unroll_factor = 2 : i64, sc.parallel_access}
    %mul3A_513 = arith.constant 128 : i32
    %mul3A_514 = arith.muli %add3A, %mul3A_513 : i32
    %add3A_515 = arith.constant 126 : i32
    %add3A_516 = arith.addi %mul3A_514, %add3A_515 : i32
    %dma_start3A_517 = arith.constant 0 : i32
    %dma_start3A_518 = arith.constant 0 : i32
    %dma_start3A_519 = tpu.memref_slice %arg5[%add3A_516, %dma_start3A_517, %dma_start3A_518] : memref<4096x104x128xf32, #tpu.memory_space<hbm>> -> memref<2x100x128xf32, #tpu.memory_space<hbm>>
    %dma_start3A_520 = arith.constant 0 : i32
    %dma_start3A_521 = arith.constant 0 : i32
    %dma_start3A_522 = tpu.memref_slice %arg5[%add3A_516, %dma_start3A_520, %dma_start3A_521] : memref<4096x104x128xf32, #tpu.memory_space<hbm>> -> memref<2x100x128xf32, #tpu.memory_space<hbm>>
    tpu.enqueue_dma source(%arg11 : memref<2x100x128xf32, #tpu.memory_space<vmem>>) target(%dma_start3A_522 : memref<2x100x128xf32, #tpu.memory_space<hbm>>) target_semaphore(%arg16 : memref<!tpu.dma_semaphore, #tpu.memory_space<semaphore_mem>>)
    %mul3A_523 = arith.constant 128 : i32
    %mul3A_524 = arith.muli %add3A, %mul3A_523 : i32
    %add3A_525 = arith.constant 124 : i32
    %add3A_526 = arith.addi %mul3A_524, %add3A_525 : i32
    %dma_wait3A_527 = arith.constant 0 : i32
    %dma_wait3A_528 = arith.constant 0 : i32
    %dma_wait3A_529 = tpu.memref_slice %arg5[%add3A_526, %dma_wait3A_527, %dma_wait3A_528] : memref<4096x104x128xf32, #tpu.memory_space<hbm>> -> memref<2x100x128xf32, #tpu.memory_space<hbm>>
    %dma_wait3A_530 = arith.constant 0 : i32
    %dma_wait3A_531 = arith.constant 0 : i32
    %dma_wait3A_532 = tpu.memref_slice %arg5[%add3A_526, %dma_wait3A_530, %dma_wait3A_531] : memref<4096x104x128xf32, #tpu.memory_space<hbm>> -> memref<2x100x128xf32, #tpu.memory_space<hbm>>
    tpu.wait_dma2 semaphore(%arg15 : memref<!tpu.dma_semaphore, #tpu.memory_space<semaphore_mem>>) src(%arg10 : memref<2x100x128xf32, #tpu.memory_space<vmem>>) dst(%dma_wait3A_532 : memref<2x100x128xf32, #tpu.memory_space<hbm>>)
    %mul3A_533 = arith.constant 128 : i32
    %mul3A_534 = arith.muli %add3A, %mul3A_533 : i32
    %add3A_535 = arith.constant 126 : i32
    %add3A_536 = arith.addi %mul3A_534, %add3A_535 : i32
    %dma_wait3A_537 = arith.constant 0 : i32
    %dma_wait3A_538 = arith.constant 0 : i32
    %dma_wait3A_539 = tpu.memref_slice %arg5[%add3A_536, %dma_wait3A_537, %dma_wait3A_538] : memref<4096x104x128xf32, #tpu.memory_space<hbm>> -> memref<2x100x128xf32, #tpu.memory_space<hbm>>
    %dma_wait3A_540 = arith.constant 0 : i32
    %dma_wait3A_541 = arith.constant 0 : i32
    %dma_wait3A_542 = tpu.memref_slice %arg5[%add3A_536, %dma_wait3A_540, %dma_wait3A_541] : memref<4096x104x128xf32, #tpu.memory_space<hbm>> -> memref<2x100x128xf32, #tpu.memory_space<hbm>>
    tpu.wait_dma2 semaphore(%arg16 : memref<!tpu.dma_semaphore, #tpu.memory_space<semaphore_mem>>) src(%arg11 : memref<2x100x128xf32, #tpu.memory_space<vmem>>) dst(%dma_wait3A_542 : memref<2x100x128xf32, #tpu.memory_space<hbm>>)
    return
  }
}

</mosaic_0001>

<sc_bundles>
// kernel: _sc_embed.3.cloned.1.call-start
scs
__scs_entry_jumppad:
0x0: {  	(pc) =	sbr.rel $0x88, $3  }
0x1: {  	(tag) =	ssettag $0x0;
	lr =	simm.s32 $0x1  }
0x2: {  	[smem:$0x3F9E] =	sst lr;
	_ =	strace $0xD0000000  }
0x3: {  	_ = 	snop  }
0x4: {  	_ = 	snop  }
0x5: {  	_ = 	snop  }
0x6: {  	_ = 	snop  }
0x7: {  	_ = 	snop  }
__scs_overlays_trampoline_lowered:
0x8: {  	[smem:$0x3FAD] =	sst s0  }
0x9: {  	[smem:$0x3FAE] =	sst s1  }
0xa: {  	[smem:$0x3FAF] =	sst s2  }
0xb: {  	[smem:$0x3FB0] =	sst s3  }
0xc: {  	[smem:$0x3FB1] =	sst s4  }
0xd: {  	[smem:$0x3FB2] =	sst s5  }
0xe: {  	[smem:$0x3FB3] =	sst s6  }
0xf: {  	[smem:$0x3FB4] =	sst s7  }
0x10: {  	[smem:$0x3FB5] =	sst s8  }
0x11: {  	[smem:$0x3FB6] =	sst s9;
	s0 =	simm.s32 @!p0 $0x0  }
0x12: {  	s1 =	sld [smem:$0x3F9C];
	s0 =	simm.s32 @p0 $0x1  }
0x13: {  	[smem:$0x3FB7] =	sst s0;
	s0 =	simm.s32 @!p1 $0x0  }
0x14: {  	s2 =	sld [smem:$0x3F9B];
	s0 =	simm.s32 @p1 $0x1  }
0x15: {  	[smem:$0x3FB8] =	sst s0;
	s0 =	simm.s32 @!p2 $0x0  }
0x16: {  	s3 =	sld [smem:$0x3FDB];
	s0 =	simm.s32 @p2 $0x1  }
0x17: {  	s4 =	simm.s32 $0x1BF5;
	[smem:$0x3FBA] =	sst s0  }
0x18: {  	s0 =	sld [smem:$0x3F9D];
	_ =	swait.ge [sflag:s4], $0x0  }
0x19: {  	s7 =	sld [smem:$0x3F9E]  }
0x1a: {  	s8 =	sadd.s32 $0xFFFFE003, lr  }
0x1b: {  	s9 =	sadd.s32 $0xFFFFFEF7, lr;
	s5 =	simm.s32 $0xFFFFFFFF;
	p2 =	slt.u32 s8, $0xFFFFF086  }
0x1c: {  	p1 =	slt.u32 s9, $0xF7A;
	s5 =	simm.s32 @!p2 $0x0  }
0x1d: {  	s5 =	simm.s32 @p1 $0x1;
	p0 =	seq.s32 s7, s2  }
0x1e: {  	s7 =	smul.u32 @!p0 $0xF7A, s2;
	p2 =	seq.s32 @!p0 s5, $0x0  }
0x1f: {  	s9 =	smul.u32 $0xF7A, s1;
	s8 =	simm.s32 @!p0 $0x1BF5;
	p2 =	por !p2, p0  }
0x20: {  	[sflag:s8] =	ssyncset.s32 @!p0 $0xFFFFF086;
	s6 =	sadd.s32 @!p0 s3, s7;
	s7 =	simm.s32 @!p0 $0x108  }
0x21: {  	s3 =	sadd.s32 s3, s9;
	s6 =	sadd.s32 @!p0 $0x88, s6;
	s7 =	simm.s32 @p2 $0x1082  }
0x22: {  	[simem:s7], [sflag:s8] =	dma.local @!p0 [hbm:s6], $0xF7A  }
0x23: {  	s9 =	sor.u32 $0xD0000000, s2;
	s6 =	simm.s32 $0x108;
	_ =	swait.ge @!p0 [sflag:s8], $0x0  }
0x24: {  	s3 =	sadd.s32 $0x88, s3;
	s6 =	simm.s32 @!p1 $0x1082;
	[sflag:s4] =	ssyncset.s32 $0xFFFFF086  }
0x25: {  	[simem:s6], [sflag:s4] =	dma.local [hbm:s3], $0xF7A  }
0x26: {  	[smem:$0x3F9E] =	sst s1;
	(tag) =	ssettag s2;
	_ =	strace s9  }
0x27: {  	s1 =	sld [smem:$0x3FAE]  }
0x28: {  	s2 =	sld [smem:$0x3FAF]  }
0x29: {  	s4 =	sld [smem:$0x3FB1]  }
0x2a: {  	p0 =	seq.s32 s5, $0x0;
	s5 =	sld [smem:$0x3FB2]  }
0x2b: {  	s6 =	sld [smem:$0x3FB3]  }
0x2c: {  	s7 =	sld [smem:$0x3FB4]  }
0x2d: {  	s3 =	simm.s32 $0x108;
	s8 =	sld [smem:$0x3FB5]  }
0x2e: {  	s3 =	simm.s32 @!p0 $0x1082;
	s9 =	sld [smem:$0x3FB6]  }
0x2f: {  	lr =	sadd.s32 s0, s3;
	s0 =	sld [smem:$0x3FAD]  }
0x30: {  	s3 =	sld [smem:$0x3FB0]  }
0x31: {  	[smem:$0x3FB9] =	sst s10  }
0x32: {  	s10 =	sld [smem:$0x3FB7];
	_ =	sdelay $0x3  }
0x33: {  	p0 =	seq.s32 s10, $0x1;
	s10 =	sld [smem:$0x3FB9];
	_ =	sdelay $0x3  }
0x34: {  	[smem:$0x3FB9] =	sst s10  }
0x35: {  	s10 =	sld [smem:$0x3FB8];
	_ =	sdelay $0x3  }
0x36: {  	p1 =	seq.s32 s10, $0x1;
	s10 =	sld [smem:$0x3FB9];
	_ =	sdelay $0x3  }
0x37: {  	[smem:$0x3FB9] =	sst s10  }
0x38: {  	s10 =	sld [smem:$0x3FBA]  }
0x39: {  	_ = 	snop;
	(pc) =	sbr.ind lr, $3  }
0x3a: {  	_ = 	snop  }
0x3b: {  	_ = 	snop  }
0x3c: {  	p2 =	seq.s32 s10, $0x1;
	s10 =	sld [smem:$0x3FB9]  }
0x3d: {  	_ =	shalt  }
0x3e: {  	_ =	shalt  }
0x3f: {  	_ =	shalt  }
0x40: {  	_ =	shalt  }
0x41: {  	_ =	shalt  }
0x42: {  	_ =	shalt  }
0x43: {  	_ =	shalt  }
0x44: {  	_ =	shalt  }
0x45: {  	_ =	shalt  }
0x46: {  	_ =	shalt  }
0x47: {  	_ =	shalt  }
0x48: {  	_ =	shalt  }
0x49: {  	_ =	shalt  }
0x4a: {  	_ =	shalt  }
0x4b: {  	_ =	shalt  }
0x4c: {  	_ =	shalt  }
0x4d: {  	_ =	shalt  }
0x4e: {  	_ =	shalt  }
0x4f: {  	_ =	shalt  }
0x50: {  	_ =	shalt  }
0x51: {  	_ =	shalt  }
0x52: {  	_ =	shalt  }
0x53: {  	_ =	shalt  }
0x54: {  	_ =	shalt  }
0x55: {  	_ =	shalt  }
0x56: {  	_ =	shalt  }
0x57: {  	_ =	shalt  }
0x58: {  	_ =	shalt  }
0x59: {  	_ =	shalt  }
0x5a: {  	_ =	shalt  }
0x5b: {  	_ =	shalt  }
0x5c: {  	_ =	shalt  }
0x5d: {  	_ =	shalt  }
0x5e: {  	_ =	shalt  }
0x5f: {  	_ =	shalt  }
0x60: {  	_ =	shalt  }
0x61: {  	_ =	shalt  }
0x62: {  	_ =	shalt  }
0x63: {  	_ =	shalt  }
0x64: {  	_ =	shalt  }
0x65: {  	_ =	shalt  }
0x66: {  	_ =	shalt  }
0x67: {  	_ =	shalt  }
0x68: {  	_ =	shalt  }
0x69: {  	_ =	shalt  }
0x6a: {  	_ =	shalt  }
0x6b: {  	_ =	shalt  }
0x6c: {  	_ =	shalt  }
0x6d: {  	_ =	shalt  }
0x6e: {  	_ =	shalt  }
0x6f: {  	_ =	shalt  }
0x70: {  	_ =	shalt  }
0x71: {  	_ =	shalt  }
0x72: {  	_ =	shalt  }
0x73: {  	_ =	shalt  }
0x74: {  	_ =	shalt  }
0x75: {  	_ =	shalt  }
0x76: {  	_ =	shalt  }
0x77: {  	_ =	shalt  }
0x78: {  	_ =	shalt  }
0x79: {  	_ =	shalt  }
0x7a: {  	_ =	shalt  }
0x7b: {  	_ =	shalt  }
0x7c: {  	_ =	shalt  }
0x7d: {  	_ =	shalt  }
0x7e: {  	_ =	shalt  }
0x7f: {  	_ =	shalt  }
0x80: {  	_ =	shalt  }
0x81: {  	_ =	shalt  }
0x82: {  	_ =	shalt  }
0x83: {  	_ =	shalt  }
0x84: {  	_ =	shalt  }
0x85: {  	_ =	shalt  }
0x86: {  	_ =	shalt  }
0x87: {  	_ =	shalt  }
.Lfunc_end0:
.L_simem_size_0:
called_computation_lowered:
.L_overlay_start_0:
0x88: {  	s2 =	sld [smem:$0x3FD9]  }
0x89: {  	s3 =	sld [smem:$0x3FFE];
	_ =	sdelay $0x1  }
0x8a: {  	s1 =	srdreg.scid  }
0x8b: {  	s0 =	sand.u32 $0x1, s1  }
0x8c: {  	s17 =	sshll.u32 s0, $0xA;
	s2 =	sadd.s32 s3, s2  }
0x8d: {  	s2 =	sadd.s32 s2, s17  }
0x8e: {  	[smem:$0x3FC5] =	sst s2  }
0x8f: {  	_ = 	snop  }
0x90: {  	s2 =	sld [smem:$0x3FD0];
	(tm) =	ssettm $0x1  }
0x91: {  	s18 =	sld [smem:$0x3FFB];
	_ =	sdelay $0x3  }
0x92: {  	_ =	strace s18  }
0x93: {  	s3 =	sld [smem:$0x3FFC];
	_ =	sdelay $0x3  }
0x94: {  	_ =	strace s3  }
0x95: {  	s3 =	sld [smem:$0x3FFD];
	_ =	sdelay $0x3  }
0x96: {  	_ =	strace s3  }
0x97: {  	_ =	strace $0x8FFFFFFF  }
0x98: {  	s19 =	sld [smem:$0x3FDB];
	_ =	sdelay $0x1  }
0x99: {  	s4 =	simm.s32 $_scs_section_size  }
0x9a: {  	s5 =	simm.s32 $_size__tile_overlayer_lowered;
	s6 =	simm.s32 $_tile_overlayer_lowered  }
0x9b: {  	s22 =	simm.s32 $0x1BFF;
	s21 =	sshll.u32 s6, $0x1;
	s3 =	sadd.s32 s4, s19  }
0x9c: {  	s7 =	simm.s32 $0x0;
	s20 =	sshll.u32 s5, $0x1;
	s5 =	sadd.s32 s21, s3  }
0x9d: {  	[timem:s7], [sflag:s22] =	dma.local [hbm:s5], s20  }
0x9e: {  	_ =	swait.ge [sflag:s22], s20  }
0x9f: {  	s4 =	ssub.s32 $0x0, s20;
	[sflag:s22] =	ssyncset.done $0x0  }
0xa0: {  	[sflag:s22] =	ssyncadd.s32 s4;
	_ =	sdelay $0x1  }
0xa1: {  	s23 =	simm.s32 $0x1B8B  }
0xa2: {  	_ =	swait.ge [sflag:s23], $0x1  }
0xa3: {  	[sflag:s23] =	ssyncset.done $0x0  }
0xa4: {  	s25 =	simm.s32 $0x1B8E;
	s24 =	sld [smem:$0x3FFE];
	[sflag:s23] =	ssyncadd.s32 $0xFFFFFFFF  }
0xa5: {  	s26 =	simm.s32 $execute0_lowered;
	[smem:$0x3FD2] =	sst s25  }
0xa6: {  	s5 =	sshll.u32 s26, $0x1;
	_ =	strace $0x80000046;
	[dreg:$0x1] =	wrdreg $0xFFFFFFFF  }
0xa7: {  	s28 =	simm.s32 $_size_execute0_lowered;
	s3 =	sadd.s32 s3, s5;
	[dreg:$0x0] =	wrdreg $0x0  }
0xa8: {  	s5 =	sshll.u32 s28, $0x1;
	[dreg:$0x2] =	wrdreg s3  }
0xa9: {  	[dreg:$0x3] =	wrdreg s5  }
0xaa: {  	[dreg:$0x4] =	wrdreg $0xC0  }
0xab: {  	_ =	task [dreg:s7], $0x5FFFF  }
0xac: {  	[dreg:$0x1] =	wrdreg $0xFFFFFFFF  }
0xad: {  	[dreg:$0x0] =	wrdreg $0x60  }
0xae: {  	[dreg:$0x2] =	wrdreg s24  }
0xaf: {  	[dreg:$0x3] =	wrdreg s2  }
0xb0: {  	[dreg:$0x4] =	wrdreg $0x9  }
0xb1: {  	_ =	task.clear_ibuf [dreg:s7], $0x5FFFF;
	_ =	strace $0x90000046  }
0xb2: {  	s29 =	simm.s32 $0x9;
	_ =	strace $0x80000048  }
0xb3: {  	_ =	swait.ge [sflag:s29], $0x1  }
0xb4: {  	[sflag:s29] =	ssyncadd.s32 $0xFFFFFFFF  }
0xb5: {  	_ =	strace $0x90000048  }
0xb6: {  	_ =	sfence  }
0xb7: {  	s30 =	sld [smem:$0x0];
	_ =	sdelay $0x2  }
0xb8: {  	s31 =	sshll.u32 s1, $0xD;
	s1 =	sshrl.u32 s1, $0x2  }
0xb9: {  	s3 =	sand.u32 $0x4000, s31;
	s1 =	sadd.s32 s1, s30  }
0xba: {  	s0 =	sor.u32 s3, s0;
	s1 =	sshll.u32 s1, $0x11  }
0xbb: {  	s0 =	sor.u32 s1, s0  }
0xbc: {  	s0 =	sadd.s32 $0x8F2B, s0  }
0xbd: {  	[sflag:s0] =	ssyncadd.remote.s32 $0x1  }
0xbe: {  	_ =	sfence.sel $0xFFFF  }
0xbf: {  	[dreg:$0x0] =	wrdreg $0xFFFFFFFF;
	(pc) =	sbr.abs _section_cstart, $3  }
0xc0: {  	[dreg:$0x1] =	wrdreg $0xFFFFFFFF  }
0xc1: {  	_ =	task.clear_ibuf [dreg:s7], $0x2FFFF;
	_ =	strace $0x9FFFFFFF  }
0xc2: {  	(tm) =	ssettm $0x7FFFFFFF  }
0xc3: {  	_ =	shalt  }
tec
execute0_lowered:
.L_overlay_start_1:
0x0: {  	(tag) =	ssettag $0x1  }
0x1: {  	s0 =	rddreg [dreg:$0x0]  }
0x2: {  	s8 =	rddreg [dreg:$0x1];
	s3 =	simm.s32 $0x0  }
0x3: {  	s1 =	srdreg.scid;
	s2 =	stileid.u32;
	s31 =	simm.s32 $0x1A0  }
0x4: {  	s16 =	simm.s32 $0x1;
	s17 =	simm.s32 $0x3200;
	s18 =	simm.s32 $0x3400  }
0x5: {  	[smem:$0x7FF] =	sst s3;
	s1 =	sand.u32 $0x1, s1;
	s2 =	sshll.u32 s2, $0x1  }
0x6: {  	s4 =	sadd.s32 $0xC00, s0;
	s5 =	sadd.s32 $0x1AC00, s0;
	s0 =	sadd.s32 $0x400, s0  }
0x7: {  	_ =	strace $0x80000047;
	s6 =	ssub.s32 $0x2, s1;
	s1 =	sor.u32 s1, s2  }
0x8: {  	[dreg:$0x3] =	wrdreg s0;
	s7 =	smul.u32 $0xD00, s1;
	s22 =	sshll.u32 s1, $0x8  }
0x9: {  	s19 =	sshrl.u32 s6, $0x1;
	s21 =	smul.u32 $0x34000, s1;
	s28 =	sor.u32 $0x8, s22  }
0xa: {  	s23 =	smul.u32 $0x1A0000, s1;
	s29 =	sor.u32 $0xC, s22;
	[dreg:$0xa] =	wrdreg s28  }
0xb: {  	s20 =	ssub.s32 s6, s19;
	s9 =	sadd.s32 s4, s7;
	[dreg:$0xb] =	wrdreg s29  }
0xc: {  	s22 =	simm.s32 $0x64;
	s2 =	sadd.s32 s8, s21;
	[dreg:$0x4] =	wrdreg s9  }
0xd: {  	s26 =	sshrl.u32 s23, $0x3;
	s0 =	smax.u32 s20, $0x1;
	[dreg:$0x7] =	wrdreg s2  }
0xe: {  	s21 =	simm.s32 $0x5;
	s10 =	sadd.s32 $0x34, s9;
	[dreg:$0xe] =	wrdreg s0  }
0xf: {  	s7 =	simm.s32 $0x2;
	s24 =	sadd.s32 $0x68, s9;
	[dreg:$0x5] =	wrdreg s10  }
0x10: {  	s25 =	sadd.s32 $0x9C, s9;
	s2 =	sadd.s32 $0xD00, s2;
	[dreg:$0x6] =	wrdreg s24  }
0x11: {  	s10 =	sshll.u32 s1, $0x7;
	[dreg:$0x8] =	wrdreg s25;
	s1 =	sadd.s32 s8, s26  }
0x12: {  	s23 =	simm.s32 $0x3;
	[dreg:$0x9] =	wrdreg s2;
	s30 =	sadd.s32 $0x32600, s1  }
0x13: {  	s0 =	simm.s32 $0x6;
	s1 =	sadd.s32 $0x33300, s1;
	[dreg:$0xc] =	wrdreg s30  }
0x14: {  	s24 =	simm.s32 $0x4;
	s2 =	simm.s32 $0x0;
	[dreg:$0xd] =	wrdreg s1  }
.LBB2_1:
0x15: {  	[dreg:$0xf] =	wrdreg s2  }
0x16: {  	s1 =	rddreg [dreg:$0x3];
	s28 =	simm.s32 $0x19340;
	s29 =	simm.s32 $0x7  }
0x17: {  	[tilespmem:s28], [sflag:$0x7] =	stream.linear.gather [hbm4b:s1+s3], $0x3200, $0x38;
	[tilespmem:$0x1C540] =	vst v63  }
0x18: {  	_ =	swait.ge [sflag:s29], $0x3200  }
0x19: {  	[sflag:s29] =	ssyncset.done $0x0  }
0x1a: {  	s30 =	rddreg [dreg:$0x4];
	[sflag:s29] =	ssyncadd.s32 $0xFFFFCE00  }
0x1b: {  	[tilespmem:s3], [sflag:$0x5] =	stream.linear.gather [hbm4b:s30+s3], $0x1A0, $0x38;
	[tilespmem:$0x1C540] =	vst v63  }
0x1c: {  	_ =	swait.ge [sflag:s21], $0x1A0  }
0x1d: {  	[sflag:s21] =	ssyncset.done $0x0  }
0x1e: {  	s2 =	simm.s32 $0x340;
	[sflag:s21] =	ssyncadd.s32 $0xFFFFFE60  }
0x1f: {  	[tilespmem:s2], [sflag:$0x1] =	stream.indirect.gather [hbm4b:s5+s22], $0x40, s3, s22, $0xb8;
	[tilespmem:$0x1C540] =	vst v63  }
0x20: {  	s6 =	simm.s32 $0x68;
	s8 =	simm.s32 $0x1C40  }
0x21: {  	[tilespmem:s8], [sflag:$0x1] =	stream.indirect.gather [hbm4b:s5+s22], $0x40, s6, s22, $0xb8;
	[tilespmem:$0x1C540] =	vst v63  }
0x22: {  	s9 =	simm.s32 $0xD0;
	s11 =	simm.s32 $0x3540  }
0x23: {  	[tilespmem:s11], [sflag:$0x1] =	stream.indirect.gather [hbm4b:s5+s22], $0x40, s9, s22, $0xb8;
	[tilespmem:$0x1C540] =	vst v63  }
0x24: {  	s12 =	simm.s32 $0x138;
	s13 =	simm.s32 $0x4E40  }
0x25: {  	[tilespmem:s13], [sflag:$0x1] =	stream.indirect.gather [hbm4b:s5+s22], $0x40, s12, s22, $0xb8;
	[tilespmem:$0x1C540] =	vst v63  }
0x26: {  	s14 =	rddreg [dreg:$0x5]  }
0x27: {  	[tilespmem:s31], [sflag:$0x6] =	stream.linear.gather [hbm4b:s14+s3], $0x1A0, $0x38;
	[tilespmem:$0x1C540] =	vst v63  }
0x28: {  	_ =	swait.ge [sflag:s0], $0x1A0  }
0x29: {  	[sflag:s0] =	ssyncset.done $0x0  }
0x2a: {  	s15 =	simm.s32 $0x6740;
	[sflag:s0] =	ssyncadd.s32 $0xFFFFFE60  }
0x2b: {  	[tilespmem:s15], [sflag:$0x2] =	stream.indirect.gather [hbm4b:s5+s22], $0x40, s31, s22, $0xb8;
	[tilespmem:$0x1C540] =	vst v63  }
0x2c: {  	s19 =	simm.s32 $0x208;
	s20 =	simm.s32 $0x8040  }
0x2d: {  	[tilespmem:s20], [sflag:$0x2] =	stream.indirect.gather [hbm4b:s5+s22], $0x40, s19, s22, $0xb8;
	[tilespmem:$0x1C540] =	vst v63  }
0x2e: {  	s25 =	simm.s32 $0x270;
	s26 =	simm.s32 $0x9940  }
0x2f: {  	[tilespmem:s26], [sflag:$0x2] =	stream.indirect.gather [hbm4b:s5+s22], $0x40, s25, s22, $0xb8;
	[tilespmem:$0x1C540] =	vst v63  }
0x30: {  	s28 =	simm.s32 $0x2D8;
	s29 =	simm.s32 $0xB240  }
0x31: {  	[tilespmem:s29], [sflag:$0x2] =	stream.indirect.gather [hbm4b:s5+s22], $0x40, s28, s22, $0xb8;
	[tilespmem:$0x1C540] =	vst v63  }
0x32: {  	_ =	swait.ge [sflag:s16], $0x1900  }
0x33: {  	[sflag:s16] =	ssyncset.done $0x0  }
0x34: {  	[sflag:s16] =	ssyncadd.s32 $0xFFFFE700  }
0x35: {  	_ =	swait.ge [sflag:s16], $0x1900  }
0x36: {  	[sflag:s16] =	ssyncset.done $0x0  }
0x37: {  	[sflag:s16] =	ssyncadd.s32 $0xFFFFE700  }
0x38: {  	_ =	swait.ge [sflag:s16], $0x1900  }
0x39: {  	[sflag:s16] =	ssyncset.done $0x0  }
0x3a: {  	[sflag:s16] =	ssyncadd.s32 $0xFFFFE700  }
0x3b: {  	_ =	swait.ge [sflag:s16], $0x1900  }
0x3c: {  	[sflag:s16] =	ssyncset.done $0x0  }
0x3d: {  	s20 =	simm.s32 $0x193C0;
	s30 =	rddreg [dreg:$0x6];
	[sflag:s16] =	ssyncadd.s32 $0xFFFFE700  }
0x3e: {  	[tilespmem:s3], [sflag:$0x5] =	stream.linear.gather [hbm4b:s30+s3], $0x1A0, $0x38;
	[tilespmem:$0x1C540] =	vst v63  }
0x3f: {  	s11 =	simm.s32 $0x3630;
	v0 =	vld [tilespmem:s20+$0x0]  }
0x40: {  	v1 =	vld [tilespmem:s11+$0xFFFFCD90];
	_ =	sdelay $0x4  }
0x41: {  	v1 =	vadd.f32 v1, v0  }
0x42: {  	s25 =	simm.s32 $0xFE30  }
0x43: {  	[tilespmem:s25+$0xFFFFCD90] =	vst v1  }
0x44: {  	v1 =	vld [tilespmem:s11+$0xFFFFFF90];
	_ =	sdelay $0x4  }
0x45: {  	v0 =	vadd.f32 v1, v0;
	_ =	sdelay $0x1  }
0x46: {  	[tilespmem:s25+$0xFFFFFF90] =	vst v0  }
0x47: {  	v0 =	vld [tilespmem:s20+$0x10]  }
0x48: {  	v1 =	vld [tilespmem:s11+$0xFFFFCDA0];
	_ =	sdelay $0x1  }
0x49: {  	v2 =	vld [tilespmem:s11+$0xFFFFCD10]  }
0x4a: {  	v3 =	vld [tilespmem:s20+$0xFFFFFF80];
	_ =	sdelay $0x1  }
0x4b: {  	v1 =	vadd.f32 v1, v0;
	_ =	sdelay $0x1  }
0x4c: {  	[tilespmem:s25+$0xFFFFCDA0] =	vst v1  }
0x4d: {  	v1 =	vadd.f32 v2, v3;
	v2 =	vld [tilespmem:s11+$0xFFFFFFA0];
	_ =	sdelay $0x1  }
0x4e: {  	[tilespmem:s25+$0xFFFFCD10] =	vst v1  }
0x4f: {  	v1 =	vld [tilespmem:s11+$0xFFFFFF10];
	_ =	sdelay $0x1  }
0x50: {  	v0 =	vadd.f32 v2, v0;
	_ =	sdelay $0x1  }
0x51: {  	[tilespmem:s25+$0xFFFFFFA0] =	vst v0  }
0x52: {  	v0 =	vadd.f32 v1, v3;
	v1 =	vld [tilespmem:s20+$0x20]  }
0x53: {  	v2 =	vld [tilespmem:s11+$0xFFFFCDB0]  }
0x54: {  	[tilespmem:s25+$0xFFFFFF10] =	vst v0  }
0x55: {  	v0 =	vld [tilespmem:s20+$0xFFFFFF90]  }
0x56: {  	v3 =	vld [tilespmem:s11+$0xFFFFCD20];
	_ =	sdelay $0x1  }
0x57: {  	v2 =	vadd.f32 v2, v1;
	_ =	sdelay $0x1  }
0x58: {  	[tilespmem:s25+$0xFFFFCDB0] =	vst v2  }
0x59: {  	s19 =	simm.s32 $0x194C0;
	v2 =	vadd.f32 v3, v0;
	v3 =	vld [tilespmem:s11+$0xFFFFFFB0]  }
0x5a: {  	s2 =	simm.s32 $0x3730;
	v4 =	vld [tilespmem:s19+$0x0]  }
0x5b: {  	[tilespmem:s25+$0xFFFFCD20] =	vst v2;
	v2 =	vld [tilespmem:s2+$0xFFFFCD90]  }
0x5c: {  	v5 =	vld [tilespmem:s11+$0xFFFFFF20];
	_ =	sdelay $0x1  }
0x5d: {  	v1 =	vadd.f32 v3, v1;
	_ =	sdelay $0x1  }
0x5e: {  	[tilespmem:s25+$0xFFFFFFB0] =	vst v1;
	v1 =	vadd.f32 v2, v4  }
0x5f: {  	s26 =	simm.s32 $0xFF30;
	v0 =	vadd.f32 v5, v0;
	v2 =	vld [tilespmem:s20+$0x30]  }
0x60: {  	v3 =	vld [tilespmem:s11+$0xFFFFCDC0];
	[tilespmem:s26+$0xFFFFCD90] =	vst v1  }
0x61: {  	[tilespmem:s25+$0xFFFFFF20] =	vst v0;
	v0 =	vld [tilespmem:s2+$0xFFFFFF90]  }
0x62: {  	v1 =	vld [tilespmem:s20+$0xFFFFFFA0]  }
0x63: {  	v5 =	vld [tilespmem:s11+$0xFFFFCD30]  }
0x64: {  	v6 =	vld [tilespmem:s2+$0xFFFFCD10]  }
0x65: {  	v7 =	vld [tilespmem:s19+$0xFFFFFF80];
	v3 =	vadd.f32 v3, v2  }
0x66: {  	v0 =	vadd.f32 v0, v4  }
0x67: {  	[tilespmem:s25+$0xFFFFCDC0] =	vst v3  }
0x68: {  	v3 =	vadd.f32 v5, v1;
	v4 =	vld [tilespmem:s11+$0xFFFFFFC0];
	[tilespmem:s26+$0xFFFFFF90] =	vst v0  }
0x69: {  	v0 =	vld [tilespmem:s19+$0x10]  }
0x6a: {  	[tilespmem:s25+$0xFFFFCD30] =	vst v3;
	v3 =	vadd.f32 v6, v7;
	v5 =	vld [tilespmem:s2+$0xFFFFCDA0]  }
0x6b: {  	v6 =	vld [tilespmem:s11+$0xFFFFFF30]  }
0x6c: {  	[tilespmem:s26+$0xFFFFCD10] =	vst v3  }
0x6d: {  	v3 =	vld [tilespmem:s2+$0xFFFFFF10];
	v2 =	vadd.f32 v4, v2;
	_ =	sdelay $0x1  }
0x6e: {  	[tilespmem:s25+$0xFFFFFFC0] =	vst v2;
	v2 =	vadd.f32 v5, v0  }
0x6f: {  	v1 =	vadd.f32 v6, v1;
	v4 =	vld [tilespmem:s20+$0x40]  }
0x70: {  	v5 =	vld [tilespmem:s11+$0xFFFFCDD0];
	[tilespmem:s26+$0xFFFFCDA0] =	vst v2  }
0x71: {  	[tilespmem:s25+$0xFFFFFF30] =	vst v1;
	v1 =	vadd.f32 v3, v7;
	v2 =	vld [tilespmem:s2+$0xFFFFFFA0]  }
0x72: {  	v3 =	vld [tilespmem:s20+$0xFFFFFFB0]  }
0x73: {  	v6 =	vld [tilespmem:s11+$0xFFFFCD40];
	[tilespmem:s26+$0xFFFFFF10] =	vst v1  }
0x74: {  	v1 =	vld [tilespmem:s19+$0xFFFFFF90]  }
0x75: {  	v7 =	vld [tilespmem:s2+$0xFFFFCD20];
	v5 =	vadd.f32 v5, v4  }
0x76: {  	v0 =	vadd.f32 v2, v0  }
0x77: {  	[tilespmem:s25+$0xFFFFCDD0] =	vst v5  }
0x78: {  	v2 =	vadd.f32 v6, v3;
	v5 =	vld [tilespmem:s11+$0xFFFFFFD0];
	[tilespmem:s26+$0xFFFFFFA0] =	vst v0  }
0x79: {  	v0 =	vld [tilespmem:s19+$0x20]  }
0x7a: {  	[tilespmem:s25+$0xFFFFCD40] =	vst v2;
	v2 =	vadd.f32 v7, v1;
	v6 =	vld [tilespmem:s2+$0xFFFFCDB0]  }
0x7b: {  	v7 =	vld [tilespmem:s11+$0xFFFFFF40]  }
0x7c: {  	[tilespmem:s26+$0xFFFFCD20] =	vst v2  }
0x7d: {  	v2 =	vld [tilespmem:s2+$0xFFFFFF20];
	v4 =	vadd.f32 v5, v4;
	_ =	sdelay $0x1  }
0x7e: {  	[tilespmem:s25+$0xFFFFFFD0] =	vst v4;
	v4 =	vadd.f32 v6, v0  }
0x7f: {  	v3 =	vadd.f32 v7, v3;
	v5 =	vld [tilespmem:s20+$0x50]  }
0x80: {  	v6 =	vld [tilespmem:s11+$0xFFFFCDE0];
	[tilespmem:s26+$0xFFFFCDB0] =	vst v4  }
0x81: {  	[tilespmem:s25+$0xFFFFFF40] =	vst v3;
	v1 =	vadd.f32 v2, v1;
	v2 =	vld [tilespmem:s2+$0xFFFFFFB0]  }
0x82: {  	v3 =	vld [tilespmem:s20+$0xFFFFFFC0]  }
0x83: {  	s9 =	simm.s32 $0x195C0;
	v4 =	vld [tilespmem:s11+$0xFFFFCD50]  }
0x84: {  	v8 =	vld [tilespmem:s9+$0x0];
	[tilespmem:s26+$0xFFFFFF20] =	vst v1  }
0x85: {  	v1 =	vld [tilespmem:s19+$0xFFFFFFA0];
	v6 =	vadd.f32 v6, v5  }
0x86: {  	s6 =	simm.s32 $0x3830;
	v7 =	vld [tilespmem:s2+$0xFFFFCD30];
	v0 =	vadd.f32 v2, v0  }
0x87: {  	[tilespmem:s25+$0xFFFFCDE0] =	vst v6;
	v2 =	vld [tilespmem:s6+$0xFFFFCD90]  }
0x88: {  	v4 =	vadd.f32 v4, v3;
	v6 =	vld [tilespmem:s11+$0xFFFFFFE0];
	[tilespmem:s26+$0xFFFFFFB0] =	vst v0  }
0x89: {  	v0 =	vld [tilespmem:s19+$0x30]  }
0x8a: {  	[tilespmem:s25+$0xFFFFCD50] =	vst v4;
	v4 =	vld [tilespmem:s2+$0xFFFFCDC0]  }
0x8b: {  	v10 =	vld [tilespmem:s6+$0xFFFFCD10];
	v7 =	vadd.f32 v7, v1  }
0x8c: {  	v9 =	vld [tilespmem:s11+$0xFFFFFF50];
	v2 =	vadd.f32 v2, v8  }
0x8d: {  	s8 =	simm.s32 $0x10030;
	[tilespmem:s26+$0xFFFFCD30] =	vst v7;
	v7 =	vld [tilespmem:s9+$0xFFFFFF80]  }
0x8e: {  	v5 =	vadd.f32 v6, v5;
	[tilespmem:s8+$0xFFFFCD90] =	vst v2;
	v2 =	vld [tilespmem:s2+$0xFFFFFF30]  }
0x8f: {  	v6 =	vld [tilespmem:s6+$0xFFFFFF90];
	v4 =	vadd.f32 v4, v0  }
0x90: {  	[tilespmem:s25+$0xFFFFFFE0] =	vst v5  }
0x91: {  	v3 =	vadd.f32 v9, v3;
	v5 =	vld [tilespmem:s20+$0x60];
	[tilespmem:s26+$0xFFFFCDC0] =	vst v4  }
0x92: {  	v4 =	vadd.f32 v10, v7;
	v9 =	vld [tilespmem:s2+$0xFFFFFFC0]  }
0x93: {  	[tilespmem:s25+$0xFFFFFF50] =	vst v3;
	v3 =	vld [tilespmem:s11+$0xFFFFCDF0];
	v1 =	vadd.f32 v2, v1  }
0x94: {  	v10 =	vld [tilespmem:s20+$0xFFFFFFD0];
	[tilespmem:s8+$0xFFFFCD10] =	vst v4;
	v2 =	vadd.f32 v6, v8  }
0x95: {  	v4 =	vld [tilespmem:s6+$0xFFFFFF10];
	[tilespmem:s26+$0xFFFFFF30] =	vst v1  }
0x96: {  	[tilespmem:s8+$0xFFFFFF90] =	vst v2;
	v1 =	vld [tilespmem:s19+$0xFFFFFFB0]  }
0x97: {  	v6 =	vld [tilespmem:s9+$0x10];
	v0 =	vadd.f32 v9, v0  }
0x98: {  	v2 =	vld [tilespmem:s6+$0xFFFFCDA0]  }
0x99: {  	v3 =	vadd.f32 v3, v5;
	v8 =	vld [tilespmem:s2+$0xFFFFCD40];
	[tilespmem:s26+$0xFFFFFFC0] =	vst v0  }
0x9a: {  	v0 =	vld [tilespmem:s19+$0x40]  }
0x9b: {  	[tilespmem:s25+$0xFFFFCDF0] =	vst v3;
	v3 =	vadd.f32 v4, v7;
	v4 =	vld [tilespmem:s2+$0xFFFFCDD0]  }
0x9c: {  	v7 =	vld [tilespmem:s11+$0xFFFFFFF0]  }
0x9d: {  	v9 =	vld [tilespmem:s11+$0xFFFFCD60];
	[tilespmem:s8+$0xFFFFFF10] =	vst v3;
	v2 =	vadd.f32 v2, v6  }
0x9e: {  	v3 =	vld [tilespmem:s9+$0xFFFFFF90]  }
0x9f: {  	v8 =	vadd.f32 v8, v1;
	v11 =	vld [tilespmem:s6+$0xFFFFCD20];
	[tilespmem:s8+$0xFFFFCDA0] =	vst v2  }
0xa0: {  	v12 =	vld [tilespmem:s6+$0xFFFFFFA0];
	v2 =	vadd.f32 v4, v0  }
0xa1: {  	[tilespmem:s26+$0xFFFFCD40] =	vst v8;
	v4 =	vadd.f32 v7, v5  }
0xa2: {  	v5 =	vld [tilespmem:s2+$0xFFFFFF40];
	[tilespmem:s26+$0xFFFFCDD0] =	vst v2  }
0xa3: {  	v7 =	vadd.f32 v9, v10;
	[tilespmem:s25+$0xFFFFFFF0] =	vst v4;
	v4 =	vld [tilespmem:s2+$0xFFFFFFD0]  }
0xa4: {  	v8 =	vadd.f32 v11, v3;
	v2 =	vld [tilespmem:s20+$0x70]  }
0xa5: {  	[tilespmem:s25+$0xFFFFCD60] =	vst v7;
	v7 =	vld [tilespmem:s11+$0xFFFFCE00];
	v6 =	vadd.f32 v12, v6  }
0xa6: {  	v9 =	vld [tilespmem:s11+$0xFFFFFF60];
	[tilespmem:s8+$0xFFFFCD20] =	vst v8  }
0xa7: {  	v1 =	vadd.f32 v5, v1;
	v5 =	vld [tilespmem:s6+$0xFFFFFF20];
	[tilespmem:s8+$0xFFFFFFA0] =	vst v6  }
0xa8: {  	v6 =	vld [tilespmem:s9+$0x20];
	v0 =	vadd.f32 v4, v0  }
0xa9: {  	[tilespmem:s26+$0xFFFFFF40] =	vst v1;
	v1 =	vld [tilespmem:s6+$0xFFFFCDB0]  }
0xaa: {  	v4 =	vld [tilespmem:s19+$0xFFFFFFC0];
	[tilespmem:s26+$0xFFFFFFD0] =	vst v0  }
0xab: {  	v0 =	vadd.f32 v7, v2;
	v7 =	vld [tilespmem:s19+$0x50]  }
0xac: {  	v8 =	vadd.f32 v9, v10;
	v9 =	vld [tilespmem:s2+$0xFFFFCDE0]  }
0xad: {  	s13 =	simm.s32 $0x196C0;
	[tilespmem:s25+$0xFFFFCE00] =	vst v0;
	v0 =	vadd.f32 v5, v3;
	v3 =	vld [tilespmem:s2+$0xFFFFCD50]  }
0xae: {  	s1 =	simm.s32 $0x3930;
	v58 =	vld [tilespmem:s13+$0x0];
	v1 =	vadd.f32 v1, v6  }
0xaf: {  	v13 =	vld [tilespmem:s1+$0xFFFFCD10]  }
0xb0: {  	v14 =	vld [tilespmem:s13+$0xFFFFFF80];
	[tilespmem:s8+$0xFFFFCDB0] =	vst v1  }
0xb1: {  	[tilespmem:s8+$0xFFFFFF20] =	vst v0;
	v1 =	vld [tilespmem:s6+$0xFFFFFFB0];
	v9 =	vadd.f32 v9, v7  }
0xb2: {  	[tilespmem:s25+$0xFFFFFF60] =	vst v8;
	v8 =	vld [tilespmem:s9+$0xFFFFFFA0];
	v3 =	vadd.f32 v3, v4  }
0xb3: {  	v10 =	vld [tilespmem:s6+$0xFFFFCD30];
	[tilespmem:s26+$0xFFFFCDE0] =	vst v9  }
0xb4: {  	[tilespmem:s26+$0xFFFFCD50] =	vst v3;
	v3 =	vld [tilespmem:s2+$0xFFFFFFE0]  }
0xb5: {  	v11 =	vld [tilespmem:s11+$0xFFFFCD70]  }
0xb6: {  	v0 =	vld [tilespmem:s20+$0xFFFFFFE0];
	v1 =	vadd.f32 v1, v6  }
0xb7: {  	v6 =	vld [tilespmem:s1+$0xFFFFCD90]  }
0xb8: {  	v9 =	vld [tilespmem:s2+$0xFFFFFF50];
	v10 =	vadd.f32 v10, v8;
	[tilespmem:s8+$0xFFFFFFB0] =	vst v1  }
0xb9: {  	v1 =	vld [tilespmem:s9+$0x30];
	v3 =	vadd.f32 v3, v7  }
0xba: {  	[tilespmem:s8+$0xFFFFCD30] =	vst v10;
	v7 =	vld [tilespmem:s6+$0xFFFFCDC0]  }
0xbb: {  	v5 =	vld [tilespmem:s11+$0x0];
	v10 =	vadd.f32 v13, v14;
	[tilespmem:s26+$0xFFFFFFE0] =	vst v3  }
0xbc: {  	s12 =	simm.s32 $0x10130;
	v3 =	vadd.f32 v6, v58;
	v6 =	vld [tilespmem:s19+$0x60]  }
0xbd: {  	[tilespmem:s12+$0xFFFFCD10] =	vst v10;
	v4 =	vadd.f32 v9, v4;
	v9 =	vld [tilespmem:s2+$0xFFFFCDF0]  }
0xbe: {  	v11 =	vadd.f32 v11, v0;
	[tilespmem:s12+$0xFFFFCD90] =	vst v3;
	v3 =	vld [tilespmem:s6+$0xFFFFFF30]  }
0xbf: {  	[tilespmem:s26+$0xFFFFFF50] =	vst v4;
	v4 =	vld [tilespmem:s1+$0xFFFFFF90];
	v7 =	vadd.f32 v7, v1  }
0xc0: {  	[tilespmem:s25+$0xFFFFCD70] =	vst v11;
	v11 =	vld [tilespmem:s1+$0xFFFFFF10]  }
0xc1: {  	v59 =	vld [tilespmem:s19+$0xFFFFFFD0];
	[tilespmem:s8+$0xFFFFCDC0] =	vst v7  }
0xc2: {  	v10 =	vld [tilespmem:s6+$0xFFFFFFC0];
	v9 =	vadd.f32 v9, v6  }
0xc3: {  	v7 =	vld [tilespmem:s2+$0xFFFFCD60];
	v3 =	vadd.f32 v3, v8  }
0xc4: {  	v8 =	vld [tilespmem:s11+$0xFFFFFF70];
	v4 =	vadd.f32 v4, v58;
	[tilespmem:s26+$0xFFFFCDF0] =	vst v9  }
0xc5: {  	[tilespmem:s8+$0xFFFFFF30] =	vst v3;
	v3 =	vld [tilespmem:s2+$0xFFFFFFF0]  }
0xc6: {  	[tilespmem:s12+$0xFFFFFF90] =	vst v4;
	v4 =	vld [tilespmem:s9+$0xFFFFFFB0]  }
0xc7: {  	v9 =	vld [tilespmem:s13+$0x10];
	v1 =	vadd.f32 v10, v1  }
0xc8: {  	v10 =	vld [tilespmem:s1+$0xFFFFCDA0]  }
0xc9: {  	v11 =	vadd.f32 v11, v14;
	v60 =	vld [tilespmem:s6+$0xFFFFCD40];
	[tilespmem:s8+$0xFFFFFFC0] =	vst v1  }
0xca: {  	v1 =	vld [tilespmem:s9+$0x40];
	v3 =	vadd.f32 v3, v6  }
0xcb: {  	[tilespmem:s12+$0xFFFFFF10] =	vst v11;
	v6 =	vld [tilespmem:s6+$0xFFFFCDD0]  }
0xcc: {  	v11 =	vld [tilespmem:s13+$0xFFFFFF90];
	v0 =	vadd.f32 v8, v0;
	[tilespmem:s26+$0xFFFFFFF0] =	vst v3  }
0xcd: {  	v3 =	vadd.f32 v10, v9;
	v61 =	vld [tilespmem:s19+$0x70]  }
0xce: {  	[tilespmem:s25+$0xFFFFFF70] =	vst v0;
	v10 =	vadd.f32 v60, v4;
	v62 =	vld [tilespmem:s2+$0xFFFFCE00]  }
0xcf: {  	v7 =	vadd.f32 v7, v59;
	[tilespmem:s12+$0xFFFFCDA0] =	vst v3;
	v3 =	vld [tilespmem:s1+$0xFFFFCD20]  }
0xd0: {  	[tilespmem:s8+$0xFFFFCD40] =	vst v10;
	v10 =	vld [tilespmem:s1+$0xFFFFFFA0];
	v6 =	vadd.f32 v6, v1  }
0xd1: {  	[tilespmem:s26+$0xFFFFCD60] =	vst v7;
	v0 =	vld [tilespmem:s20+$0xFFFFFFF0]  }
0xd2: {  	v7 =	vld [tilespmem:s6+$0xFFFFFF40];
	[tilespmem:s8+$0xFFFFCDD0] =	vst v6  }
0xd3: {  	v8 =	vld [tilespmem:s6+$0xFFFFFFD0];
	v12 =	vadd.f32 v62, v61  }
0xd4: {  	v6 =	vld [tilespmem:s2+$0xFFFFFF60];
	v3 =	vadd.f32 v3, v11  }
0xd5: {  	v9 =	vadd.f32 v10, v9;
	[tilespmem:s26+$0xFFFFCE00] =	vst v12;
	v10 =	vld [tilespmem:s11+$0xFFFFCD80]  }
0xd6: {  	[tilespmem:s12+$0xFFFFCD20] =	vst v3;
	v12 =	vld [tilespmem:s2+$0x0]  }
0xd7: {  	v3 =	vadd.f32 v7, v4;
	[tilespmem:s12+$0xFFFFFFA0] =	vst v9;
	v9 =	vld [tilespmem:s1+$0xFFFFFF20]  }
0xd8: {  	v1 =	vadd.f32 v8, v1;
	v7 =	vld [tilespmem:s13+$0x20]  }
0xd9: {  	[tilespmem:s8+$0xFFFFFF40] =	vst v3;
	v8 =	vld [tilespmem:s1+$0xFFFFCDB0]  }
0xda: {  	v3 =	vld [tilespmem:s9+$0xFFFFFFC0];
	[tilespmem:s8+$0xFFFFFFD0] =	vst v1  }
0xdb: {  	v1 =	vadd.f32 v6, v59;
	v4 =	vld [tilespmem:s9+$0x50]  }
0xdc: {  	v6 =	vadd.f32 v9, v11;
	v9 =	vld [tilespmem:s6+$0xFFFFCDE0]  }
0xdd: {  	[tilespmem:s26+$0xFFFFFF60] =	vst v1;
	v11 =	vld [tilespmem:s6+$0xFFFFCD50]  }
0xde: {  	v1 =	vld [tilespmem:s19+$0xFFFFFFE0];
	[tilespmem:s12+$0xFFFFFF20] =	vst v6;
	v6 =	vadd.f32 v8, v7  }
0xdf: {  	v2 =	vadd.f32 v5, v2;
	v5 =	vld [tilespmem:s13+$0xFFFFFFA0]  }
0xe0: {  	v8 =	vadd.f32 v10, v0;
	v63 =	vld [tilespmem:s1+$0xFFFFCD30];
	[tilespmem:s12+$0xFFFFCDB0] =	vst v6  }
0xe1: {  	[tilespmem:s25+$0x0] =	vst v2;
	v10 =	vld [tilespmem:s1+$0xFFFFFFB0];
	v2 =	vadd.f32 v9, v4  }
0xe2: {  	[tilespmem:s25+$0xFFFFCD80] =	vst v8;
	v6 =	vld [tilespmem:s2+$0xFFFFCD70];
	v8 =	vadd.f32 v11, v3  }
0xe3: {  	v9 =	vadd.f32 v12, v61;
	[tilespmem:s8+$0xFFFFCDE0] =	vst v2;
	v2 =	vld [tilespmem:s11+$0xFFFFFF80]  }
0xe4: {  	[tilespmem:s8+$0xFFFFCD50] =	vst v8;
	v8 =	vld [tilespmem:s6+$0xFFFFFFE0]  }
0xe5: {  	s14 =	simm.s32 $0x197C0;
	s20 =	simm.s32 $0x6;
	[tilespmem:s26+$0x0] =	vst v9;
	s11 =	simm.s32 $0x3930;
	v11 =	vadd.f32 v63, v5;
	v9 =	vld [tilespmem:s6+$0xFFFFFF50]  }
.LBB2_2:
0xe6: {  	v12 =	vld [tilespmem:s14+$0x0];
	v7 =	vadd.f32 v10, v7;
	s1 =	sadd.s32 $0x100, s1  }
0xe7: {  	v10 =	vld [tilespmem:s1+$0xFFFFCD90];
	[tilespmem:s12+$0xFFFFCD30] =	vst v11;
	v6 =	vadd.f32 v6, v1  }
0xe8: {  	v11 =	vld [tilespmem:s1+$0xFFFFCD10];
	[tilespmem:s12+$0xFFFFFFB0] =	vst v7;
	v0 =	vadd.f32 v2, v0  }
0xe9: {  	v2 =	vld [tilespmem:s13+$0x30];
	v4 =	vadd.f32 v8, v4;
	[tilespmem:s26+$0xFFFFCD70] =	vst v6  }
0xea: {  	v6 =	vld [tilespmem:s11+$0xFFFFCDC0];
	v3 =	vadd.f32 v9, v3;
	[tilespmem:s25+$0xFFFFFF80] =	vst v0;
	s25 =	smov.u32 s26;
	s26 =	smov.u32 s8;
	s8 =	smov.u32 s12  }
0xeb: {  	v0 =	vld [tilespmem:s14+$0xFFFFFF80];
	[tilespmem:s26+$0xFFFFFFE0] =	vst v4  }
0xec: {  	v4 =	vadd.f32 v10, v12;
	[tilespmem:s26+$0xFFFFFF50] =	vst v3;
	v3 =	vld [tilespmem:s9+$0x60]  }
0xed: {  	s12 =	sadd.s32 $0x100, s12;
	v7 =	vld [tilespmem:s6+$0xFFFFCDF0]  }
0xee: {  	s20 =	sadd.s32 $0x2, s20;
	[tilespmem:s12+$0xFFFFCD90] =	vst v4;
	v4 =	vld [tilespmem:s11+$0xFFFFFF30]  }
0xef: {  	p0 =	slt.u32 s20, $0x62;
	v8 =	vld [tilespmem:s1+$0xFFFFFF90];
	v6 =	vadd.f32 v6, v2  }
0xf0: {  	v9 =	vadd.f32 v11, v0;
	v10 =	vld [tilespmem:s9+$0xFFFFFFD0]  }
0xf1: {  	[tilespmem:s8+$0xFFFFCDC0] =	vst v6;
	v6 =	vld [tilespmem:s6+$0xFFFFCD60]  }
0xf2: {  	[tilespmem:s12+$0xFFFFCD10] =	vst v9;
	v9 =	vld [tilespmem:s11+$0xFFFFFFC0];
	v7 =	vadd.f32 v7, v3  }
0xf3: {  	v11 =	vld [tilespmem:s1+$0xFFFFFF10];
	v4 =	vadd.f32 v4, v5  }
0xf4: {  	v5 =	vadd.f32 v8, v12;
	[tilespmem:s26+$0xFFFFCDF0] =	vst v7;
	v7 =	vld [tilespmem:s2+$0xFFFFFF70]  }
0xf5: {  	[tilespmem:s8+$0xFFFFFF30] =	vst v4;
	v4 =	vld [tilespmem:s6+$0xFFFFFFF0]  }
0xf6: {  	[tilespmem:s12+$0xFFFFFF90] =	vst v5;
	v5 =	vld [tilespmem:s13+$0xFFFFFFB0];
	v6 =	vadd.f32 v6, v10  }
0xf7: {  	v8 =	vld [tilespmem:s14+$0x10];
	v2 =	vadd.f32 v9, v2  }
0xf8: {  	v0 =	vadd.f32 v11, v0;
	v9 =	vld [tilespmem:s1+$0xFFFFCDA0];
	[tilespmem:s26+$0xFFFFCD60] =	vst v6  }
0xf9: {  	v6 =	vld [tilespmem:s11+$0xFFFFCD40];
	[tilespmem:s8+$0xFFFFFFC0] =	vst v2;
	v1 =	vadd.f32 v7, v1  }
0xfa: {  	[tilespmem:s12+$0xFFFFFF10] =	vst v0;
	v2 =	vld [tilespmem:s13+$0x40];
	v0 =	vadd.f32 v4, v3  }
0xfb: {  	v3 =	vld [tilespmem:s11+$0xFFFFCDD0];
	[tilespmem:s25+$0xFFFFFF70] =	vst v1  }
0xfc: {  	v1 =	vld [tilespmem:s14+$0xFFFFFF90];
	[tilespmem:s26+$0xFFFFFFF0] =	vst v0  }
0xfd: {  	v0 =	vadd.f32 v9, v8;
	v9 =	vld [tilespmem:s9+$0x70]  }
0xfe: {  	v4 =	vadd.f32 v6, v5;
	v6 =	vld [tilespmem:s6+$0xFFFFCE00]  }
0xff: {  	v7 =	vld [tilespmem:s1+$0xFFFFCD20];
	[tilespmem:s12+$0xFFFFCDA0] =	vst v0  }
0x100: {  	v11 =	vld [tilespmem:s1+$0xFFFFFFA0];
	[tilespmem:s8+$0xFFFFCD40] =	vst v4;
	v0 =	vadd.f32 v3, v2  }
0x101: {  	v3 =	vld [tilespmem:s11+$0xFFFFFF40]  }
0x102: {  	[tilespmem:s8+$0xFFFFCDD0] =	vst v0;
	v4 =	vld [tilespmem:s6+$0xFFFFFF60]  }
0x103: {  	v12 =	vld [tilespmem:s11+$0xFFFFFFD0];
	v6 =	vadd.f32 v6, v9  }
0x104: {  	v7 =	vadd.f32 v7, v1;
	v0 =	vld [tilespmem:s19+$0xFFFFFFF0];
	s19 =	smov.u32 s9;
	s9 =	smov.u32 s13;
	s13 =	smov.u32 s14  }
0x105: {  	v8 =	vadd.f32 v11, v8;
	[tilespmem:s26+$0xFFFFCE00] =	vst v6;
	v6 =	vld [tilespmem:s2+$0xFFFFCD80]  }
0x106: {  	[tilespmem:s12+$0xFFFFCD20] =	vst v7;
	v3 =	vadd.f32 v3, v5;
	v5 =	vld [tilespmem:s6+$0x0]  }
0x107: {  	v11 =	vld [tilespmem:s1+$0xFFFFFF20];
	[tilespmem:s12+$0xFFFFFFA0] =	vst v8;
	v4 =	vadd.f32 v4, v10  }
0x108: {  	v7 =	vld [tilespmem:s14+$0x20];
	[tilespmem:s8+$0xFFFFFF40] =	vst v3;
	v2 =	vadd.f32 v12, v2  }
0x109: {  	v8 =	vld [tilespmem:s1+$0xFFFFCDB0];
	[tilespmem:s26+$0xFFFFFF60] =	vst v4  }
0x10a: {  	v3 =	vld [tilespmem:s9+$0xFFFFFFC0];
	[tilespmem:s8+$0xFFFFFFD0] =	vst v2;
	v2 =	vadd.f32 v6, v0  }
0x10b: {  	v4 =	vld [tilespmem:s9+$0x50];
	v5 =	vadd.f32 v5, v9  }
0x10c: {  	v1 =	vadd.f32 v11, v1;
	v6 =	vld [tilespmem:s11+$0xFFFFCDE0];
	[tilespmem:s25+$0xFFFFCD80] =	vst v2  }
0x10d: {  	v2 =	vld [tilespmem:s11+$0xFFFFCD50];
	[tilespmem:s26+$0x0] =	vst v5  }
0x10e: {  	[tilespmem:s12+$0xFFFFFF20] =	vst v1;
	v8 =	vadd.f32 v8, v7;
	v1 =	vld [tilespmem:s19+$0xFFFFFFE0]  }
0x10f: {  	v5 =	vld [tilespmem:s14+$0xFFFFFFA0]  }
0x110: {  	v9 =	vld [tilespmem:s1+$0xFFFFCD30];
	[tilespmem:s12+$0xFFFFCDB0] =	vst v8  }
.Ltmp0:
0x111: {  	v10 =	vld [tilespmem:s1+$0xFFFFFFB0];
	v8 =	vadd.f32 v6, v4;
	(pc) =	sbr.rel @p0 .LBB2_2-.Ltmp0, $4  }
0x112: {  	v11 =	vadd.f32 v2, v3;
	v6 =	vld [tilespmem:s6+$0xFFFFCD70]  }
0x113: {  	[tilespmem:s8+$0xFFFFCDE0] =	vst v8;
	v2 =	vld [tilespmem:s2+$0xFFFFFF80];
	s2 =	smov.u32 s6;
	s6 =	smov.u32 s11;
	s11 =	smov.u32 s1  }
0x114: {  	[tilespmem:s8+$0xFFFFCD50] =	vst v11;
	v8 =	vld [tilespmem:s6+$0xFFFFFFE0]  }
0x115: {  	s14 =	sadd.s32 $0x100, s14;
	v11 =	vadd.f32 v9, v5;
	v9 =	vld [tilespmem:s6+$0xFFFFFF50]  }
0x116: {  	_ = 	snop  }
0x117: {  	[tilespmem:s12+$0xFFFFCD30] =	vst v11  }
0x118: {  	v7 =	vadd.f32 v10, v7;
	v11 =	vld [tilespmem:s11+$0xFFFFFF30];
	_ =	sdelay $0x1  }
0x119: {  	[tilespmem:s12+$0xFFFFFFB0] =	vst v7  }
0x11a: {  	v7 =	vld [tilespmem:s13+$0x30]  }
0x11b: {  	v10 =	vld [tilespmem:s11+$0xFFFFCDC0]  }
0x11c: {  	v5 =	vadd.f32 v11, v5;
	_ =	sdelay $0x1  }
0x11d: {  	[tilespmem:s12+$0xFFFFFF30] =	vst v5  }
0x11e: {  	v5 =	vld [tilespmem:s13+$0xFFFFFFB0]  }
0x11f: {  	v10 =	vadd.f32 v10, v7;
	v11 =	vld [tilespmem:s11+$0xFFFFCD40];
	_ =	sdelay $0x1  }
0x120: {  	[tilespmem:s12+$0xFFFFCDC0] =	vst v10  }
0x121: {  	v10 =	vld [tilespmem:s11+$0xFFFFFFC0];
	_ =	sdelay $0x1  }
0x122: {  	v11 =	vadd.f32 v11, v5;
	_ =	sdelay $0x1  }
0x123: {  	[tilespmem:s12+$0xFFFFCD40] =	vst v11  }
0x124: {  	v7 =	vadd.f32 v10, v7;
	v11 =	vld [tilespmem:s11+$0xFFFFFF40];
	_ =	sdelay $0x1  }
0x125: {  	[tilespmem:s12+$0xFFFFFFC0] =	vst v7  }
0x126: {  	v7 =	vld [tilespmem:s13+$0x40]  }
0x127: {  	v10 =	vld [tilespmem:s11+$0xFFFFCDD0]  }
0x128: {  	v5 =	vadd.f32 v11, v5;
	_ =	sdelay $0x1  }
0x129: {  	[tilespmem:s12+$0xFFFFFF40] =	vst v5  }
0x12a: {  	v5 =	vld [tilespmem:s13+$0xFFFFFFC0]  }
0x12b: {  	v10 =	vadd.f32 v10, v7;
	v11 =	vld [tilespmem:s11+$0xFFFFCD50];
	_ =	sdelay $0x1  }
0x12c: {  	[tilespmem:s12+$0xFFFFCDD0] =	vst v10  }
0x12d: {  	v10 =	vld [tilespmem:s11+$0xFFFFFFD0];
	_ =	sdelay $0x1  }
0x12e: {  	v11 =	vadd.f32 v11, v5;
	_ =	sdelay $0x1  }
0x12f: {  	[tilespmem:s12+$0xFFFFCD50] =	vst v11  }
0x130: {  	v7 =	vadd.f32 v10, v7;
	v11 =	vld [tilespmem:s11+$0xFFFFFF50];
	_ =	sdelay $0x1  }
0x131: {  	v3 =	vadd.f32 v9, v3;
	[tilespmem:s12+$0xFFFFFFD0] =	vst v7  }
0x132: {  	v7 =	vld [tilespmem:s13+$0x50]  }
0x133: {  	[tilespmem:s8+$0xFFFFFF50] =	vst v3;
	v3 =	vld [tilespmem:s11+$0xFFFFCDE0]  }
0x134: {  	v5 =	vadd.f32 v11, v5  }
0x135: {  	v9 =	vld [tilespmem:s9+$0xFFFFFFD0]  }
0x136: {  	v4 =	vadd.f32 v8, v4;
	v10 =	vld [tilespmem:s6+$0xFFFFCD60];
	[tilespmem:s12+$0xFFFFFF50] =	vst v5  }
0x137: {  	v5 =	vld [tilespmem:s13+$0xFFFFFFD0]  }
0x138: {  	[tilespmem:s8+$0xFFFFFFE0] =	vst v4;
	v3 =	vadd.f32 v3, v7;
	v8 =	vld [tilespmem:s11+$0xFFFFCD60]  }
0x139: {  	v4 =	vld [tilespmem:s9+$0x60]  }
0x13a: {  	v11 =	vld [tilespmem:s6+$0xFFFFCDF0];
	[tilespmem:s12+$0xFFFFCDE0] =	vst v3  }
0x13b: {  	v10 =	vadd.f32 v10, v9;
	v3 =	vld [tilespmem:s11+$0xFFFFFFE0];
	_ =	sdelay $0x1  }
0x13c: {  	[tilespmem:s8+$0xFFFFCD60] =	vst v10;
	v8 =	vadd.f32 v8, v5  }
0x13d: {  	v10 =	vld [tilespmem:s6+$0xFFFFFF60]  }
0x13e: {  	[tilespmem:s12+$0xFFFFCD60] =	vst v8  }
0x13f: {  	v3 =	vadd.f32 v3, v7;
	v8 =	vadd.f32 v11, v4;
	v11 =	vld [tilespmem:s11+$0xFFFFFF60];
	_ =	sdelay $0x1  }
0x140: {  	[tilespmem:s12+$0xFFFFFFE0] =	vst v3  }
0x141: {  	[tilespmem:s8+$0xFFFFCDF0] =	vst v8;
	v8 =	vadd.f32 v10, v9;
	v3 =	vld [tilespmem:s13+$0x60]  }
0x142: {  	v7 =	vld [tilespmem:s6+$0xFFFFFFF0]  }
0x143: {  	[tilespmem:s8+$0xFFFFFF60] =	vst v8;
	v8 =	vld [tilespmem:s11+$0xFFFFCDF0];
	v5 =	vadd.f32 v11, v5  }
0x144: {  	v9 =	vld [tilespmem:s9+$0xFFFFFFE0]  }
0x145: {  	v10 =	vld [tilespmem:s6+$0xFFFFCD70];
	[tilespmem:s12+$0xFFFFFF60] =	vst v5  }
0x146: {  	v5 =	vadd.f32 v6, v1;
	v6 =	vld [tilespmem:s13+$0xFFFFFFE0]  }
0x147: {  	v11 =	vld [tilespmem:s11+$0xFFFFCD70]  }
0x148: {  	[tilespmem:s26+$0xFFFFCD70] =	vst v5;
	v5 =	vadd.f32 v8, v3  }
0x149: {  	v8 =	vld [tilespmem:s2+$0xFFFFFF70]  }
0x14a: {  	v10 =	vadd.f32 v10, v9;
	[tilespmem:s12+$0xFFFFCDF0] =	vst v5  }
0x14b: {  	v4 =	vadd.f32 v7, v4;
	v5 =	vld [tilespmem:s11+$0xFFFFFFF0]  }
0x14c: {  	[tilespmem:s8+$0xFFFFCD70] =	vst v10;
	v7 =	vadd.f32 v11, v6  }
0x14d: {  	[tilespmem:s8+$0xFFFFFFF0] =	vst v4;
	v4 =	vld [tilespmem:s6+$0xFFFFFF70]  }
0x14e: {  	v1 =	vadd.f32 v8, v1;
	v8 =	vld [tilespmem:s9+$0x70];
	[tilespmem:s12+$0xFFFFCD70] =	vst v7  }
0x14f: {  	v7 =	vld [tilespmem:s11+$0xFFFFFF70]  }
0x150: {  	[tilespmem:s26+$0xFFFFFF70] =	vst v1;
	v1 =	vld [tilespmem:s6+$0xFFFFCE00];
	v3 =	vadd.f32 v5, v3  }
0x151: {  	v5 =	vld [tilespmem:s19+$0xFFFFFFF0]  }
0x152: {  	v4 =	vadd.f32 v4, v9;
	v10 =	vld [tilespmem:s2+$0xFFFFCD80];
	[tilespmem:s12+$0xFFFFFFF0] =	vst v3  }
0x153: {  	v3 =	vld [tilespmem:s13+$0x70]  }
0x154: {  	[tilespmem:s8+$0xFFFFFF70] =	vst v4;
	v4 =	vld [tilespmem:s11+$0xFFFFCE00];
	v6 =	vadd.f32 v7, v6  }
0x155: {  	v9 =	vld [tilespmem:s6+$0xFFFFCD80]  }
0x156: {  	v7 =	vld [tilespmem:s9+$0xFFFFFFF0];
	[tilespmem:s12+$0xFFFFFF70] =	vst v6  }
0x157: {  	v6 =	vld [tilespmem:s13+$0xFFFFFFF0]  }
0x158: {  	v11 =	vld [tilespmem:s11+$0xFFFFCD80]  }
0x159: {  	v1 =	vadd.f32 v1, v8  }
0x15a: {  	v10 =	vadd.f32 v10, v5  }
0x15b: {  	[tilespmem:s8+$0xFFFFCE00] =	vst v1;
	v1 =	vadd.f32 v4, v3  }
0x15c: {  	v4 =	vld [tilespmem:s6+$0x0];
	[tilespmem:s26+$0xFFFFCD80] =	vst v10;
	v9 =	vadd.f32 v9, v7  }
0x15d: {  	v10 =	vld [tilespmem:s2+$0xFFFFFF80];
	[tilespmem:s12+$0xFFFFCE00] =	vst v1;
	v1 =	vadd.f32 v11, v6  }
0x15e: {  	[tilespmem:s8+$0xFFFFCD80] =	vst v9;
	v11 =	vld [tilespmem:s11+$0x0]  }
0x15f: {  	v9 =	vld [tilespmem:s6+$0xFFFFFF80];
	[tilespmem:s12+$0xFFFFCD80] =	vst v1  }
0x160: {  	v0 =	vadd.f32 v2, v0;
	v1 =	vld [tilespmem:s11+$0xFFFFFF80]  }
0x161: {  	v2 =	vadd.f32 v4, v8  }
0x162: {  	[tilespmem:s25+$0xFFFFFF80] =	vst v0;
	v0 =	vadd.f32 v10, v5  }
0x163: {  	[tilespmem:s8+$0x0] =	vst v2;
	v2 =	vadd.f32 v11, v3  }
0x164: {  	[tilespmem:s26+$0xFFFFFF80] =	vst v0;
	v0 =	vadd.f32 v9, v7  }
0x165: {  	[tilespmem:s12+$0x0] =	vst v2;
	v1 =	vadd.f32 v1, v6  }
0x166: {  	[tilespmem:s8+$0xFFFFFF80] =	vst v0  }
0x167: {  	[tilespmem:s12+$0xFFFFFF80] =	vst v1  }
0x168: {  	s13 =	simm.s32 $0xCB40;
	s1 =	rddreg [dreg:$0x7]  }
0x169: {  	[hbm4b:s1+s17] =	stream.strided.scatter [tilespmem:s13], [sflag:$0x3], $0x6400, s18, s17, $0x38;
	[tilespmem:$0x1C540] =	vst v63  }
0x16a: {  	_ =	swait.ge [sflag:s21], $0x1A0  }
0x16b: {  	[sflag:s21] =	ssyncset.done $0x0  }
0x16c: {  	s14 =	simm.s32 $0x340;
	[sflag:s21] =	ssyncadd.s32 $0xFFFFFE60  }
0x16d: {  	[tilespmem:s14], [sflag:$0x1] =	stream.indirect.gather [hbm4b:s5+s22], $0x40, s3, s22, $0xb8;
	[tilespmem:$0x1C540] =	vst v63  }
0x16e: {  	s15 =	simm.s32 $0x68;
	s19 =	simm.s32 $0x1C40  }
0x16f: {  	[tilespmem:s19], [sflag:$0x1] =	stream.indirect.gather [hbm4b:s5+s22], $0x40, s15, s22, $0xb8;
	[tilespmem:$0x1C540] =	vst v63  }
0x170: {  	s20 =	simm.s32 $0xD0;
	s25 =	simm.s32 $0x3540  }
0x171: {  	[tilespmem:s25], [sflag:$0x1] =	stream.indirect.gather [hbm4b:s5+s22], $0x40, s20, s22, $0xb8;
	[tilespmem:$0x1C540] =	vst v63  }
0x172: {  	s28 =	simm.s32 $0x4E40;
	s26 =	simm.s32 $0x138  }
0x173: {  	[tilespmem:s28], [sflag:$0x1] =	stream.indirect.gather [hbm4b:s5+s22], $0x40, s26, s22, $0xb8;
	[tilespmem:$0x1C540] =	vst v63  }
0x174: {  	_ =	swait.ge [sflag:s7], $0x1900  }
0x175: {  	[sflag:s7] =	ssyncset.done $0x0  }
0x176: {  	[sflag:s7] =	ssyncadd.s32 $0xFFFFE700  }
0x177: {  	_ =	swait.ge [sflag:s7], $0x1900  }
0x178: {  	[sflag:s7] =	ssyncset.done $0x0  }
0x179: {  	[sflag:s7] =	ssyncadd.s32 $0xFFFFE700  }
0x17a: {  	_ =	swait.ge [sflag:s7], $0x1900  }
0x17b: {  	[sflag:s7] =	ssyncset.done $0x0  }
0x17c: {  	[sflag:s7] =	ssyncadd.s32 $0xFFFFE700  }
0x17d: {  	_ =	swait.ge [sflag:s7], $0x1900  }
0x17e: {  	[sflag:s7] =	ssyncset.done $0x0  }
0x17f: {  	s20 =	simm.s32 $0x193C0;
	s29 =	rddreg [dreg:$0x8];
	[sflag:s7] =	ssyncadd.s32 $0xFFFFE700  }
0x180: {  	[tilespmem:s31], [sflag:$0x6] =	stream.linear.gather [hbm4b:s29+s3], $0x1A0, $0x38;
	[tilespmem:$0x1C540] =	vst v63  }
0x181: {  	s30 =	simm.s32 $0x9A30;
	v0 =	vld [tilespmem:s20+$0x0]  }
0x182: {  	v1 =	vld [tilespmem:s30+$0xFFFFCD90];
	_ =	sdelay $0x4  }
0x183: {  	v1 =	vadd.f32 v1, v0  }
0x184: {  	s25 =	simm.s32 $0x16230  }
0x185: {  	[tilespmem:s25+$0xFFFFCD90] =	vst v1  }
0x186: {  	v1 =	vld [tilespmem:s30+$0xFFFFFF90];
	_ =	sdelay $0x4  }
0x187: {  	v0 =	vadd.f32 v1, v0;
	_ =	sdelay $0x1  }
0x188: {  	[tilespmem:s25+$0xFFFFFF90] =	vst v0  }
0x189: {  	v0 =	vld [tilespmem:s20+$0x10]  }
0x18a: {  	v1 =	vld [tilespmem:s30+$0xFFFFCDA0];
	_ =	sdelay $0x1  }
0x18b: {  	v2 =	vld [tilespmem:s30+$0xFFFFCD10]  }
0x18c: {  	v3 =	vld [tilespmem:s20+$0xFFFFFF80];
	_ =	sdelay $0x1  }
0x18d: {  	v1 =	vadd.f32 v1, v0;
	_ =	sdelay $0x1  }
0x18e: {  	[tilespmem:s25+$0xFFFFCDA0] =	vst v1  }
0x18f: {  	v1 =	vadd.f32 v2, v3;
	v2 =	vld [tilespmem:s30+$0xFFFFFFA0];
	_ =	sdelay $0x1  }
0x190: {  	[tilespmem:s25+$0xFFFFCD10] =	vst v1  }
0x191: {  	v1 =	vld [tilespmem:s30+$0xFFFFFF10];
	_ =	sdelay $0x1  }
0x192: {  	v0 =	vadd.f32 v2, v0;
	_ =	sdelay $0x1  }
0x193: {  	[tilespmem:s25+$0xFFFFFFA0] =	vst v0  }
0x194: {  	v0 =	vadd.f32 v1, v3;
	v1 =	vld [tilespmem:s20+$0x20]  }
0x195: {  	v2 =	vld [tilespmem:s30+$0xFFFFCDB0]  }
0x196: {  	[tilespmem:s25+$0xFFFFFF10] =	vst v0  }
0x197: {  	v0 =	vld [tilespmem:s20+$0xFFFFFF90]  }
0x198: {  	v3 =	vld [tilespmem:s30+$0xFFFFCD20];
	_ =	sdelay $0x1  }
0x199: {  	v2 =	vadd.f32 v2, v1;
	_ =	sdelay $0x1  }
0x19a: {  	[tilespmem:s25+$0xFFFFCDB0] =	vst v2  }
0x19b: {  	s19 =	simm.s32 $0x194C0;
	v2 =	vadd.f32 v3, v0;
	v3 =	vld [tilespmem:s30+$0xFFFFFFB0]  }
0x19c: {  	s2 =	simm.s32 $0x9B30;
	v4 =	vld [tilespmem:s19+$0x0]  }
0x19d: {  	[tilespmem:s25+$0xFFFFCD20] =	vst v2;
	v2 =	vld [tilespmem:s2+$0xFFFFCD90]  }
0x19e: {  	v5 =	vld [tilespmem:s30+$0xFFFFFF20];
	_ =	sdelay $0x1  }
0x19f: {  	v1 =	vadd.f32 v3, v1;
	_ =	sdelay $0x1  }
0x1a0: {  	[tilespmem:s25+$0xFFFFFFB0] =	vst v1;
	v1 =	vadd.f32 v2, v4  }
0x1a1: {  	s26 =	simm.s32 $0x16330;
	v0 =	vadd.f32 v5, v0;
	v2 =	vld [tilespmem:s20+$0x30]  }
0x1a2: {  	v3 =	vld [tilespmem:s30+$0xFFFFCDC0];
	[tilespmem:s26+$0xFFFFCD90] =	vst v1  }
0x1a3: {  	[tilespmem:s25+$0xFFFFFF20] =	vst v0;
	v0 =	vld [tilespmem:s2+$0xFFFFFF90]  }
0x1a4: {  	v1 =	vld [tilespmem:s20+$0xFFFFFFA0]  }
0x1a5: {  	v5 =	vld [tilespmem:s30+$0xFFFFCD30]  }
0x1a6: {  	v6 =	vld [tilespmem:s2+$0xFFFFCD10]  }
0x1a7: {  	v7 =	vld [tilespmem:s19+$0xFFFFFF80];
	v3 =	vadd.f32 v3, v2  }
0x1a8: {  	v0 =	vadd.f32 v0, v4  }
0x1a9: {  	[tilespmem:s25+$0xFFFFCDC0] =	vst v3  }
0x1aa: {  	v3 =	vadd.f32 v5, v1;
	v4 =	vld [tilespmem:s30+$0xFFFFFFC0];
	[tilespmem:s26+$0xFFFFFF90] =	vst v0  }
0x1ab: {  	v0 =	vld [tilespmem:s19+$0x10]  }
0x1ac: {  	[tilespmem:s25+$0xFFFFCD30] =	vst v3;
	v3 =	vadd.f32 v6, v7;
	v5 =	vld [tilespmem:s2+$0xFFFFCDA0]  }
0x1ad: {  	v6 =	vld [tilespmem:s30+$0xFFFFFF30]  }
0x1ae: {  	[tilespmem:s26+$0xFFFFCD10] =	vst v3  }
0x1af: {  	v3 =	vld [tilespmem:s2+$0xFFFFFF10];
	v2 =	vadd.f32 v4, v2;
	_ =	sdelay $0x1  }
0x1b0: {  	[tilespmem:s25+$0xFFFFFFC0] =	vst v2;
	v2 =	vadd.f32 v5, v0  }
0x1b1: {  	v1 =	vadd.f32 v6, v1;
	v4 =	vld [tilespmem:s20+$0x40]  }
0x1b2: {  	v5 =	vld [tilespmem:s30+$0xFFFFCDD0];
	[tilespmem:s26+$0xFFFFCDA0] =	vst v2  }
0x1b3: {  	[tilespmem:s25+$0xFFFFFF30] =	vst v1;
	v1 =	vadd.f32 v3, v7;
	v2 =	vld [tilespmem:s2+$0xFFFFFFA0]  }
0x1b4: {  	v3 =	vld [tilespmem:s20+$0xFFFFFFB0]  }
0x1b5: {  	v6 =	vld [tilespmem:s30+$0xFFFFCD40];
	[tilespmem:s26+$0xFFFFFF10] =	vst v1  }
0x1b6: {  	v1 =	vld [tilespmem:s19+$0xFFFFFF90]  }
0x1b7: {  	v7 =	vld [tilespmem:s2+$0xFFFFCD20];
	v5 =	vadd.f32 v5, v4  }
0x1b8: {  	v0 =	vadd.f32 v2, v0  }
0x1b9: {  	[tilespmem:s25+$0xFFFFCDD0] =	vst v5  }
0x1ba: {  	v2 =	vadd.f32 v6, v3;
	v5 =	vld [tilespmem:s30+$0xFFFFFFD0];
	[tilespmem:s26+$0xFFFFFFA0] =	vst v0  }
0x1bb: {  	v0 =	vld [tilespmem:s19+$0x20]  }
0x1bc: {  	[tilespmem:s25+$0xFFFFCD40] =	vst v2;
	v2 =	vadd.f32 v7, v1;
	v6 =	vld [tilespmem:s2+$0xFFFFCDB0]  }
0x1bd: {  	v7 =	vld [tilespmem:s30+$0xFFFFFF40]  }
0x1be: {  	[tilespmem:s26+$0xFFFFCD20] =	vst v2  }
0x1bf: {  	v2 =	vld [tilespmem:s2+$0xFFFFFF20];
	v4 =	vadd.f32 v5, v4;
	_ =	sdelay $0x1  }
0x1c0: {  	[tilespmem:s25+$0xFFFFFFD0] =	vst v4;
	v4 =	vadd.f32 v6, v0  }
0x1c1: {  	v3 =	vadd.f32 v7, v3;
	v5 =	vld [tilespmem:s20+$0x50]  }
0x1c2: {  	v6 =	vld [tilespmem:s30+$0xFFFFCDE0];
	[tilespmem:s26+$0xFFFFCDB0] =	vst v4  }
0x1c3: {  	[tilespmem:s25+$0xFFFFFF40] =	vst v3;
	v1 =	vadd.f32 v2, v1;
	v2 =	vld [tilespmem:s2+$0xFFFFFFB0]  }
0x1c4: {  	v3 =	vld [tilespmem:s20+$0xFFFFFFC0]  }
0x1c5: {  	s9 =	simm.s32 $0x195C0;
	v4 =	vld [tilespmem:s30+$0xFFFFCD50]  }
0x1c6: {  	v8 =	vld [tilespmem:s9+$0x0];
	[tilespmem:s26+$0xFFFFFF20] =	vst v1  }
0x1c7: {  	v1 =	vld [tilespmem:s19+$0xFFFFFFA0];
	v6 =	vadd.f32 v6, v5  }
0x1c8: {  	s6 =	simm.s32 $0x9C30;
	v7 =	vld [tilespmem:s2+$0xFFFFCD30];
	v0 =	vadd.f32 v2, v0  }
0x1c9: {  	[tilespmem:s25+$0xFFFFCDE0] =	vst v6;
	v2 =	vld [tilespmem:s6+$0xFFFFCD90]  }
0x1ca: {  	v4 =	vadd.f32 v4, v3;
	v6 =	vld [tilespmem:s30+$0xFFFFFFE0];
	[tilespmem:s26+$0xFFFFFFB0] =	vst v0  }
0x1cb: {  	v0 =	vld [tilespmem:s19+$0x30]  }
0x1cc: {  	[tilespmem:s25+$0xFFFFCD50] =	vst v4;
	v4 =	vld [tilespmem:s2+$0xFFFFCDC0]  }
0x1cd: {  	v10 =	vld [tilespmem:s6+$0xFFFFCD10];
	v7 =	vadd.f32 v7, v1  }
0x1ce: {  	v9 =	vld [tilespmem:s30+$0xFFFFFF50];
	v2 =	vadd.f32 v2, v8  }
0x1cf: {  	s8 =	simm.s32 $0x16430;
	[tilespmem:s26+$0xFFFFCD30] =	vst v7;
	v7 =	vld [tilespmem:s9+$0xFFFFFF80]  }
0x1d0: {  	v5 =	vadd.f32 v6, v5;
	[tilespmem:s8+$0xFFFFCD90] =	vst v2;
	v2 =	vld [tilespmem:s2+$0xFFFFFF30]  }
0x1d1: {  	v6 =	vld [tilespmem:s6+$0xFFFFFF90];
	v4 =	vadd.f32 v4, v0  }
0x1d2: {  	[tilespmem:s25+$0xFFFFFFE0] =	vst v5  }
0x1d3: {  	v3 =	vadd.f32 v9, v3;
	v5 =	vld [tilespmem:s20+$0x60];
	[tilespmem:s26+$0xFFFFCDC0] =	vst v4  }
0x1d4: {  	v4 =	vadd.f32 v10, v7;
	v9 =	vld [tilespmem:s2+$0xFFFFFFC0]  }
0x1d5: {  	[tilespmem:s25+$0xFFFFFF50] =	vst v3;
	v3 =	vld [tilespmem:s30+$0xFFFFCDF0];
	v1 =	vadd.f32 v2, v1  }
0x1d6: {  	v10 =	vld [tilespmem:s20+$0xFFFFFFD0];
	[tilespmem:s8+$0xFFFFCD10] =	vst v4;
	v2 =	vadd.f32 v6, v8  }
0x1d7: {  	v4 =	vld [tilespmem:s6+$0xFFFFFF10];
	[tilespmem:s26+$0xFFFFFF30] =	vst v1  }
0x1d8: {  	[tilespmem:s8+$0xFFFFFF90] =	vst v2;
	v1 =	vld [tilespmem:s19+$0xFFFFFFB0]  }
0x1d9: {  	v6 =	vld [tilespmem:s9+$0x10];
	v0 =	vadd.f32 v9, v0  }
0x1da: {  	v2 =	vld [tilespmem:s6+$0xFFFFCDA0]  }
0x1db: {  	v3 =	vadd.f32 v3, v5;
	v8 =	vld [tilespmem:s2+$0xFFFFCD40];
	[tilespmem:s26+$0xFFFFFFC0] =	vst v0  }
0x1dc: {  	v0 =	vld [tilespmem:s19+$0x40]  }
0x1dd: {  	[tilespmem:s25+$0xFFFFCDF0] =	vst v3;
	v3 =	vadd.f32 v4, v7;
	v4 =	vld [tilespmem:s2+$0xFFFFCDD0]  }
0x1de: {  	v7 =	vld [tilespmem:s30+$0xFFFFFFF0]  }
0x1df: {  	v9 =	vld [tilespmem:s30+$0xFFFFCD60];
	[tilespmem:s8+$0xFFFFFF10] =	vst v3;
	v2 =	vadd.f32 v2, v6  }
0x1e0: {  	v3 =	vld [tilespmem:s9+$0xFFFFFF90]  }
0x1e1: {  	v8 =	vadd.f32 v8, v1;
	v11 =	vld [tilespmem:s6+$0xFFFFCD20];
	[tilespmem:s8+$0xFFFFCDA0] =	vst v2  }
0x1e2: {  	v12 =	vld [tilespmem:s6+$0xFFFFFFA0];
	v2 =	vadd.f32 v4, v0  }
0x1e3: {  	[tilespmem:s26+$0xFFFFCD40] =	vst v8;
	v4 =	vadd.f32 v7, v5  }
0x1e4: {  	v5 =	vld [tilespmem:s2+$0xFFFFFF40];
	[tilespmem:s26+$0xFFFFCDD0] =	vst v2  }
0x1e5: {  	v7 =	vadd.f32 v9, v10;
	[tilespmem:s25+$0xFFFFFFF0] =	vst v4;
	v4 =	vld [tilespmem:s2+$0xFFFFFFD0]  }
0x1e6: {  	v8 =	vadd.f32 v11, v3;
	v2 =	vld [tilespmem:s20+$0x70]  }
0x1e7: {  	[tilespmem:s25+$0xFFFFCD60] =	vst v7;
	v7 =	vld [tilespmem:s30+$0xFFFFCE00];
	v6 =	vadd.f32 v12, v6  }
0x1e8: {  	v9 =	vld [tilespmem:s30+$0xFFFFFF60];
	[tilespmem:s8+$0xFFFFCD20] =	vst v8  }
0x1e9: {  	v1 =	vadd.f32 v5, v1;
	v5 =	vld [tilespmem:s6+$0xFFFFFF20];
	[tilespmem:s8+$0xFFFFFFA0] =	vst v6  }
0x1ea: {  	v6 =	vld [tilespmem:s9+$0x20];
	v0 =	vadd.f32 v4, v0  }
0x1eb: {  	[tilespmem:s26+$0xFFFFFF40] =	vst v1;
	v1 =	vld [tilespmem:s6+$0xFFFFCDB0]  }
0x1ec: {  	v4 =	vld [tilespmem:s19+$0xFFFFFFC0];
	[tilespmem:s26+$0xFFFFFFD0] =	vst v0  }
0x1ed: {  	v0 =	vadd.f32 v7, v2;
	v7 =	vld [tilespmem:s19+$0x50]  }
0x1ee: {  	v8 =	vadd.f32 v9, v10;
	v9 =	vld [tilespmem:s2+$0xFFFFCDE0]  }
0x1ef: {  	s13 =	simm.s32 $0x196C0;
	[tilespmem:s25+$0xFFFFCE00] =	vst v0;
	v0 =	vadd.f32 v5, v3;
	v3 =	vld [tilespmem:s2+$0xFFFFCD50]  }
0x1f0: {  	s1 =	simm.s32 $0x9D30;
	v58 =	vld [tilespmem:s13+$0x0];
	v1 =	vadd.f32 v1, v6  }
0x1f1: {  	v13 =	vld [tilespmem:s1+$0xFFFFCD10]  }
0x1f2: {  	v14 =	vld [tilespmem:s13+$0xFFFFFF80];
	[tilespmem:s8+$0xFFFFCDB0] =	vst v1  }
0x1f3: {  	[tilespmem:s8+$0xFFFFFF20] =	vst v0;
	v1 =	vld [tilespmem:s6+$0xFFFFFFB0];
	v9 =	vadd.f32 v9, v7  }
0x1f4: {  	[tilespmem:s25+$0xFFFFFF60] =	vst v8;
	v8 =	vld [tilespmem:s9+$0xFFFFFFA0];
	v3 =	vadd.f32 v3, v4  }
0x1f5: {  	v10 =	vld [tilespmem:s6+$0xFFFFCD30];
	[tilespmem:s26+$0xFFFFCDE0] =	vst v9  }
0x1f6: {  	[tilespmem:s26+$0xFFFFCD50] =	vst v3;
	v3 =	vld [tilespmem:s2+$0xFFFFFFE0]  }
0x1f7: {  	v11 =	vld [tilespmem:s30+$0xFFFFCD70]  }
0x1f8: {  	v0 =	vld [tilespmem:s20+$0xFFFFFFE0];
	v1 =	vadd.f32 v1, v6  }
0x1f9: {  	v6 =	vld [tilespmem:s1+$0xFFFFCD90]  }
0x1fa: {  	v9 =	vld [tilespmem:s2+$0xFFFFFF50];
	v10 =	vadd.f32 v10, v8;
	[tilespmem:s8+$0xFFFFFFB0] =	vst v1  }
0x1fb: {  	v1 =	vld [tilespmem:s9+$0x30];
	v3 =	vadd.f32 v3, v7  }
0x1fc: {  	[tilespmem:s8+$0xFFFFCD30] =	vst v10;
	v7 =	vld [tilespmem:s6+$0xFFFFCDC0]  }
0x1fd: {  	v5 =	vld [tilespmem:s30+$0x0];
	v10 =	vadd.f32 v13, v14;
	[tilespmem:s26+$0xFFFFFFE0] =	vst v3  }
0x1fe: {  	s12 =	simm.s32 $0x16530;
	v3 =	vadd.f32 v6, v58;
	v6 =	vld [tilespmem:s19+$0x60]  }
0x1ff: {  	[tilespmem:s12+$0xFFFFCD10] =	vst v10;
	v4 =	vadd.f32 v9, v4;
	v9 =	vld [tilespmem:s2+$0xFFFFCDF0]  }
0x200: {  	v11 =	vadd.f32 v11, v0;
	[tilespmem:s12+$0xFFFFCD90] =	vst v3;
	v3 =	vld [tilespmem:s6+$0xFFFFFF30]  }
0x201: {  	[tilespmem:s26+$0xFFFFFF50] =	vst v4;
	v4 =	vld [tilespmem:s1+$0xFFFFFF90];
	v7 =	vadd.f32 v7, v1  }
0x202: {  	[tilespmem:s25+$0xFFFFCD70] =	vst v11;
	v11 =	vld [tilespmem:s1+$0xFFFFFF10]  }
0x203: {  	v59 =	vld [tilespmem:s19+$0xFFFFFFD0];
	[tilespmem:s8+$0xFFFFCDC0] =	vst v7  }
0x204: {  	v10 =	vld [tilespmem:s6+$0xFFFFFFC0];
	v9 =	vadd.f32 v9, v6  }
0x205: {  	v7 =	vld [tilespmem:s2+$0xFFFFCD60];
	v3 =	vadd.f32 v3, v8  }
0x206: {  	v8 =	vld [tilespmem:s30+$0xFFFFFF70];
	v4 =	vadd.f32 v4, v58;
	[tilespmem:s26+$0xFFFFCDF0] =	vst v9  }
0x207: {  	[tilespmem:s8+$0xFFFFFF30] =	vst v3;
	v3 =	vld [tilespmem:s2+$0xFFFFFFF0]  }
0x208: {  	[tilespmem:s12+$0xFFFFFF90] =	vst v4;
	v4 =	vld [tilespmem:s9+$0xFFFFFFB0]  }
0x209: {  	v9 =	vld [tilespmem:s13+$0x10];
	v1 =	vadd.f32 v10, v1  }
0x20a: {  	v10 =	vld [tilespmem:s1+$0xFFFFCDA0]  }
0x20b: {  	v11 =	vadd.f32 v11, v14;
	v60 =	vld [tilespmem:s6+$0xFFFFCD40];
	[tilespmem:s8+$0xFFFFFFC0] =	vst v1  }
0x20c: {  	v1 =	vld [tilespmem:s9+$0x40];
	v3 =	vadd.f32 v3, v6  }
0x20d: {  	[tilespmem:s12+$0xFFFFFF10] =	vst v11;
	v6 =	vld [tilespmem:s6+$0xFFFFCDD0]  }
0x20e: {  	v11 =	vld [tilespmem:s13+$0xFFFFFF90];
	v0 =	vadd.f32 v8, v0;
	[tilespmem:s26+$0xFFFFFFF0] =	vst v3  }
0x20f: {  	v3 =	vadd.f32 v10, v9;
	v61 =	vld [tilespmem:s19+$0x70]  }
0x210: {  	[tilespmem:s25+$0xFFFFFF70] =	vst v0;
	v10 =	vadd.f32 v60, v4;
	v62 =	vld [tilespmem:s2+$0xFFFFCE00]  }
0x211: {  	v7 =	vadd.f32 v7, v59;
	[tilespmem:s12+$0xFFFFCDA0] =	vst v3;
	v3 =	vld [tilespmem:s1+$0xFFFFCD20]  }
0x212: {  	[tilespmem:s8+$0xFFFFCD40] =	vst v10;
	v10 =	vld [tilespmem:s1+$0xFFFFFFA0];
	v6 =	vadd.f32 v6, v1  }
0x213: {  	[tilespmem:s26+$0xFFFFCD60] =	vst v7;
	v0 =	vld [tilespmem:s20+$0xFFFFFFF0]  }
0x214: {  	v7 =	vld [tilespmem:s6+$0xFFFFFF40];
	[tilespmem:s8+$0xFFFFCDD0] =	vst v6  }
0x215: {  	v8 =	vld [tilespmem:s6+$0xFFFFFFD0];
	v12 =	vadd.f32 v62, v61  }
0x216: {  	v6 =	vld [tilespmem:s2+$0xFFFFFF60];
	v3 =	vadd.f32 v3, v11  }
0x217: {  	v9 =	vadd.f32 v10, v9;
	[tilespmem:s26+$0xFFFFCE00] =	vst v12;
	v10 =	vld [tilespmem:s30+$0xFFFFCD80]  }
0x218: {  	[tilespmem:s12+$0xFFFFCD20] =	vst v3;
	v12 =	vld [tilespmem:s2+$0x0]  }
0x219: {  	v3 =	vadd.f32 v7, v4;
	[tilespmem:s12+$0xFFFFFFA0] =	vst v9;
	v9 =	vld [tilespmem:s1+$0xFFFFFF20]  }
0x21a: {  	v1 =	vadd.f32 v8, v1;
	v7 =	vld [tilespmem:s13+$0x20]  }
0x21b: {  	[tilespmem:s8+$0xFFFFFF40] =	vst v3;
	v8 =	vld [tilespmem:s1+$0xFFFFCDB0]  }
0x21c: {  	v3 =	vld [tilespmem:s9+$0xFFFFFFC0];
	[tilespmem:s8+$0xFFFFFFD0] =	vst v1  }
0x21d: {  	v1 =	vadd.f32 v6, v59;
	v4 =	vld [tilespmem:s9+$0x50]  }
0x21e: {  	v6 =	vadd.f32 v9, v11;
	v9 =	vld [tilespmem:s6+$0xFFFFCDE0]  }
0x21f: {  	[tilespmem:s26+$0xFFFFFF60] =	vst v1;
	v11 =	vld [tilespmem:s6+$0xFFFFCD50]  }
0x220: {  	v1 =	vld [tilespmem:s19+$0xFFFFFFE0];
	[tilespmem:s12+$0xFFFFFF20] =	vst v6;
	v6 =	vadd.f32 v8, v7  }
0x221: {  	v2 =	vadd.f32 v5, v2;
	v5 =	vld [tilespmem:s13+$0xFFFFFFA0]  }
0x222: {  	v8 =	vadd.f32 v10, v0;
	v63 =	vld [tilespmem:s1+$0xFFFFCD30];
	[tilespmem:s12+$0xFFFFCDB0] =	vst v6  }
0x223: {  	[tilespmem:s25+$0x0] =	vst v2;
	v10 =	vld [tilespmem:s1+$0xFFFFFFB0];
	v2 =	vadd.f32 v9, v4  }
0x224: {  	[tilespmem:s25+$0xFFFFCD80] =	vst v8;
	v6 =	vld [tilespmem:s2+$0xFFFFCD70];
	v8 =	vadd.f32 v11, v3  }
0x225: {  	v9 =	vadd.f32 v12, v61;
	[tilespmem:s8+$0xFFFFCDE0] =	vst v2;
	v2 =	vld [tilespmem:s30+$0xFFFFFF80]  }
0x226: {  	[tilespmem:s8+$0xFFFFCD50] =	vst v8;
	v8 =	vld [tilespmem:s6+$0xFFFFFFE0]  }
0x227: {  	s11 =	simm.s32 $0x9D30;
	s14 =	simm.s32 $0x197C0;
	s20 =	simm.s32 $0x6;
	[tilespmem:s26+$0x0] =	vst v9;
	v11 =	vadd.f32 v63, v5;
	v9 =	vld [tilespmem:s6+$0xFFFFFF50]  }
.LBB2_4:
0x228: {  	v12 =	vld [tilespmem:s14+$0x0];
	v7 =	vadd.f32 v10, v7;
	s1 =	sadd.s32 $0x100, s1  }
0x229: {  	v10 =	vld [tilespmem:s1+$0xFFFFCD90];
	[tilespmem:s12+$0xFFFFCD30] =	vst v11;
	v6 =	vadd.f32 v6, v1  }
0x22a: {  	v11 =	vld [tilespmem:s1+$0xFFFFCD10];
	[tilespmem:s12+$0xFFFFFFB0] =	vst v7;
	v0 =	vadd.f32 v2, v0  }
0x22b: {  	v2 =	vld [tilespmem:s13+$0x30];
	v4 =	vadd.f32 v8, v4;
	[tilespmem:s26+$0xFFFFCD70] =	vst v6  }
0x22c: {  	v6 =	vld [tilespmem:s11+$0xFFFFCDC0];
	v3 =	vadd.f32 v9, v3;
	[tilespmem:s25+$0xFFFFFF80] =	vst v0;
	s25 =	smov.u32 s26;
	s26 =	smov.u32 s8;
	s8 =	smov.u32 s12  }
0x22d: {  	v0 =	vld [tilespmem:s14+$0xFFFFFF80];
	[tilespmem:s26+$0xFFFFFFE0] =	vst v4  }
0x22e: {  	v4 =	vadd.f32 v10, v12;
	[tilespmem:s26+$0xFFFFFF50] =	vst v3;
	v3 =	vld [tilespmem:s9+$0x60]  }
0x22f: {  	s12 =	sadd.s32 $0x100, s12;
	v7 =	vld [tilespmem:s6+$0xFFFFCDF0]  }
0x230: {  	s20 =	sadd.s32 $0x2, s20;
	[tilespmem:s12+$0xFFFFCD90] =	vst v4;
	v4 =	vld [tilespmem:s11+$0xFFFFFF30]  }
0x231: {  	p0 =	slt.u32 s20, $0x62;
	v8 =	vld [tilespmem:s1+$0xFFFFFF90];
	v6 =	vadd.f32 v6, v2  }
0x232: {  	v9 =	vadd.f32 v11, v0;
	v10 =	vld [tilespmem:s9+$0xFFFFFFD0]  }
0x233: {  	[tilespmem:s8+$0xFFFFCDC0] =	vst v6;
	v6 =	vld [tilespmem:s6+$0xFFFFCD60]  }
0x234: {  	[tilespmem:s12+$0xFFFFCD10] =	vst v9;
	v9 =	vld [tilespmem:s11+$0xFFFFFFC0];
	v7 =	vadd.f32 v7, v3  }
0x235: {  	v11 =	vld [tilespmem:s1+$0xFFFFFF10];
	v4 =	vadd.f32 v4, v5  }
0x236: {  	v5 =	vadd.f32 v8, v12;
	[tilespmem:s26+$0xFFFFCDF0] =	vst v7;
	v7 =	vld [tilespmem:s2+$0xFFFFFF70]  }
0x237: {  	[tilespmem:s8+$0xFFFFFF30] =	vst v4;
	v4 =	vld [tilespmem:s6+$0xFFFFFFF0]  }
0x238: {  	[tilespmem:s12+$0xFFFFFF90] =	vst v5;
	v5 =	vld [tilespmem:s13+$0xFFFFFFB0];
	v6 =	vadd.f32 v6, v10  }
0x239: {  	v8 =	vld [tilespmem:s14+$0x10];
	v2 =	vadd.f32 v9, v2  }
0x23a: {  	v0 =	vadd.f32 v11, v0;
	v9 =	vld [tilespmem:s1+$0xFFFFCDA0];
	[tilespmem:s26+$0xFFFFCD60] =	vst v6  }
0x23b: {  	v6 =	vld [tilespmem:s11+$0xFFFFCD40];
	[tilespmem:s8+$0xFFFFFFC0] =	vst v2;
	v1 =	vadd.f32 v7, v1  }
0x23c: {  	[tilespmem:s12+$0xFFFFFF10] =	vst v0;
	v2 =	vld [tilespmem:s13+$0x40];
	v0 =	vadd.f32 v4, v3  }
0x23d: {  	v3 =	vld [tilespmem:s11+$0xFFFFCDD0];
	[tilespmem:s25+$0xFFFFFF70] =	vst v1  }
0x23e: {  	v1 =	vld [tilespmem:s14+$0xFFFFFF90];
	[tilespmem:s26+$0xFFFFFFF0] =	vst v0  }
0x23f: {  	v0 =	vadd.f32 v9, v8;
	v9 =	vld [tilespmem:s9+$0x70]  }
0x240: {  	v4 =	vadd.f32 v6, v5;
	v6 =	vld [tilespmem:s6+$0xFFFFCE00]  }
0x241: {  	v7 =	vld [tilespmem:s1+$0xFFFFCD20];
	[tilespmem:s12+$0xFFFFCDA0] =	vst v0  }
0x242: {  	v11 =	vld [tilespmem:s1+$0xFFFFFFA0];
	[tilespmem:s8+$0xFFFFCD40] =	vst v4;
	v0 =	vadd.f32 v3, v2  }
0x243: {  	v3 =	vld [tilespmem:s11+$0xFFFFFF40]  }
0x244: {  	[tilespmem:s8+$0xFFFFCDD0] =	vst v0;
	v4 =	vld [tilespmem:s6+$0xFFFFFF60]  }
0x245: {  	v12 =	vld [tilespmem:s11+$0xFFFFFFD0];
	v6 =	vadd.f32 v6, v9  }
0x246: {  	v7 =	vadd.f32 v7, v1;
	v0 =	vld [tilespmem:s19+$0xFFFFFFF0];
	s19 =	smov.u32 s9;
	s9 =	smov.u32 s13;
	s13 =	smov.u32 s14  }
0x247: {  	v8 =	vadd.f32 v11, v8;
	[tilespmem:s26+$0xFFFFCE00] =	vst v6;
	v6 =	vld [tilespmem:s2+$0xFFFFCD80]  }
0x248: {  	[tilespmem:s12+$0xFFFFCD20] =	vst v7;
	v3 =	vadd.f32 v3, v5;
	v5 =	vld [tilespmem:s6+$0x0]  }
0x249: {  	v11 =	vld [tilespmem:s1+$0xFFFFFF20];
	[tilespmem:s12+$0xFFFFFFA0] =	vst v8;
	v4 =	vadd.f32 v4, v10  }
0x24a: {  	v7 =	vld [tilespmem:s14+$0x20];
	[tilespmem:s8+$0xFFFFFF40] =	vst v3;
	v2 =	vadd.f32 v12, v2  }
0x24b: {  	v8 =	vld [tilespmem:s1+$0xFFFFCDB0];
	[tilespmem:s26+$0xFFFFFF60] =	vst v4  }
0x24c: {  	v3 =	vld [tilespmem:s9+$0xFFFFFFC0];
	[tilespmem:s8+$0xFFFFFFD0] =	vst v2;
	v2 =	vadd.f32 v6, v0  }
0x24d: {  	v4 =	vld [tilespmem:s9+$0x50];
	v5 =	vadd.f32 v5, v9  }
0x24e: {  	v1 =	vadd.f32 v11, v1;
	v6 =	vld [tilespmem:s11+$0xFFFFCDE0];
	[tilespmem:s25+$0xFFFFCD80] =	vst v2  }
0x24f: {  	v2 =	vld [tilespmem:s11+$0xFFFFCD50];
	[tilespmem:s26+$0x0] =	vst v5  }
0x250: {  	[tilespmem:s12+$0xFFFFFF20] =	vst v1;
	v8 =	vadd.f32 v8, v7;
	v1 =	vld [tilespmem:s19+$0xFFFFFFE0]  }
0x251: {  	v5 =	vld [tilespmem:s14+$0xFFFFFFA0]  }
0x252: {  	v9 =	vld [tilespmem:s1+$0xFFFFCD30];
	[tilespmem:s12+$0xFFFFCDB0] =	vst v8  }
.Ltmp1:
0x253: {  	v10 =	vld [tilespmem:s1+$0xFFFFFFB0];
	v8 =	vadd.f32 v6, v4;
	(pc) =	sbr.rel @p0 .LBB2_4-.Ltmp1, $4  }
0x254: {  	v11 =	vadd.f32 v2, v3;
	v6 =	vld [tilespmem:s6+$0xFFFFCD70]  }
0x255: {  	[tilespmem:s8+$0xFFFFCDE0] =	vst v8;
	v2 =	vld [tilespmem:s2+$0xFFFFFF80];
	s2 =	smov.u32 s6;
	s6 =	smov.u32 s11;
	s11 =	smov.u32 s1  }
0x256: {  	[tilespmem:s8+$0xFFFFCD50] =	vst v11;
	v8 =	vld [tilespmem:s6+$0xFFFFFFE0]  }
0x257: {  	s14 =	sadd.s32 $0x100, s14;
	v11 =	vadd.f32 v9, v5;
	v9 =	vld [tilespmem:s6+$0xFFFFFF50]  }
0x258: {  	_ = 	snop  }
0x259: {  	[tilespmem:s12+$0xFFFFCD30] =	vst v11  }
0x25a: {  	v11 =	vld [tilespmem:s11+$0xFFFFFF30];
	_ =	sdelay $0x2  }
0x25b: {  	v7 =	vadd.f32 v10, v7;
	_ =	sdelay $0x1  }
0x25c: {  	[tilespmem:s12+$0xFFFFFFB0] =	vst v7;
	v5 =	vadd.f32 v11, v5  }
0x25d: {  	v7 =	vld [tilespmem:s13+$0x30]  }
0x25e: {  	v24 =	vld [tilespmem:s11+$0xFFFFCDC0];
	[tilespmem:s12+$0xFFFFFF30] =	vst v5  }
0x25f: {  	v5 =	vld [tilespmem:s13+$0xFFFFFFB0]  }
0x260: {  	v25 =	vld [tilespmem:s11+$0xFFFFCD40];
	_ =	sdelay $0x2  }
0x261: {  	v10 =	vadd.f32 v24, v7;
	_ =	sdelay $0x1  }
0x262: {  	[tilespmem:s12+$0xFFFFCDC0] =	vst v10;
	v11 =	vadd.f32 v25, v5  }
0x263: {  	v10 =	vld [tilespmem:s11+$0xFFFFFFC0]  }
0x264: {  	[tilespmem:s12+$0xFFFFCD40] =	vst v11  }
0x265: {  	v11 =	vld [tilespmem:s11+$0xFFFFFF40];
	_ =	sdelay $0x2  }
0x266: {  	v7 =	vadd.f32 v10, v7;
	_ =	sdelay $0x1  }
0x267: {  	[tilespmem:s12+$0xFFFFFFC0] =	vst v7;
	v5 =	vadd.f32 v11, v5  }
0x268: {  	v7 =	vld [tilespmem:s13+$0x40]  }
0x269: {  	v26 =	vld [tilespmem:s11+$0xFFFFCDD0];
	[tilespmem:s12+$0xFFFFFF40] =	vst v5  }
0x26a: {  	v5 =	vld [tilespmem:s13+$0xFFFFFFC0]  }
0x26b: {  	v27 =	vld [tilespmem:s11+$0xFFFFCD50];
	_ =	sdelay $0x2  }
0x26c: {  	v10 =	vadd.f32 v26, v7;
	_ =	sdelay $0x1  }
0x26d: {  	[tilespmem:s12+$0xFFFFCDD0] =	vst v10;
	v11 =	vadd.f32 v27, v5  }
0x26e: {  	v10 =	vld [tilespmem:s11+$0xFFFFFFD0]  }
0x26f: {  	[tilespmem:s12+$0xFFFFCD50] =	vst v11  }
0x270: {  	v11 =	vld [tilespmem:s11+$0xFFFFFF50]  }
0x271: {  	v3 =	vadd.f32 v9, v3;
	_ =	sdelay $0x1  }
0x272: {  	[tilespmem:s8+$0xFFFFFF50] =	vst v3;
	v7 =	vadd.f32 v10, v7  }
0x273: {  	v29 =	vld [tilespmem:s9+$0xFFFFFFD0]  }
0x274: {  	v30 =	vld [tilespmem:s6+$0xFFFFCD60];
	[tilespmem:s12+$0xFFFFFFD0] =	vst v7;
	v5 =	vadd.f32 v11, v5  }
0x275: {  	v7 =	vld [tilespmem:s13+$0x50]  }
0x276: {  	v28 =	vld [tilespmem:s11+$0xFFFFCDE0];
	[tilespmem:s12+$0xFFFFFF50] =	vst v5  }
0x277: {  	v5 =	vld [tilespmem:s13+$0xFFFFFFD0]  }
0x278: {  	v31 =	vld [tilespmem:s11+$0xFFFFCD60]  }
0x279: {  	v10 =	vadd.f32 v30, v29;
	_ =	sdelay $0x1  }
0x27a: {  	[tilespmem:s8+$0xFFFFCD60] =	vst v10;
	v3 =	vadd.f32 v28, v7  }
0x27b: {  	v10 =	vld [tilespmem:s6+$0xFFFFFF60]  }
0x27c: {  	v4 =	vadd.f32 v8, v4;
	[tilespmem:s12+$0xFFFFCDE0] =	vst v3;
	v8 =	vadd.f32 v31, v5  }
0x27d: {  	v40 =	vadd.f32 v6, v1;
	v3 =	vld [tilespmem:s11+$0xFFFFFFE0]  }
0x27e: {  	[tilespmem:s12+$0xFFFFCD60] =	vst v8  }
0x27f: {  	[tilespmem:s26+$0xFFFFCD70] =	vst v40;
	v34 =	vld [tilespmem:s11+$0xFFFFFF60]  }
0x280: {  	v44 =	vld [tilespmem:s2+$0xFFFFFF70];
	[tilespmem:s8+$0xFFFFFFE0] =	vst v4;
	v36 =	vadd.f32 v10, v29  }
0x281: {  	v4 =	vld [tilespmem:s9+$0x60]  }
0x282: {  	v32 =	vld [tilespmem:s6+$0xFFFFCDF0];
	[tilespmem:s8+$0xFFFFFF60] =	vst v36;
	v3 =	vadd.f32 v3, v7  }
0x283: {  	v38 =	vld [tilespmem:s9+$0xFFFFFFE0]  }
0x284: {  	v39 =	vld [tilespmem:s6+$0xFFFFCD70];
	[tilespmem:s12+$0xFFFFFFE0] =	vst v3;
	v5 =	vadd.f32 v34, v5  }
0x285: {  	v3 =	vld [tilespmem:s13+$0x60]  }
0x286: {  	v37 =	vld [tilespmem:s11+$0xFFFFCDF0];
	[tilespmem:s12+$0xFFFFFF60] =	vst v5  }
0x287: {  	v33 =	vadd.f32 v32, v4;
	v41 =	vld [tilespmem:s13+$0xFFFFFFE0]  }
0x288: {  	v42 =	vld [tilespmem:s11+$0xFFFFCD70]  }
0x289: {  	[tilespmem:s8+$0xFFFFCDF0] =	vst v33;
	v10 =	vadd.f32 v39, v38  }
0x28a: {  	v35 =	vld [tilespmem:s6+$0xFFFFFFF0]  }
0x28b: {  	[tilespmem:s8+$0xFFFFCD70] =	vst v10;
	v43 =	vadd.f32 v37, v3  }
0x28c: {  	v47 =	vadd.f32 v44, v1;
	v46 =	vld [tilespmem:s6+$0xFFFFFF70]  }
0x28d: {  	[tilespmem:s12+$0xFFFFCDF0] =	vst v43;
	v45 =	vadd.f32 v42, v41  }
0x28e: {  	[tilespmem:s26+$0xFFFFFF70] =	vst v47;
	v5 =	vld [tilespmem:s11+$0xFFFFFFF0]  }
0x28f: {  	v50 =	vld [tilespmem:s19+$0xFFFFFFF0];
	v4 =	vadd.f32 v35, v4;
	[tilespmem:s12+$0xFFFFCD70] =	vst v45  }
0x290: {  	v7 =	vld [tilespmem:s11+$0xFFFFFF70]  }
0x291: {  	v51 =	vld [tilespmem:s2+$0xFFFFCD80];
	[tilespmem:s8+$0xFFFFFFF0] =	vst v4;
	v4 =	vadd.f32 v46, v38  }
0x292: {  	v48 =	vld [tilespmem:s9+$0x70]  }
0x293: {  	v49 =	vld [tilespmem:s6+$0xFFFFCE00];
	[tilespmem:s8+$0xFFFFFF70] =	vst v4;
	v3 =	vadd.f32 v5, v3  }
0x294: {  	v53 =	vld [tilespmem:s9+$0xFFFFFFF0]  }
0x295: {  	v54 =	vld [tilespmem:s6+$0xFFFFCD80];
	[tilespmem:s12+$0xFFFFFFF0] =	vst v3;
	v6 =	vadd.f32 v7, v41  }
0x296: {  	v3 =	vld [tilespmem:s13+$0x70]  }
0x297: {  	v52 =	vld [tilespmem:s11+$0xFFFFCE00];
	[tilespmem:s12+$0xFFFFFF70] =	vst v6  }
0x298: {  	v6 =	vld [tilespmem:s13+$0xFFFFFFF0]  }
0x299: {  	v55 =	vld [tilespmem:s11+$0xFFFFCD80]  }
0x29a: {  	v1 =	vadd.f32 v49, v48  }
0x29b: {  	v10 =	vadd.f32 v51, v50  }
0x29c: {  	[tilespmem:s8+$0xFFFFCE00] =	vst v1;
	v9 =	vadd.f32 v54, v53  }
0x29d: {  	v57 =	vld [tilespmem:s6+$0x0];
	[tilespmem:s26+$0xFFFFCD80] =	vst v10;
	v56 =	vadd.f32 v52, v3  }
0x29e: {  	v10 =	vld [tilespmem:s2+$0xFFFFFF80];
	[tilespmem:s8+$0xFFFFCD80] =	vst v9;
	v58 =	vadd.f32 v55, v6  }
0x29f: {  	v9 =	vld [tilespmem:s6+$0xFFFFFF80];
	[tilespmem:s12+$0xFFFFCE00] =	vst v56  }
0x2a0: {  	v59 =	vld [tilespmem:s11+$0x0];
	[tilespmem:s12+$0xFFFFCD80] =	vst v58  }
0x2a1: {  	v0 =	vadd.f32 v2, v0;
	v1 =	vld [tilespmem:s11+$0xFFFFFF80]  }
0x2a2: {  	v60 =	vadd.f32 v57, v48  }
0x2a3: {  	[tilespmem:s25+$0xFFFFFF80] =	vst v0;
	v61 =	vadd.f32 v10, v50  }
0x2a4: {  	[tilespmem:s8+$0x0] =	vst v60;
	v63 =	vadd.f32 v9, v53  }
0x2a5: {  	[tilespmem:s26+$0xFFFFFF80] =	vst v61;
	v62 =	vadd.f32 v59, v3  }
0x2a6: {  	[tilespmem:s8+$0xFFFFFF80] =	vst v63;
	v1 =	vadd.f32 v1, v6  }
0x2a7: {  	[tilespmem:s12+$0x0] =	vst v62  }
0x2a8: {  	[tilespmem:s12+$0xFFFFFF80] =	vst v1  }
0x2a9: {  	s15 =	simm.s32 $0x12F40;
	s1 =	rddreg [dreg:$0x9]  }
0x2aa: {  	[hbm4b:s1+s17] =	stream.strided.scatter [tilespmem:s15], [sflag:$0x4], $0x6400, s18, s17, $0x38;
	[tilespmem:$0x1C540] =	vst v63  }
0x2ab: {  	_ =	swait.ge [sflag:s0], $0x1A0  }
0x2ac: {  	[sflag:s0] =	ssyncset.done $0x0  }
0x2ad: {  	s19 =	simm.s32 $0x6740;
	[sflag:s0] =	ssyncadd.s32 $0xFFFFFE60  }
0x2ae: {  	[tilespmem:s19], [sflag:$0x2] =	stream.indirect.gather [hbm4b:s5+s22], $0x40, s31, s22, $0xb8;
	[tilespmem:$0x1C540] =	vst v63  }
0x2af: {  	s20 =	simm.s32 $0x208;
	s25 =	simm.s32 $0x8040  }
0x2b0: {  	[tilespmem:s25], [sflag:$0x2] =	stream.indirect.gather [hbm4b:s5+s22], $0x40, s20, s22, $0xb8;
	[tilespmem:$0x1C540] =	vst v63  }
0x2b1: {  	s28 =	simm.s32 $0x9940;
	s26 =	simm.s32 $0x270  }
0x2b2: {  	[tilespmem:s28], [sflag:$0x2] =	stream.indirect.gather [hbm4b:s5+s22], $0x40, s26, s22, $0xb8;
	[tilespmem:$0x1C540] =	vst v63  }
0x2b3: {  	s29 =	simm.s32 $0x2D8;
	s30 =	simm.s32 $0xB240;
	s25 =	simm.s32 $0x1  }
0x2b4: {  	[tilespmem:s30], [sflag:$0x2] =	stream.indirect.gather [hbm4b:s5+s22], $0x40, s29, s22, $0xb8;
	[tilespmem:$0x1C540] =	vst v63  }
.LBB2_6:
0x2b5: {  	_ =	swait.ge [sflag:s16], $0x1900  }
0x2b6: {  	[sflag:s16] =	ssyncset.done $0x0  }
0x2b7: {  	[sflag:s16] =	ssyncadd.s32 $0xFFFFE700  }
0x2b8: {  	_ =	swait.ge [sflag:s16], $0x1900  }
0x2b9: {  	[sflag:s16] =	ssyncset.done $0x0  }
0x2ba: {  	[sflag:s16] =	ssyncadd.s32 $0xFFFFE700  }
0x2bb: {  	_ =	swait.ge [sflag:s16], $0x1900  }
0x2bc: {  	s26 =	sshll.u32 s25, $0x3;
	[sflag:s16] =	ssyncset.done $0x0;
	s1 =	rddreg [dreg:$0xa]  }
0x2bd: {  	[sflag:s16] =	ssyncadd.s32 $0xFFFFE700;
	s1 =	sadd.s32 s26, s1  }
0x2be: {  	_ =	swait.ge [sflag:s16], $0x1900;
	s1 =	smul.u32 $0xD, s1  }
0x2bf: {  	[sflag:s16] =	ssyncset.done $0x0  }
0x2c0: {  	[sflag:s16] =	ssyncadd.s32 $0xFFFFE700;
	s1 =	sadd.s32 s4, s1  }
0x2c1: {  	[tilespmem:s3], [sflag:$0x5] =	stream.linear.gather [hbm4b:s1+s3], $0x1A0, $0x38;
	[tilespmem:$0x1C540] =	vst v63  }
0x2c2: {  	_ =	swait.ge [sflag:s23], $0x6400  }
0x2c3: {  	[sflag:s23] =	ssyncset.done $0x0  }
0x2c4: {  	s15 =	simm.s32 $0x193C0;
	[sflag:s23] =	ssyncadd.s32 $0xFFFF9C00  }
0x2c5: {  	s11 =	simm.s32 $0x3630;
	v0 =	vld [tilespmem:s15+$0x0]  }
0x2c6: {  	v1 =	vld [tilespmem:s11+$0xFFFFCD90];
	_ =	sdelay $0x4  }
0x2c7: {  	v1 =	vadd.f32 v1, v0  }
0x2c8: {  	s29 =	simm.s32 $0xFE30  }
0x2c9: {  	[tilespmem:s29+$0xFFFFCD90] =	vst v1  }
0x2ca: {  	v1 =	vld [tilespmem:s11+$0xFFFFFF90];
	_ =	sdelay $0x4  }
0x2cb: {  	v0 =	vadd.f32 v1, v0;
	_ =	sdelay $0x1  }
0x2cc: {  	[tilespmem:s29+$0xFFFFFF90] =	vst v0  }
0x2cd: {  	v0 =	vld [tilespmem:s15+$0x10]  }
0x2ce: {  	v1 =	vld [tilespmem:s11+$0xFFFFCDA0];
	_ =	sdelay $0x1  }
0x2cf: {  	v2 =	vld [tilespmem:s11+$0xFFFFCD10]  }
0x2d0: {  	v3 =	vld [tilespmem:s15+$0xFFFFFF80];
	_ =	sdelay $0x1  }
0x2d1: {  	v1 =	vadd.f32 v1, v0;
	_ =	sdelay $0x1  }
0x2d2: {  	[tilespmem:s29+$0xFFFFCDA0] =	vst v1  }
0x2d3: {  	v1 =	vadd.f32 v2, v3;
	v2 =	vld [tilespmem:s11+$0xFFFFFFA0];
	_ =	sdelay $0x1  }
0x2d4: {  	[tilespmem:s29+$0xFFFFCD10] =	vst v1  }
0x2d5: {  	v1 =	vld [tilespmem:s11+$0xFFFFFF10];
	_ =	sdelay $0x1  }
0x2d6: {  	v0 =	vadd.f32 v2, v0;
	_ =	sdelay $0x1  }
0x2d7: {  	[tilespmem:s29+$0xFFFFFFA0] =	vst v0  }
0x2d8: {  	v0 =	vadd.f32 v1, v3;
	v1 =	vld [tilespmem:s15+$0x20]  }
0x2d9: {  	v2 =	vld [tilespmem:s11+$0xFFFFCDB0]  }
0x2da: {  	[tilespmem:s29+$0xFFFFFF10] =	vst v0  }
0x2db: {  	v0 =	vld [tilespmem:s15+$0xFFFFFF90]  }
0x2dc: {  	v3 =	vld [tilespmem:s11+$0xFFFFCD20];
	_ =	sdelay $0x1  }
0x2dd: {  	v2 =	vadd.f32 v2, v1;
	_ =	sdelay $0x1  }
0x2de: {  	[tilespmem:s29+$0xFFFFCDB0] =	vst v2  }
0x2df: {  	s19 =	simm.s32 $0x194C0;
	v2 =	vadd.f32 v3, v0;
	v3 =	vld [tilespmem:s11+$0xFFFFFFB0]  }
0x2e0: {  	s2 =	simm.s32 $0x3730;
	v4 =	vld [tilespmem:s19+$0x0]  }
0x2e1: {  	[tilespmem:s29+$0xFFFFCD20] =	vst v2;
	v2 =	vld [tilespmem:s2+$0xFFFFCD90]  }
0x2e2: {  	v5 =	vld [tilespmem:s11+$0xFFFFFF20];
	_ =	sdelay $0x1  }
0x2e3: {  	v1 =	vadd.f32 v3, v1;
	_ =	sdelay $0x1  }
0x2e4: {  	[tilespmem:s29+$0xFFFFFFB0] =	vst v1;
	v1 =	vadd.f32 v2, v4  }
0x2e5: {  	s30 =	simm.s32 $0xFF30;
	v0 =	vadd.f32 v5, v0;
	v2 =	vld [tilespmem:s15+$0x30]  }
0x2e6: {  	v3 =	vld [tilespmem:s11+$0xFFFFCDC0];
	[tilespmem:s30+$0xFFFFCD90] =	vst v1  }
0x2e7: {  	[tilespmem:s29+$0xFFFFFF20] =	vst v0;
	v0 =	vld [tilespmem:s2+$0xFFFFFF90]  }
0x2e8: {  	v1 =	vld [tilespmem:s15+$0xFFFFFFA0]  }
0x2e9: {  	v5 =	vld [tilespmem:s11+$0xFFFFCD30]  }
0x2ea: {  	v6 =	vld [tilespmem:s2+$0xFFFFCD10]  }
0x2eb: {  	v7 =	vld [tilespmem:s19+$0xFFFFFF80];
	v3 =	vadd.f32 v3, v2  }
0x2ec: {  	v0 =	vadd.f32 v0, v4  }
0x2ed: {  	[tilespmem:s29+$0xFFFFCDC0] =	vst v3  }
0x2ee: {  	v3 =	vadd.f32 v5, v1;
	v4 =	vld [tilespmem:s11+$0xFFFFFFC0];
	[tilespmem:s30+$0xFFFFFF90] =	vst v0  }
0x2ef: {  	v0 =	vld [tilespmem:s19+$0x10]  }
0x2f0: {  	[tilespmem:s29+$0xFFFFCD30] =	vst v3;
	v3 =	vadd.f32 v6, v7;
	v5 =	vld [tilespmem:s2+$0xFFFFCDA0]  }
0x2f1: {  	v6 =	vld [tilespmem:s11+$0xFFFFFF30]  }
0x2f2: {  	[tilespmem:s30+$0xFFFFCD10] =	vst v3  }
0x2f3: {  	v3 =	vld [tilespmem:s2+$0xFFFFFF10];
	v2 =	vadd.f32 v4, v2;
	_ =	sdelay $0x1  }
0x2f4: {  	[tilespmem:s29+$0xFFFFFFC0] =	vst v2;
	v2 =	vadd.f32 v5, v0  }
0x2f5: {  	v1 =	vadd.f32 v6, v1;
	v4 =	vld [tilespmem:s15+$0x40]  }
0x2f6: {  	v5 =	vld [tilespmem:s11+$0xFFFFCDD0];
	[tilespmem:s30+$0xFFFFCDA0] =	vst v2  }
0x2f7: {  	[tilespmem:s29+$0xFFFFFF30] =	vst v1;
	v1 =	vadd.f32 v3, v7;
	v2 =	vld [tilespmem:s2+$0xFFFFFFA0]  }
0x2f8: {  	v3 =	vld [tilespmem:s15+$0xFFFFFFB0]  }
0x2f9: {  	v6 =	vld [tilespmem:s11+$0xFFFFCD40];
	[tilespmem:s30+$0xFFFFFF10] =	vst v1  }
0x2fa: {  	v1 =	vld [tilespmem:s19+$0xFFFFFF90]  }
0x2fb: {  	v7 =	vld [tilespmem:s2+$0xFFFFCD20];
	v5 =	vadd.f32 v5, v4  }
0x2fc: {  	v0 =	vadd.f32 v2, v0  }
0x2fd: {  	[tilespmem:s29+$0xFFFFCDD0] =	vst v5  }
0x2fe: {  	v2 =	vadd.f32 v6, v3;
	v5 =	vld [tilespmem:s11+$0xFFFFFFD0];
	[tilespmem:s30+$0xFFFFFFA0] =	vst v0  }
0x2ff: {  	v0 =	vld [tilespmem:s19+$0x20]  }
0x300: {  	[tilespmem:s29+$0xFFFFCD40] =	vst v2;
	v2 =	vadd.f32 v7, v1;
	v6 =	vld [tilespmem:s2+$0xFFFFCDB0]  }
0x301: {  	v7 =	vld [tilespmem:s11+$0xFFFFFF40]  }
0x302: {  	[tilespmem:s30+$0xFFFFCD20] =	vst v2  }
0x303: {  	v2 =	vld [tilespmem:s2+$0xFFFFFF20];
	v4 =	vadd.f32 v5, v4;
	_ =	sdelay $0x1  }
0x304: {  	[tilespmem:s29+$0xFFFFFFD0] =	vst v4;
	v4 =	vadd.f32 v6, v0  }
0x305: {  	v3 =	vadd.f32 v7, v3;
	v5 =	vld [tilespmem:s15+$0x50]  }
0x306: {  	v6 =	vld [tilespmem:s11+$0xFFFFCDE0];
	[tilespmem:s30+$0xFFFFCDB0] =	vst v4  }
0x307: {  	[tilespmem:s29+$0xFFFFFF40] =	vst v3;
	v1 =	vadd.f32 v2, v1;
	v2 =	vld [tilespmem:s2+$0xFFFFFFB0]  }
0x308: {  	v3 =	vld [tilespmem:s15+$0xFFFFFFC0]  }
0x309: {  	s9 =	simm.s32 $0x195C0;
	v4 =	vld [tilespmem:s11+$0xFFFFCD50]  }
0x30a: {  	v8 =	vld [tilespmem:s9+$0x0];
	[tilespmem:s30+$0xFFFFFF20] =	vst v1  }
0x30b: {  	v1 =	vld [tilespmem:s19+$0xFFFFFFA0];
	v6 =	vadd.f32 v6, v5  }
0x30c: {  	s6 =	simm.s32 $0x3830;
	v7 =	vld [tilespmem:s2+$0xFFFFCD30];
	v0 =	vadd.f32 v2, v0  }
0x30d: {  	[tilespmem:s29+$0xFFFFCDE0] =	vst v6;
	v2 =	vld [tilespmem:s6+$0xFFFFCD90]  }
0x30e: {  	v4 =	vadd.f32 v4, v3;
	v6 =	vld [tilespmem:s11+$0xFFFFFFE0];
	[tilespmem:s30+$0xFFFFFFB0] =	vst v0  }
0x30f: {  	v0 =	vld [tilespmem:s19+$0x30]  }
0x310: {  	[tilespmem:s29+$0xFFFFCD50] =	vst v4;
	v4 =	vld [tilespmem:s2+$0xFFFFCDC0]  }
0x311: {  	v10 =	vld [tilespmem:s6+$0xFFFFCD10];
	v7 =	vadd.f32 v7, v1  }
0x312: {  	v9 =	vld [tilespmem:s11+$0xFFFFFF50];
	v2 =	vadd.f32 v2, v8  }
0x313: {  	s8 =	simm.s32 $0x10030;
	[tilespmem:s30+$0xFFFFCD30] =	vst v7;
	v7 =	vld [tilespmem:s9+$0xFFFFFF80]  }
0x314: {  	v5 =	vadd.f32 v6, v5;
	[tilespmem:s8+$0xFFFFCD90] =	vst v2;
	v2 =	vld [tilespmem:s2+$0xFFFFFF30]  }
0x315: {  	v6 =	vld [tilespmem:s6+$0xFFFFFF90];
	v4 =	vadd.f32 v4, v0  }
0x316: {  	[tilespmem:s29+$0xFFFFFFE0] =	vst v5  }
0x317: {  	v3 =	vadd.f32 v9, v3;
	v5 =	vld [tilespmem:s15+$0x60];
	[tilespmem:s30+$0xFFFFCDC0] =	vst v4  }
0x318: {  	v4 =	vadd.f32 v10, v7;
	v9 =	vld [tilespmem:s2+$0xFFFFFFC0]  }
0x319: {  	[tilespmem:s29+$0xFFFFFF50] =	vst v3;
	v3 =	vld [tilespmem:s11+$0xFFFFCDF0];
	v1 =	vadd.f32 v2, v1  }
0x31a: {  	v10 =	vld [tilespmem:s15+$0xFFFFFFD0];
	[tilespmem:s8+$0xFFFFCD10] =	vst v4;
	v2 =	vadd.f32 v6, v8  }
0x31b: {  	v4 =	vld [tilespmem:s6+$0xFFFFFF10];
	[tilespmem:s30+$0xFFFFFF30] =	vst v1  }
0x31c: {  	[tilespmem:s8+$0xFFFFFF90] =	vst v2;
	v1 =	vld [tilespmem:s19+$0xFFFFFFB0]  }
0x31d: {  	v6 =	vld [tilespmem:s9+$0x10];
	v0 =	vadd.f32 v9, v0  }
0x31e: {  	v2 =	vld [tilespmem:s6+$0xFFFFCDA0]  }
0x31f: {  	v3 =	vadd.f32 v3, v5;
	v8 =	vld [tilespmem:s2+$0xFFFFCD40];
	[tilespmem:s30+$0xFFFFFFC0] =	vst v0  }
0x320: {  	v0 =	vld [tilespmem:s19+$0x40]  }
0x321: {  	[tilespmem:s29+$0xFFFFCDF0] =	vst v3;
	v3 =	vadd.f32 v4, v7;
	v4 =	vld [tilespmem:s2+$0xFFFFCDD0]  }
0x322: {  	v7 =	vld [tilespmem:s11+$0xFFFFFFF0]  }
0x323: {  	v9 =	vld [tilespmem:s11+$0xFFFFCD60];
	[tilespmem:s8+$0xFFFFFF10] =	vst v3;
	v2 =	vadd.f32 v2, v6  }
0x324: {  	v3 =	vld [tilespmem:s9+$0xFFFFFF90]  }
0x325: {  	v8 =	vadd.f32 v8, v1;
	v11 =	vld [tilespmem:s6+$0xFFFFCD20];
	[tilespmem:s8+$0xFFFFCDA0] =	vst v2  }
0x326: {  	v12 =	vld [tilespmem:s6+$0xFFFFFFA0];
	v2 =	vadd.f32 v4, v0  }
0x327: {  	[tilespmem:s30+$0xFFFFCD40] =	vst v8;
	v4 =	vadd.f32 v7, v5  }
0x328: {  	v5 =	vld [tilespmem:s2+$0xFFFFFF40];
	[tilespmem:s30+$0xFFFFCDD0] =	vst v2  }
0x329: {  	v7 =	vadd.f32 v9, v10;
	[tilespmem:s29+$0xFFFFFFF0] =	vst v4;
	v4 =	vld [tilespmem:s2+$0xFFFFFFD0]  }
0x32a: {  	v8 =	vadd.f32 v11, v3;
	v2 =	vld [tilespmem:s15+$0x70]  }
0x32b: {  	[tilespmem:s29+$0xFFFFCD60] =	vst v7;
	v7 =	vld [tilespmem:s11+$0xFFFFCE00];
	v6 =	vadd.f32 v12, v6  }
0x32c: {  	v9 =	vld [tilespmem:s11+$0xFFFFFF60];
	[tilespmem:s8+$0xFFFFCD20] =	vst v8  }
0x32d: {  	v1 =	vadd.f32 v5, v1;
	v5 =	vld [tilespmem:s6+$0xFFFFFF20];
	[tilespmem:s8+$0xFFFFFFA0] =	vst v6  }
0x32e: {  	v6 =	vld [tilespmem:s9+$0x20];
	v0 =	vadd.f32 v4, v0  }
0x32f: {  	[tilespmem:s30+$0xFFFFFF40] =	vst v1;
	v1 =	vld [tilespmem:s6+$0xFFFFCDB0]  }
0x330: {  	v4 =	vld [tilespmem:s19+$0xFFFFFFC0];
	[tilespmem:s30+$0xFFFFFFD0] =	vst v0  }
0x331: {  	v0 =	vadd.f32 v7, v2;
	v7 =	vld [tilespmem:s19+$0x50]  }
0x332: {  	v8 =	vadd.f32 v9, v10;
	v9 =	vld [tilespmem:s2+$0xFFFFCDE0]  }
0x333: {  	s13 =	simm.s32 $0x196C0;
	[tilespmem:s29+$0xFFFFCE00] =	vst v0;
	v0 =	vadd.f32 v5, v3;
	v3 =	vld [tilespmem:s2+$0xFFFFCD50]  }
0x334: {  	s20 =	simm.s32 $0x3930;
	v58 =	vld [tilespmem:s13+$0x0];
	v1 =	vadd.f32 v1, v6  }
0x335: {  	v13 =	vld [tilespmem:s20+$0xFFFFCD10]  }
0x336: {  	v14 =	vld [tilespmem:s13+$0xFFFFFF80];
	[tilespmem:s8+$0xFFFFCDB0] =	vst v1  }
0x337: {  	[tilespmem:s8+$0xFFFFFF20] =	vst v0;
	v1 =	vld [tilespmem:s6+$0xFFFFFFB0];
	v9 =	vadd.f32 v9, v7  }
0x338: {  	[tilespmem:s29+$0xFFFFFF60] =	vst v8;
	v8 =	vld [tilespmem:s9+$0xFFFFFFA0];
	v3 =	vadd.f32 v3, v4  }
0x339: {  	v10 =	vld [tilespmem:s6+$0xFFFFCD30];
	[tilespmem:s30+$0xFFFFCDE0] =	vst v9  }
0x33a: {  	[tilespmem:s30+$0xFFFFCD50] =	vst v3;
	v3 =	vld [tilespmem:s2+$0xFFFFFFE0]  }
0x33b: {  	v11 =	vld [tilespmem:s11+$0xFFFFCD70]  }
0x33c: {  	v0 =	vld [tilespmem:s15+$0xFFFFFFE0];
	v1 =	vadd.f32 v1, v6  }
0x33d: {  	v6 =	vld [tilespmem:s20+$0xFFFFCD90]  }
0x33e: {  	v9 =	vld [tilespmem:s2+$0xFFFFFF50];
	v10 =	vadd.f32 v10, v8;
	[tilespmem:s8+$0xFFFFFFB0] =	vst v1  }
0x33f: {  	v1 =	vld [tilespmem:s9+$0x30];
	v3 =	vadd.f32 v3, v7  }
0x340: {  	[tilespmem:s8+$0xFFFFCD30] =	vst v10;
	v7 =	vld [tilespmem:s6+$0xFFFFCDC0]  }
0x341: {  	v5 =	vld [tilespmem:s11+$0x0];
	v10 =	vadd.f32 v13, v14;
	[tilespmem:s30+$0xFFFFFFE0] =	vst v3  }
0x342: {  	s12 =	simm.s32 $0x10130;
	v3 =	vadd.f32 v6, v58;
	v6 =	vld [tilespmem:s19+$0x60]  }
0x343: {  	[tilespmem:s12+$0xFFFFCD10] =	vst v10;
	v4 =	vadd.f32 v9, v4;
	v9 =	vld [tilespmem:s2+$0xFFFFCDF0]  }
0x344: {  	v11 =	vadd.f32 v11, v0;
	[tilespmem:s12+$0xFFFFCD90] =	vst v3;
	v3 =	vld [tilespmem:s6+$0xFFFFFF30]  }
0x345: {  	[tilespmem:s30+$0xFFFFFF50] =	vst v4;
	v4 =	vld [tilespmem:s20+$0xFFFFFF90];
	v7 =	vadd.f32 v7, v1  }
0x346: {  	[tilespmem:s29+$0xFFFFCD70] =	vst v11;
	v11 =	vld [tilespmem:s20+$0xFFFFFF10]  }
0x347: {  	v59 =	vld [tilespmem:s19+$0xFFFFFFD0];
	[tilespmem:s8+$0xFFFFCDC0] =	vst v7  }
0x348: {  	v10 =	vld [tilespmem:s6+$0xFFFFFFC0];
	v9 =	vadd.f32 v9, v6  }
0x349: {  	v7 =	vld [tilespmem:s2+$0xFFFFCD60];
	v3 =	vadd.f32 v3, v8  }
0x34a: {  	v8 =	vld [tilespmem:s11+$0xFFFFFF70];
	v4 =	vadd.f32 v4, v58;
	[tilespmem:s30+$0xFFFFCDF0] =	vst v9  }
0x34b: {  	[tilespmem:s8+$0xFFFFFF30] =	vst v3;
	v3 =	vld [tilespmem:s2+$0xFFFFFFF0]  }
0x34c: {  	[tilespmem:s12+$0xFFFFFF90] =	vst v4;
	v4 =	vld [tilespmem:s9+$0xFFFFFFB0]  }
0x34d: {  	v9 =	vld [tilespmem:s13+$0x10];
	v1 =	vadd.f32 v10, v1  }
0x34e: {  	v10 =	vld [tilespmem:s20+$0xFFFFCDA0]  }
0x34f: {  	v11 =	vadd.f32 v11, v14;
	v60 =	vld [tilespmem:s6+$0xFFFFCD40];
	[tilespmem:s8+$0xFFFFFFC0] =	vst v1  }
0x350: {  	v1 =	vld [tilespmem:s9+$0x40];
	v3 =	vadd.f32 v3, v6  }
0x351: {  	[tilespmem:s12+$0xFFFFFF10] =	vst v11;
	v6 =	vld [tilespmem:s6+$0xFFFFCDD0]  }
0x352: {  	v11 =	vld [tilespmem:s13+$0xFFFFFF90];
	v0 =	vadd.f32 v8, v0;
	[tilespmem:s30+$0xFFFFFFF0] =	vst v3  }
0x353: {  	v3 =	vadd.f32 v10, v9;
	v61 =	vld [tilespmem:s19+$0x70]  }
0x354: {  	[tilespmem:s29+$0xFFFFFF70] =	vst v0;
	v10 =	vadd.f32 v60, v4;
	v62 =	vld [tilespmem:s2+$0xFFFFCE00]  }
0x355: {  	v7 =	vadd.f32 v7, v59;
	[tilespmem:s12+$0xFFFFCDA0] =	vst v3;
	v3 =	vld [tilespmem:s20+$0xFFFFCD20]  }
0x356: {  	[tilespmem:s8+$0xFFFFCD40] =	vst v10;
	v10 =	vld [tilespmem:s20+$0xFFFFFFA0];
	v6 =	vadd.f32 v6, v1  }
0x357: {  	[tilespmem:s30+$0xFFFFCD60] =	vst v7;
	v0 =	vld [tilespmem:s15+$0xFFFFFFF0]  }
0x358: {  	v7 =	vld [tilespmem:s6+$0xFFFFFF40];
	[tilespmem:s8+$0xFFFFCDD0] =	vst v6  }
0x359: {  	v8 =	vld [tilespmem:s6+$0xFFFFFFD0];
	v12 =	vadd.f32 v62, v61  }
0x35a: {  	v6 =	vld [tilespmem:s2+$0xFFFFFF60];
	v3 =	vadd.f32 v3, v11  }
0x35b: {  	v9 =	vadd.f32 v10, v9;
	[tilespmem:s30+$0xFFFFCE00] =	vst v12;
	v10 =	vld [tilespmem:s11+$0xFFFFCD80]  }
0x35c: {  	[tilespmem:s12+$0xFFFFCD20] =	vst v3;
	v12 =	vld [tilespmem:s2+$0x0]  }
0x35d: {  	v3 =	vadd.f32 v7, v4;
	[tilespmem:s12+$0xFFFFFFA0] =	vst v9;
	v9 =	vld [tilespmem:s20+$0xFFFFFF20]  }
0x35e: {  	v1 =	vadd.f32 v8, v1;
	v7 =	vld [tilespmem:s13+$0x20]  }
0x35f: {  	[tilespmem:s8+$0xFFFFFF40] =	vst v3;
	v8 =	vld [tilespmem:s20+$0xFFFFCDB0]  }
0x360: {  	v3 =	vld [tilespmem:s9+$0xFFFFFFC0];
	[tilespmem:s8+$0xFFFFFFD0] =	vst v1  }
0x361: {  	v1 =	vadd.f32 v6, v59;
	v4 =	vld [tilespmem:s9+$0x50]  }
0x362: {  	v6 =	vadd.f32 v9, v11;
	v9 =	vld [tilespmem:s6+$0xFFFFCDE0]  }
0x363: {  	[tilespmem:s30+$0xFFFFFF60] =	vst v1;
	v11 =	vld [tilespmem:s6+$0xFFFFCD50]  }
0x364: {  	v1 =	vld [tilespmem:s19+$0xFFFFFFE0];
	[tilespmem:s12+$0xFFFFFF20] =	vst v6;
	v6 =	vadd.f32 v8, v7  }
0x365: {  	v2 =	vadd.f32 v5, v2;
	v5 =	vld [tilespmem:s13+$0xFFFFFFA0]  }
0x366: {  	v8 =	vadd.f32 v10, v0;
	v63 =	vld [tilespmem:s20+$0xFFFFCD30];
	[tilespmem:s12+$0xFFFFCDB0] =	vst v6  }
0x367: {  	s28 =	sshll.u32 s25, $0x2;
	[tilespmem:s29+$0x0] =	vst v2;
	v10 =	vld [tilespmem:s20+$0xFFFFFFB0];
	v2 =	vadd.f32 v9, v4  }
0x368: {  	s14 =	sadd.s32 s10, s28;
	[tilespmem:s29+$0xFFFFCD80] =	vst v8;
	v6 =	vld [tilespmem:s2+$0xFFFFCD70];
	v8 =	vadd.f32 v11, v3  }
0x369: {  	s1 =	smul.u32 $0x680, s14;
	v9 =	vadd.f32 v12, v61;
	[tilespmem:s8+$0xFFFFCDE0] =	vst v2;
	v2 =	vld [tilespmem:s11+$0xFFFFFF80]  }
0x36a: {  	s14 =	simm.s32 $0x6;
	s15 =	rddreg [dreg:$0x1];
	[tilespmem:s8+$0xFFFFCD50] =	vst v8;
	v8 =	vld [tilespmem:s6+$0xFFFFFFE0]  }
0x36b: {  	s11 =	sadd.s32 s15, s1;
	[tilespmem:s30+$0x0] =	vst v9;
	s15 =	simm.s32 $0x197C0;
	s1 =	simm.s32 $0x3930;
	v11 =	vadd.f32 v63, v5;
	v9 =	vld [tilespmem:s6+$0xFFFFFF50]  }
.LBB2_7:
0x36c: {  	v12 =	vld [tilespmem:s15+$0x0];
	v7 =	vadd.f32 v10, v7;
	s20 =	sadd.s32 $0x100, s20  }
0x36d: {  	v10 =	vld [tilespmem:s20+$0xFFFFCD90];
	[tilespmem:s12+$0xFFFFCD30] =	vst v11;
	v6 =	vadd.f32 v6, v1  }
0x36e: {  	v11 =	vld [tilespmem:s20+$0xFFFFCD10];
	[tilespmem:s12+$0xFFFFFFB0] =	vst v7;
	v0 =	vadd.f32 v2, v0  }
0x36f: {  	v2 =	vld [tilespmem:s13+$0x30];
	v4 =	vadd.f32 v8, v4;
	[tilespmem:s30+$0xFFFFCD70] =	vst v6  }
0x370: {  	v6 =	vld [tilespmem:s1+$0xFFFFCDC0];
	v3 =	vadd.f32 v9, v3;
	[tilespmem:s29+$0xFFFFFF80] =	vst v0;
	s29 =	smov.u32 s30;
	s30 =	smov.u32 s8;
	s8 =	smov.u32 s12  }
0x371: {  	v0 =	vld [tilespmem:s15+$0xFFFFFF80];
	[tilespmem:s30+$0xFFFFFFE0] =	vst v4  }
0x372: {  	v4 =	vadd.f32 v10, v12;
	[tilespmem:s30+$0xFFFFFF50] =	vst v3;
	v3 =	vld [tilespmem:s9+$0x60]  }
0x373: {  	s12 =	sadd.s32 $0x100, s12;
	v7 =	vld [tilespmem:s6+$0xFFFFCDF0]  }
0x374: {  	s14 =	sadd.s32 $0x2, s14;
	[tilespmem:s12+$0xFFFFCD90] =	vst v4;
	v4 =	vld [tilespmem:s1+$0xFFFFFF30]  }
0x375: {  	p0 =	slt.u32 s14, $0x62;
	v8 =	vld [tilespmem:s20+$0xFFFFFF90];
	v6 =	vadd.f32 v6, v2  }
0x376: {  	v9 =	vadd.f32 v11, v0;
	v10 =	vld [tilespmem:s9+$0xFFFFFFD0]  }
0x377: {  	[tilespmem:s8+$0xFFFFCDC0] =	vst v6;
	v6 =	vld [tilespmem:s6+$0xFFFFCD60]  }
0x378: {  	[tilespmem:s12+$0xFFFFCD10] =	vst v9;
	v9 =	vld [tilespmem:s1+$0xFFFFFFC0];
	v7 =	vadd.f32 v7, v3  }
0x379: {  	v11 =	vld [tilespmem:s20+$0xFFFFFF10];
	v4 =	vadd.f32 v4, v5  }
0x37a: {  	v5 =	vadd.f32 v8, v12;
	[tilespmem:s30+$0xFFFFCDF0] =	vst v7;
	v7 =	vld [tilespmem:s2+$0xFFFFFF70]  }
0x37b: {  	[tilespmem:s8+$0xFFFFFF30] =	vst v4;
	v4 =	vld [tilespmem:s6+$0xFFFFFFF0]  }
0x37c: {  	[tilespmem:s12+$0xFFFFFF90] =	vst v5;
	v5 =	vld [tilespmem:s13+$0xFFFFFFB0];
	v6 =	vadd.f32 v6, v10  }
0x37d: {  	v8 =	vld [tilespmem:s15+$0x10];
	v2 =	vadd.f32 v9, v2  }
0x37e: {  	v0 =	vadd.f32 v11, v0;
	v9 =	vld [tilespmem:s20+$0xFFFFCDA0];
	[tilespmem:s30+$0xFFFFCD60] =	vst v6  }
0x37f: {  	v6 =	vld [tilespmem:s1+$0xFFFFCD40];
	[tilespmem:s8+$0xFFFFFFC0] =	vst v2;
	v1 =	vadd.f32 v7, v1  }
0x380: {  	[tilespmem:s12+$0xFFFFFF10] =	vst v0;
	v2 =	vld [tilespmem:s13+$0x40];
	v0 =	vadd.f32 v4, v3  }
0x381: {  	v3 =	vld [tilespmem:s1+$0xFFFFCDD0];
	[tilespmem:s29+$0xFFFFFF70] =	vst v1  }
0x382: {  	v1 =	vld [tilespmem:s15+$0xFFFFFF90];
	[tilespmem:s30+$0xFFFFFFF0] =	vst v0  }
0x383: {  	v0 =	vadd.f32 v9, v8;
	v9 =	vld [tilespmem:s9+$0x70]  }
0x384: {  	v4 =	vadd.f32 v6, v5;
	v6 =	vld [tilespmem:s6+$0xFFFFCE00]  }
0x385: {  	v7 =	vld [tilespmem:s20+$0xFFFFCD20];
	[tilespmem:s12+$0xFFFFCDA0] =	vst v0  }
0x386: {  	v11 =	vld [tilespmem:s20+$0xFFFFFFA0];
	[tilespmem:s8+$0xFFFFCD40] =	vst v4;
	v0 =	vadd.f32 v3, v2  }
0x387: {  	v3 =	vld [tilespmem:s1+$0xFFFFFF40]  }
0x388: {  	[tilespmem:s8+$0xFFFFCDD0] =	vst v0;
	v4 =	vld [tilespmem:s6+$0xFFFFFF60]  }
0x389: {  	v12 =	vld [tilespmem:s1+$0xFFFFFFD0];
	v6 =	vadd.f32 v6, v9  }
0x38a: {  	v7 =	vadd.f32 v7, v1;
	v0 =	vld [tilespmem:s19+$0xFFFFFFF0];
	s19 =	smov.u32 s9;
	s9 =	smov.u32 s13;
	s13 =	smov.u32 s15  }
0x38b: {  	v8 =	vadd.f32 v11, v8;
	[tilespmem:s30+$0xFFFFCE00] =	vst v6;
	v6 =	vld [tilespmem:s2+$0xFFFFCD80]  }
0x38c: {  	[tilespmem:s12+$0xFFFFCD20] =	vst v7;
	v3 =	vadd.f32 v3, v5;
	v5 =	vld [tilespmem:s6+$0x0]  }
0x38d: {  	v11 =	vld [tilespmem:s20+$0xFFFFFF20];
	[tilespmem:s12+$0xFFFFFFA0] =	vst v8;
	v4 =	vadd.f32 v4, v10  }
0x38e: {  	v7 =	vld [tilespmem:s15+$0x20];
	[tilespmem:s8+$0xFFFFFF40] =	vst v3;
	v2 =	vadd.f32 v12, v2  }
0x38f: {  	v8 =	vld [tilespmem:s20+$0xFFFFCDB0];
	[tilespmem:s30+$0xFFFFFF60] =	vst v4  }
0x390: {  	v3 =	vld [tilespmem:s9+$0xFFFFFFC0];
	[tilespmem:s8+$0xFFFFFFD0] =	vst v2;
	v2 =	vadd.f32 v6, v0  }
0x391: {  	v4 =	vld [tilespmem:s9+$0x50];
	v5 =	vadd.f32 v5, v9  }
0x392: {  	v1 =	vadd.f32 v11, v1;
	v6 =	vld [tilespmem:s1+$0xFFFFCDE0];
	[tilespmem:s29+$0xFFFFCD80] =	vst v2  }
0x393: {  	v2 =	vld [tilespmem:s1+$0xFFFFCD50];
	[tilespmem:s30+$0x0] =	vst v5  }
0x394: {  	[tilespmem:s12+$0xFFFFFF20] =	vst v1;
	v8 =	vadd.f32 v8, v7;
	v1 =	vld [tilespmem:s19+$0xFFFFFFE0]  }
0x395: {  	v5 =	vld [tilespmem:s15+$0xFFFFFFA0]  }
0x396: {  	v9 =	vld [tilespmem:s20+$0xFFFFCD30];
	[tilespmem:s12+$0xFFFFCDB0] =	vst v8  }
.Ltmp2:
0x397: {  	v10 =	vld [tilespmem:s20+$0xFFFFFFB0];
	v8 =	vadd.f32 v6, v4;
	(pc) =	sbr.rel @p0 .LBB2_7-.Ltmp2, $4  }
0x398: {  	v11 =	vadd.f32 v2, v3;
	v6 =	vld [tilespmem:s6+$0xFFFFCD70]  }
0x399: {  	[tilespmem:s8+$0xFFFFCDE0] =	vst v8;
	v2 =	vld [tilespmem:s2+$0xFFFFFF80];
	s2 =	smov.u32 s6;
	s6 =	smov.u32 s1;
	s1 =	smov.u32 s20  }
0x39a: {  	[tilespmem:s8+$0xFFFFCD50] =	vst v11;
	v8 =	vld [tilespmem:s6+$0xFFFFFFE0]  }
0x39b: {  	s15 =	sadd.s32 $0x100, s15;
	v11 =	vadd.f32 v9, v5;
	v9 =	vld [tilespmem:s6+$0xFFFFFF50]  }
0x39c: {  	_ = 	snop  }
0x39d: {  	[tilespmem:s12+$0xFFFFCD30] =	vst v11  }
0x39e: {  	v7 =	vadd.f32 v10, v7;
	v11 =	vld [tilespmem:s1+$0xFFFFFF30];
	_ =	sdelay $0x1  }
0x39f: {  	[tilespmem:s12+$0xFFFFFFB0] =	vst v7  }
0x3a0: {  	v7 =	vld [tilespmem:s13+$0x30]  }
0x3a1: {  	v10 =	vld [tilespmem:s1+$0xFFFFCDC0]  }
0x3a2: {  	v5 =	vadd.f32 v11, v5;
	_ =	sdelay $0x1  }
0x3a3: {  	[tilespmem:s12+$0xFFFFFF30] =	vst v5  }
0x3a4: {  	v5 =	vld [tilespmem:s13+$0xFFFFFFB0]  }
0x3a5: {  	v10 =	vadd.f32 v10, v7;
	v11 =	vld [tilespmem:s1+$0xFFFFCD40];
	_ =	sdelay $0x1  }
0x3a6: {  	[tilespmem:s12+$0xFFFFCDC0] =	vst v10  }
0x3a7: {  	v10 =	vld [tilespmem:s1+$0xFFFFFFC0];
	_ =	sdelay $0x1  }
0x3a8: {  	v11 =	vadd.f32 v11, v5;
	_ =	sdelay $0x1  }
0x3a9: {  	[tilespmem:s12+$0xFFFFCD40] =	vst v11  }
0x3aa: {  	v7 =	vadd.f32 v10, v7;
	v11 =	vld [tilespmem:s1+$0xFFFFFF40];
	_ =	sdelay $0x1  }
0x3ab: {  	[tilespmem:s12+$0xFFFFFFC0] =	vst v7  }
0x3ac: {  	v7 =	vld [tilespmem:s13+$0x40]  }
0x3ad: {  	v10 =	vld [tilespmem:s1+$0xFFFFCDD0]  }
0x3ae: {  	v5 =	vadd.f32 v11, v5;
	_ =	sdelay $0x1  }
0x3af: {  	[tilespmem:s12+$0xFFFFFF40] =	vst v5  }
0x3b0: {  	v5 =	vld [tilespmem:s13+$0xFFFFFFC0]  }
0x3b1: {  	v10 =	vadd.f32 v10, v7;
	v11 =	vld [tilespmem:s1+$0xFFFFCD50];
	_ =	sdelay $0x1  }
0x3b2: {  	[tilespmem:s12+$0xFFFFCDD0] =	vst v10  }
0x3b3: {  	v10 =	vld [tilespmem:s1+$0xFFFFFFD0];
	_ =	sdelay $0x1  }
0x3b4: {  	v11 =	vadd.f32 v11, v5;
	_ =	sdelay $0x1  }
0x3b5: {  	[tilespmem:s12+$0xFFFFCD50] =	vst v11  }
0x3b6: {  	v7 =	vadd.f32 v10, v7;
	v11 =	vld [tilespmem:s1+$0xFFFFFF50];
	_ =	sdelay $0x1  }
0x3b7: {  	v3 =	vadd.f32 v9, v3;
	[tilespmem:s12+$0xFFFFFFD0] =	vst v7  }
0x3b8: {  	v7 =	vld [tilespmem:s13+$0x50]  }
0x3b9: {  	[tilespmem:s8+$0xFFFFFF50] =	vst v3;
	v3 =	vld [tilespmem:s1+$0xFFFFCDE0]  }
0x3ba: {  	v5 =	vadd.f32 v11, v5  }
0x3bb: {  	v9 =	vld [tilespmem:s9+$0xFFFFFFD0]  }
0x3bc: {  	v4 =	vadd.f32 v8, v4;
	v10 =	vld [tilespmem:s6+$0xFFFFCD60];
	[tilespmem:s12+$0xFFFFFF50] =	vst v5  }
0x3bd: {  	v5 =	vld [tilespmem:s13+$0xFFFFFFD0]  }
0x3be: {  	[tilespmem:s8+$0xFFFFFFE0] =	vst v4;
	v3 =	vadd.f32 v3, v7;
	v8 =	vld [tilespmem:s1+$0xFFFFCD60]  }
0x3bf: {  	v4 =	vld [tilespmem:s9+$0x60]  }
0x3c0: {  	v11 =	vld [tilespmem:s6+$0xFFFFCDF0];
	[tilespmem:s12+$0xFFFFCDE0] =	vst v3  }
0x3c1: {  	v10 =	vadd.f32 v10, v9;
	v3 =	vld [tilespmem:s1+$0xFFFFFFE0];
	_ =	sdelay $0x1  }
0x3c2: {  	[tilespmem:s8+$0xFFFFCD60] =	vst v10;
	v8 =	vadd.f32 v8, v5  }
0x3c3: {  	v10 =	vld [tilespmem:s6+$0xFFFFFF60]  }
0x3c4: {  	[tilespmem:s12+$0xFFFFCD60] =	vst v8  }
0x3c5: {  	v3 =	vadd.f32 v3, v7;
	v8 =	vadd.f32 v11, v4;
	v11 =	vld [tilespmem:s1+$0xFFFFFF60];
	_ =	sdelay $0x1  }
0x3c6: {  	[tilespmem:s12+$0xFFFFFFE0] =	vst v3  }
0x3c7: {  	[tilespmem:s8+$0xFFFFCDF0] =	vst v8;
	v8 =	vadd.f32 v10, v9;
	v3 =	vld [tilespmem:s13+$0x60]  }
0x3c8: {  	v7 =	vld [tilespmem:s6+$0xFFFFFFF0]  }
0x3c9: {  	[tilespmem:s8+$0xFFFFFF60] =	vst v8;
	v8 =	vld [tilespmem:s1+$0xFFFFCDF0];
	v5 =	vadd.f32 v11, v5  }
0x3ca: {  	v9 =	vld [tilespmem:s9+$0xFFFFFFE0]  }
0x3cb: {  	v10 =	vld [tilespmem:s6+$0xFFFFCD70];
	[tilespmem:s12+$0xFFFFFF60] =	vst v5  }
0x3cc: {  	v5 =	vadd.f32 v6, v1;
	v6 =	vld [tilespmem:s13+$0xFFFFFFE0]  }
0x3cd: {  	v11 =	vld [tilespmem:s1+$0xFFFFCD70]  }
0x3ce: {  	[tilespmem:s30+$0xFFFFCD70] =	vst v5;
	v5 =	vadd.f32 v8, v3  }
0x3cf: {  	v8 =	vld [tilespmem:s2+$0xFFFFFF70]  }
0x3d0: {  	v10 =	vadd.f32 v10, v9;
	[tilespmem:s12+$0xFFFFCDF0] =	vst v5  }
0x3d1: {  	v4 =	vadd.f32 v7, v4;
	v5 =	vld [tilespmem:s1+$0xFFFFFFF0]  }
0x3d2: {  	[tilespmem:s8+$0xFFFFCD70] =	vst v10;
	v7 =	vadd.f32 v11, v6  }
0x3d3: {  	[tilespmem:s8+$0xFFFFFFF0] =	vst v4;
	v4 =	vld [tilespmem:s6+$0xFFFFFF70]  }
0x3d4: {  	v1 =	vadd.f32 v8, v1;
	v8 =	vld [tilespmem:s9+$0x70];
	[tilespmem:s12+$0xFFFFCD70] =	vst v7  }
0x3d5: {  	v7 =	vld [tilespmem:s1+$0xFFFFFF70]  }
0x3d6: {  	[tilespmem:s30+$0xFFFFFF70] =	vst v1;
	v1 =	vld [tilespmem:s6+$0xFFFFCE00];
	v3 =	vadd.f32 v5, v3  }
0x3d7: {  	v5 =	vld [tilespmem:s19+$0xFFFFFFF0]  }
0x3d8: {  	v4 =	vadd.f32 v4, v9;
	v10 =	vld [tilespmem:s2+$0xFFFFCD80];
	[tilespmem:s12+$0xFFFFFFF0] =	vst v3  }
0x3d9: {  	v3 =	vld [tilespmem:s13+$0x70]  }
0x3da: {  	[tilespmem:s8+$0xFFFFFF70] =	vst v4;
	v4 =	vld [tilespmem:s1+$0xFFFFCE00];
	v6 =	vadd.f32 v7, v6  }
0x3db: {  	v9 =	vld [tilespmem:s6+$0xFFFFCD80]  }
0x3dc: {  	v7 =	vld [tilespmem:s9+$0xFFFFFFF0];
	[tilespmem:s12+$0xFFFFFF70] =	vst v6  }
0x3dd: {  	v6 =	vld [tilespmem:s13+$0xFFFFFFF0]  }
0x3de: {  	v11 =	vld [tilespmem:s1+$0xFFFFCD80]  }
0x3df: {  	v1 =	vadd.f32 v1, v8  }
0x3e0: {  	v10 =	vadd.f32 v10, v5  }
0x3e1: {  	[tilespmem:s8+$0xFFFFCE00] =	vst v1;
	v1 =	vadd.f32 v4, v3  }
0x3e2: {  	v4 =	vld [tilespmem:s6+$0x0];
	[tilespmem:s30+$0xFFFFCD80] =	vst v10;
	v9 =	vadd.f32 v9, v7  }
0x3e3: {  	v10 =	vld [tilespmem:s2+$0xFFFFFF80];
	[tilespmem:s12+$0xFFFFCE00] =	vst v1;
	v1 =	vadd.f32 v11, v6  }
0x3e4: {  	[tilespmem:s8+$0xFFFFCD80] =	vst v9;
	v11 =	vld [tilespmem:s1+$0x0]  }
0x3e5: {  	v9 =	vld [tilespmem:s6+$0xFFFFFF80];
	[tilespmem:s12+$0xFFFFCD80] =	vst v1  }
0x3e6: {  	v0 =	vadd.f32 v2, v0;
	v1 =	vld [tilespmem:s1+$0xFFFFFF80]  }
0x3e7: {  	v2 =	vadd.f32 v4, v8  }
0x3e8: {  	[tilespmem:s29+$0xFFFFFF80] =	vst v0;
	v0 =	vadd.f32 v10, v5  }
0x3e9: {  	[tilespmem:s8+$0x0] =	vst v2;
	v2 =	vadd.f32 v11, v3  }
0x3ea: {  	[tilespmem:s30+$0xFFFFFF80] =	vst v0;
	v0 =	vadd.f32 v9, v7  }
0x3eb: {  	[tilespmem:s12+$0x0] =	vst v2;
	v1 =	vadd.f32 v1, v6  }
0x3ec: {  	[tilespmem:s8+$0xFFFFFF80] =	vst v0  }
0x3ed: {  	s20 =	simm.s32 $0xCB40;
	[tilespmem:s12+$0xFFFFFF80] =	vst v1  }
0x3ee: {  	[hbm4b:s11+s17] =	stream.strided.scatter [tilespmem:s20], [sflag:$0x3], $0x6400, s18, s17, $0x38;
	[tilespmem:$0x1C540] =	vst v63  }
0x3ef: {  	_ =	swait.ge [sflag:s21], $0x1A0  }
0x3f0: {  	[sflag:s21] =	ssyncset.done $0x0  }
0x3f1: {  	s30 =	simm.s32 $0x340;
	[sflag:s21] =	ssyncadd.s32 $0xFFFFFE60  }
0x3f2: {  	[tilespmem:s30], [sflag:$0x1] =	stream.indirect.gather [hbm4b:s5+s22], $0x40, s3, s22, $0xb8;
	[tilespmem:$0x1C540] =	vst v63  }
0x3f3: {  	s2 =	simm.s32 $0x68;
	s6 =	simm.s32 $0x1C40  }
0x3f4: {  	[tilespmem:s6], [sflag:$0x1] =	stream.indirect.gather [hbm4b:s5+s22], $0x40, s2, s22, $0xb8;
	[tilespmem:$0x1C540] =	vst v63  }
0x3f5: {  	s9 =	simm.s32 $0x3540;
	s8 =	simm.s32 $0xD0  }
0x3f6: {  	[tilespmem:s9], [sflag:$0x1] =	stream.indirect.gather [hbm4b:s5+s22], $0x40, s8, s22, $0xb8;
	[tilespmem:$0x1C540] =	vst v63  }
0x3f7: {  	s12 =	simm.s32 $0x4E40;
	s11 =	simm.s32 $0x138  }
0x3f8: {  	[tilespmem:s12], [sflag:$0x1] =	stream.indirect.gather [hbm4b:s5+s22], $0x40, s11, s22, $0xb8;
	[tilespmem:$0x1C540] =	vst v63  }
0x3f9: {  	_ =	swait.ge [sflag:s7], $0x1900  }
0x3fa: {  	[sflag:s7] =	ssyncset.done $0x0  }
0x3fb: {  	[sflag:s7] =	ssyncadd.s32 $0xFFFFE700  }
0x3fc: {  	_ =	swait.ge [sflag:s7], $0x1900  }
0x3fd: {  	[sflag:s7] =	ssyncset.done $0x0  }
0x3fe: {  	[sflag:s7] =	ssyncadd.s32 $0xFFFFE700  }
0x3ff: {  	_ =	swait.ge [sflag:s7], $0x1900  }
0x400: {  	[sflag:s7] =	ssyncset.done $0x0;
	s13 =	rddreg [dreg:$0xb]  }
0x401: {  	[sflag:s7] =	ssyncadd.s32 $0xFFFFE700;
	s1 =	sadd.s32 s26, s13  }
0x402: {  	_ =	swait.ge [sflag:s7], $0x1900;
	s1 =	smul.u32 $0xD, s1  }
0x403: {  	[sflag:s7] =	ssyncset.done $0x0  }
0x404: {  	[sflag:s7] =	ssyncadd.s32 $0xFFFFE700;
	s1 =	sadd.s32 s4, s1  }
0x405: {  	[tilespmem:s31], [sflag:$0x6] =	stream.linear.gather [hbm4b:s1+s3], $0x1A0, $0x38;
	[tilespmem:$0x1C540] =	vst v63  }
0x406: {  	_ =	swait.ge [sflag:s24], $0x6400  }
0x407: {  	[sflag:s24] =	ssyncset.done $0x0  }
0x408: {  	s14 =	simm.s32 $0x193C0;
	[sflag:s24] =	ssyncadd.s32 $0xFFFF9C00  }
0x409: {  	s15 =	simm.s32 $0x9A30;
	v0 =	vld [tilespmem:s14+$0x0]  }
0x40a: {  	v1 =	vld [tilespmem:s15+$0xFFFFCD90];
	_ =	sdelay $0x4  }
0x40b: {  	v1 =	vadd.f32 v1, v0  }
0x40c: {  	s26 =	simm.s32 $0x16230  }
0x40d: {  	[tilespmem:s26+$0xFFFFCD90] =	vst v1  }
0x40e: {  	v1 =	vld [tilespmem:s15+$0xFFFFFF90];
	_ =	sdelay $0x4  }
0x40f: {  	v0 =	vadd.f32 v1, v0;
	_ =	sdelay $0x1  }
0x410: {  	[tilespmem:s26+$0xFFFFFF90] =	vst v0  }
0x411: {  	v0 =	vld [tilespmem:s14+$0x10]  }
0x412: {  	v1 =	vld [tilespmem:s15+$0xFFFFCDA0];
	_ =	sdelay $0x1  }
0x413: {  	v2 =	vld [tilespmem:s15+$0xFFFFCD10]  }
0x414: {  	v3 =	vld [tilespmem:s14+$0xFFFFFF80];
	_ =	sdelay $0x1  }
0x415: {  	v1 =	vadd.f32 v1, v0;
	_ =	sdelay $0x1  }
0x416: {  	[tilespmem:s26+$0xFFFFCDA0] =	vst v1  }
0x417: {  	v1 =	vadd.f32 v2, v3;
	v2 =	vld [tilespmem:s15+$0xFFFFFFA0];
	_ =	sdelay $0x1  }
0x418: {  	[tilespmem:s26+$0xFFFFCD10] =	vst v1  }
0x419: {  	v1 =	vld [tilespmem:s15+$0xFFFFFF10];
	_ =	sdelay $0x1  }
0x41a: {  	v0 =	vadd.f32 v2, v0;
	_ =	sdelay $0x1  }
0x41b: {  	[tilespmem:s26+$0xFFFFFFA0] =	vst v0  }
0x41c: {  	v0 =	vadd.f32 v1, v3;
	v1 =	vld [tilespmem:s14+$0x20]  }
0x41d: {  	v2 =	vld [tilespmem:s15+$0xFFFFCDB0]  }
0x41e: {  	[tilespmem:s26+$0xFFFFFF10] =	vst v0  }
0x41f: {  	v0 =	vld [tilespmem:s14+$0xFFFFFF90]  }
0x420: {  	v3 =	vld [tilespmem:s15+$0xFFFFCD20];
	_ =	sdelay $0x1  }
0x421: {  	v2 =	vadd.f32 v2, v1;
	_ =	sdelay $0x1  }
0x422: {  	[tilespmem:s26+$0xFFFFCDB0] =	vst v2  }
0x423: {  	s19 =	simm.s32 $0x194C0;
	v2 =	vadd.f32 v3, v0;
	v3 =	vld [tilespmem:s15+$0xFFFFFFB0]  }
0x424: {  	s2 =	simm.s32 $0x9B30;
	v4 =	vld [tilespmem:s19+$0x0]  }
0x425: {  	[tilespmem:s26+$0xFFFFCD20] =	vst v2;
	v2 =	vld [tilespmem:s2+$0xFFFFCD90]  }
0x426: {  	v5 =	vld [tilespmem:s15+$0xFFFFFF20];
	_ =	sdelay $0x1  }
0x427: {  	v1 =	vadd.f32 v3, v1;
	_ =	sdelay $0x1  }
0x428: {  	[tilespmem:s26+$0xFFFFFFB0] =	vst v1;
	v1 =	vadd.f32 v2, v4  }
0x429: {  	s29 =	simm.s32 $0x16330;
	v0 =	vadd.f32 v5, v0;
	v2 =	vld [tilespmem:s14+$0x30]  }
0x42a: {  	v3 =	vld [tilespmem:s15+$0xFFFFCDC0];
	[tilespmem:s29+$0xFFFFCD90] =	vst v1  }
0x42b: {  	[tilespmem:s26+$0xFFFFFF20] =	vst v0;
	v0 =	vld [tilespmem:s2+$0xFFFFFF90]  }
0x42c: {  	v1 =	vld [tilespmem:s14+$0xFFFFFFA0]  }
0x42d: {  	v5 =	vld [tilespmem:s15+$0xFFFFCD30]  }
0x42e: {  	v6 =	vld [tilespmem:s2+$0xFFFFCD10]  }
0x42f: {  	v7 =	vld [tilespmem:s19+$0xFFFFFF80];
	v3 =	vadd.f32 v3, v2  }
0x430: {  	v0 =	vadd.f32 v0, v4  }
0x431: {  	[tilespmem:s26+$0xFFFFCDC0] =	vst v3  }
0x432: {  	v3 =	vadd.f32 v5, v1;
	v4 =	vld [tilespmem:s15+$0xFFFFFFC0];
	[tilespmem:s29+$0xFFFFFF90] =	vst v0  }
0x433: {  	v0 =	vld [tilespmem:s19+$0x10]  }
0x434: {  	[tilespmem:s26+$0xFFFFCD30] =	vst v3;
	v3 =	vadd.f32 v6, v7;
	v5 =	vld [tilespmem:s2+$0xFFFFCDA0]  }
0x435: {  	v6 =	vld [tilespmem:s15+$0xFFFFFF30]  }
0x436: {  	[tilespmem:s29+$0xFFFFCD10] =	vst v3  }
0x437: {  	v3 =	vld [tilespmem:s2+$0xFFFFFF10];
	v2 =	vadd.f32 v4, v2;
	_ =	sdelay $0x1  }
0x438: {  	[tilespmem:s26+$0xFFFFFFC0] =	vst v2;
	v2 =	vadd.f32 v5, v0  }
0x439: {  	v1 =	vadd.f32 v6, v1;
	v4 =	vld [tilespmem:s14+$0x40]  }
0x43a: {  	v5 =	vld [tilespmem:s15+$0xFFFFCDD0];
	[tilespmem:s29+$0xFFFFCDA0] =	vst v2  }
0x43b: {  	[tilespmem:s26+$0xFFFFFF30] =	vst v1;
	v1 =	vadd.f32 v3, v7;
	v2 =	vld [tilespmem:s2+$0xFFFFFFA0]  }
0x43c: {  	v3 =	vld [tilespmem:s14+$0xFFFFFFB0]  }
0x43d: {  	v6 =	vld [tilespmem:s15+$0xFFFFCD40];
	[tilespmem:s29+$0xFFFFFF10] =	vst v1  }
0x43e: {  	v1 =	vld [tilespmem:s19+$0xFFFFFF90]  }
0x43f: {  	v7 =	vld [tilespmem:s2+$0xFFFFCD20];
	v5 =	vadd.f32 v5, v4  }
0x440: {  	v0 =	vadd.f32 v2, v0  }
0x441: {  	[tilespmem:s26+$0xFFFFCDD0] =	vst v5  }
0x442: {  	v2 =	vadd.f32 v6, v3;
	v5 =	vld [tilespmem:s15+$0xFFFFFFD0];
	[tilespmem:s29+$0xFFFFFFA0] =	vst v0  }
0x443: {  	v0 =	vld [tilespmem:s19+$0x20]  }
0x444: {  	[tilespmem:s26+$0xFFFFCD40] =	vst v2;
	v2 =	vadd.f32 v7, v1;
	v6 =	vld [tilespmem:s2+$0xFFFFCDB0]  }
0x445: {  	v7 =	vld [tilespmem:s15+$0xFFFFFF40]  }
0x446: {  	[tilespmem:s29+$0xFFFFCD20] =	vst v2  }
0x447: {  	v2 =	vld [tilespmem:s2+$0xFFFFFF20];
	v4 =	vadd.f32 v5, v4;
	_ =	sdelay $0x1  }
0x448: {  	[tilespmem:s26+$0xFFFFFFD0] =	vst v4;
	v4 =	vadd.f32 v6, v0  }
0x449: {  	v3 =	vadd.f32 v7, v3;
	v5 =	vld [tilespmem:s14+$0x50]  }
0x44a: {  	v6 =	vld [tilespmem:s15+$0xFFFFCDE0];
	[tilespmem:s29+$0xFFFFCDB0] =	vst v4  }
0x44b: {  	[tilespmem:s26+$0xFFFFFF40] =	vst v3;
	v1 =	vadd.f32 v2, v1;
	v2 =	vld [tilespmem:s2+$0xFFFFFFB0]  }
0x44c: {  	v3 =	vld [tilespmem:s14+$0xFFFFFFC0]  }
0x44d: {  	s9 =	simm.s32 $0x195C0;
	v4 =	vld [tilespmem:s15+$0xFFFFCD50]  }
0x44e: {  	v8 =	vld [tilespmem:s9+$0x0];
	[tilespmem:s29+$0xFFFFFF20] =	vst v1  }
0x44f: {  	v1 =	vld [tilespmem:s19+$0xFFFFFFA0];
	v6 =	vadd.f32 v6, v5  }
0x450: {  	s6 =	simm.s32 $0x9C30;
	v7 =	vld [tilespmem:s2+$0xFFFFCD30];
	v0 =	vadd.f32 v2, v0  }
0x451: {  	[tilespmem:s26+$0xFFFFCDE0] =	vst v6;
	v2 =	vld [tilespmem:s6+$0xFFFFCD90]  }
0x452: {  	v4 =	vadd.f32 v4, v3;
	v6 =	vld [tilespmem:s15+$0xFFFFFFE0];
	[tilespmem:s29+$0xFFFFFFB0] =	vst v0  }
0x453: {  	v0 =	vld [tilespmem:s19+$0x30]  }
0x454: {  	[tilespmem:s26+$0xFFFFCD50] =	vst v4;
	v4 =	vld [tilespmem:s2+$0xFFFFCDC0]  }
0x455: {  	v10 =	vld [tilespmem:s6+$0xFFFFCD10];
	v7 =	vadd.f32 v7, v1  }
0x456: {  	v9 =	vld [tilespmem:s15+$0xFFFFFF50];
	v2 =	vadd.f32 v2, v8  }
0x457: {  	s8 =	simm.s32 $0x16430;
	[tilespmem:s29+$0xFFFFCD30] =	vst v7;
	v7 =	vld [tilespmem:s9+$0xFFFFFF80]  }
0x458: {  	v5 =	vadd.f32 v6, v5;
	[tilespmem:s8+$0xFFFFCD90] =	vst v2;
	v2 =	vld [tilespmem:s2+$0xFFFFFF30]  }
0x459: {  	v6 =	vld [tilespmem:s6+$0xFFFFFF90];
	v4 =	vadd.f32 v4, v0  }
0x45a: {  	[tilespmem:s26+$0xFFFFFFE0] =	vst v5  }
0x45b: {  	v3 =	vadd.f32 v9, v3;
	v5 =	vld [tilespmem:s14+$0x60];
	[tilespmem:s29+$0xFFFFCDC0] =	vst v4  }
0x45c: {  	v4 =	vadd.f32 v10, v7;
	v9 =	vld [tilespmem:s2+$0xFFFFFFC0]  }
0x45d: {  	[tilespmem:s26+$0xFFFFFF50] =	vst v3;
	v3 =	vld [tilespmem:s15+$0xFFFFCDF0];
	v1 =	vadd.f32 v2, v1  }
0x45e: {  	v10 =	vld [tilespmem:s14+$0xFFFFFFD0];
	[tilespmem:s8+$0xFFFFCD10] =	vst v4;
	v2 =	vadd.f32 v6, v8  }
0x45f: {  	v4 =	vld [tilespmem:s6+$0xFFFFFF10];
	[tilespmem:s29+$0xFFFFFF30] =	vst v1  }
0x460: {  	[tilespmem:s8+$0xFFFFFF90] =	vst v2;
	v1 =	vld [tilespmem:s19+$0xFFFFFFB0]  }
0x461: {  	v6 =	vld [tilespmem:s9+$0x10];
	v0 =	vadd.f32 v9, v0  }
0x462: {  	v2 =	vld [tilespmem:s6+$0xFFFFCDA0]  }
0x463: {  	v3 =	vadd.f32 v3, v5;
	v8 =	vld [tilespmem:s2+$0xFFFFCD40];
	[tilespmem:s29+$0xFFFFFFC0] =	vst v0  }
0x464: {  	v0 =	vld [tilespmem:s19+$0x40]  }
0x465: {  	[tilespmem:s26+$0xFFFFCDF0] =	vst v3;
	v3 =	vadd.f32 v4, v7;
	v4 =	vld [tilespmem:s2+$0xFFFFCDD0]  }
0x466: {  	v7 =	vld [tilespmem:s15+$0xFFFFFFF0]  }
0x467: {  	v9 =	vld [tilespmem:s15+$0xFFFFCD60];
	[tilespmem:s8+$0xFFFFFF10] =	vst v3;
	v2 =	vadd.f32 v2, v6  }
0x468: {  	v3 =	vld [tilespmem:s9+$0xFFFFFF90]  }
0x469: {  	v8 =	vadd.f32 v8, v1;
	v11 =	vld [tilespmem:s6+$0xFFFFCD20];
	[tilespmem:s8+$0xFFFFCDA0] =	vst v2  }
0x46a: {  	v12 =	vld [tilespmem:s6+$0xFFFFFFA0];
	v2 =	vadd.f32 v4, v0  }
0x46b: {  	[tilespmem:s29+$0xFFFFCD40] =	vst v8;
	v4 =	vadd.f32 v7, v5  }
0x46c: {  	v5 =	vld [tilespmem:s2+$0xFFFFFF40];
	[tilespmem:s29+$0xFFFFCDD0] =	vst v2  }
0x46d: {  	v7 =	vadd.f32 v9, v10;
	[tilespmem:s26+$0xFFFFFFF0] =	vst v4;
	v4 =	vld [tilespmem:s2+$0xFFFFFFD0]  }
0x46e: {  	v8 =	vadd.f32 v11, v3;
	v2 =	vld [tilespmem:s14+$0x70]  }
0x46f: {  	[tilespmem:s26+$0xFFFFCD60] =	vst v7;
	v7 =	vld [tilespmem:s15+$0xFFFFCE00];
	v6 =	vadd.f32 v12, v6  }
0x470: {  	v9 =	vld [tilespmem:s15+$0xFFFFFF60];
	[tilespmem:s8+$0xFFFFCD20] =	vst v8  }
0x471: {  	v1 =	vadd.f32 v5, v1;
	v5 =	vld [tilespmem:s6+$0xFFFFFF20];
	[tilespmem:s8+$0xFFFFFFA0] =	vst v6  }
0x472: {  	v6 =	vld [tilespmem:s9+$0x20];
	v0 =	vadd.f32 v4, v0  }
0x473: {  	[tilespmem:s29+$0xFFFFFF40] =	vst v1;
	v1 =	vld [tilespmem:s6+$0xFFFFCDB0]  }
0x474: {  	v4 =	vld [tilespmem:s19+$0xFFFFFFC0];
	[tilespmem:s29+$0xFFFFFFD0] =	vst v0  }
0x475: {  	v0 =	vadd.f32 v7, v2;
	v7 =	vld [tilespmem:s19+$0x50]  }
0x476: {  	v8 =	vadd.f32 v9, v10;
	v9 =	vld [tilespmem:s2+$0xFFFFCDE0]  }
0x477: {  	s13 =	simm.s32 $0x196C0;
	[tilespmem:s26+$0xFFFFCE00] =	vst v0;
	v0 =	vadd.f32 v5, v3;
	v3 =	vld [tilespmem:s2+$0xFFFFCD50]  }
0x478: {  	s20 =	simm.s32 $0x9D30;
	v58 =	vld [tilespmem:s13+$0x0];
	v1 =	vadd.f32 v1, v6  }
0x479: {  	v13 =	vld [tilespmem:s20+$0xFFFFCD10]  }
0x47a: {  	v14 =	vld [tilespmem:s13+$0xFFFFFF80];
	[tilespmem:s8+$0xFFFFCDB0] =	vst v1  }
0x47b: {  	[tilespmem:s8+$0xFFFFFF20] =	vst v0;
	v1 =	vld [tilespmem:s6+$0xFFFFFFB0];
	v9 =	vadd.f32 v9, v7  }
0x47c: {  	[tilespmem:s26+$0xFFFFFF60] =	vst v8;
	v8 =	vld [tilespmem:s9+$0xFFFFFFA0];
	v3 =	vadd.f32 v3, v4  }
0x47d: {  	v10 =	vld [tilespmem:s6+$0xFFFFCD30];
	[tilespmem:s29+$0xFFFFCDE0] =	vst v9  }
0x47e: {  	[tilespmem:s29+$0xFFFFCD50] =	vst v3;
	v3 =	vld [tilespmem:s2+$0xFFFFFFE0]  }
0x47f: {  	v11 =	vld [tilespmem:s15+$0xFFFFCD70]  }
0x480: {  	v0 =	vld [tilespmem:s14+$0xFFFFFFE0];
	v1 =	vadd.f32 v1, v6  }
0x481: {  	v6 =	vld [tilespmem:s20+$0xFFFFCD90]  }
0x482: {  	v9 =	vld [tilespmem:s2+$0xFFFFFF50];
	v10 =	vadd.f32 v10, v8;
	[tilespmem:s8+$0xFFFFFFB0] =	vst v1  }
0x483: {  	v1 =	vld [tilespmem:s9+$0x30];
	v3 =	vadd.f32 v3, v7  }
0x484: {  	[tilespmem:s8+$0xFFFFCD30] =	vst v10;
	v7 =	vld [tilespmem:s6+$0xFFFFCDC0]  }
0x485: {  	v5 =	vld [tilespmem:s15+$0x0];
	v10 =	vadd.f32 v13, v14;
	[tilespmem:s29+$0xFFFFFFE0] =	vst v3  }
0x486: {  	s12 =	simm.s32 $0x16530;
	v3 =	vadd.f32 v6, v58;
	v6 =	vld [tilespmem:s19+$0x60]  }
0x487: {  	[tilespmem:s12+$0xFFFFCD10] =	vst v10;
	v4 =	vadd.f32 v9, v4;
	v9 =	vld [tilespmem:s2+$0xFFFFCDF0]  }
0x488: {  	v11 =	vadd.f32 v11, v0;
	[tilespmem:s12+$0xFFFFCD90] =	vst v3;
	v3 =	vld [tilespmem:s6+$0xFFFFFF30]  }
0x489: {  	[tilespmem:s29+$0xFFFFFF50] =	vst v4;
	v4 =	vld [tilespmem:s20+$0xFFFFFF90];
	v7 =	vadd.f32 v7, v1  }
0x48a: {  	[tilespmem:s26+$0xFFFFCD70] =	vst v11;
	v11 =	vld [tilespmem:s20+$0xFFFFFF10]  }
0x48b: {  	v59 =	vld [tilespmem:s19+$0xFFFFFFD0];
	[tilespmem:s8+$0xFFFFCDC0] =	vst v7  }
0x48c: {  	v10 =	vld [tilespmem:s6+$0xFFFFFFC0];
	v9 =	vadd.f32 v9, v6  }
0x48d: {  	v7 =	vld [tilespmem:s2+$0xFFFFCD60];
	v3 =	vadd.f32 v3, v8  }
0x48e: {  	v8 =	vld [tilespmem:s15+$0xFFFFFF70];
	v4 =	vadd.f32 v4, v58;
	[tilespmem:s29+$0xFFFFCDF0] =	vst v9  }
0x48f: {  	[tilespmem:s8+$0xFFFFFF30] =	vst v3;
	v3 =	vld [tilespmem:s2+$0xFFFFFFF0]  }
0x490: {  	[tilespmem:s12+$0xFFFFFF90] =	vst v4;
	v4 =	vld [tilespmem:s9+$0xFFFFFFB0]  }
0x491: {  	v9 =	vld [tilespmem:s13+$0x10];
	v1 =	vadd.f32 v10, v1  }
0x492: {  	v10 =	vld [tilespmem:s20+$0xFFFFCDA0]  }
0x493: {  	v11 =	vadd.f32 v11, v14;
	v60 =	vld [tilespmem:s6+$0xFFFFCD40];
	[tilespmem:s8+$0xFFFFFFC0] =	vst v1  }
0x494: {  	v1 =	vld [tilespmem:s9+$0x40];
	v3 =	vadd.f32 v3, v6  }
0x495: {  	[tilespmem:s12+$0xFFFFFF10] =	vst v11;
	v6 =	vld [tilespmem:s6+$0xFFFFCDD0]  }
0x496: {  	v11 =	vld [tilespmem:s13+$0xFFFFFF90];
	v0 =	vadd.f32 v8, v0;
	[tilespmem:s29+$0xFFFFFFF0] =	vst v3  }
0x497: {  	v3 =	vadd.f32 v10, v9;
	v61 =	vld [tilespmem:s19+$0x70]  }
0x498: {  	[tilespmem:s26+$0xFFFFFF70] =	vst v0;
	v10 =	vadd.f32 v60, v4;
	v62 =	vld [tilespmem:s2+$0xFFFFCE00]  }
0x499: {  	v7 =	vadd.f32 v7, v59;
	[tilespmem:s12+$0xFFFFCDA0] =	vst v3;
	v3 =	vld [tilespmem:s20+$0xFFFFCD20]  }
0x49a: {  	[tilespmem:s8+$0xFFFFCD40] =	vst v10;
	v10 =	vld [tilespmem:s20+$0xFFFFFFA0];
	v6 =	vadd.f32 v6, v1  }
0x49b: {  	[tilespmem:s29+$0xFFFFCD60] =	vst v7;
	v0 =	vld [tilespmem:s14+$0xFFFFFFF0]  }
0x49c: {  	v7 =	vld [tilespmem:s6+$0xFFFFFF40];
	[tilespmem:s8+$0xFFFFCDD0] =	vst v6  }
0x49d: {  	v8 =	vld [tilespmem:s6+$0xFFFFFFD0];
	v12 =	vadd.f32 v62, v61  }
0x49e: {  	v6 =	vld [tilespmem:s2+$0xFFFFFF60];
	v3 =	vadd.f32 v3, v11  }
0x49f: {  	v9 =	vadd.f32 v10, v9;
	[tilespmem:s29+$0xFFFFCE00] =	vst v12;
	v10 =	vld [tilespmem:s15+$0xFFFFCD80]  }
0x4a0: {  	[tilespmem:s12+$0xFFFFCD20] =	vst v3;
	v12 =	vld [tilespmem:s2+$0x0]  }
0x4a1: {  	v3 =	vadd.f32 v7, v4;
	[tilespmem:s12+$0xFFFFFFA0] =	vst v9;
	v9 =	vld [tilespmem:s20+$0xFFFFFF20]  }
0x4a2: {  	v1 =	vadd.f32 v8, v1;
	v7 =	vld [tilespmem:s13+$0x20]  }
0x4a3: {  	[tilespmem:s8+$0xFFFFFF40] =	vst v3;
	v8 =	vld [tilespmem:s20+$0xFFFFCDB0]  }
0x4a4: {  	v3 =	vld [tilespmem:s9+$0xFFFFFFC0];
	[tilespmem:s8+$0xFFFFFFD0] =	vst v1  }
0x4a5: {  	v1 =	vadd.f32 v6, v59;
	v4 =	vld [tilespmem:s9+$0x50]  }
0x4a6: {  	v6 =	vadd.f32 v9, v11;
	v9 =	vld [tilespmem:s6+$0xFFFFCDE0]  }
0x4a7: {  	[tilespmem:s29+$0xFFFFFF60] =	vst v1;
	v11 =	vld [tilespmem:s6+$0xFFFFCD50]  }
0x4a8: {  	v1 =	vld [tilespmem:s19+$0xFFFFFFE0];
	[tilespmem:s12+$0xFFFFFF20] =	vst v6;
	v6 =	vadd.f32 v8, v7  }
0x4a9: {  	v2 =	vadd.f32 v5, v2;
	v5 =	vld [tilespmem:s13+$0xFFFFFFA0]  }
0x4aa: {  	v8 =	vadd.f32 v10, v0;
	v63 =	vld [tilespmem:s20+$0xFFFFCD30];
	[tilespmem:s12+$0xFFFFCDB0] =	vst v6  }
0x4ab: {  	s30 =	sadd.s32 s28, s10;
	[tilespmem:s26+$0x0] =	vst v2;
	v10 =	vld [tilespmem:s20+$0xFFFFFFB0];
	v2 =	vadd.f32 v9, v4  }
0x4ac: {  	s1 =	smul.u32 $0x680, s30;
	[tilespmem:s26+$0xFFFFCD80] =	vst v8;
	v6 =	vld [tilespmem:s2+$0xFFFFCD70];
	v8 =	vadd.f32 v11, v3  }
0x4ad: {  	s14 =	rddreg [dreg:$0x1];
	v9 =	vadd.f32 v12, v61;
	[tilespmem:s8+$0xFFFFCDE0] =	vst v2;
	v2 =	vld [tilespmem:s15+$0xFFFFFF80]  }
0x4ae: {  	s1 =	sadd.s32 s14, s1;
	s14 =	simm.s32 $0x6;
	[tilespmem:s8+$0xFFFFCD50] =	vst v8;
	v8 =	vld [tilespmem:s6+$0xFFFFFFE0]  }
0x4af: {  	s11 =	sadd.s32 $0xD00, s1;
	s1 =	simm.s32 $0x9D30;
	[tilespmem:s29+$0x0] =	vst v9;
	s15 =	simm.s32 $0x197C0;
	v11 =	vadd.f32 v63, v5;
	v9 =	vld [tilespmem:s6+$0xFFFFFF50]  }
.LBB2_9:
0x4b0: {  	v12 =	vld [tilespmem:s15+$0x0];
	v7 =	vadd.f32 v10, v7;
	s20 =	sadd.s32 $0x100, s20  }
0x4b1: {  	v10 =	vld [tilespmem:s20+$0xFFFFCD90];
	[tilespmem:s12+$0xFFFFCD30] =	vst v11;
	v6 =	vadd.f32 v6, v1  }
0x4b2: {  	v11 =	vld [tilespmem:s20+$0xFFFFCD10];
	[tilespmem:s12+$0xFFFFFFB0] =	vst v7;
	v0 =	vadd.f32 v2, v0  }
0x4b3: {  	v2 =	vld [tilespmem:s13+$0x30];
	v4 =	vadd.f32 v8, v4;
	[tilespmem:s29+$0xFFFFCD70] =	vst v6  }
0x4b4: {  	v6 =	vld [tilespmem:s1+$0xFFFFCDC0];
	v3 =	vadd.f32 v9, v3;
	[tilespmem:s26+$0xFFFFFF80] =	vst v0;
	s26 =	smov.u32 s29;
	s29 =	smov.u32 s8;
	s8 =	smov.u32 s12  }
0x4b5: {  	v0 =	vld [tilespmem:s15+$0xFFFFFF80];
	[tilespmem:s29+$0xFFFFFFE0] =	vst v4  }
0x4b6: {  	v4 =	vadd.f32 v10, v12;
	[tilespmem:s29+$0xFFFFFF50] =	vst v3;
	v3 =	vld [tilespmem:s9+$0x60]  }
0x4b7: {  	s12 =	sadd.s32 $0x100, s12;
	v7 =	vld [tilespmem:s6+$0xFFFFCDF0]  }
0x4b8: {  	s14 =	sadd.s32 $0x2, s14;
	[tilespmem:s12+$0xFFFFCD90] =	vst v4;
	v4 =	vld [tilespmem:s1+$0xFFFFFF30]  }
0x4b9: {  	p0 =	slt.u32 s14, $0x62;
	v8 =	vld [tilespmem:s20+$0xFFFFFF90];
	v6 =	vadd.f32 v6, v2  }
0x4ba: {  	v9 =	vadd.f32 v11, v0;
	v10 =	vld [tilespmem:s9+$0xFFFFFFD0]  }
0x4bb: {  	[tilespmem:s8+$0xFFFFCDC0] =	vst v6;
	v6 =	vld [tilespmem:s6+$0xFFFFCD60]  }
0x4bc: {  	[tilespmem:s12+$0xFFFFCD10] =	vst v9;
	v9 =	vld [tilespmem:s1+$0xFFFFFFC0];
	v7 =	vadd.f32 v7, v3  }
0x4bd: {  	v11 =	vld [tilespmem:s20+$0xFFFFFF10];
	v4 =	vadd.f32 v4, v5  }
0x4be: {  	v5 =	vadd.f32 v8, v12;
	[tilespmem:s29+$0xFFFFCDF0] =	vst v7;
	v7 =	vld [tilespmem:s2+$0xFFFFFF70]  }
0x4bf: {  	[tilespmem:s8+$0xFFFFFF30] =	vst v4;
	v4 =	vld [tilespmem:s6+$0xFFFFFFF0]  }
0x4c0: {  	[tilespmem:s12+$0xFFFFFF90] =	vst v5;
	v5 =	vld [tilespmem:s13+$0xFFFFFFB0];
	v6 =	vadd.f32 v6, v10  }
0x4c1: {  	v8 =	vld [tilespmem:s15+$0x10];
	v2 =	vadd.f32 v9, v2  }
0x4c2: {  	v0 =	vadd.f32 v11, v0;
	v9 =	vld [tilespmem:s20+$0xFFFFCDA0];
	[tilespmem:s29+$0xFFFFCD60] =	vst v6  }
0x4c3: {  	v6 =	vld [tilespmem:s1+$0xFFFFCD40];
	[tilespmem:s8+$0xFFFFFFC0] =	vst v2;
	v1 =	vadd.f32 v7, v1  }
0x4c4: {  	[tilespmem:s12+$0xFFFFFF10] =	vst v0;
	v2 =	vld [tilespmem:s13+$0x40];
	v0 =	vadd.f32 v4, v3  }
0x4c5: {  	v3 =	vld [tilespmem:s1+$0xFFFFCDD0];
	[tilespmem:s26+$0xFFFFFF70] =	vst v1  }
0x4c6: {  	v1 =	vld [tilespmem:s15+$0xFFFFFF90];
	[tilespmem:s29+$0xFFFFFFF0] =	vst v0  }
0x4c7: {  	v0 =	vadd.f32 v9, v8;
	v9 =	vld [tilespmem:s9+$0x70]  }
0x4c8: {  	v4 =	vadd.f32 v6, v5;
	v6 =	vld [tilespmem:s6+$0xFFFFCE00]  }
0x4c9: {  	v7 =	vld [tilespmem:s20+$0xFFFFCD20];
	[tilespmem:s12+$0xFFFFCDA0] =	vst v0  }
0x4ca: {  	v11 =	vld [tilespmem:s20+$0xFFFFFFA0];
	[tilespmem:s8+$0xFFFFCD40] =	vst v4;
	v0 =	vadd.f32 v3, v2  }
0x4cb: {  	v3 =	vld [tilespmem:s1+$0xFFFFFF40]  }
0x4cc: {  	[tilespmem:s8+$0xFFFFCDD0] =	vst v0;
	v4 =	vld [tilespmem:s6+$0xFFFFFF60]  }
0x4cd: {  	v12 =	vld [tilespmem:s1+$0xFFFFFFD0];
	v6 =	vadd.f32 v6, v9  }
0x4ce: {  	v7 =	vadd.f32 v7, v1;
	v0 =	vld [tilespmem:s19+$0xFFFFFFF0];
	s19 =	smov.u32 s9;
	s9 =	smov.u32 s13;
	s13 =	smov.u32 s15  }
0x4cf: {  	v8 =	vadd.f32 v11, v8;
	[tilespmem:s29+$0xFFFFCE00] =	vst v6;
	v6 =	vld [tilespmem:s2+$0xFFFFCD80]  }
0x4d0: {  	[tilespmem:s12+$0xFFFFCD20] =	vst v7;
	v3 =	vadd.f32 v3, v5;
	v5 =	vld [tilespmem:s6+$0x0]  }
0x4d1: {  	v11 =	vld [tilespmem:s20+$0xFFFFFF20];
	[tilespmem:s12+$0xFFFFFFA0] =	vst v8;
	v4 =	vadd.f32 v4, v10  }
0x4d2: {  	v7 =	vld [tilespmem:s15+$0x20];
	[tilespmem:s8+$0xFFFFFF40] =	vst v3;
	v2 =	vadd.f32 v12, v2  }
0x4d3: {  	v8 =	vld [tilespmem:s20+$0xFFFFCDB0];
	[tilespmem:s29+$0xFFFFFF60] =	vst v4  }
0x4d4: {  	v3 =	vld [tilespmem:s9+$0xFFFFFFC0];
	[tilespmem:s8+$0xFFFFFFD0] =	vst v2;
	v2 =	vadd.f32 v6, v0  }
0x4d5: {  	v4 =	vld [tilespmem:s9+$0x50];
	v5 =	vadd.f32 v5, v9  }
0x4d6: {  	v1 =	vadd.f32 v11, v1;
	v6 =	vld [tilespmem:s1+$0xFFFFCDE0];
	[tilespmem:s26+$0xFFFFCD80] =	vst v2  }
0x4d7: {  	v2 =	vld [tilespmem:s1+$0xFFFFCD50];
	[tilespmem:s29+$0x0] =	vst v5  }
0x4d8: {  	[tilespmem:s12+$0xFFFFFF20] =	vst v1;
	v8 =	vadd.f32 v8, v7;
	v1 =	vld [tilespmem:s19+$0xFFFFFFE0]  }
0x4d9: {  	v5 =	vld [tilespmem:s15+$0xFFFFFFA0]  }
0x4da: {  	v9 =	vld [tilespmem:s20+$0xFFFFCD30];
	[tilespmem:s12+$0xFFFFCDB0] =	vst v8  }
.Ltmp3:
0x4db: {  	v10 =	vld [tilespmem:s20+$0xFFFFFFB0];
	v8 =	vadd.f32 v6, v4;
	(pc) =	sbr.rel @p0 .LBB2_9-.Ltmp3, $4  }
0x4dc: {  	v11 =	vadd.f32 v2, v3;
	v6 =	vld [tilespmem:s6+$0xFFFFCD70]  }
0x4dd: {  	[tilespmem:s8+$0xFFFFCDE0] =	vst v8;
	v2 =	vld [tilespmem:s2+$0xFFFFFF80];
	s2 =	smov.u32 s6;
	s6 =	smov.u32 s1;
	s1 =	smov.u32 s20  }
0x4de: {  	[tilespmem:s8+$0xFFFFCD50] =	vst v11;
	v8 =	vld [tilespmem:s6+$0xFFFFFFE0]  }
0x4df: {  	s15 =	sadd.s32 $0x100, s15;
	v11 =	vadd.f32 v9, v5;
	v9 =	vld [tilespmem:s6+$0xFFFFFF50]  }
0x4e0: {  	_ = 	snop  }
0x4e1: {  	[tilespmem:s12+$0xFFFFCD30] =	vst v11  }
0x4e2: {  	v11 =	vld [tilespmem:s1+$0xFFFFFF30];
	_ =	sdelay $0x2  }
0x4e3: {  	v7 =	vadd.f32 v10, v7;
	_ =	sdelay $0x1  }
0x4e4: {  	[tilespmem:s12+$0xFFFFFFB0] =	vst v7;
	v5 =	vadd.f32 v11, v5  }
0x4e5: {  	v7 =	vld [tilespmem:s13+$0x30]  }
0x4e6: {  	v24 =	vld [tilespmem:s1+$0xFFFFCDC0];
	[tilespmem:s12+$0xFFFFFF30] =	vst v5  }
0x4e7: {  	v5 =	vld [tilespmem:s13+$0xFFFFFFB0]  }
0x4e8: {  	v25 =	vld [tilespmem:s1+$0xFFFFCD40];
	_ =	sdelay $0x2  }
0x4e9: {  	v10 =	vadd.f32 v24, v7;
	_ =	sdelay $0x1  }
0x4ea: {  	[tilespmem:s12+$0xFFFFCDC0] =	vst v10;
	v11 =	vadd.f32 v25, v5  }
0x4eb: {  	v10 =	vld [tilespmem:s1+$0xFFFFFFC0]  }
0x4ec: {  	[tilespmem:s12+$0xFFFFCD40] =	vst v11  }
0x4ed: {  	v11 =	vld [tilespmem:s1+$0xFFFFFF40];
	_ =	sdelay $0x2  }
0x4ee: {  	v7 =	vadd.f32 v10, v7;
	_ =	sdelay $0x1  }
0x4ef: {  	[tilespmem:s12+$0xFFFFFFC0] =	vst v7;
	v5 =	vadd.f32 v11, v5  }
0x4f0: {  	v7 =	vld [tilespmem:s13+$0x40]  }
0x4f1: {  	v26 =	vld [tilespmem:s1+$0xFFFFCDD0];
	[tilespmem:s12+$0xFFFFFF40] =	vst v5  }
0x4f2: {  	v5 =	vld [tilespmem:s13+$0xFFFFFFC0]  }
0x4f3: {  	v27 =	vld [tilespmem:s1+$0xFFFFCD50];
	_ =	sdelay $0x2  }
0x4f4: {  	v10 =	vadd.f32 v26, v7;
	_ =	sdelay $0x1  }
0x4f5: {  	[tilespmem:s12+$0xFFFFCDD0] =	vst v10;
	v11 =	vadd.f32 v27, v5  }
0x4f6: {  	v10 =	vld [tilespmem:s1+$0xFFFFFFD0]  }
0x4f7: {  	[tilespmem:s12+$0xFFFFCD50] =	vst v11  }
0x4f8: {  	v11 =	vld [tilespmem:s1+$0xFFFFFF50]  }
0x4f9: {  	v3 =	vadd.f32 v9, v3;
	_ =	sdelay $0x1  }
0x4fa: {  	[tilespmem:s8+$0xFFFFFF50] =	vst v3;
	v7 =	vadd.f32 v10, v7  }
0x4fb: {  	v29 =	vld [tilespmem:s9+$0xFFFFFFD0]  }
0x4fc: {  	v30 =	vld [tilespmem:s6+$0xFFFFCD60];
	[tilespmem:s12+$0xFFFFFFD0] =	vst v7;
	v5 =	vadd.f32 v11, v5  }
0x4fd: {  	v7 =	vld [tilespmem:s13+$0x50]  }
0x4fe: {  	v28 =	vld [tilespmem:s1+$0xFFFFCDE0];
	[tilespmem:s12+$0xFFFFFF50] =	vst v5  }
0x4ff: {  	v5 =	vld [tilespmem:s13+$0xFFFFFFD0]  }
0x500: {  	v31 =	vld [tilespmem:s1+$0xFFFFCD60]  }
0x501: {  	v10 =	vadd.f32 v30, v29;
	_ =	sdelay $0x1  }
0x502: {  	[tilespmem:s8+$0xFFFFCD60] =	vst v10;
	v3 =	vadd.f32 v28, v7  }
0x503: {  	v10 =	vld [tilespmem:s6+$0xFFFFFF60]  }
0x504: {  	v4 =	vadd.f32 v8, v4;
	[tilespmem:s12+$0xFFFFCDE0] =	vst v3;
	v8 =	vadd.f32 v31, v5  }
0x505: {  	v40 =	vadd.f32 v6, v1;
	v3 =	vld [tilespmem:s1+$0xFFFFFFE0]  }
0x506: {  	[tilespmem:s12+$0xFFFFCD60] =	vst v8  }
0x507: {  	[tilespmem:s29+$0xFFFFCD70] =	vst v40;
	v34 =	vld [tilespmem:s1+$0xFFFFFF60]  }
0x508: {  	v44 =	vld [tilespmem:s2+$0xFFFFFF70];
	[tilespmem:s8+$0xFFFFFFE0] =	vst v4;
	v36 =	vadd.f32 v10, v29  }
0x509: {  	v4 =	vld [tilespmem:s9+$0x60]  }
0x50a: {  	v32 =	vld [tilespmem:s6+$0xFFFFCDF0];
	[tilespmem:s8+$0xFFFFFF60] =	vst v36;
	v3 =	vadd.f32 v3, v7  }
0x50b: {  	v38 =	vld [tilespmem:s9+$0xFFFFFFE0]  }
0x50c: {  	v39 =	vld [tilespmem:s6+$0xFFFFCD70];
	[tilespmem:s12+$0xFFFFFFE0] =	vst v3;
	v5 =	vadd.f32 v34, v5  }
0x50d: {  	v3 =	vld [tilespmem:s13+$0x60]  }
0x50e: {  	v37 =	vld [tilespmem:s1+$0xFFFFCDF0];
	[tilespmem:s12+$0xFFFFFF60] =	vst v5  }
0x50f: {  	v33 =	vadd.f32 v32, v4;
	v41 =	vld [tilespmem:s13+$0xFFFFFFE0]  }
0x510: {  	v42 =	vld [tilespmem:s1+$0xFFFFCD70]  }
0x511: {  	[tilespmem:s8+$0xFFFFCDF0] =	vst v33;
	v10 =	vadd.f32 v39, v38  }
0x512: {  	v35 =	vld [tilespmem:s6+$0xFFFFFFF0]  }
0x513: {  	[tilespmem:s8+$0xFFFFCD70] =	vst v10;
	v43 =	vadd.f32 v37, v3  }
0x514: {  	v47 =	vadd.f32 v44, v1;
	v46 =	vld [tilespmem:s6+$0xFFFFFF70]  }
0x515: {  	[tilespmem:s12+$0xFFFFCDF0] =	vst v43;
	v45 =	vadd.f32 v42, v41  }
0x516: {  	[tilespmem:s29+$0xFFFFFF70] =	vst v47;
	v5 =	vld [tilespmem:s1+$0xFFFFFFF0]  }
0x517: {  	v50 =	vld [tilespmem:s19+$0xFFFFFFF0];
	v4 =	vadd.f32 v35, v4;
	[tilespmem:s12+$0xFFFFCD70] =	vst v45  }
0x518: {  	v7 =	vld [tilespmem:s1+$0xFFFFFF70]  }
0x519: {  	v51 =	vld [tilespmem:s2+$0xFFFFCD80];
	[tilespmem:s8+$0xFFFFFFF0] =	vst v4;
	v4 =	vadd.f32 v46, v38  }
0x51a: {  	v48 =	vld [tilespmem:s9+$0x70]  }
0x51b: {  	v49 =	vld [tilespmem:s6+$0xFFFFCE00];
	[tilespmem:s8+$0xFFFFFF70] =	vst v4;
	v3 =	vadd.f32 v5, v3  }
0x51c: {  	v53 =	vld [tilespmem:s9+$0xFFFFFFF0]  }
0x51d: {  	v54 =	vld [tilespmem:s6+$0xFFFFCD80];
	[tilespmem:s12+$0xFFFFFFF0] =	vst v3;
	v6 =	vadd.f32 v7, v41  }
0x51e: {  	v3 =	vld [tilespmem:s13+$0x70]  }
0x51f: {  	v52 =	vld [tilespmem:s1+$0xFFFFCE00];
	[tilespmem:s12+$0xFFFFFF70] =	vst v6  }
0x520: {  	v6 =	vld [tilespmem:s13+$0xFFFFFFF0]  }
0x521: {  	v55 =	vld [tilespmem:s1+$0xFFFFCD80]  }
0x522: {  	v1 =	vadd.f32 v49, v48  }
0x523: {  	v10 =	vadd.f32 v51, v50  }
0x524: {  	[tilespmem:s8+$0xFFFFCE00] =	vst v1;
	v9 =	vadd.f32 v54, v53  }
0x525: {  	v57 =	vld [tilespmem:s6+$0x0];
	[tilespmem:s29+$0xFFFFCD80] =	vst v10;
	v56 =	vadd.f32 v52, v3  }
0x526: {  	v10 =	vld [tilespmem:s2+$0xFFFFFF80];
	[tilespmem:s8+$0xFFFFCD80] =	vst v9;
	v58 =	vadd.f32 v55, v6  }
0x527: {  	v9 =	vld [tilespmem:s6+$0xFFFFFF80];
	[tilespmem:s12+$0xFFFFCE00] =	vst v56  }
0x528: {  	v59 =	vld [tilespmem:s1+$0x0];
	[tilespmem:s12+$0xFFFFCD80] =	vst v58  }
0x529: {  	v0 =	vadd.f32 v2, v0;
	v1 =	vld [tilespmem:s1+$0xFFFFFF80]  }
0x52a: {  	v60 =	vadd.f32 v57, v48  }
0x52b: {  	[tilespmem:s26+$0xFFFFFF80] =	vst v0;
	v61 =	vadd.f32 v10, v50  }
0x52c: {  	[tilespmem:s8+$0x0] =	vst v60;
	v63 =	vadd.f32 v9, v53  }
0x52d: {  	[tilespmem:s29+$0xFFFFFF80] =	vst v61;
	v62 =	vadd.f32 v59, v3  }
0x52e: {  	[tilespmem:s8+$0xFFFFFF80] =	vst v63;
	v1 =	vadd.f32 v1, v6  }
0x52f: {  	[tilespmem:s12+$0x0] =	vst v62  }
0x530: {  	s14 =	simm.s32 $0x12F40;
	[tilespmem:s12+$0xFFFFFF80] =	vst v1  }
0x531: {  	[hbm4b:s11+s17] =	stream.strided.scatter [tilespmem:s14], [sflag:$0x4], $0x6400, s18, s17, $0x38;
	[tilespmem:$0x1C540] =	vst v63  }
0x532: {  	_ =	swait.ge [sflag:s0], $0x1A0  }
0x533: {  	[sflag:s0] =	ssyncset.done $0x0  }
0x534: {  	s15 =	simm.s32 $0x6740;
	s25 =	sadd.s32 $0x1, s25;
	[sflag:s0] =	ssyncadd.s32 $0xFFFFFE60  }
0x535: {  	[tilespmem:s15], [sflag:$0x2] =	stream.indirect.gather [hbm4b:s5+s22], $0x40, s31, s22, $0xb8;
	[tilespmem:$0x1C540] =	vst v63  }
0x536: {  	s20 =	simm.s32 $0x8040;
	p0 =	sne.s32 s25, $0x1F;
	s19 =	simm.s32 $0x208  }
0x537: {  	[tilespmem:s20], [sflag:$0x2] =	stream.indirect.gather [hbm4b:s5+s22], $0x40, s19, s22, $0xb8;
	[tilespmem:$0x1C540] =	vst v63  }
.Ltmp4:
0x538: {  	_ = 	snop;
	(pc) =	sbr.rel @p0 .LBB2_6-.Ltmp4, $4  }
0x539: {  	s28 =	simm.s32 $0x9940;
	s26 =	simm.s32 $0x270  }
0x53a: {  	[tilespmem:s28], [sflag:$0x2] =	stream.indirect.gather [hbm4b:s5+s22], $0x40, s26, s22, $0xb8;
	[tilespmem:$0x1C540] =	vst v63  }
0x53b: {  	s30 =	simm.s32 $0xB240;
	s29 =	simm.s32 $0x2D8  }
0x53c: {  	[tilespmem:s30], [sflag:$0x2] =	stream.indirect.gather [hbm4b:s5+s22], $0x40, s29, s22, $0xb8;
	[tilespmem:$0x1C540] =	vst v63  }
0x53d: {  	_ =	swait.ge [sflag:s16], $0x1900  }
0x53e: {  	[sflag:s16] =	ssyncset.done $0x0  }
0x53f: {  	[sflag:s16] =	ssyncadd.s32 $0xFFFFE700  }
0x540: {  	_ =	swait.ge [sflag:s16], $0x1900  }
0x541: {  	[sflag:s16] =	ssyncset.done $0x0  }
0x542: {  	[sflag:s16] =	ssyncadd.s32 $0xFFFFE700  }
0x543: {  	_ =	swait.ge [sflag:s16], $0x1900  }
0x544: {  	[sflag:s16] =	ssyncset.done $0x0  }
0x545: {  	[sflag:s16] =	ssyncadd.s32 $0xFFFFE700  }
0x546: {  	_ =	swait.ge [sflag:s16], $0x1900  }
0x547: {  	[sflag:s16] =	ssyncset.done $0x0  }
0x548: {  	[sflag:s16] =	ssyncadd.s32 $0xFFFFE700  }
0x549: {  	_ =	swait.ge [sflag:s23], $0x6400  }
0x54a: {  	[sflag:s23] =	ssyncset.done $0x0  }
0x54b: {  	s1 =	simm.s32 $0x193C0;
	[sflag:s23] =	ssyncadd.s32 $0xFFFF9C00  }
0x54c: {  	s11 =	simm.s32 $0x3630;
	v0 =	vld [tilespmem:s1+$0x0]  }
0x54d: {  	v1 =	vld [tilespmem:s11+$0xFFFFCD90];
	_ =	sdelay $0x4  }
0x54e: {  	v1 =	vadd.f32 v1, v0  }
0x54f: {  	s25 =	simm.s32 $0xFE30  }
0x550: {  	[tilespmem:s25+$0xFFFFCD90] =	vst v1  }
0x551: {  	v1 =	vld [tilespmem:s11+$0xFFFFFF90];
	_ =	sdelay $0x4  }
0x552: {  	v0 =	vadd.f32 v1, v0;
	_ =	sdelay $0x1  }
0x553: {  	[tilespmem:s25+$0xFFFFFF90] =	vst v0  }
0x554: {  	v0 =	vld [tilespmem:s1+$0x10]  }
0x555: {  	v1 =	vld [tilespmem:s11+$0xFFFFCDA0];
	_ =	sdelay $0x1  }
0x556: {  	v2 =	vld [tilespmem:s11+$0xFFFFCD10]  }
0x557: {  	v3 =	vld [tilespmem:s1+$0xFFFFFF80];
	_ =	sdelay $0x1  }
0x558: {  	v1 =	vadd.f32 v1, v0;
	_ =	sdelay $0x1  }
0x559: {  	[tilespmem:s25+$0xFFFFCDA0] =	vst v1  }
0x55a: {  	v1 =	vadd.f32 v2, v3;
	v2 =	vld [tilespmem:s11+$0xFFFFFFA0];
	_ =	sdelay $0x1  }
0x55b: {  	[tilespmem:s25+$0xFFFFCD10] =	vst v1  }
0x55c: {  	v1 =	vld [tilespmem:s11+$0xFFFFFF10];
	_ =	sdelay $0x1  }
0x55d: {  	v0 =	vadd.f32 v2, v0;
	_ =	sdelay $0x1  }
0x55e: {  	[tilespmem:s25+$0xFFFFFFA0] =	vst v0  }
0x55f: {  	v0 =	vadd.f32 v1, v3;
	v1 =	vld [tilespmem:s1+$0x20]  }
0x560: {  	v2 =	vld [tilespmem:s11+$0xFFFFCDB0]  }
0x561: {  	[tilespmem:s25+$0xFFFFFF10] =	vst v0  }
0x562: {  	v0 =	vld [tilespmem:s1+$0xFFFFFF90]  }
0x563: {  	v3 =	vld [tilespmem:s11+$0xFFFFCD20];
	_ =	sdelay $0x1  }
0x564: {  	v2 =	vadd.f32 v2, v1;
	_ =	sdelay $0x1  }
0x565: {  	[tilespmem:s25+$0xFFFFCDB0] =	vst v2  }
0x566: {  	s19 =	simm.s32 $0x194C0;
	v2 =	vadd.f32 v3, v0;
	v3 =	vld [tilespmem:s11+$0xFFFFFFB0]  }
0x567: {  	s2 =	simm.s32 $0x3730;
	v4 =	vld [tilespmem:s19+$0x0]  }
0x568: {  	[tilespmem:s25+$0xFFFFCD20] =	vst v2;
	v2 =	vld [tilespmem:s2+$0xFFFFCD90]  }
0x569: {  	v5 =	vld [tilespmem:s11+$0xFFFFFF20];
	_ =	sdelay $0x1  }
0x56a: {  	v1 =	vadd.f32 v3, v1;
	_ =	sdelay $0x1  }
0x56b: {  	[tilespmem:s25+$0xFFFFFFB0] =	vst v1;
	v1 =	vadd.f32 v2, v4  }
0x56c: {  	s26 =	simm.s32 $0xFF30;
	v0 =	vadd.f32 v5, v0;
	v2 =	vld [tilespmem:s1+$0x30]  }
0x56d: {  	v3 =	vld [tilespmem:s11+$0xFFFFCDC0];
	[tilespmem:s26+$0xFFFFCD90] =	vst v1  }
0x56e: {  	[tilespmem:s25+$0xFFFFFF20] =	vst v0;
	v0 =	vld [tilespmem:s2+$0xFFFFFF90]  }
0x56f: {  	v1 =	vld [tilespmem:s1+$0xFFFFFFA0]  }
0x570: {  	v5 =	vld [tilespmem:s11+$0xFFFFCD30]  }
0x571: {  	v6 =	vld [tilespmem:s2+$0xFFFFCD10]  }
0x572: {  	v7 =	vld [tilespmem:s19+$0xFFFFFF80];
	v3 =	vadd.f32 v3, v2  }
0x573: {  	v0 =	vadd.f32 v0, v4  }
0x574: {  	[tilespmem:s25+$0xFFFFCDC0] =	vst v3  }
0x575: {  	v3 =	vadd.f32 v5, v1;
	v4 =	vld [tilespmem:s11+$0xFFFFFFC0];
	[tilespmem:s26+$0xFFFFFF90] =	vst v0  }
0x576: {  	v0 =	vld [tilespmem:s19+$0x10]  }
0x577: {  	[tilespmem:s25+$0xFFFFCD30] =	vst v3;
	v3 =	vadd.f32 v6, v7;
	v5 =	vld [tilespmem:s2+$0xFFFFCDA0]  }
0x578: {  	v6 =	vld [tilespmem:s11+$0xFFFFFF30]  }
0x579: {  	[tilespmem:s26+$0xFFFFCD10] =	vst v3  }
0x57a: {  	v3 =	vld [tilespmem:s2+$0xFFFFFF10];
	v2 =	vadd.f32 v4, v2;
	_ =	sdelay $0x1  }
0x57b: {  	[tilespmem:s25+$0xFFFFFFC0] =	vst v2;
	v2 =	vadd.f32 v5, v0  }
0x57c: {  	v1 =	vadd.f32 v6, v1;
	v4 =	vld [tilespmem:s1+$0x40]  }
0x57d: {  	v5 =	vld [tilespmem:s11+$0xFFFFCDD0];
	[tilespmem:s26+$0xFFFFCDA0] =	vst v2  }
0x57e: {  	[tilespmem:s25+$0xFFFFFF30] =	vst v1;
	v1 =	vadd.f32 v3, v7;
	v2 =	vld [tilespmem:s2+$0xFFFFFFA0]  }
0x57f: {  	v3 =	vld [tilespmem:s1+$0xFFFFFFB0]  }
0x580: {  	v6 =	vld [tilespmem:s11+$0xFFFFCD40];
	[tilespmem:s26+$0xFFFFFF10] =	vst v1  }
0x581: {  	v1 =	vld [tilespmem:s19+$0xFFFFFF90]  }
0x582: {  	v7 =	vld [tilespmem:s2+$0xFFFFCD20];
	v5 =	vadd.f32 v5, v4  }
0x583: {  	v0 =	vadd.f32 v2, v0  }
0x584: {  	[tilespmem:s25+$0xFFFFCDD0] =	vst v5  }
0x585: {  	v2 =	vadd.f32 v6, v3;
	v5 =	vld [tilespmem:s11+$0xFFFFFFD0];
	[tilespmem:s26+$0xFFFFFFA0] =	vst v0  }
0x586: {  	v0 =	vld [tilespmem:s19+$0x20]  }
0x587: {  	[tilespmem:s25+$0xFFFFCD40] =	vst v2;
	v2 =	vadd.f32 v7, v1;
	v6 =	vld [tilespmem:s2+$0xFFFFCDB0]  }
0x588: {  	v7 =	vld [tilespmem:s11+$0xFFFFFF40]  }
0x589: {  	[tilespmem:s26+$0xFFFFCD20] =	vst v2  }
0x58a: {  	v2 =	vld [tilespmem:s2+$0xFFFFFF20];
	v4 =	vadd.f32 v5, v4;
	_ =	sdelay $0x1  }
0x58b: {  	[tilespmem:s25+$0xFFFFFFD0] =	vst v4;
	v4 =	vadd.f32 v6, v0  }
0x58c: {  	v3 =	vadd.f32 v7, v3;
	v5 =	vld [tilespmem:s1+$0x50]  }
0x58d: {  	v6 =	vld [tilespmem:s11+$0xFFFFCDE0];
	[tilespmem:s26+$0xFFFFCDB0] =	vst v4  }
0x58e: {  	[tilespmem:s25+$0xFFFFFF40] =	vst v3;
	v1 =	vadd.f32 v2, v1;
	v2 =	vld [tilespmem:s2+$0xFFFFFFB0]  }
0x58f: {  	v3 =	vld [tilespmem:s1+$0xFFFFFFC0]  }
0x590: {  	s9 =	simm.s32 $0x195C0;
	v4 =	vld [tilespmem:s11+$0xFFFFCD50]  }
0x591: {  	v8 =	vld [tilespmem:s9+$0x0];
	[tilespmem:s26+$0xFFFFFF20] =	vst v1  }
0x592: {  	v1 =	vld [tilespmem:s19+$0xFFFFFFA0];
	v6 =	vadd.f32 v6, v5  }
0x593: {  	s6 =	simm.s32 $0x3830;
	v7 =	vld [tilespmem:s2+$0xFFFFCD30];
	v0 =	vadd.f32 v2, v0  }
0x594: {  	[tilespmem:s25+$0xFFFFCDE0] =	vst v6;
	v2 =	vld [tilespmem:s6+$0xFFFFCD90]  }
0x595: {  	v4 =	vadd.f32 v4, v3;
	v6 =	vld [tilespmem:s11+$0xFFFFFFE0];
	[tilespmem:s26+$0xFFFFFFB0] =	vst v0  }
0x596: {  	v0 =	vld [tilespmem:s19+$0x30]  }
0x597: {  	[tilespmem:s25+$0xFFFFCD50] =	vst v4;
	v4 =	vld [tilespmem:s2+$0xFFFFCDC0]  }
0x598: {  	v10 =	vld [tilespmem:s6+$0xFFFFCD10];
	v7 =	vadd.f32 v7, v1  }
0x599: {  	v9 =	vld [tilespmem:s11+$0xFFFFFF50];
	v2 =	vadd.f32 v2, v8  }
0x59a: {  	s8 =	simm.s32 $0x10030;
	[tilespmem:s26+$0xFFFFCD30] =	vst v7;
	v7 =	vld [tilespmem:s9+$0xFFFFFF80]  }
0x59b: {  	v5 =	vadd.f32 v6, v5;
	[tilespmem:s8+$0xFFFFCD90] =	vst v2;
	v2 =	vld [tilespmem:s2+$0xFFFFFF30]  }
0x59c: {  	v6 =	vld [tilespmem:s6+$0xFFFFFF90];
	v4 =	vadd.f32 v4, v0  }
0x59d: {  	[tilespmem:s25+$0xFFFFFFE0] =	vst v5  }
0x59e: {  	v3 =	vadd.f32 v9, v3;
	v5 =	vld [tilespmem:s1+$0x60];
	[tilespmem:s26+$0xFFFFCDC0] =	vst v4  }
0x59f: {  	v4 =	vadd.f32 v10, v7;
	v9 =	vld [tilespmem:s2+$0xFFFFFFC0]  }
0x5a0: {  	[tilespmem:s25+$0xFFFFFF50] =	vst v3;
	v3 =	vld [tilespmem:s11+$0xFFFFCDF0];
	v1 =	vadd.f32 v2, v1  }
0x5a1: {  	v10 =	vld [tilespmem:s1+$0xFFFFFFD0];
	[tilespmem:s8+$0xFFFFCD10] =	vst v4;
	v2 =	vadd.f32 v6, v8  }
0x5a2: {  	v4 =	vld [tilespmem:s6+$0xFFFFFF10];
	[tilespmem:s26+$0xFFFFFF30] =	vst v1  }
0x5a3: {  	[tilespmem:s8+$0xFFFFFF90] =	vst v2;
	v1 =	vld [tilespmem:s19+$0xFFFFFFB0]  }
0x5a4: {  	v6 =	vld [tilespmem:s9+$0x10];
	v0 =	vadd.f32 v9, v0  }
0x5a5: {  	v2 =	vld [tilespmem:s6+$0xFFFFCDA0]  }
0x5a6: {  	v3 =	vadd.f32 v3, v5;
	v8 =	vld [tilespmem:s2+$0xFFFFCD40];
	[tilespmem:s26+$0xFFFFFFC0] =	vst v0  }
0x5a7: {  	v0 =	vld [tilespmem:s19+$0x40]  }
0x5a8: {  	[tilespmem:s25+$0xFFFFCDF0] =	vst v3;
	v3 =	vadd.f32 v4, v7;
	v4 =	vld [tilespmem:s2+$0xFFFFCDD0]  }
0x5a9: {  	v7 =	vld [tilespmem:s11+$0xFFFFFFF0]  }
0x5aa: {  	v9 =	vld [tilespmem:s11+$0xFFFFCD60];
	[tilespmem:s8+$0xFFFFFF10] =	vst v3;
	v2 =	vadd.f32 v2, v6  }
0x5ab: {  	v3 =	vld [tilespmem:s9+$0xFFFFFF90]  }
0x5ac: {  	v8 =	vadd.f32 v8, v1;
	v11 =	vld [tilespmem:s6+$0xFFFFCD20];
	[tilespmem:s8+$0xFFFFCDA0] =	vst v2  }
0x5ad: {  	v12 =	vld [tilespmem:s6+$0xFFFFFFA0];
	v2 =	vadd.f32 v4, v0  }
0x5ae: {  	[tilespmem:s26+$0xFFFFCD40] =	vst v8;
	v4 =	vadd.f32 v7, v5  }
0x5af: {  	v5 =	vld [tilespmem:s2+$0xFFFFFF40];
	[tilespmem:s26+$0xFFFFCDD0] =	vst v2  }
0x5b0: {  	v7 =	vadd.f32 v9, v10;
	[tilespmem:s25+$0xFFFFFFF0] =	vst v4;
	v4 =	vld [tilespmem:s2+$0xFFFFFFD0]  }
0x5b1: {  	v8 =	vadd.f32 v11, v3;
	v2 =	vld [tilespmem:s1+$0x70]  }
0x5b2: {  	[tilespmem:s25+$0xFFFFCD60] =	vst v7;
	v7 =	vld [tilespmem:s11+$0xFFFFCE00];
	v6 =	vadd.f32 v12, v6  }
0x5b3: {  	v9 =	vld [tilespmem:s11+$0xFFFFFF60];
	[tilespmem:s8+$0xFFFFCD20] =	vst v8  }
0x5b4: {  	v1 =	vadd.f32 v5, v1;
	v5 =	vld [tilespmem:s6+$0xFFFFFF20];
	[tilespmem:s8+$0xFFFFFFA0] =	vst v6  }
0x5b5: {  	v6 =	vld [tilespmem:s9+$0x20];
	v0 =	vadd.f32 v4, v0  }
0x5b6: {  	[tilespmem:s26+$0xFFFFFF40] =	vst v1;
	v1 =	vld [tilespmem:s6+$0xFFFFCDB0]  }
0x5b7: {  	v4 =	vld [tilespmem:s19+$0xFFFFFFC0];
	[tilespmem:s26+$0xFFFFFFD0] =	vst v0  }
0x5b8: {  	v0 =	vadd.f32 v7, v2;
	v7 =	vld [tilespmem:s19+$0x50]  }
0x5b9: {  	v8 =	vadd.f32 v9, v10;
	v9 =	vld [tilespmem:s2+$0xFFFFCDE0]  }
0x5ba: {  	s13 =	simm.s32 $0x196C0;
	[tilespmem:s25+$0xFFFFCE00] =	vst v0;
	v0 =	vadd.f32 v5, v3;
	v3 =	vld [tilespmem:s2+$0xFFFFCD50]  }
0x5bb: {  	s20 =	simm.s32 $0x3930;
	v58 =	vld [tilespmem:s13+$0x0];
	v1 =	vadd.f32 v1, v6  }
0x5bc: {  	v13 =	vld [tilespmem:s20+$0xFFFFCD10]  }
0x5bd: {  	v14 =	vld [tilespmem:s13+$0xFFFFFF80];
	[tilespmem:s8+$0xFFFFCDB0] =	vst v1  }
0x5be: {  	[tilespmem:s8+$0xFFFFFF20] =	vst v0;
	v1 =	vld [tilespmem:s6+$0xFFFFFFB0];
	v9 =	vadd.f32 v9, v7  }
0x5bf: {  	[tilespmem:s25+$0xFFFFFF60] =	vst v8;
	v8 =	vld [tilespmem:s9+$0xFFFFFFA0];
	v3 =	vadd.f32 v3, v4  }
0x5c0: {  	v10 =	vld [tilespmem:s6+$0xFFFFCD30];
	[tilespmem:s26+$0xFFFFCDE0] =	vst v9  }
0x5c1: {  	[tilespmem:s26+$0xFFFFCD50] =	vst v3;
	v3 =	vld [tilespmem:s2+$0xFFFFFFE0]  }
0x5c2: {  	v11 =	vld [tilespmem:s11+$0xFFFFCD70]  }
0x5c3: {  	v0 =	vld [tilespmem:s1+$0xFFFFFFE0];
	v1 =	vadd.f32 v1, v6  }
0x5c4: {  	v6 =	vld [tilespmem:s20+$0xFFFFCD90]  }
0x5c5: {  	v9 =	vld [tilespmem:s2+$0xFFFFFF50];
	v10 =	vadd.f32 v10, v8;
	[tilespmem:s8+$0xFFFFFFB0] =	vst v1  }
0x5c6: {  	v1 =	vld [tilespmem:s9+$0x30];
	v3 =	vadd.f32 v3, v7  }
0x5c7: {  	[tilespmem:s8+$0xFFFFCD30] =	vst v10;
	v7 =	vld [tilespmem:s6+$0xFFFFCDC0]  }
0x5c8: {  	v5 =	vld [tilespmem:s11+$0x0];
	v10 =	vadd.f32 v13, v14;
	[tilespmem:s26+$0xFFFFFFE0] =	vst v3  }
0x5c9: {  	s12 =	simm.s32 $0x10130;
	v3 =	vadd.f32 v6, v58;
	v6 =	vld [tilespmem:s19+$0x60]  }
0x5ca: {  	[tilespmem:s12+$0xFFFFCD10] =	vst v10;
	v4 =	vadd.f32 v9, v4;
	v9 =	vld [tilespmem:s2+$0xFFFFCDF0]  }
0x5cb: {  	v11 =	vadd.f32 v11, v0;
	[tilespmem:s12+$0xFFFFCD90] =	vst v3;
	v3 =	vld [tilespmem:s6+$0xFFFFFF30]  }
0x5cc: {  	[tilespmem:s26+$0xFFFFFF50] =	vst v4;
	v4 =	vld [tilespmem:s20+$0xFFFFFF90];
	v7 =	vadd.f32 v7, v1  }
0x5cd: {  	[tilespmem:s25+$0xFFFFCD70] =	vst v11;
	v11 =	vld [tilespmem:s20+$0xFFFFFF10]  }
0x5ce: {  	v59 =	vld [tilespmem:s19+$0xFFFFFFD0];
	[tilespmem:s8+$0xFFFFCDC0] =	vst v7  }
0x5cf: {  	v10 =	vld [tilespmem:s6+$0xFFFFFFC0];
	v9 =	vadd.f32 v9, v6  }
0x5d0: {  	v7 =	vld [tilespmem:s2+$0xFFFFCD60];
	v3 =	vadd.f32 v3, v8  }
0x5d1: {  	v8 =	vld [tilespmem:s11+$0xFFFFFF70];
	v4 =	vadd.f32 v4, v58;
	[tilespmem:s26+$0xFFFFCDF0] =	vst v9  }
0x5d2: {  	[tilespmem:s8+$0xFFFFFF30] =	vst v3;
	v3 =	vld [tilespmem:s2+$0xFFFFFFF0]  }
0x5d3: {  	[tilespmem:s12+$0xFFFFFF90] =	vst v4;
	v4 =	vld [tilespmem:s9+$0xFFFFFFB0]  }
0x5d4: {  	v9 =	vld [tilespmem:s13+$0x10];
	v1 =	vadd.f32 v10, v1  }
0x5d5: {  	v10 =	vld [tilespmem:s20+$0xFFFFCDA0]  }
0x5d6: {  	v11 =	vadd.f32 v11, v14;
	v60 =	vld [tilespmem:s6+$0xFFFFCD40];
	[tilespmem:s8+$0xFFFFFFC0] =	vst v1  }
0x5d7: {  	v1 =	vld [tilespmem:s9+$0x40];
	v3 =	vadd.f32 v3, v6  }
0x5d8: {  	[tilespmem:s12+$0xFFFFFF10] =	vst v11;
	v6 =	vld [tilespmem:s6+$0xFFFFCDD0]  }
0x5d9: {  	v11 =	vld [tilespmem:s13+$0xFFFFFF90];
	v0 =	vadd.f32 v8, v0;
	[tilespmem:s26+$0xFFFFFFF0] =	vst v3  }
0x5da: {  	v3 =	vadd.f32 v10, v9;
	v61 =	vld [tilespmem:s19+$0x70]  }
0x5db: {  	[tilespmem:s25+$0xFFFFFF70] =	vst v0;
	v10 =	vadd.f32 v60, v4;
	v62 =	vld [tilespmem:s2+$0xFFFFCE00]  }
0x5dc: {  	v7 =	vadd.f32 v7, v59;
	[tilespmem:s12+$0xFFFFCDA0] =	vst v3;
	v3 =	vld [tilespmem:s20+$0xFFFFCD20]  }
0x5dd: {  	[tilespmem:s8+$0xFFFFCD40] =	vst v10;
	v10 =	vld [tilespmem:s20+$0xFFFFFFA0];
	v6 =	vadd.f32 v6, v1  }
0x5de: {  	[tilespmem:s26+$0xFFFFCD60] =	vst v7;
	v0 =	vld [tilespmem:s1+$0xFFFFFFF0]  }
0x5df: {  	v7 =	vld [tilespmem:s6+$0xFFFFFF40];
	[tilespmem:s8+$0xFFFFCDD0] =	vst v6  }
0x5e0: {  	v8 =	vld [tilespmem:s6+$0xFFFFFFD0];
	v12 =	vadd.f32 v62, v61  }
0x5e1: {  	v6 =	vld [tilespmem:s2+$0xFFFFFF60];
	v3 =	vadd.f32 v3, v11  }
0x5e2: {  	v9 =	vadd.f32 v10, v9;
	[tilespmem:s26+$0xFFFFCE00] =	vst v12;
	v10 =	vld [tilespmem:s11+$0xFFFFCD80]  }
0x5e3: {  	[tilespmem:s12+$0xFFFFCD20] =	vst v3;
	v12 =	vld [tilespmem:s2+$0x0]  }
0x5e4: {  	v3 =	vadd.f32 v7, v4;
	[tilespmem:s12+$0xFFFFFFA0] =	vst v9;
	v9 =	vld [tilespmem:s20+$0xFFFFFF20]  }
0x5e5: {  	v1 =	vadd.f32 v8, v1;
	v7 =	vld [tilespmem:s13+$0x20]  }
0x5e6: {  	[tilespmem:s8+$0xFFFFFF40] =	vst v3;
	v8 =	vld [tilespmem:s20+$0xFFFFCDB0]  }
0x5e7: {  	v3 =	vld [tilespmem:s9+$0xFFFFFFC0];
	[tilespmem:s8+$0xFFFFFFD0] =	vst v1  }
0x5e8: {  	v1 =	vadd.f32 v6, v59;
	v4 =	vld [tilespmem:s9+$0x50]  }
0x5e9: {  	v6 =	vadd.f32 v9, v11;
	v9 =	vld [tilespmem:s6+$0xFFFFCDE0]  }
0x5ea: {  	[tilespmem:s26+$0xFFFFFF60] =	vst v1;
	v11 =	vld [tilespmem:s6+$0xFFFFCD50]  }
0x5eb: {  	v1 =	vld [tilespmem:s19+$0xFFFFFFE0];
	[tilespmem:s12+$0xFFFFFF20] =	vst v6;
	v6 =	vadd.f32 v8, v7  }
0x5ec: {  	v2 =	vadd.f32 v5, v2;
	v5 =	vld [tilespmem:s13+$0xFFFFFFA0]  }
0x5ed: {  	v8 =	vadd.f32 v10, v0;
	v63 =	vld [tilespmem:s20+$0xFFFFCD30];
	[tilespmem:s12+$0xFFFFCDB0] =	vst v6  }
0x5ee: {  	[tilespmem:s25+$0x0] =	vst v2;
	v10 =	vld [tilespmem:s20+$0xFFFFFFB0];
	v2 =	vadd.f32 v9, v4  }
0x5ef: {  	[tilespmem:s25+$0xFFFFCD80] =	vst v8;
	v6 =	vld [tilespmem:s2+$0xFFFFCD70];
	v8 =	vadd.f32 v11, v3  }
0x5f0: {  	v9 =	vadd.f32 v12, v61;
	[tilespmem:s8+$0xFFFFCDE0] =	vst v2;
	v2 =	vld [tilespmem:s11+$0xFFFFFF80]  }
0x5f1: {  	[tilespmem:s8+$0xFFFFCD50] =	vst v8;
	v8 =	vld [tilespmem:s6+$0xFFFFFFE0]  }
0x5f2: {  	s14 =	simm.s32 $0x197C0;
	s1 =	simm.s32 $0x3930;
	s11 =	simm.s32 $0x6;
	[tilespmem:s26+$0x0] =	vst v9;
	v11 =	vadd.f32 v63, v5;
	v9 =	vld [tilespmem:s6+$0xFFFFFF50]  }
.LBB2_12:
0x5f3: {  	v12 =	vld [tilespmem:s14+$0x0];
	v7 =	vadd.f32 v10, v7;
	s20 =	sadd.s32 $0x100, s20  }
0x5f4: {  	v10 =	vld [tilespmem:s20+$0xFFFFCD90];
	[tilespmem:s12+$0xFFFFCD30] =	vst v11;
	v6 =	vadd.f32 v6, v1  }
0x5f5: {  	v11 =	vld [tilespmem:s20+$0xFFFFCD10];
	[tilespmem:s12+$0xFFFFFFB0] =	vst v7;
	v0 =	vadd.f32 v2, v0  }
0x5f6: {  	v2 =	vld [tilespmem:s13+$0x30];
	v4 =	vadd.f32 v8, v4;
	[tilespmem:s26+$0xFFFFCD70] =	vst v6  }
0x5f7: {  	v6 =	vld [tilespmem:s1+$0xFFFFCDC0];
	v3 =	vadd.f32 v9, v3;
	[tilespmem:s25+$0xFFFFFF80] =	vst v0;
	s25 =	smov.u32 s26;
	s26 =	smov.u32 s8;
	s8 =	smov.u32 s12  }
0x5f8: {  	v0 =	vld [tilespmem:s14+$0xFFFFFF80];
	[tilespmem:s26+$0xFFFFFFE0] =	vst v4  }
0x5f9: {  	v4 =	vadd.f32 v10, v12;
	[tilespmem:s26+$0xFFFFFF50] =	vst v3;
	v3 =	vld [tilespmem:s9+$0x60]  }
0x5fa: {  	s12 =	sadd.s32 $0x100, s12;
	v7 =	vld [tilespmem:s6+$0xFFFFCDF0]  }
0x5fb: {  	s11 =	sadd.s32 $0x2, s11;
	[tilespmem:s12+$0xFFFFCD90] =	vst v4;
	v4 =	vld [tilespmem:s1+$0xFFFFFF30]  }
0x5fc: {  	p0 =	slt.u32 s11, $0x62;
	v8 =	vld [tilespmem:s20+$0xFFFFFF90];
	v6 =	vadd.f32 v6, v2  }
0x5fd: {  	v9 =	vadd.f32 v11, v0;
	v10 =	vld [tilespmem:s9+$0xFFFFFFD0]  }
0x5fe: {  	[tilespmem:s8+$0xFFFFCDC0] =	vst v6;
	v6 =	vld [tilespmem:s6+$0xFFFFCD60]  }
0x5ff: {  	[tilespmem:s12+$0xFFFFCD10] =	vst v9;
	v9 =	vld [tilespmem:s1+$0xFFFFFFC0];
	v7 =	vadd.f32 v7, v3  }
0x600: {  	v11 =	vld [tilespmem:s20+$0xFFFFFF10];
	v4 =	vadd.f32 v4, v5  }
0x601: {  	v5 =	vadd.f32 v8, v12;
	[tilespmem:s26+$0xFFFFCDF0] =	vst v7;
	v7 =	vld [tilespmem:s2+$0xFFFFFF70]  }
0x602: {  	[tilespmem:s8+$0xFFFFFF30] =	vst v4;
	v4 =	vld [tilespmem:s6+$0xFFFFFFF0]  }
0x603: {  	[tilespmem:s12+$0xFFFFFF90] =	vst v5;
	v5 =	vld [tilespmem:s13+$0xFFFFFFB0];
	v6 =	vadd.f32 v6, v10  }
0x604: {  	v8 =	vld [tilespmem:s14+$0x10];
	v2 =	vadd.f32 v9, v2  }
0x605: {  	v0 =	vadd.f32 v11, v0;
	v9 =	vld [tilespmem:s20+$0xFFFFCDA0];
	[tilespmem:s26+$0xFFFFCD60] =	vst v6  }
0x606: {  	v6 =	vld [tilespmem:s1+$0xFFFFCD40];
	[tilespmem:s8+$0xFFFFFFC0] =	vst v2;
	v1 =	vadd.f32 v7, v1  }
0x607: {  	[tilespmem:s12+$0xFFFFFF10] =	vst v0;
	v2 =	vld [tilespmem:s13+$0x40];
	v0 =	vadd.f32 v4, v3  }
0x608: {  	v3 =	vld [tilespmem:s1+$0xFFFFCDD0];
	[tilespmem:s25+$0xFFFFFF70] =	vst v1  }
0x609: {  	v1 =	vld [tilespmem:s14+$0xFFFFFF90];
	[tilespmem:s26+$0xFFFFFFF0] =	vst v0  }
0x60a: {  	v0 =	vadd.f32 v9, v8;
	v9 =	vld [tilespmem:s9+$0x70]  }
0x60b: {  	v4 =	vadd.f32 v6, v5;
	v6 =	vld [tilespmem:s6+$0xFFFFCE00]  }
0x60c: {  	v7 =	vld [tilespmem:s20+$0xFFFFCD20];
	[tilespmem:s12+$0xFFFFCDA0] =	vst v0  }
0x60d: {  	v11 =	vld [tilespmem:s20+$0xFFFFFFA0];
	[tilespmem:s8+$0xFFFFCD40] =	vst v4;
	v0 =	vadd.f32 v3, v2  }
0x60e: {  	v3 =	vld [tilespmem:s1+$0xFFFFFF40]  }
0x60f: {  	[tilespmem:s8+$0xFFFFCDD0] =	vst v0;
	v4 =	vld [tilespmem:s6+$0xFFFFFF60]  }
0x610: {  	v12 =	vld [tilespmem:s1+$0xFFFFFFD0];
	v6 =	vadd.f32 v6, v9  }
0x611: {  	v7 =	vadd.f32 v7, v1;
	v0 =	vld [tilespmem:s19+$0xFFFFFFF0];
	s19 =	smov.u32 s9;
	s9 =	smov.u32 s13;
	s13 =	smov.u32 s14  }
0x612: {  	v8 =	vadd.f32 v11, v8;
	[tilespmem:s26+$0xFFFFCE00] =	vst v6;
	v6 =	vld [tilespmem:s2+$0xFFFFCD80]  }
0x613: {  	[tilespmem:s12+$0xFFFFCD20] =	vst v7;
	v3 =	vadd.f32 v3, v5;
	v5 =	vld [tilespmem:s6+$0x0]  }
0x614: {  	v11 =	vld [tilespmem:s20+$0xFFFFFF20];
	[tilespmem:s12+$0xFFFFFFA0] =	vst v8;
	v4 =	vadd.f32 v4, v10  }
0x615: {  	v7 =	vld [tilespmem:s14+$0x20];
	[tilespmem:s8+$0xFFFFFF40] =	vst v3;
	v2 =	vadd.f32 v12, v2  }
0x616: {  	v8 =	vld [tilespmem:s20+$0xFFFFCDB0];
	[tilespmem:s26+$0xFFFFFF60] =	vst v4  }
0x617: {  	v3 =	vld [tilespmem:s9+$0xFFFFFFC0];
	[tilespmem:s8+$0xFFFFFFD0] =	vst v2;
	v2 =	vadd.f32 v6, v0  }
0x618: {  	v4 =	vld [tilespmem:s9+$0x50];
	v5 =	vadd.f32 v5, v9  }
0x619: {  	v1 =	vadd.f32 v11, v1;
	v6 =	vld [tilespmem:s1+$0xFFFFCDE0];
	[tilespmem:s25+$0xFFFFCD80] =	vst v2  }
0x61a: {  	v2 =	vld [tilespmem:s1+$0xFFFFCD50];
	[tilespmem:s26+$0x0] =	vst v5  }
0x61b: {  	[tilespmem:s12+$0xFFFFFF20] =	vst v1;
	v8 =	vadd.f32 v8, v7;
	v1 =	vld [tilespmem:s19+$0xFFFFFFE0]  }
0x61c: {  	v5 =	vld [tilespmem:s14+$0xFFFFFFA0]  }
0x61d: {  	v9 =	vld [tilespmem:s20+$0xFFFFCD30];
	[tilespmem:s12+$0xFFFFCDB0] =	vst v8  }
.Ltmp5:
0x61e: {  	v10 =	vld [tilespmem:s20+$0xFFFFFFB0];
	v8 =	vadd.f32 v6, v4;
	(pc) =	sbr.rel @p0 .LBB2_12-.Ltmp5, $4  }
0x61f: {  	v11 =	vadd.f32 v2, v3;
	v6 =	vld [tilespmem:s6+$0xFFFFCD70]  }
0x620: {  	[tilespmem:s8+$0xFFFFCDE0] =	vst v8;
	v2 =	vld [tilespmem:s2+$0xFFFFFF80];
	s2 =	smov.u32 s6;
	s6 =	smov.u32 s1;
	s1 =	smov.u32 s20  }
0x621: {  	[tilespmem:s8+$0xFFFFCD50] =	vst v11;
	v8 =	vld [tilespmem:s6+$0xFFFFFFE0]  }
0x622: {  	s14 =	sadd.s32 $0x100, s14;
	v11 =	vadd.f32 v9, v5;
	v9 =	vld [tilespmem:s6+$0xFFFFFF50]  }
0x623: {  	_ = 	snop  }
0x624: {  	[tilespmem:s12+$0xFFFFCD30] =	vst v11  }
0x625: {  	v7 =	vadd.f32 v10, v7;
	v11 =	vld [tilespmem:s1+$0xFFFFFF30];
	_ =	sdelay $0x1  }
0x626: {  	[tilespmem:s12+$0xFFFFFFB0] =	vst v7  }
0x627: {  	v7 =	vld [tilespmem:s13+$0x30]  }
0x628: {  	v10 =	vld [tilespmem:s1+$0xFFFFCDC0]  }
0x629: {  	v5 =	vadd.f32 v11, v5;
	_ =	sdelay $0x1  }
0x62a: {  	[tilespmem:s12+$0xFFFFFF30] =	vst v5  }
0x62b: {  	v5 =	vld [tilespmem:s13+$0xFFFFFFB0]  }
0x62c: {  	v10 =	vadd.f32 v10, v7;
	v11 =	vld [tilespmem:s1+$0xFFFFCD40];
	_ =	sdelay $0x1  }
0x62d: {  	[tilespmem:s12+$0xFFFFCDC0] =	vst v10  }
0x62e: {  	v10 =	vld [tilespmem:s1+$0xFFFFFFC0];
	_ =	sdelay $0x1  }
0x62f: {  	v11 =	vadd.f32 v11, v5;
	_ =	sdelay $0x1  }
0x630: {  	[tilespmem:s12+$0xFFFFCD40] =	vst v11  }
0x631: {  	v7 =	vadd.f32 v10, v7;
	v11 =	vld [tilespmem:s1+$0xFFFFFF40];
	_ =	sdelay $0x1  }
0x632: {  	[tilespmem:s12+$0xFFFFFFC0] =	vst v7  }
0x633: {  	v7 =	vld [tilespmem:s13+$0x40]  }
0x634: {  	v10 =	vld [tilespmem:s1+$0xFFFFCDD0]  }
0x635: {  	v5 =	vadd.f32 v11, v5;
	_ =	sdelay $0x1  }
0x636: {  	[tilespmem:s12+$0xFFFFFF40] =	vst v5  }
0x637: {  	v5 =	vld [tilespmem:s13+$0xFFFFFFC0]  }
0x638: {  	v10 =	vadd.f32 v10, v7;
	v11 =	vld [tilespmem:s1+$0xFFFFCD50];
	_ =	sdelay $0x1  }
0x639: {  	[tilespmem:s12+$0xFFFFCDD0] =	vst v10  }
0x63a: {  	v10 =	vld [tilespmem:s1+$0xFFFFFFD0];
	_ =	sdelay $0x1  }
0x63b: {  	v11 =	vadd.f32 v11, v5;
	_ =	sdelay $0x1  }
0x63c: {  	[tilespmem:s12+$0xFFFFCD50] =	vst v11  }
0x63d: {  	v7 =	vadd.f32 v10, v7;
	v11 =	vld [tilespmem:s1+$0xFFFFFF50];
	_ =	sdelay $0x1  }
0x63e: {  	v3 =	vadd.f32 v9, v3;
	[tilespmem:s12+$0xFFFFFFD0] =	vst v7  }
0x63f: {  	v7 =	vld [tilespmem:s13+$0x50]  }
0x640: {  	[tilespmem:s8+$0xFFFFFF50] =	vst v3;
	v3 =	vld [tilespmem:s1+$0xFFFFCDE0]  }
0x641: {  	v5 =	vadd.f32 v11, v5  }
0x642: {  	v9 =	vld [tilespmem:s9+$0xFFFFFFD0]  }
0x643: {  	v4 =	vadd.f32 v8, v4;
	v10 =	vld [tilespmem:s6+$0xFFFFCD60];
	[tilespmem:s12+$0xFFFFFF50] =	vst v5  }
0x644: {  	v5 =	vld [tilespmem:s13+$0xFFFFFFD0]  }
0x645: {  	[tilespmem:s8+$0xFFFFFFE0] =	vst v4;
	v3 =	vadd.f32 v3, v7;
	v8 =	vld [tilespmem:s1+$0xFFFFCD60]  }
0x646: {  	v4 =	vld [tilespmem:s9+$0x60]  }
0x647: {  	v11 =	vld [tilespmem:s6+$0xFFFFCDF0];
	[tilespmem:s12+$0xFFFFCDE0] =	vst v3  }
0x648: {  	v10 =	vadd.f32 v10, v9;
	v3 =	vld [tilespmem:s1+$0xFFFFFFE0];
	_ =	sdelay $0x1  }
0x649: {  	[tilespmem:s8+$0xFFFFCD60] =	vst v10;
	v8 =	vadd.f32 v8, v5  }
0x64a: {  	v10 =	vld [tilespmem:s6+$0xFFFFFF60]  }
0x64b: {  	[tilespmem:s12+$0xFFFFCD60] =	vst v8  }
0x64c: {  	v3 =	vadd.f32 v3, v7;
	v8 =	vadd.f32 v11, v4;
	v11 =	vld [tilespmem:s1+$0xFFFFFF60];
	_ =	sdelay $0x1  }
0x64d: {  	[tilespmem:s12+$0xFFFFFFE0] =	vst v3  }
0x64e: {  	[tilespmem:s8+$0xFFFFCDF0] =	vst v8;
	v8 =	vadd.f32 v10, v9;
	v3 =	vld [tilespmem:s13+$0x60]  }
0x64f: {  	v7 =	vld [tilespmem:s6+$0xFFFFFFF0]  }
0x650: {  	[tilespmem:s8+$0xFFFFFF60] =	vst v8;
	v8 =	vld [tilespmem:s1+$0xFFFFCDF0];
	v5 =	vadd.f32 v11, v5  }
0x651: {  	v9 =	vld [tilespmem:s9+$0xFFFFFFE0]  }
0x652: {  	v10 =	vld [tilespmem:s6+$0xFFFFCD70];
	[tilespmem:s12+$0xFFFFFF60] =	vst v5  }
0x653: {  	v5 =	vadd.f32 v6, v1;
	v6 =	vld [tilespmem:s13+$0xFFFFFFE0]  }
0x654: {  	v11 =	vld [tilespmem:s1+$0xFFFFCD70]  }
0x655: {  	[tilespmem:s26+$0xFFFFCD70] =	vst v5;
	v5 =	vadd.f32 v8, v3  }
0x656: {  	v8 =	vld [tilespmem:s2+$0xFFFFFF70]  }
0x657: {  	v10 =	vadd.f32 v10, v9;
	[tilespmem:s12+$0xFFFFCDF0] =	vst v5  }
0x658: {  	v4 =	vadd.f32 v7, v4;
	v5 =	vld [tilespmem:s1+$0xFFFFFFF0]  }
0x659: {  	[tilespmem:s8+$0xFFFFCD70] =	vst v10;
	v7 =	vadd.f32 v11, v6  }
0x65a: {  	[tilespmem:s8+$0xFFFFFFF0] =	vst v4;
	v4 =	vld [tilespmem:s6+$0xFFFFFF70]  }
0x65b: {  	v1 =	vadd.f32 v8, v1;
	v8 =	vld [tilespmem:s9+$0x70];
	[tilespmem:s12+$0xFFFFCD70] =	vst v7  }
0x65c: {  	v7 =	vld [tilespmem:s1+$0xFFFFFF70]  }
0x65d: {  	[tilespmem:s26+$0xFFFFFF70] =	vst v1;
	v1 =	vld [tilespmem:s6+$0xFFFFCE00];
	v3 =	vadd.f32 v5, v3  }
0x65e: {  	v5 =	vld [tilespmem:s19+$0xFFFFFFF0]  }
0x65f: {  	v4 =	vadd.f32 v4, v9;
	v10 =	vld [tilespmem:s2+$0xFFFFCD80];
	[tilespmem:s12+$0xFFFFFFF0] =	vst v3  }
0x660: {  	v3 =	vld [tilespmem:s13+$0x70]  }
0x661: {  	[tilespmem:s8+$0xFFFFFF70] =	vst v4;
	v4 =	vld [tilespmem:s1+$0xFFFFCE00];
	v6 =	vadd.f32 v7, v6  }
0x662: {  	v9 =	vld [tilespmem:s6+$0xFFFFCD80]  }
0x663: {  	v7 =	vld [tilespmem:s9+$0xFFFFFFF0];
	[tilespmem:s12+$0xFFFFFF70] =	vst v6  }
0x664: {  	v6 =	vld [tilespmem:s13+$0xFFFFFFF0]  }
0x665: {  	v11 =	vld [tilespmem:s1+$0xFFFFCD80]  }
0x666: {  	v1 =	vadd.f32 v1, v8  }
0x667: {  	v10 =	vadd.f32 v10, v5  }
0x668: {  	[tilespmem:s8+$0xFFFFCE00] =	vst v1;
	v1 =	vadd.f32 v4, v3  }
0x669: {  	v4 =	vld [tilespmem:s6+$0x0];
	[tilespmem:s26+$0xFFFFCD80] =	vst v10;
	v9 =	vadd.f32 v9, v7  }
0x66a: {  	v10 =	vld [tilespmem:s2+$0xFFFFFF80];
	[tilespmem:s12+$0xFFFFCE00] =	vst v1;
	v1 =	vadd.f32 v11, v6  }
0x66b: {  	[tilespmem:s8+$0xFFFFCD80] =	vst v9;
	v11 =	vld [tilespmem:s1+$0x0]  }
0x66c: {  	v9 =	vld [tilespmem:s6+$0xFFFFFF80];
	[tilespmem:s12+$0xFFFFCD80] =	vst v1  }
0x66d: {  	v0 =	vadd.f32 v2, v0;
	v1 =	vld [tilespmem:s1+$0xFFFFFF80]  }
0x66e: {  	v2 =	vadd.f32 v4, v8  }
0x66f: {  	[tilespmem:s25+$0xFFFFFF80] =	vst v0;
	v0 =	vadd.f32 v10, v5  }
0x670: {  	[tilespmem:s8+$0x0] =	vst v2;
	v2 =	vadd.f32 v11, v3  }
0x671: {  	[tilespmem:s26+$0xFFFFFF80] =	vst v0;
	v0 =	vadd.f32 v9, v7  }
0x672: {  	[tilespmem:s12+$0x0] =	vst v2;
	v1 =	vadd.f32 v1, v6  }
0x673: {  	[tilespmem:s8+$0xFFFFFF80] =	vst v0  }
0x674: {  	[tilespmem:s12+$0xFFFFFF80] =	vst v1  }
0x675: {  	s29 =	simm.s32 $0xCB40;
	s28 =	rddreg [dreg:$0xc]  }
0x676: {  	[hbm4b:s28+s17] =	stream.strided.scatter [tilespmem:s29], [sflag:$0x3], $0x6400, s18, s17, $0x38;
	[tilespmem:$0x1C540] =	vst v63  }
0x677: {  	_ =	swait.ge [sflag:s7], $0x1900  }
0x678: {  	[sflag:s7] =	ssyncset.done $0x0  }
0x679: {  	[sflag:s7] =	ssyncadd.s32 $0xFFFFE700  }
0x67a: {  	_ =	swait.ge [sflag:s7], $0x1900  }
0x67b: {  	[sflag:s7] =	ssyncset.done $0x0  }
0x67c: {  	[sflag:s7] =	ssyncadd.s32 $0xFFFFE700  }
0x67d: {  	_ =	swait.ge [sflag:s7], $0x1900  }
0x67e: {  	[sflag:s7] =	ssyncset.done $0x0  }
0x67f: {  	[sflag:s7] =	ssyncadd.s32 $0xFFFFE700  }
0x680: {  	_ =	swait.ge [sflag:s7], $0x1900  }
0x681: {  	[sflag:s7] =	ssyncset.done $0x0  }
0x682: {  	[sflag:s7] =	ssyncadd.s32 $0xFFFFE700  }
0x683: {  	_ =	swait.ge [sflag:s24], $0x6400  }
0x684: {  	[sflag:s24] =	ssyncset.done $0x0  }
0x685: {  	s30 =	simm.s32 $0x193C0;
	[sflag:s24] =	ssyncadd.s32 $0xFFFF9C00  }
0x686: {  	s11 =	simm.s32 $0x9A30;
	v0 =	vld [tilespmem:s30+$0x0]  }
0x687: {  	v1 =	vld [tilespmem:s11+$0xFFFFCD90];
	_ =	sdelay $0x4  }
0x688: {  	v1 =	vadd.f32 v1, v0  }
0x689: {  	s25 =	simm.s32 $0x16230  }
0x68a: {  	[tilespmem:s25+$0xFFFFCD90] =	vst v1  }
0x68b: {  	v1 =	vld [tilespmem:s11+$0xFFFFFF90];
	_ =	sdelay $0x4  }
0x68c: {  	v0 =	vadd.f32 v1, v0;
	_ =	sdelay $0x1  }
0x68d: {  	[tilespmem:s25+$0xFFFFFF90] =	vst v0  }
0x68e: {  	v0 =	vld [tilespmem:s30+$0x10]  }
0x68f: {  	v1 =	vld [tilespmem:s11+$0xFFFFCDA0];
	_ =	sdelay $0x1  }
0x690: {  	v2 =	vld [tilespmem:s11+$0xFFFFCD10]  }
0x691: {  	v3 =	vld [tilespmem:s30+$0xFFFFFF80];
	_ =	sdelay $0x1  }
0x692: {  	v1 =	vadd.f32 v1, v0;
	_ =	sdelay $0x1  }
0x693: {  	[tilespmem:s25+$0xFFFFCDA0] =	vst v1  }
0x694: {  	v1 =	vadd.f32 v2, v3;
	v2 =	vld [tilespmem:s11+$0xFFFFFFA0];
	_ =	sdelay $0x1  }
0x695: {  	[tilespmem:s25+$0xFFFFCD10] =	vst v1  }
0x696: {  	v1 =	vld [tilespmem:s11+$0xFFFFFF10];
	_ =	sdelay $0x1  }
0x697: {  	v0 =	vadd.f32 v2, v0;
	_ =	sdelay $0x1  }
0x698: {  	[tilespmem:s25+$0xFFFFFFA0] =	vst v0  }
0x699: {  	v0 =	vadd.f32 v1, v3;
	v1 =	vld [tilespmem:s30+$0x20]  }
0x69a: {  	v2 =	vld [tilespmem:s11+$0xFFFFCDB0]  }
0x69b: {  	[tilespmem:s25+$0xFFFFFF10] =	vst v0  }
0x69c: {  	v0 =	vld [tilespmem:s30+$0xFFFFFF90]  }
0x69d: {  	v3 =	vld [tilespmem:s11+$0xFFFFCD20];
	_ =	sdelay $0x1  }
0x69e: {  	v2 =	vadd.f32 v2, v1;
	_ =	sdelay $0x1  }
0x69f: {  	[tilespmem:s25+$0xFFFFCDB0] =	vst v2  }
0x6a0: {  	s19 =	simm.s32 $0x194C0;
	v2 =	vadd.f32 v3, v0;
	v3 =	vld [tilespmem:s11+$0xFFFFFFB0]  }
0x6a1: {  	s2 =	simm.s32 $0x9B30;
	v4 =	vld [tilespmem:s19+$0x0]  }
0x6a2: {  	[tilespmem:s25+$0xFFFFCD20] =	vst v2;
	v2 =	vld [tilespmem:s2+$0xFFFFCD90]  }
0x6a3: {  	v5 =	vld [tilespmem:s11+$0xFFFFFF20];
	_ =	sdelay $0x1  }
0x6a4: {  	v1 =	vadd.f32 v3, v1;
	_ =	sdelay $0x1  }
0x6a5: {  	[tilespmem:s25+$0xFFFFFFB0] =	vst v1;
	v1 =	vadd.f32 v2, v4  }
0x6a6: {  	s26 =	simm.s32 $0x16330;
	v0 =	vadd.f32 v5, v0;
	v2 =	vld [tilespmem:s30+$0x30]  }
0x6a7: {  	v3 =	vld [tilespmem:s11+$0xFFFFCDC0];
	[tilespmem:s26+$0xFFFFCD90] =	vst v1  }
0x6a8: {  	[tilespmem:s25+$0xFFFFFF20] =	vst v0;
	v0 =	vld [tilespmem:s2+$0xFFFFFF90]  }
0x6a9: {  	v1 =	vld [tilespmem:s30+$0xFFFFFFA0]  }
0x6aa: {  	v5 =	vld [tilespmem:s11+$0xFFFFCD30]  }
0x6ab: {  	v6 =	vld [tilespmem:s2+$0xFFFFCD10]  }
0x6ac: {  	v7 =	vld [tilespmem:s19+$0xFFFFFF80];
	v3 =	vadd.f32 v3, v2  }
0x6ad: {  	v0 =	vadd.f32 v0, v4  }
0x6ae: {  	[tilespmem:s25+$0xFFFFCDC0] =	vst v3  }
0x6af: {  	v3 =	vadd.f32 v5, v1;
	v4 =	vld [tilespmem:s11+$0xFFFFFFC0];
	[tilespmem:s26+$0xFFFFFF90] =	vst v0  }
0x6b0: {  	v0 =	vld [tilespmem:s19+$0x10]  }
0x6b1: {  	[tilespmem:s25+$0xFFFFCD30] =	vst v3;
	v3 =	vadd.f32 v6, v7;
	v5 =	vld [tilespmem:s2+$0xFFFFCDA0]  }
0x6b2: {  	v6 =	vld [tilespmem:s11+$0xFFFFFF30]  }
0x6b3: {  	[tilespmem:s26+$0xFFFFCD10] =	vst v3  }
0x6b4: {  	v3 =	vld [tilespmem:s2+$0xFFFFFF10];
	v2 =	vadd.f32 v4, v2;
	_ =	sdelay $0x1  }
0x6b5: {  	[tilespmem:s25+$0xFFFFFFC0] =	vst v2;
	v2 =	vadd.f32 v5, v0  }
0x6b6: {  	v1 =	vadd.f32 v6, v1;
	v4 =	vld [tilespmem:s30+$0x40]  }
0x6b7: {  	v5 =	vld [tilespmem:s11+$0xFFFFCDD0];
	[tilespmem:s26+$0xFFFFCDA0] =	vst v2  }
0x6b8: {  	[tilespmem:s25+$0xFFFFFF30] =	vst v1;
	v1 =	vadd.f32 v3, v7;
	v2 =	vld [tilespmem:s2+$0xFFFFFFA0]  }
0x6b9: {  	v3 =	vld [tilespmem:s30+$0xFFFFFFB0]  }
0x6ba: {  	v6 =	vld [tilespmem:s11+$0xFFFFCD40];
	[tilespmem:s26+$0xFFFFFF10] =	vst v1  }
0x6bb: {  	v1 =	vld [tilespmem:s19+$0xFFFFFF90]  }
0x6bc: {  	v7 =	vld [tilespmem:s2+$0xFFFFCD20];
	v5 =	vadd.f32 v5, v4  }
0x6bd: {  	v0 =	vadd.f32 v2, v0  }
0x6be: {  	[tilespmem:s25+$0xFFFFCDD0] =	vst v5  }
0x6bf: {  	v2 =	vadd.f32 v6, v3;
	v5 =	vld [tilespmem:s11+$0xFFFFFFD0];
	[tilespmem:s26+$0xFFFFFFA0] =	vst v0  }
0x6c0: {  	v0 =	vld [tilespmem:s19+$0x20]  }
0x6c1: {  	[tilespmem:s25+$0xFFFFCD40] =	vst v2;
	v2 =	vadd.f32 v7, v1;
	v6 =	vld [tilespmem:s2+$0xFFFFCDB0]  }
0x6c2: {  	v7 =	vld [tilespmem:s11+$0xFFFFFF40]  }
0x6c3: {  	[tilespmem:s26+$0xFFFFCD20] =	vst v2  }
0x6c4: {  	v2 =	vld [tilespmem:s2+$0xFFFFFF20];
	v4 =	vadd.f32 v5, v4;
	_ =	sdelay $0x1  }
0x6c5: {  	[tilespmem:s25+$0xFFFFFFD0] =	vst v4;
	v4 =	vadd.f32 v6, v0  }
0x6c6: {  	v3 =	vadd.f32 v7, v3;
	v5 =	vld [tilespmem:s30+$0x50]  }
0x6c7: {  	v6 =	vld [tilespmem:s11+$0xFFFFCDE0];
	[tilespmem:s26+$0xFFFFCDB0] =	vst v4  }
0x6c8: {  	[tilespmem:s25+$0xFFFFFF40] =	vst v3;
	v1 =	vadd.f32 v2, v1;
	v2 =	vld [tilespmem:s2+$0xFFFFFFB0]  }
0x6c9: {  	v3 =	vld [tilespmem:s30+$0xFFFFFFC0]  }
0x6ca: {  	s9 =	simm.s32 $0x195C0;
	v4 =	vld [tilespmem:s11+$0xFFFFCD50]  }
0x6cb: {  	v8 =	vld [tilespmem:s9+$0x0];
	[tilespmem:s26+$0xFFFFFF20] =	vst v1  }
0x6cc: {  	v1 =	vld [tilespmem:s19+$0xFFFFFFA0];
	v6 =	vadd.f32 v6, v5  }
0x6cd: {  	s6 =	simm.s32 $0x9C30;
	v7 =	vld [tilespmem:s2+$0xFFFFCD30];
	v0 =	vadd.f32 v2, v0  }
0x6ce: {  	[tilespmem:s25+$0xFFFFCDE0] =	vst v6;
	v2 =	vld [tilespmem:s6+$0xFFFFCD90]  }
0x6cf: {  	v4 =	vadd.f32 v4, v3;
	v6 =	vld [tilespmem:s11+$0xFFFFFFE0];
	[tilespmem:s26+$0xFFFFFFB0] =	vst v0  }
0x6d0: {  	v0 =	vld [tilespmem:s19+$0x30]  }
0x6d1: {  	[tilespmem:s25+$0xFFFFCD50] =	vst v4;
	v4 =	vld [tilespmem:s2+$0xFFFFCDC0]  }
0x6d2: {  	v10 =	vld [tilespmem:s6+$0xFFFFCD10];
	v7 =	vadd.f32 v7, v1  }
0x6d3: {  	v9 =	vld [tilespmem:s11+$0xFFFFFF50];
	v2 =	vadd.f32 v2, v8  }
0x6d4: {  	s8 =	simm.s32 $0x16430;
	[tilespmem:s26+$0xFFFFCD30] =	vst v7;
	v7 =	vld [tilespmem:s9+$0xFFFFFF80]  }
0x6d5: {  	v5 =	vadd.f32 v6, v5;
	[tilespmem:s8+$0xFFFFCD90] =	vst v2;
	v2 =	vld [tilespmem:s2+$0xFFFFFF30]  }
0x6d6: {  	v6 =	vld [tilespmem:s6+$0xFFFFFF90];
	v4 =	vadd.f32 v4, v0  }
0x6d7: {  	[tilespmem:s25+$0xFFFFFFE0] =	vst v5  }
0x6d8: {  	v3 =	vadd.f32 v9, v3;
	v5 =	vld [tilespmem:s30+$0x60];
	[tilespmem:s26+$0xFFFFCDC0] =	vst v4  }
0x6d9: {  	v4 =	vadd.f32 v10, v7;
	v9 =	vld [tilespmem:s2+$0xFFFFFFC0]  }
0x6da: {  	[tilespmem:s25+$0xFFFFFF50] =	vst v3;
	v3 =	vld [tilespmem:s11+$0xFFFFCDF0];
	v1 =	vadd.f32 v2, v1  }
0x6db: {  	v10 =	vld [tilespmem:s30+$0xFFFFFFD0];
	[tilespmem:s8+$0xFFFFCD10] =	vst v4;
	v2 =	vadd.f32 v6, v8  }
0x6dc: {  	v4 =	vld [tilespmem:s6+$0xFFFFFF10];
	[tilespmem:s26+$0xFFFFFF30] =	vst v1  }
0x6dd: {  	[tilespmem:s8+$0xFFFFFF90] =	vst v2;
	v1 =	vld [tilespmem:s19+$0xFFFFFFB0]  }
0x6de: {  	v6 =	vld [tilespmem:s9+$0x10];
	v0 =	vadd.f32 v9, v0  }
0x6df: {  	v2 =	vld [tilespmem:s6+$0xFFFFCDA0]  }
0x6e0: {  	v3 =	vadd.f32 v3, v5;
	v8 =	vld [tilespmem:s2+$0xFFFFCD40];
	[tilespmem:s26+$0xFFFFFFC0] =	vst v0  }
0x6e1: {  	v0 =	vld [tilespmem:s19+$0x40]  }
0x6e2: {  	[tilespmem:s25+$0xFFFFCDF0] =	vst v3;
	v3 =	vadd.f32 v4, v7;
	v4 =	vld [tilespmem:s2+$0xFFFFCDD0]  }
0x6e3: {  	v7 =	vld [tilespmem:s11+$0xFFFFFFF0]  }
0x6e4: {  	v9 =	vld [tilespmem:s11+$0xFFFFCD60];
	[tilespmem:s8+$0xFFFFFF10] =	vst v3;
	v2 =	vadd.f32 v2, v6  }
0x6e5: {  	v3 =	vld [tilespmem:s9+$0xFFFFFF90]  }
0x6e6: {  	v8 =	vadd.f32 v8, v1;
	v11 =	vld [tilespmem:s6+$0xFFFFCD20];
	[tilespmem:s8+$0xFFFFCDA0] =	vst v2  }
0x6e7: {  	v12 =	vld [tilespmem:s6+$0xFFFFFFA0];
	v2 =	vadd.f32 v4, v0  }
0x6e8: {  	[tilespmem:s26+$0xFFFFCD40] =	vst v8;
	v4 =	vadd.f32 v7, v5  }
0x6e9: {  	v5 =	vld [tilespmem:s2+$0xFFFFFF40];
	[tilespmem:s26+$0xFFFFCDD0] =	vst v2  }
0x6ea: {  	v7 =	vadd.f32 v9, v10;
	[tilespmem:s25+$0xFFFFFFF0] =	vst v4;
	v4 =	vld [tilespmem:s2+$0xFFFFFFD0]  }
0x6eb: {  	v8 =	vadd.f32 v11, v3;
	v2 =	vld [tilespmem:s30+$0x70]  }
0x6ec: {  	[tilespmem:s25+$0xFFFFCD60] =	vst v7;
	v7 =	vld [tilespmem:s11+$0xFFFFCE00];
	v6 =	vadd.f32 v12, v6  }
0x6ed: {  	v9 =	vld [tilespmem:s11+$0xFFFFFF60];
	[tilespmem:s8+$0xFFFFCD20] =	vst v8  }
0x6ee: {  	v1 =	vadd.f32 v5, v1;
	v5 =	vld [tilespmem:s6+$0xFFFFFF20];
	[tilespmem:s8+$0xFFFFFFA0] =	vst v6  }
0x6ef: {  	v6 =	vld [tilespmem:s9+$0x20];
	v0 =	vadd.f32 v4, v0  }
0x6f0: {  	[tilespmem:s26+$0xFFFFFF40] =	vst v1;
	v1 =	vld [tilespmem:s6+$0xFFFFCDB0]  }
0x6f1: {  	v4 =	vld [tilespmem:s19+$0xFFFFFFC0];
	[tilespmem:s26+$0xFFFFFFD0] =	vst v0  }
0x6f2: {  	v0 =	vadd.f32 v7, v2;
	v7 =	vld [tilespmem:s19+$0x50]  }
0x6f3: {  	v8 =	vadd.f32 v9, v10;
	v9 =	vld [tilespmem:s2+$0xFFFFCDE0]  }
0x6f4: {  	s13 =	simm.s32 $0x196C0;
	[tilespmem:s25+$0xFFFFCE00] =	vst v0;
	v0 =	vadd.f32 v5, v3;
	v3 =	vld [tilespmem:s2+$0xFFFFCD50]  }
0x6f5: {  	s20 =	simm.s32 $0x9D30;
	v58 =	vld [tilespmem:s13+$0x0];
	v1 =	vadd.f32 v1, v6  }
0x6f6: {  	v13 =	vld [tilespmem:s20+$0xFFFFCD10]  }
0x6f7: {  	v14 =	vld [tilespmem:s13+$0xFFFFFF80];
	[tilespmem:s8+$0xFFFFCDB0] =	vst v1  }
0x6f8: {  	[tilespmem:s8+$0xFFFFFF20] =	vst v0;
	v1 =	vld [tilespmem:s6+$0xFFFFFFB0];
	v9 =	vadd.f32 v9, v7  }
0x6f9: {  	[tilespmem:s25+$0xFFFFFF60] =	vst v8;
	v8 =	vld [tilespmem:s9+$0xFFFFFFA0];
	v3 =	vadd.f32 v3, v4  }
0x6fa: {  	v10 =	vld [tilespmem:s6+$0xFFFFCD30];
	[tilespmem:s26+$0xFFFFCDE0] =	vst v9  }
0x6fb: {  	[tilespmem:s26+$0xFFFFCD50] =	vst v3;
	v3 =	vld [tilespmem:s2+$0xFFFFFFE0]  }
0x6fc: {  	v11 =	vld [tilespmem:s11+$0xFFFFCD70]  }
0x6fd: {  	v0 =	vld [tilespmem:s30+$0xFFFFFFE0];
	v1 =	vadd.f32 v1, v6  }
0x6fe: {  	v6 =	vld [tilespmem:s20+$0xFFFFCD90]  }
0x6ff: {  	v9 =	vld [tilespmem:s2+$0xFFFFFF50];
	v10 =	vadd.f32 v10, v8;
	[tilespmem:s8+$0xFFFFFFB0] =	vst v1  }
0x700: {  	v1 =	vld [tilespmem:s9+$0x30];
	v3 =	vadd.f32 v3, v7  }
0x701: {  	[tilespmem:s8+$0xFFFFCD30] =	vst v10;
	v7 =	vld [tilespmem:s6+$0xFFFFCDC0]  }
0x702: {  	v5 =	vld [tilespmem:s11+$0x0];
	v10 =	vadd.f32 v13, v14;
	[tilespmem:s26+$0xFFFFFFE0] =	vst v3  }
0x703: {  	s12 =	simm.s32 $0x16530;
	v3 =	vadd.f32 v6, v58;
	v6 =	vld [tilespmem:s19+$0x60]  }
0x704: {  	[tilespmem:s12+$0xFFFFCD10] =	vst v10;
	v4 =	vadd.f32 v9, v4;
	v9 =	vld [tilespmem:s2+$0xFFFFCDF0]  }
0x705: {  	v11 =	vadd.f32 v11, v0;
	[tilespmem:s12+$0xFFFFCD90] =	vst v3;
	v3 =	vld [tilespmem:s6+$0xFFFFFF30]  }
0x706: {  	[tilespmem:s26+$0xFFFFFF50] =	vst v4;
	v4 =	vld [tilespmem:s20+$0xFFFFFF90];
	v7 =	vadd.f32 v7, v1  }
0x707: {  	[tilespmem:s25+$0xFFFFCD70] =	vst v11;
	v11 =	vld [tilespmem:s20+$0xFFFFFF10]  }
0x708: {  	v59 =	vld [tilespmem:s19+$0xFFFFFFD0];
	[tilespmem:s8+$0xFFFFCDC0] =	vst v7  }
0x709: {  	v10 =	vld [tilespmem:s6+$0xFFFFFFC0];
	v9 =	vadd.f32 v9, v6  }
0x70a: {  	v7 =	vld [tilespmem:s2+$0xFFFFCD60];
	v3 =	vadd.f32 v3, v8  }
0x70b: {  	v8 =	vld [tilespmem:s11+$0xFFFFFF70];
	v4 =	vadd.f32 v4, v58;
	[tilespmem:s26+$0xFFFFCDF0] =	vst v9  }
0x70c: {  	[tilespmem:s8+$0xFFFFFF30] =	vst v3;
	v3 =	vld [tilespmem:s2+$0xFFFFFFF0]  }
0x70d: {  	[tilespmem:s12+$0xFFFFFF90] =	vst v4;
	v4 =	vld [tilespmem:s9+$0xFFFFFFB0]  }
0x70e: {  	v9 =	vld [tilespmem:s13+$0x10];
	v1 =	vadd.f32 v10, v1  }
0x70f: {  	v10 =	vld [tilespmem:s20+$0xFFFFCDA0]  }
0x710: {  	v11 =	vadd.f32 v11, v14;
	v60 =	vld [tilespmem:s6+$0xFFFFCD40];
	[tilespmem:s8+$0xFFFFFFC0] =	vst v1  }
0x711: {  	v1 =	vld [tilespmem:s9+$0x40];
	v3 =	vadd.f32 v3, v6  }
0x712: {  	[tilespmem:s12+$0xFFFFFF10] =	vst v11;
	v6 =	vld [tilespmem:s6+$0xFFFFCDD0]  }
0x713: {  	v11 =	vld [tilespmem:s13+$0xFFFFFF90];
	v0 =	vadd.f32 v8, v0;
	[tilespmem:s26+$0xFFFFFFF0] =	vst v3  }
0x714: {  	v3 =	vadd.f32 v10, v9;
	v61 =	vld [tilespmem:s19+$0x70]  }
0x715: {  	[tilespmem:s25+$0xFFFFFF70] =	vst v0;
	v10 =	vadd.f32 v60, v4;
	v62 =	vld [tilespmem:s2+$0xFFFFCE00]  }
0x716: {  	v7 =	vadd.f32 v7, v59;
	[tilespmem:s12+$0xFFFFCDA0] =	vst v3;
	v3 =	vld [tilespmem:s20+$0xFFFFCD20]  }
0x717: {  	[tilespmem:s8+$0xFFFFCD40] =	vst v10;
	v10 =	vld [tilespmem:s20+$0xFFFFFFA0];
	v6 =	vadd.f32 v6, v1  }
0x718: {  	[tilespmem:s26+$0xFFFFCD60] =	vst v7;
	v0 =	vld [tilespmem:s30+$0xFFFFFFF0]  }
0x719: {  	v7 =	vld [tilespmem:s6+$0xFFFFFF40];
	[tilespmem:s8+$0xFFFFCDD0] =	vst v6  }
0x71a: {  	v8 =	vld [tilespmem:s6+$0xFFFFFFD0];
	v12 =	vadd.f32 v62, v61  }
0x71b: {  	v6 =	vld [tilespmem:s2+$0xFFFFFF60];
	v3 =	vadd.f32 v3, v11  }
0x71c: {  	v9 =	vadd.f32 v10, v9;
	[tilespmem:s26+$0xFFFFCE00] =	vst v12;
	v10 =	vld [tilespmem:s11+$0xFFFFCD80]  }
0x71d: {  	[tilespmem:s12+$0xFFFFCD20] =	vst v3;
	v12 =	vld [tilespmem:s2+$0x0]  }
0x71e: {  	v3 =	vadd.f32 v7, v4;
	[tilespmem:s12+$0xFFFFFFA0] =	vst v9;
	v9 =	vld [tilespmem:s20+$0xFFFFFF20]  }
0x71f: {  	v1 =	vadd.f32 v8, v1;
	v7 =	vld [tilespmem:s13+$0x20]  }
0x720: {  	[tilespmem:s8+$0xFFFFFF40] =	vst v3;
	v8 =	vld [tilespmem:s20+$0xFFFFCDB0]  }
0x721: {  	v3 =	vld [tilespmem:s9+$0xFFFFFFC0];
	[tilespmem:s8+$0xFFFFFFD0] =	vst v1  }
0x722: {  	v1 =	vadd.f32 v6, v59;
	v4 =	vld [tilespmem:s9+$0x50]  }
0x723: {  	v6 =	vadd.f32 v9, v11;
	v9 =	vld [tilespmem:s6+$0xFFFFCDE0]  }
0x724: {  	[tilespmem:s26+$0xFFFFFF60] =	vst v1;
	v11 =	vld [tilespmem:s6+$0xFFFFCD50]  }
0x725: {  	v1 =	vld [tilespmem:s19+$0xFFFFFFE0];
	[tilespmem:s12+$0xFFFFFF20] =	vst v6;
	v6 =	vadd.f32 v8, v7  }
0x726: {  	v2 =	vadd.f32 v5, v2;
	v5 =	vld [tilespmem:s13+$0xFFFFFFA0]  }
0x727: {  	v8 =	vadd.f32 v10, v0;
	v63 =	vld [tilespmem:s20+$0xFFFFCD30];
	[tilespmem:s12+$0xFFFFCDB0] =	vst v6  }
0x728: {  	[tilespmem:s25+$0x0] =	vst v2;
	v10 =	vld [tilespmem:s20+$0xFFFFFFB0];
	v2 =	vadd.f32 v9, v4  }
0x729: {  	[tilespmem:s25+$0xFFFFCD80] =	vst v8;
	v6 =	vld [tilespmem:s2+$0xFFFFCD70];
	v8 =	vadd.f32 v11, v3  }
0x72a: {  	v9 =	vadd.f32 v12, v61;
	[tilespmem:s8+$0xFFFFCDE0] =	vst v2;
	v2 =	vld [tilespmem:s11+$0xFFFFFF80]  }
0x72b: {  	[tilespmem:s8+$0xFFFFCD50] =	vst v8;
	v8 =	vld [tilespmem:s6+$0xFFFFFFE0]  }
0x72c: {  	s14 =	simm.s32 $0x197C0;
	s1 =	simm.s32 $0x9D30;
	s11 =	simm.s32 $0x6;
	[tilespmem:s26+$0x0] =	vst v9;
	v11 =	vadd.f32 v63, v5;
	v9 =	vld [tilespmem:s6+$0xFFFFFF50]  }
.LBB2_14:
0x72d: {  	v12 =	vld [tilespmem:s14+$0x0];
	v7 =	vadd.f32 v10, v7;
	s20 =	sadd.s32 $0x100, s20  }
0x72e: {  	v10 =	vld [tilespmem:s20+$0xFFFFCD90];
	[tilespmem:s12+$0xFFFFCD30] =	vst v11;
	v6 =	vadd.f32 v6, v1  }
0x72f: {  	v11 =	vld [tilespmem:s20+$0xFFFFCD10];
	[tilespmem:s12+$0xFFFFFFB0] =	vst v7;
	v0 =	vadd.f32 v2, v0  }
0x730: {  	v2 =	vld [tilespmem:s13+$0x30];
	v4 =	vadd.f32 v8, v4;
	[tilespmem:s26+$0xFFFFCD70] =	vst v6  }
0x731: {  	v6 =	vld [tilespmem:s1+$0xFFFFCDC0];
	v3 =	vadd.f32 v9, v3;
	[tilespmem:s25+$0xFFFFFF80] =	vst v0;
	s25 =	smov.u32 s26;
	s26 =	smov.u32 s8;
	s8 =	smov.u32 s12  }
0x732: {  	v0 =	vld [tilespmem:s14+$0xFFFFFF80];
	[tilespmem:s26+$0xFFFFFFE0] =	vst v4  }
0x733: {  	v4 =	vadd.f32 v10, v12;
	[tilespmem:s26+$0xFFFFFF50] =	vst v3;
	v3 =	vld [tilespmem:s9+$0x60]  }
0x734: {  	s12 =	sadd.s32 $0x100, s12;
	v7 =	vld [tilespmem:s6+$0xFFFFCDF0]  }
0x735: {  	s11 =	sadd.s32 $0x2, s11;
	[tilespmem:s12+$0xFFFFCD90] =	vst v4;
	v4 =	vld [tilespmem:s1+$0xFFFFFF30]  }
0x736: {  	p0 =	slt.u32 s11, $0x62;
	v8 =	vld [tilespmem:s20+$0xFFFFFF90];
	v6 =	vadd.f32 v6, v2  }
0x737: {  	v9 =	vadd.f32 v11, v0;
	v10 =	vld [tilespmem:s9+$0xFFFFFFD0]  }
0x738: {  	[tilespmem:s8+$0xFFFFCDC0] =	vst v6;
	v6 =	vld [tilespmem:s6+$0xFFFFCD60]  }
0x739: {  	[tilespmem:s12+$0xFFFFCD10] =	vst v9;
	v9 =	vld [tilespmem:s1+$0xFFFFFFC0];
	v7 =	vadd.f32 v7, v3  }
0x73a: {  	v11 =	vld [tilespmem:s20+$0xFFFFFF10];
	v4 =	vadd.f32 v4, v5  }
0x73b: {  	v5 =	vadd.f32 v8, v12;
	[tilespmem:s26+$0xFFFFCDF0] =	vst v7;
	v7 =	vld [tilespmem:s2+$0xFFFFFF70]  }
0x73c: {  	[tilespmem:s8+$0xFFFFFF30] =	vst v4;
	v4 =	vld [tilespmem:s6+$0xFFFFFFF0]  }
0x73d: {  	[tilespmem:s12+$0xFFFFFF90] =	vst v5;
	v5 =	vld [tilespmem:s13+$0xFFFFFFB0];
	v6 =	vadd.f32 v6, v10  }
0x73e: {  	v8 =	vld [tilespmem:s14+$0x10];
	v2 =	vadd.f32 v9, v2  }
0x73f: {  	v0 =	vadd.f32 v11, v0;
	v9 =	vld [tilespmem:s20+$0xFFFFCDA0];
	[tilespmem:s26+$0xFFFFCD60] =	vst v6  }
0x740: {  	v6 =	vld [tilespmem:s1+$0xFFFFCD40];
	[tilespmem:s8+$0xFFFFFFC0] =	vst v2;
	v1 =	vadd.f32 v7, v1  }
0x741: {  	[tilespmem:s12+$0xFFFFFF10] =	vst v0;
	v2 =	vld [tilespmem:s13+$0x40];
	v0 =	vadd.f32 v4, v3  }
0x742: {  	v3 =	vld [tilespmem:s1+$0xFFFFCDD0];
	[tilespmem:s25+$0xFFFFFF70] =	vst v1  }
0x743: {  	v1 =	vld [tilespmem:s14+$0xFFFFFF90];
	[tilespmem:s26+$0xFFFFFFF0] =	vst v0  }
0x744: {  	v0 =	vadd.f32 v9, v8;
	v9 =	vld [tilespmem:s9+$0x70]  }
0x745: {  	v4 =	vadd.f32 v6, v5;
	v6 =	vld [tilespmem:s6+$0xFFFFCE00]  }
0x746: {  	v7 =	vld [tilespmem:s20+$0xFFFFCD20];
	[tilespmem:s12+$0xFFFFCDA0] =	vst v0  }
0x747: {  	v11 =	vld [tilespmem:s20+$0xFFFFFFA0];
	[tilespmem:s8+$0xFFFFCD40] =	vst v4;
	v0 =	vadd.f32 v3, v2  }
0x748: {  	v3 =	vld [tilespmem:s1+$0xFFFFFF40]  }
0x749: {  	[tilespmem:s8+$0xFFFFCDD0] =	vst v0;
	v4 =	vld [tilespmem:s6+$0xFFFFFF60]  }
0x74a: {  	v12 =	vld [tilespmem:s1+$0xFFFFFFD0];
	v6 =	vadd.f32 v6, v9  }
0x74b: {  	v7 =	vadd.f32 v7, v1;
	v0 =	vld [tilespmem:s19+$0xFFFFFFF0];
	s19 =	smov.u32 s9;
	s9 =	smov.u32 s13;
	s13 =	smov.u32 s14  }
0x74c: {  	v8 =	vadd.f32 v11, v8;
	[tilespmem:s26+$0xFFFFCE00] =	vst v6;
	v6 =	vld [tilespmem:s2+$0xFFFFCD80]  }
0x74d: {  	[tilespmem:s12+$0xFFFFCD20] =	vst v7;
	v3 =	vadd.f32 v3, v5;
	v5 =	vld [tilespmem:s6+$0x0]  }
0x74e: {  	v11 =	vld [tilespmem:s20+$0xFFFFFF20];
	[tilespmem:s12+$0xFFFFFFA0] =	vst v8;
	v4 =	vadd.f32 v4, v10  }
0x74f: {  	v7 =	vld [tilespmem:s14+$0x20];
	[tilespmem:s8+$0xFFFFFF40] =	vst v3;
	v2 =	vadd.f32 v12, v2  }
0x750: {  	v8 =	vld [tilespmem:s20+$0xFFFFCDB0];
	[tilespmem:s26+$0xFFFFFF60] =	vst v4  }
0x751: {  	v3 =	vld [tilespmem:s9+$0xFFFFFFC0];
	[tilespmem:s8+$0xFFFFFFD0] =	vst v2;
	v2 =	vadd.f32 v6, v0  }
0x752: {  	v4 =	vld [tilespmem:s9+$0x50];
	v5 =	vadd.f32 v5, v9  }
0x753: {  	v1 =	vadd.f32 v11, v1;
	v6 =	vld [tilespmem:s1+$0xFFFFCDE0];
	[tilespmem:s25+$0xFFFFCD80] =	vst v2  }
0x754: {  	v2 =	vld [tilespmem:s1+$0xFFFFCD50];
	[tilespmem:s26+$0x0] =	vst v5  }
0x755: {  	[tilespmem:s12+$0xFFFFFF20] =	vst v1;
	v8 =	vadd.f32 v8, v7;
	v1 =	vld [tilespmem:s19+$0xFFFFFFE0]  }
0x756: {  	v5 =	vld [tilespmem:s14+$0xFFFFFFA0]  }
0x757: {  	v9 =	vld [tilespmem:s20+$0xFFFFCD30];
	[tilespmem:s12+$0xFFFFCDB0] =	vst v8  }
.Ltmp6:
0x758: {  	v10 =	vld [tilespmem:s20+$0xFFFFFFB0];
	v8 =	vadd.f32 v6, v4;
	(pc) =	sbr.rel @p0 .LBB2_14-.Ltmp6, $4  }
0x759: {  	v11 =	vadd.f32 v2, v3;
	v6 =	vld [tilespmem:s6+$0xFFFFCD70]  }
0x75a: {  	[tilespmem:s8+$0xFFFFCDE0] =	vst v8;
	v2 =	vld [tilespmem:s2+$0xFFFFFF80];
	s2 =	smov.u32 s6;
	s6 =	smov.u32 s1;
	s1 =	smov.u32 s20  }
0x75b: {  	[tilespmem:s8+$0xFFFFCD50] =	vst v11;
	v8 =	vld [tilespmem:s6+$0xFFFFFFE0]  }
0x75c: {  	s14 =	sadd.s32 $0x100, s14;
	v11 =	vadd.f32 v9, v5;
	v9 =	vld [tilespmem:s6+$0xFFFFFF50]  }
0x75d: {  	_ = 	snop  }
0x75e: {  	[tilespmem:s12+$0xFFFFCD30] =	vst v11  }
0x75f: {  	v11 =	vld [tilespmem:s1+$0xFFFFFF30];
	_ =	sdelay $0x2  }
0x760: {  	v7 =	vadd.f32 v10, v7;
	_ =	sdelay $0x1  }
0x761: {  	[tilespmem:s12+$0xFFFFFFB0] =	vst v7;
	v5 =	vadd.f32 v11, v5  }
0x762: {  	v7 =	vld [tilespmem:s13+$0x30]  }
0x763: {  	v24 =	vld [tilespmem:s1+$0xFFFFCDC0];
	[tilespmem:s12+$0xFFFFFF30] =	vst v5  }
0x764: {  	v5 =	vld [tilespmem:s13+$0xFFFFFFB0]  }
0x765: {  	v25 =	vld [tilespmem:s1+$0xFFFFCD40];
	_ =	sdelay $0x2  }
0x766: {  	v10 =	vadd.f32 v24, v7;
	_ =	sdelay $0x1  }
0x767: {  	[tilespmem:s12+$0xFFFFCDC0] =	vst v10;
	v11 =	vadd.f32 v25, v5  }
0x768: {  	v10 =	vld [tilespmem:s1+$0xFFFFFFC0]  }
0x769: {  	[tilespmem:s12+$0xFFFFCD40] =	vst v11  }
0x76a: {  	v11 =	vld [tilespmem:s1+$0xFFFFFF40];
	_ =	sdelay $0x2  }
0x76b: {  	v7 =	vadd.f32 v10, v7;
	_ =	sdelay $0x1  }
0x76c: {  	[tilespmem:s12+$0xFFFFFFC0] =	vst v7;
	v5 =	vadd.f32 v11, v5  }
0x76d: {  	v7 =	vld [tilespmem:s13+$0x40]  }
0x76e: {  	v26 =	vld [tilespmem:s1+$0xFFFFCDD0];
	[tilespmem:s12+$0xFFFFFF40] =	vst v5  }
0x76f: {  	v5 =	vld [tilespmem:s13+$0xFFFFFFC0]  }
0x770: {  	v27 =	vld [tilespmem:s1+$0xFFFFCD50];
	_ =	sdelay $0x2  }
0x771: {  	v10 =	vadd.f32 v26, v7;
	_ =	sdelay $0x1  }
0x772: {  	[tilespmem:s12+$0xFFFFCDD0] =	vst v10;
	v11 =	vadd.f32 v27, v5  }
0x773: {  	v10 =	vld [tilespmem:s1+$0xFFFFFFD0]  }
0x774: {  	[tilespmem:s12+$0xFFFFCD50] =	vst v11  }
0x775: {  	v11 =	vld [tilespmem:s1+$0xFFFFFF50]  }
0x776: {  	v3 =	vadd.f32 v9, v3;
	_ =	sdelay $0x1  }
0x777: {  	[tilespmem:s8+$0xFFFFFF50] =	vst v3;
	v7 =	vadd.f32 v10, v7  }
0x778: {  	v29 =	vld [tilespmem:s9+$0xFFFFFFD0]  }
0x779: {  	v30 =	vld [tilespmem:s6+$0xFFFFCD60];
	[tilespmem:s12+$0xFFFFFFD0] =	vst v7;
	v5 =	vadd.f32 v11, v5  }
0x77a: {  	v7 =	vld [tilespmem:s13+$0x50]  }
0x77b: {  	v28 =	vld [tilespmem:s1+$0xFFFFCDE0];
	[tilespmem:s12+$0xFFFFFF50] =	vst v5  }
0x77c: {  	v5 =	vld [tilespmem:s13+$0xFFFFFFD0]  }
0x77d: {  	v31 =	vld [tilespmem:s1+$0xFFFFCD60]  }
0x77e: {  	v10 =	vadd.f32 v30, v29;
	_ =	sdelay $0x1  }
0x77f: {  	[tilespmem:s8+$0xFFFFCD60] =	vst v10;
	v3 =	vadd.f32 v28, v7  }
0x780: {  	v10 =	vld [tilespmem:s6+$0xFFFFFF60]  }
0x781: {  	v4 =	vadd.f32 v8, v4;
	[tilespmem:s12+$0xFFFFCDE0] =	vst v3;
	v8 =	vadd.f32 v31, v5  }
0x782: {  	v40 =	vadd.f32 v6, v1;
	v3 =	vld [tilespmem:s1+$0xFFFFFFE0]  }
0x783: {  	[tilespmem:s12+$0xFFFFCD60] =	vst v8  }
0x784: {  	[tilespmem:s26+$0xFFFFCD70] =	vst v40;
	v34 =	vld [tilespmem:s1+$0xFFFFFF60]  }
0x785: {  	v44 =	vld [tilespmem:s2+$0xFFFFFF70];
	[tilespmem:s8+$0xFFFFFFE0] =	vst v4;
	v36 =	vadd.f32 v10, v29  }
0x786: {  	v4 =	vld [tilespmem:s9+$0x60]  }
0x787: {  	v32 =	vld [tilespmem:s6+$0xFFFFCDF0];
	[tilespmem:s8+$0xFFFFFF60] =	vst v36;
	v3 =	vadd.f32 v3, v7  }
0x788: {  	v38 =	vld [tilespmem:s9+$0xFFFFFFE0]  }
0x789: {  	v39 =	vld [tilespmem:s6+$0xFFFFCD70];
	[tilespmem:s12+$0xFFFFFFE0] =	vst v3;
	v5 =	vadd.f32 v34, v5  }
0x78a: {  	v3 =	vld [tilespmem:s13+$0x60]  }
0x78b: {  	v37 =	vld [tilespmem:s1+$0xFFFFCDF0];
	[tilespmem:s12+$0xFFFFFF60] =	vst v5  }
0x78c: {  	v33 =	vadd.f32 v32, v4;
	v41 =	vld [tilespmem:s13+$0xFFFFFFE0]  }
0x78d: {  	v42 =	vld [tilespmem:s1+$0xFFFFCD70]  }
0x78e: {  	[tilespmem:s8+$0xFFFFCDF0] =	vst v33;
	v10 =	vadd.f32 v39, v38  }
0x78f: {  	v35 =	vld [tilespmem:s6+$0xFFFFFFF0]  }
0x790: {  	[tilespmem:s8+$0xFFFFCD70] =	vst v10;
	v43 =	vadd.f32 v37, v3  }
0x791: {  	v47 =	vadd.f32 v44, v1;
	v46 =	vld [tilespmem:s6+$0xFFFFFF70]  }
0x792: {  	[tilespmem:s12+$0xFFFFCDF0] =	vst v43;
	v45 =	vadd.f32 v42, v41  }
0x793: {  	[tilespmem:s26+$0xFFFFFF70] =	vst v47;
	v5 =	vld [tilespmem:s1+$0xFFFFFFF0]  }
0x794: {  	v50 =	vld [tilespmem:s19+$0xFFFFFFF0];
	v4 =	vadd.f32 v35, v4;
	[tilespmem:s12+$0xFFFFCD70] =	vst v45  }
0x795: {  	v7 =	vld [tilespmem:s1+$0xFFFFFF70]  }
0x796: {  	v51 =	vld [tilespmem:s2+$0xFFFFCD80];
	[tilespmem:s8+$0xFFFFFFF0] =	vst v4;
	v4 =	vadd.f32 v46, v38  }
0x797: {  	v48 =	vld [tilespmem:s9+$0x70]  }
0x798: {  	v49 =	vld [tilespmem:s6+$0xFFFFCE00];
	[tilespmem:s8+$0xFFFFFF70] =	vst v4;
	v3 =	vadd.f32 v5, v3  }
0x799: {  	v53 =	vld [tilespmem:s9+$0xFFFFFFF0]  }
0x79a: {  	v54 =	vld [tilespmem:s6+$0xFFFFCD80];
	[tilespmem:s12+$0xFFFFFFF0] =	vst v3;
	v6 =	vadd.f32 v7, v41  }
0x79b: {  	v3 =	vld [tilespmem:s13+$0x70]  }
0x79c: {  	v52 =	vld [tilespmem:s1+$0xFFFFCE00];
	[tilespmem:s12+$0xFFFFFF70] =	vst v6  }
0x79d: {  	v6 =	vld [tilespmem:s13+$0xFFFFFFF0]  }
0x79e: {  	v55 =	vld [tilespmem:s1+$0xFFFFCD80]  }
0x79f: {  	v1 =	vadd.f32 v49, v48  }
0x7a0: {  	v10 =	vadd.f32 v51, v50  }
0x7a1: {  	[tilespmem:s8+$0xFFFFCE00] =	vst v1;
	v9 =	vadd.f32 v54, v53  }
0x7a2: {  	v57 =	vld [tilespmem:s6+$0x0];
	[tilespmem:s26+$0xFFFFCD80] =	vst v10;
	v56 =	vadd.f32 v52, v3  }
0x7a3: {  	v10 =	vld [tilespmem:s2+$0xFFFFFF80];
	[tilespmem:s8+$0xFFFFCD80] =	vst v9;
	v58 =	vadd.f32 v55, v6  }
0x7a4: {  	v9 =	vld [tilespmem:s6+$0xFFFFFF80];
	[tilespmem:s12+$0xFFFFCE00] =	vst v56  }
0x7a5: {  	v59 =	vld [tilespmem:s1+$0x0];
	[tilespmem:s12+$0xFFFFCD80] =	vst v58  }
0x7a6: {  	v0 =	vadd.f32 v2, v0;
	v1 =	vld [tilespmem:s1+$0xFFFFFF80]  }
0x7a7: {  	v60 =	vadd.f32 v57, v48  }
0x7a8: {  	[tilespmem:s25+$0xFFFFFF80] =	vst v0;
	v61 =	vadd.f32 v10, v50  }
0x7a9: {  	[tilespmem:s8+$0x0] =	vst v60;
	v63 =	vadd.f32 v9, v53  }
0x7aa: {  	[tilespmem:s26+$0xFFFFFF80] =	vst v61;
	v62 =	vadd.f32 v59, v3  }
0x7ab: {  	[tilespmem:s8+$0xFFFFFF80] =	vst v63;
	v1 =	vadd.f32 v1, v6  }
0x7ac: {  	[tilespmem:s12+$0x0] =	vst v62  }
0x7ad: {  	[tilespmem:s12+$0xFFFFFF80] =	vst v1  }
0x7ae: {  	s28 =	simm.s32 $0x12F40;
	s26 =	rddreg [dreg:$0xd]  }
0x7af: {  	[hbm4b:s26+s17] =	stream.strided.scatter [tilespmem:s28], [sflag:$0x4], $0x6400, s18, s17, $0x38;
	[tilespmem:$0x1C540] =	vst v63  }
0x7b0: {  	_ =	swait.ge [sflag:s23], $0x6400  }
0x7b1: {  	[sflag:s23] =	ssyncset.done $0x0  }
0x7b2: {  	[sflag:s23] =	ssyncadd.s32 $0xFFFF9C00  }
0x7b3: {  	_ =	swait.ge [sflag:s24], $0x6400  }
0x7b4: {  	s29 =	rddreg [dreg:$0xf]  }
0x7b5: {  	s30 =	rddreg [dreg:$0xe];
	s2 =	sadd.s32 $0x1, s29  }
0x7b6: {  	p0 =	sne.s32 s2, s30  }
.Ltmp7:
0x7b7: {  	_ = 	snop;
	(pc) =	sbr.rel @p0 .LBB2_1-.Ltmp7, $3  }
0x7b8: {  	_ =	sdelay $0x1  }
0x7b9: {  	[sflag:s24] =	ssyncset.done $0x0  }
0x7ba: {  	[sflag:s24] =	ssyncadd.s32 $0xFFFF9C00  }
0x7bb: {  	_ =	sfence.sel $0x180000  }
0x7bc: {  	[bflag:$0x0] =	sbarrier.arrive $0xFFFF  }
0x7bd: {  	_ =	strace $0x90000047  }
0x7be: {  	s0 =	stileid.u32;
	[bflag:$0x2] =	sbarrier.arrive $0xFFFF  }
0x7bf: {  	p0 =	sne.s32 s0, $0x0;
	s0 =	rddreg [dreg:$0x2]  }
0x7c0: {  	s0 =	sadd.s32 @!p0 $0x100000, s0  }
0x7c1: {  	[sflag:s0] =	ssyncadd.tile.s32 @!p0 $0x1;
	_ =	shalt  }
.Lfunc_end2:
_tile_overlayer_lowered:
.L_overlay_start_2:
0x7c2: {  	(tag) =	ssettag $0x2  }
0x7c3: {  	s0 =	rddreg [dreg:$0x0];
	s2 =	stileid.u32  }
0x7c4: {  	s1 =	rddreg [dreg:$0x1];
	p0 =	sne.s32 s2, $0x0  }
0x7c5: {  	s3 =	rddreg [dreg:$0x2];
	[bflag:$0x3] =	sbarrier.arrive $0xFFFF;
	s2 =	simm.s32 @!p0 $0x1C07  }
0x7c6: {  	[timem:s3], [sflag:s2] =	dma.local @!p0 [hbm:s0], s1  }
0x7c7: {  	s0 =	simm.s32 @!p0 $0x7  }
0x7c8: {  	_ =	swait.ge @!p0 [sflag:s0], s1  }
0x7c9: {  	s1 =	ssub.s32 @!p0 $0x0, s1;
	[sflag:s0] =	ssyncset.done @!p0 $0x0  }
0x7ca: {  	[sflag:s0] =	ssyncadd.s32 @!p0 s1  }
0x7cb: {  	[bflag:$0x3] =	sbarrier.arrive $0xFFFF  }
0x7cc: {  	_ =	shalt  }

</sc_bundles>
